<compile_context>
chip_gen: v7x
topology: tpu7x:2x2x1
jax: 0.10.2.dev20260603
libtpu: 0.0.44.dev20260713+nightly
codegen_flags: <defaults>
</compile_context>

<pallas_src>
import functools

import jax
import jax.numpy as jnp
from jax import lax
from jax.experimental import pallas as pl
from jax.experimental.pallas import tpu as pltpu
from jax.experimental.pallas import tpu_sc as plsc

N_DISC = 10
VOCAB = 1000
DIM = 128
LANES = 16
NB = DIM // LANES

NC = 2
NS = 16
NW = NC * NS

C = 32


def _yc_matmul(x_ct, W, b):
    n = x_ct.shape[1]
    bm = 4096
    grid = -(-n // bm)
    b2 = b.reshape(1, DIM)

    def body(x_ref, w_ref, b_ref, o_ref):
        o_ref[...] = lax.dot_general(
            x_ref[...], w_ref[...], (((0,), (0,)), ((), ())),
            preferred_element_type=jnp.float32,
        ) + b_ref[...]

    return pl.pallas_call(
        body,
        grid=(grid,),
        in_specs=[
            pl.BlockSpec((x_ct.shape[0], bm), lambda i: (0, i)),
            pl.BlockSpec(W.shape, lambda i: (0, 0)),
            pl.BlockSpec((1, DIM), lambda i: (0, 0)),
        ],
        out_specs=pl.BlockSpec((bm, DIM), lambda i: (i, 0)),
        out_shape=jax.ShapeDtypeStruct((n, DIM), jnp.float32),
    )(x_ct, W, b2)


def _make_sc_kernel(n):
    nreal = n // C
    nch_w = -(-nreal // NW)
    nch_w += nch_w % 2
    assert n % C == 0
    mesh = plsc.VectorSubcoreMesh(core_axis_name="c", subcore_axis_name="s")

    @functools.partial(
        pl.kernel,
        mesh=mesh,
        compiler_params=pltpu.CompilerParams(use_tc_tiling_on_sc=False, needs_layout_passes=False),
        out_type=jax.ShapeDtypeStruct((n, DIM), jnp.float32),
        scratch_types=[
            pltpu.VMEM_SHARED((N_DISC * VOCAB, DIM), jnp.bfloat16),
            pltpu.VMEM((2, N_DISC, C), jnp.int32),
            pltpu.VMEM((2, N_DISC, C, DIM), jnp.bfloat16),
            pltpu.VMEM((2, C, DIM), jnp.float32),
            pltpu.VMEM((2, C, DIM), jnp.float32),
            pltpu.SemaphoreType.DMA,
            pltpu.SemaphoreType.DMA,
            pltpu.SemaphoreType.DMA,
            pltpu.SemaphoreType.DMA,
            pltpu.SemaphoreType.DMA,
            pltpu.SemaphoreType.DMA,
            pltpu.SemaphoreType.DMA,
            pltpu.SemaphoreType.DMA,
        ],
    )
    def sc(table_hbm, idx_hbm, yc_hbm, out_hbm, tbl_sp, idx_v, gat, ybuf,
           obuf, si0, si1, sy0, sy1, sg0, sg1, so0, so1):
        wid = lax.axis_index("s") * NC + lax.axis_index("c")
        first = wid * nch_w

        @pl.when(lax.axis_index("s") == 0)
        def _():
            pltpu.sync_copy(table_hbm, tbl_sp)

        plsc.subcore_barrier()
        sem_idx = (si0, si1)
        sem_yc = (sy0, sy1)
        sem_gat = (sg0, sg1)
        sem_out = (so0, so1)

        def idx_cp(chunk, b):
            return pltpu.make_async_copy(
                idx_hbm.at[chunk], idx_v.at[b], sem_idx[b])

        def yc_cp(chunk, b):
            return pltpu.make_async_copy(
                yc_hbm.at[pl.ds(chunk * C, C)], ybuf.at[b], sem_yc[b])

        def gat_cps(b):
            return [
                pltpu.make_async_copy(
                    tbl_sp.at[idx_v.at[b, j]], gat.at[b, j], sem_gat[b])
                for j in range(N_DISC)
            ]

        def out_cp(chunk, b):
            return pltpu.make_async_copy(
                obuf.at[b], out_hbm.at[pl.ds(chunk * C, C)], sem_out[b])

        idx_cp(first, 0).start()
        yc_cp(first, 0).start()
        idx_cp(first + 1, 1).start()
        yc_cp(first + 1, 1).start()
        idx_cp(first, 0).wait()
        for cp in gat_cps(0):
            cp.start()

        def pair_body(g, carry):
            for b in range(2):
                ci = 2 * g + b
                chunk = first + ci
                o = 1 - b
                @pl.when(jnp.logical_and(ci + 1 < nch_w, chunk + 1 < nreal))
                def _():
                    idx_cp(chunk + 1, o).wait()
                    for cp in gat_cps(o):
                        cp.start()

                @pl.when(chunk < nreal)
                def _():
                    yc_cp(chunk, b).wait()
                    for cp in gat_cps(b):
                        cp.wait()

                @pl.when(jnp.logical_and(ci + 2 < nch_w,
                                         chunk + 2 < nreal))
                def _():
                    idx_cp(chunk + 2, b).start()

                @pl.when(jnp.logical_and(ci >= 2, chunk - 2 < nreal))
                def _():
                    out_cp(chunk - 2, b).wait()

                def node_body(n, c2):
                    acc = [ybuf[b, n, pl.ds(d * LANES, LANES)]
                           for d in range(NB)]
                    for j in range(N_DISC):
                        for g in range(4):
                            w = plsc.bitcast(
                                gat[b, j, n, pl.ds(g * 32, 32)], jnp.int32)
                            acc[g] = acc[g] + plsc.bitcast(
                                lax.shift_left(w, 16), jnp.float32)
                            acc[4 + g] = acc[4 + g] + plsc.bitcast(
                                w & jnp.int32(-65536), jnp.float32)
                    for d in range(NB):
                        obuf[b, n, pl.ds(d * LANES, LANES)] = jnp.maximum(
                            acc[d], 0.0)
                    return c2

                lax.fori_loop(0, C, node_body, 0)

                @pl.when(chunk < nreal)
                def _():
                    out_cp(chunk, b).start()

                @pl.when(jnp.logical_and(ci + 2 < nch_w, chunk + 2 < nreal))
                def _():
                    yc_cp(chunk + 2, b).start()
            return carry

        lax.fori_loop(0, nch_w // 2, pair_body, 0)
        @pl.when(first + nch_w - 2 < nreal)
        def _():
            out_cp(first + nch_w - 2, 0).wait()

        @pl.when(first + nch_w - 1 < nreal)
        def _():
            out_cp(first + nch_w - 1, 1).wait()

    return sc


def kernel(x_d, x_c, emb_tables, W, b):
    n = x_d.shape[0]

    half = DIM // 2
    perm = jnp.stack(
        [jnp.arange(half, dtype=jnp.int32),
         jnp.arange(half, dtype=jnp.int32) + half], axis=1).reshape(-1)
    table = emb_tables.reshape(N_DISC * VOCAB, DIM)[:, perm]
    table = table.astype(jnp.bfloat16)
    offs = (jnp.arange(N_DISC, dtype=jnp.int32) * VOCAB)[:, None]
    flat_t = x_d.T.astype(jnp.int32) + offs
    idx3 = flat_t.reshape(N_DISC, n // C, C).transpose(1, 0, 2)

    yc = _yc_matmul(x_c.T, W, b)

    return _make_sc_kernel(n)(table, idx3, yc)

# --- scband reference (transcript-rebuilt; emitter-appended) ---
"""Pipeline reference for scband-gnnencoder-75411035783407 (READ-ONLY COPY).

The authoritative reference and input builder live on the scoring server;
editing this copy changes nothing except your own understanding.
"""

import jax, jax.numpy as jnp
import numpy as np

N_NODES = 100000
N_DISC = 10
VOCAB = 1000
N_CONT = 16
DIM = 128


def setup_inputs(seed: int = 0) -> dict:
    key = jax.random.key(seed)
    k1, k2, k3, k4, k5 = jax.random.split(key, 5)
    x_d = jax.random.randint(k1, (N_NODES, N_DISC), 0, VOCAB, dtype=jnp.int64 if jax.config.jax_enable_x64 else jnp.int32).astype(jnp.int32)
    x_c = jax.random.normal(k2, (N_NODES, N_CONT), dtype=jnp.float32)
    # learned parameters: one embedding table per discrete feature, plus linear layer
    emb_tables = jax.random.normal(k3, (N_DISC, VOCAB, DIM), dtype=jnp.float32) * 0.02
    W = jax.random.normal(k4, (N_CONT, DIM), dtype=jnp.float32) * (1.0 / np.sqrt(N_CONT))
    b = jax.random.normal(k5, (DIM,), dtype=jnp.float32) * 0.01
    return {"x_d": x_d, "x_c": x_c, "emb_tables": emb_tables, "W": W, "b": b}


def reference(x_d, x_c, emb_tables, W, b):
    # Single node type. For each discrete feature column j, gather from table j,
    # stack along a new axis and sum (faithful to torch.sum(torch.stack(...), dim=2)).
    y_d_list = [jnp.take(emb_tables[j], x_d[:, j], axis=0) for j in range(N_DISC)]
    y_d = jnp.sum(jnp.stack(y_d_list, axis=2), axis=2)  # [N, DIM]
    y_c = x_c @ W + b  # Linear on continuous features
    x = jax.nn.relu(y_d + y_c)
    # torch.cat over node types with a single type is identity
    return x

if __name__ == "__main__":
    import jax
    _d = setup_inputs()
    print(jax.jit(kernel)(*tuple(_d.values())))

</pallas_src>

<mosaic_0001>
#map = affine_map<(d0, d1) -> (0, 0)>
#map1 = affine_map<(d0, d1) -> (0, 0, 0)>
module attributes {stable_mosaic.version = 14 : i64} {
  func.func @sc(%arg0: i32, %arg1: i32, %arg2: memref<10000x128xbf16, #tpu.memory_space<hbm>>, %arg3: memref<3125x10x32xi32, #tpu.memory_space<hbm>>, %arg4: memref<100000x128xf32, #tpu.memory_space<hbm>>, %arg5: memref<100000x128xf32, #tpu.memory_space<hbm>>, %arg6: memref<10000x128xbf16, #tpu.memory_space<vmem_shared>>, %arg7: memref<2x10x32xi32, #tpu.memory_space<vmem>>, %arg8: memref<2x10x32x128xbf16, #tpu.memory_space<vmem>>, %arg9: memref<2x32x128xf32, #tpu.memory_space<vmem>>, %arg10: memref<2x32x128xf32, #tpu.memory_space<vmem>>, %arg11: memref<!tpu.dma_semaphore, #tpu.memory_space<semaphore_mem>>, %arg12: memref<!tpu.dma_semaphore, #tpu.memory_space<semaphore_mem>>, %arg13: memref<!tpu.dma_semaphore, #tpu.memory_space<semaphore_mem>>, %arg14: memref<!tpu.dma_semaphore, #tpu.memory_space<semaphore_mem>>, %arg15: memref<!tpu.dma_semaphore, #tpu.memory_space<semaphore_mem>>, %arg16: memref<!tpu.dma_semaphore, #tpu.memory_space<semaphore_mem>>, %arg17: memref<!tpu.dma_semaphore, #tpu.memory_space<semaphore_mem>>, %arg18: memref<!tpu.dma_semaphore, #tpu.memory_space<semaphore_mem>>) attributes {dimension_semantics = [#tpu.dimension_semantics<core_parallel>, #tpu.dimension_semantics<subcore_parallel>], iteration_bounds = array<i64: 2, 16>, scalar_prefetch = 0 : i64, scratch_operands = 13 : i64, tpu.core_type = #tpu.core_type<sc_vector_subcore>, window_params = [{transform_indices = #map}, {transform_indices = #map1}, {transform_indices = #map}, {transform_indices = #map}]} {
    %mul3A = arith.constant 2 : i32
    %mul3A_0 = arith.muli %arg1, %mul3A : i32
    %add3A = arith.addi %mul3A_0, %arg0 : i32
    %mul3A_1 = arith.constant 98 : i32
    %mul3A_2 = arith.muli %add3A, %mul3A_1 : i32
    %eq3A = arith.constant 0 : i32
    %eq3A_3 = arith.cmpi eq, %arg1, %eq3A : i32
    %convert_element_type3A = arith.extui %eq3A_3 : i1 to i32
    %cond3A = arith.constant 0 : i32
    %cond3A_4 = arith.cmpi ne, %convert_element_type3A, %cond3A : i32
    scf.if %cond3A_4 {
      "tpu.region"() ({
        %run_scoped3A = tpu.sem_alloc : memref<!tpu.dma_semaphore, #tpu.memory_space<semaphore_mem>>
        tpu.enqueue_dma source(%arg2 : memref<10000x128xbf16, #tpu.memory_space<hbm>>) target(%arg6 : memref<10000x128xbf16, #tpu.memory_space<vmem_shared>>) target_semaphore(%run_scoped3A : memref<!tpu.dma_semaphore, #tpu.memory_space<semaphore_mem>>)
        tpu.wait_dma2 semaphore(%run_scoped3A : memref<!tpu.dma_semaphore, #tpu.memory_space<semaphore_mem>>) src(%arg2 : memref<10000x128xbf16, #tpu.memory_space<hbm>>) dst(%arg6 : memref<10000x128xbf16, #tpu.memory_space<vmem_shared>>)
        tpu.yield
      }) : () -> ()
    } else {
    }
    %barrier3A = arith.constant 0 : index
    tpu.barrier barrier_id(%barrier3A)
    %dma_start3A = arith.constant 0 : i32
    %dma_start3A_5 = arith.constant 0 : i32
    %dma_start3A_6 = arith.constant 0 : i32
    %dma_start3A_7 = tpu.memref_slice %arg7[%dma_start3A, %dma_start3A_5, %dma_start3A_6] : memref<2x10x32xi32, #tpu.memory_space<vmem>> -> memref<1x10x32xi32, #tpu.memory_space<vmem>>
    %dma_start3A_8 = tpu.memref_squeeze %dma_start3A_7 : memref<1x10x32xi32, #tpu.memory_space<vmem>> -> memref<10x32xi32, #tpu.memory_space<vmem>>
    %dma_start3A_9 = arith.constant 0 : i32
    %dma_start3A_10 = arith.constant 0 : i32
    %dma_start3A_11 = tpu.memref_slice %arg3[%mul3A_2, %dma_start3A_9, %dma_start3A_10] : memref<3125x10x32xi32, #tpu.memory_space<hbm>> -> memref<1x10x32xi32, #tpu.memory_space<hbm>>
    %dma_start3A_12 = tpu.memref_squeeze %dma_start3A_11 : memref<1x10x32xi32, #tpu.memory_space<hbm>> -> memref<10x32xi32, #tpu.memory_space<hbm>>
    %dma_start3A_13 = arith.constant 0 : i32
    %dma_start3A_14 = arith.constant 0 : i32
    %dma_start3A_15 = tpu.memref_slice %arg7[%dma_start3A, %dma_start3A_13, %dma_start3A_14] : memref<2x10x32xi32, #tpu.memory_space<vmem>> -> memref<1x10x32xi32, #tpu.memory_space<vmem>>
    %dma_start3A_16 = tpu.memref_squeeze %dma_start3A_15 : memref<1x10x32xi32, #tpu.memory_space<vmem>> -> memref<10x32xi32, #tpu.memory_space<vmem>>
    %dma_start3A_17 = arith.constant 0 : i32
    %dma_start3A_18 = arith.constant 0 : i32
    %dma_start3A_19 = tpu.memref_slice %arg3[%mul3A_2, %dma_start3A_17, %dma_start3A_18] : memref<3125x10x32xi32, #tpu.memory_space<hbm>> -> memref<1x10x32xi32, #tpu.memory_space<hbm>>
    %dma_start3A_20 = tpu.memref_squeeze %dma_start3A_19 : memref<1x10x32xi32, #tpu.memory_space<hbm>> -> memref<10x32xi32, #tpu.memory_space<hbm>>
    tpu.enqueue_dma source(%dma_start3A_20 : memref<10x32xi32, #tpu.memory_space<hbm>>) target(%dma_start3A_16 : memref<10x32xi32, #tpu.memory_space<vmem>>) target_semaphore(%arg11 : memref<!tpu.dma_semaphore, #tpu.memory_space<semaphore_mem>>)
    %mul3A_21 = arith.constant 32 : i32
    %mul3A_22 = arith.muli %mul3A_2, %mul3A_21 : i32
    %dma_start3A_23 = arith.constant 0 : i32
    %dma_start3A_24 = arith.constant 0 : i32
    %dma_start3A_25 = arith.constant 0 : i32
    %dma_start3A_26 = tpu.memref_slice %arg9[%dma_start3A_23, %dma_start3A_24, %dma_start3A_25] : memref<2x32x128xf32, #tpu.memory_space<vmem>> -> memref<1x32x128xf32, #tpu.memory_space<vmem>>
    %dma_start3A_27 = tpu.memref_squeeze %dma_start3A_26 : memref<1x32x128xf32, #tpu.memory_space<vmem>> -> memref<32x128xf32, #tpu.memory_space<vmem>>
    %dma_start3A_28 = arith.constant 0 : i32
    %dma_start3A_29 = tpu.memref_slice %arg4[%mul3A_22, %dma_start3A_28] : memref<100000x128xf32, #tpu.memory_space<hbm>> -> memref<32x128xf32, #tpu.memory_space<hbm>>
    %dma_start3A_30 = arith.constant 0 : i32
    %dma_start3A_31 = arith.constant 0 : i32
    %dma_start3A_32 = tpu.memref_slice %arg9[%dma_start3A_23, %dma_start3A_30, %dma_start3A_31] : memref<2x32x128xf32, #tpu.memory_space<vmem>> -> memref<1x32x128xf32, #tpu.memory_space<vmem>>
    %dma_start3A_33 = tpu.memref_squeeze %dma_start3A_32 : memref<1x32x128xf32, #tpu.memory_space<vmem>> -> memref<32x128xf32, #tpu.memory_space<vmem>>
    %dma_start3A_34 = arith.constant 0 : i32
    %dma_start3A_35 = tpu.memref_slice %arg4[%mul3A_22, %dma_start3A_34] : memref<100000x128xf32, #tpu.memory_space<hbm>> -> memref<32x128xf32, #tpu.memory_space<hbm>>
    tpu.enqueue_dma source(%dma_start3A_35 : memref<32x128xf32, #tpu.memory_space<hbm>>) target(%dma_start3A_33 : memref<32x128xf32, #tpu.memory_space<vmem>>) target_semaphore(%arg13 : memref<!tpu.dma_semaphore, #tpu.memory_space<semaphore_mem>>)
    %add3A_36 = arith.constant 1 : i32
    %add3A_37 = arith.addi %mul3A_2, %add3A_36 : i32
    %dma_start3A_38 = arith.constant 1 : i32
    %dma_start3A_39 = arith.constant 0 : i32
    %dma_start3A_40 = arith.constant 0 : i32
    %dma_start3A_41 = tpu.memref_slice %arg7[%dma_start3A_38, %dma_start3A_39, %dma_start3A_40] : memref<2x10x32xi32, #tpu.memory_space<vmem>> -> memref<1x10x32xi32, #tpu.memory_space<vmem>>
    %dma_start3A_42 = tpu.memref_squeeze %dma_start3A_41 : memref<1x10x32xi32, #tpu.memory_space<vmem>> -> memref<10x32xi32, #tpu.memory_space<vmem>>
    %dma_start3A_43 = arith.constant 0 : i32
    %dma_start3A_44 = arith.constant 0 : i32
    %dma_start3A_45 = tpu.memref_slice %arg3[%add3A_37, %dma_start3A_43, %dma_start3A_44] : memref<3125x10x32xi32, #tpu.memory_space<hbm>> -> memref<1x10x32xi32, #tpu.memory_space<hbm>>
    %dma_start3A_46 = tpu.memref_squeeze %dma_start3A_45 : memref<1x10x32xi32, #tpu.memory_space<hbm>> -> memref<10x32xi32, #tpu.memory_space<hbm>>
    %dma_start3A_47 = arith.constant 0 : i32
    %dma_start3A_48 = arith.constant 0 : i32
    %dma_start3A_49 = tpu.memref_slice %arg7[%dma_start3A_38, %dma_start3A_47, %dma_start3A_48] : memref<2x10x32xi32, #tpu.memory_space<vmem>> -> memref<1x10x32xi32, #tpu.memory_space<vmem>>
    %dma_start3A_50 = tpu.memref_squeeze %dma_start3A_49 : memref<1x10x32xi32, #tpu.memory_space<vmem>> -> memref<10x32xi32, #tpu.memory_space<vmem>>
    %dma_start3A_51 = arith.constant 0 : i32
    %dma_start3A_52 = arith.constant 0 : i32
    %dma_start3A_53 = tpu.memref_slice %arg3[%add3A_37, %dma_start3A_51, %dma_start3A_52] : memref<3125x10x32xi32, #tpu.memory_space<hbm>> -> memref<1x10x32xi32, #tpu.memory_space<hbm>>
    %dma_start3A_54 = tpu.memref_squeeze %dma_start3A_53 : memref<1x10x32xi32, #tpu.memory_space<hbm>> -> memref<10x32xi32, #tpu.memory_space<hbm>>
    tpu.enqueue_dma source(%dma_start3A_54 : memref<10x32xi32, #tpu.memory_space<hbm>>) target(%dma_start3A_50 : memref<10x32xi32, #tpu.memory_space<vmem>>) target_semaphore(%arg12 : memref<!tpu.dma_semaphore, #tpu.memory_space<semaphore_mem>>)
    %add3A_55 = arith.constant 1 : i32
    %add3A_56 = arith.addi %mul3A_2, %add3A_55 : i32
    %mul3A_57 = arith.constant 32 : i32
    %mul3A_58 = arith.muli %add3A_56, %mul3A_57 : i32
    %dma_start3A_59 = arith.constant 1 : i32
    %dma_start3A_60 = arith.constant 0 : i32
    %dma_start3A_61 = arith.constant 0 : i32
    %dma_start3A_62 = tpu.memref_slice %arg9[%dma_start3A_59, %dma_start3A_60, %dma_start3A_61] : memref<2x32x128xf32, #tpu.memory_space<vmem>> -> memref<1x32x128xf32, #tpu.memory_space<vmem>>
    %dma_start3A_63 = tpu.memref_squeeze %dma_start3A_62 : memref<1x32x128xf32, #tpu.memory_space<vmem>> -> memref<32x128xf32, #tpu.memory_space<vmem>>
    %dma_start3A_64 = arith.constant 0 : i32
    %dma_start3A_65 = tpu.memref_slice %arg4[%mul3A_58, %dma_start3A_64] : memref<100000x128xf32, #tpu.memory_space<hbm>> -> memref<32x128xf32, #tpu.memory_space<hbm>>
    %dma_start3A_66 = arith.constant 0 : i32
    %dma_start3A_67 = arith.constant 0 : i32
    %dma_start3A_68 = tpu.memref_slice %arg9[%dma_start3A_59, %dma_start3A_66, %dma_start3A_67] : memref<2x32x128xf32, #tpu.memory_space<vmem>> -> memref<1x32x128xf32, #tpu.memory_space<vmem>>
    %dma_start3A_69 = tpu.memref_squeeze %dma_start3A_68 : memref<1x32x128xf32, #tpu.memory_space<vmem>> -> memref<32x128xf32, #tpu.memory_space<vmem>>
    %dma_start3A_70 = arith.constant 0 : i32
    %dma_start3A_71 = tpu.memref_slice %arg4[%mul3A_58, %dma_start3A_70] : memref<100000x128xf32, #tpu.memory_space<hbm>> -> memref<32x128xf32, #tpu.memory_space<hbm>>
    tpu.enqueue_dma source(%dma_start3A_71 : memref<32x128xf32, #tpu.memory_space<hbm>>) target(%dma_start3A_69 : memref<32x128xf32, #tpu.memory_space<vmem>>) target_semaphore(%arg14 : memref<!tpu.dma_semaphore, #tpu.memory_space<semaphore_mem>>)
    %dma_wait3A = arith.constant 0 : i32
    %dma_wait3A_72 = arith.constant 0 : i32
    %dma_wait3A_73 = arith.constant 0 : i32
    %dma_wait3A_74 = tpu.memref_slice %arg7[%dma_wait3A, %dma_wait3A_72, %dma_wait3A_73] : memref<2x10x32xi32, #tpu.memory_space<vmem>> -> memref<1x10x32xi32, #tpu.memory_space<vmem>>
    %dma_wait3A_75 = tpu.memref_squeeze %dma_wait3A_74 : memref<1x10x32xi32, #tpu.memory_space<vmem>> -> memref<10x32xi32, #tpu.memory_space<vmem>>
    %dma_wait3A_76 = arith.constant 0 : i32
    %dma_wait3A_77 = arith.constant 0 : i32
    %dma_wait3A_78 = tpu.memref_slice %arg3[%mul3A_2, %dma_wait3A_76, %dma_wait3A_77] : memref<3125x10x32xi32, #tpu.memory_space<hbm>> -> memref<1x10x32xi32, #tpu.memory_space<hbm>>
    %dma_wait3A_79 = tpu.memref_squeeze %dma_wait3A_78 : memref<1x10x32xi32, #tpu.memory_space<hbm>> -> memref<10x32xi32, #tpu.memory_space<hbm>>
    %dma_wait3A_80 = arith.constant 0 : i32
    %dma_wait3A_81 = arith.constant 0 : i32
    %dma_wait3A_82 = tpu.memref_slice %arg7[%dma_wait3A, %dma_wait3A_80, %dma_wait3A_81] : memref<2x10x32xi32, #tpu.memory_space<vmem>> -> memref<1x10x32xi32, #tpu.memory_space<vmem>>
    %dma_wait3A_83 = tpu.memref_squeeze %dma_wait3A_82 : memref<1x10x32xi32, #tpu.memory_space<vmem>> -> memref<10x32xi32, #tpu.memory_space<vmem>>
    %dma_wait3A_84 = arith.constant 0 : i32
    %dma_wait3A_85 = arith.constant 0 : i32
    %dma_wait3A_86 = tpu.memref_slice %arg3[%mul3A_2, %dma_wait3A_84, %dma_wait3A_85] : memref<3125x10x32xi32, #tpu.memory_space<hbm>> -> memref<1x10x32xi32, #tpu.memory_space<hbm>>
    %dma_wait3A_87 = tpu.memref_squeeze %dma_wait3A_86 : memref<1x10x32xi32, #tpu.memory_space<hbm>> -> memref<10x32xi32, #tpu.memory_space<hbm>>
    tpu.wait_dma2 semaphore(%arg11 : memref<!tpu.dma_semaphore, #tpu.memory_space<semaphore_mem>>) src(%dma_wait3A_87 : memref<10x32xi32, #tpu.memory_space<hbm>>) dst(%dma_wait3A_83 : memref<10x32xi32, #tpu.memory_space<vmem>>)
    %dma_start3A_88 = arith.constant 0 : i32
    %dma_start3A_89 = arith.constant 0 : i32
    %dma_start3A_90 = arith.constant 0 : i32
    %dma_start3A_91 = arith.constant 0 : i32
    %dma_start3A_92 = arith.constant 0 : i32
    %dma_start3A_93 = arith.constant 0 : i32
    %dma_start3A_94 = tpu.memref_slice %arg8[%dma_start3A_90, %dma_start3A_91, %dma_start3A_92, %dma_start3A_93] : memref<2x10x32x128xbf16, #tpu.memory_space<vmem>> -> memref<1x1x32x128xbf16, #tpu.memory_space<vmem>>
    %dma_start3A_95 = tpu.memref_squeeze %dma_start3A_94 : memref<1x1x32x128xbf16, #tpu.memory_space<vmem>> -> memref<32x128xbf16, #tpu.memory_space<vmem>>
    %dma_start3A_96 = arith.constant 0 : i32
    %dma_start3A_97 = tpu.memref_slice %arg7[%dma_start3A_88, %dma_start3A_89, %dma_start3A_96] : memref<2x10x32xi32, #tpu.memory_space<vmem>> -> memref<1x1x32xi32, #tpu.memory_space<vmem>>
    %dma_start3A_98 = tpu.memref_squeeze %dma_start3A_97 : memref<1x1x32xi32, #tpu.memory_space<vmem>> -> memref<32xi32, #tpu.memory_space<vmem>>
    %dma_start3A_99 = arith.constant 0 : i32
    %dma_start3A_100 = arith.constant 0 : i32
    %dma_start3A_101 = tpu.memref_slice %arg6[%dma_start3A_99, %dma_start3A_100] : memref<10000x128xbf16, #tpu.memory_space<vmem_shared>> -> memref<10000x128xbf16, #tpu.memory_space<vmem_shared>>
    tpu.enqueue_indirect_dma source(%dma_start3A_101 : memref<10000x128xbf16, #tpu.memory_space<vmem_shared>>) target(%dma_start3A_95 : memref<32x128xbf16, #tpu.memory_space<vmem>>) offsets(%dma_start3A_98 : memref<32xi32, #tpu.memory_space<vmem>>) semaphore(%arg15 : memref<!tpu.dma_semaphore, #tpu.memory_space<semaphore_mem>>)
    %dma_start3A_102 = arith.constant 0 : i32
    %dma_start3A_103 = arith.constant 1 : i32
    %dma_start3A_104 = arith.constant 0 : i32
    %dma_start3A_105 = arith.constant 1 : i32
    %dma_start3A_106 = arith.constant 0 : i32
    %dma_start3A_107 = arith.constant 0 : i32
    %dma_start3A_108 = tpu.memref_slice %arg8[%dma_start3A_104, %dma_start3A_105, %dma_start3A_106, %dma_start3A_107] : memref<2x10x32x128xbf16, #tpu.memory_space<vmem>> -> memref<1x1x32x128xbf16, #tpu.memory_space<vmem>>
    %dma_start3A_109 = tpu.memref_squeeze %dma_start3A_108 : memref<1x1x32x128xbf16, #tpu.memory_space<vmem>> -> memref<32x128xbf16, #tpu.memory_space<vmem>>
    %dma_start3A_110 = arith.constant 0 : i32
    %dma_start3A_111 = tpu.memref_slice %arg7[%dma_start3A_102, %dma_start3A_103, %dma_start3A_110] : memref<2x10x32xi32, #tpu.memory_space<vmem>> -> memref<1x1x32xi32, #tpu.memory_space<vmem>>
    %dma_start3A_112 = tpu.memref_squeeze %dma_start3A_111 : memref<1x1x32xi32, #tpu.memory_space<vmem>> -> memref<32xi32, #tpu.memory_space<vmem>>
    %dma_start3A_113 = arith.constant 0 : i32
    %dma_start3A_114 = arith.constant 0 : i32
    %dma_start3A_115 = tpu.memref_slice %arg6[%dma_start3A_113, %dma_start3A_114] : memref<10000x128xbf16, #tpu.memory_space<vmem_shared>> -> memref<10000x128xbf16, #tpu.memory_space<vmem_shared>>
    tpu.enqueue_indirect_dma source(%dma_start3A_115 : memref<10000x128xbf16, #tpu.memory_space<vmem_shared>>) target(%dma_start3A_109 : memref<32x128xbf16, #tpu.memory_space<vmem>>) offsets(%dma_start3A_112 : memref<32xi32, #tpu.memory_space<vmem>>) semaphore(%arg15 : memref<!tpu.dma_semaphore, #tpu.memory_space<semaphore_mem>>)
    %dma_start3A_116 = arith.constant 0 : i32
    %dma_start3A_117 = arith.constant 2 : i32
    %dma_start3A_118 = arith.constant 0 : i32
    %dma_start3A_119 = arith.constant 2 : i32
    %dma_start3A_120 = arith.constant 0 : i32
    %dma_start3A_121 = arith.constant 0 : i32
    %dma_start3A_122 = tpu.memref_slice %arg8[%dma_start3A_118, %dma_start3A_119, %dma_start3A_120, %dma_start3A_121] : memref<2x10x32x128xbf16, #tpu.memory_space<vmem>> -> memref<1x1x32x128xbf16, #tpu.memory_space<vmem>>
    %dma_start3A_123 = tpu.memref_squeeze %dma_start3A_122 : memref<1x1x32x128xbf16, #tpu.memory_space<vmem>> -> memref<32x128xbf16, #tpu.memory_space<vmem>>
    %dma_start3A_124 = arith.constant 0 : i32
    %dma_start3A_125 = tpu.memref_slice %arg7[%dma_start3A_116, %dma_start3A_117, %dma_start3A_124] : memref<2x10x32xi32, #tpu.memory_space<vmem>> -> memref<1x1x32xi32, #tpu.memory_space<vmem>>
    %dma_start3A_126 = tpu.memref_squeeze %dma_start3A_125 : memref<1x1x32xi32, #tpu.memory_space<vmem>> -> memref<32xi32, #tpu.memory_space<vmem>>
    %dma_start3A_127 = arith.constant 0 : i32
    %dma_start3A_128 = arith.constant 0 : i32
    %dma_start3A_129 = tpu.memref_slice %arg6[%dma_start3A_127, %dma_start3A_128] : memref<10000x128xbf16, #tpu.memory_space<vmem_shared>> -> memref<10000x128xbf16, #tpu.memory_space<vmem_shared>>
    tpu.enqueue_indirect_dma source(%dma_start3A_129 : memref<10000x128xbf16, #tpu.memory_space<vmem_shared>>) target(%dma_start3A_123 : memref<32x128xbf16, #tpu.memory_space<vmem>>) offsets(%dma_start3A_126 : memref<32xi32, #tpu.memory_space<vmem>>) semaphore(%arg15 : memref<!tpu.dma_semaphore, #tpu.memory_space<semaphore_mem>>)
    %dma_start3A_130 = arith.constant 0 : i32
    %dma_start3A_131 = arith.constant 3 : i32
    %dma_start3A_132 = arith.constant 0 : i32
    %dma_start3A_133 = arith.constant 3 : i32
    %dma_start3A_134 = arith.constant 0 : i32
    %dma_start3A_135 = arith.constant 0 : i32
    %dma_start3A_136 = tpu.memref_slice %arg8[%dma_start3A_132, %dma_start3A_133, %dma_start3A_134, %dma_start3A_135] : memref<2x10x32x128xbf16, #tpu.memory_space<vmem>> -> memref<1x1x32x128xbf16, #tpu.memory_space<vmem>>
    %dma_start3A_137 = tpu.memref_squeeze %dma_start3A_136 : memref<1x1x32x128xbf16, #tpu.memory_space<vmem>> -> memref<32x128xbf16, #tpu.memory_space<vmem>>
    %dma_start3A_138 = arith.constant 0 : i32
    %dma_start3A_139 = tpu.memref_slice %arg7[%dma_start3A_130, %dma_start3A_131, %dma_start3A_138] : memref<2x10x32xi32, #tpu.memory_space<vmem>> -> memref<1x1x32xi32, #tpu.memory_space<vmem>>
    %dma_start3A_140 = tpu.memref_squeeze %dma_start3A_139 : memref<1x1x32xi32, #tpu.memory_space<vmem>> -> memref<32xi32, #tpu.memory_space<vmem>>
    %dma_start3A_141 = arith.constant 0 : i32
    %dma_start3A_142 = arith.constant 0 : i32
    %dma_start3A_143 = tpu.memref_slice %arg6[%dma_start3A_141, %dma_start3A_142] : memref<10000x128xbf16, #tpu.memory_space<vmem_shared>> -> memref<10000x128xbf16, #tpu.memory_space<vmem_shared>>
    tpu.enqueue_indirect_dma source(%dma_start3A_143 : memref<10000x128xbf16, #tpu.memory_space<vmem_shared>>) target(%dma_start3A_137 : memref<32x128xbf16, #tpu.memory_space<vmem>>) offsets(%dma_start3A_140 : memref<32xi32, #tpu.memory_space<vmem>>) semaphore(%arg15 : memref<!tpu.dma_semaphore, #tpu.memory_space<semaphore_mem>>)
    %dma_start3A_144 = arith.constant 0 : i32
    %dma_start3A_145 = arith.constant 4 : i32
    %dma_start3A_146 = arith.constant 0 : i32
    %dma_start3A_147 = arith.constant 4 : i32
    %dma_start3A_148 = arith.constant 0 : i32
    %dma_start3A_149 = arith.constant 0 : i32
    %dma_start3A_150 = tpu.memref_slice %arg8[%dma_start3A_146, %dma_start3A_147, %dma_start3A_148, %dma_start3A_149] : memref<2x10x32x128xbf16, #tpu.memory_space<vmem>> -> memref<1x1x32x128xbf16, #tpu.memory_space<vmem>>
    %dma_start3A_151 = tpu.memref_squeeze %dma_start3A_150 : memref<1x1x32x128xbf16, #tpu.memory_space<vmem>> -> memref<32x128xbf16, #tpu.memory_space<vmem>>
    %dma_start3A_152 = arith.constant 0 : i32
    %dma_start3A_153 = tpu.memref_slice %arg7[%dma_start3A_144, %dma_start3A_145, %dma_start3A_152] : memref<2x10x32xi32, #tpu.memory_space<vmem>> -> memref<1x1x32xi32, #tpu.memory_space<vmem>>
    %dma_start3A_154 = tpu.memref_squeeze %dma_start3A_153 : memref<1x1x32xi32, #tpu.memory_space<vmem>> -> memref<32xi32, #tpu.memory_space<vmem>>
    %dma_start3A_155 = arith.constant 0 : i32
    %dma_start3A_156 = arith.constant 0 : i32
    %dma_start3A_157 = tpu.memref_slice %arg6[%dma_start3A_155, %dma_start3A_156] : memref<10000x128xbf16, #tpu.memory_space<vmem_shared>> -> memref<10000x128xbf16, #tpu.memory_space<vmem_shared>>
    tpu.enqueue_indirect_dma source(%dma_start3A_157 : memref<10000x128xbf16, #tpu.memory_space<vmem_shared>>) target(%dma_start3A_151 : memref<32x128xbf16, #tpu.memory_space<vmem>>) offsets(%dma_start3A_154 : memref<32xi32, #tpu.memory_space<vmem>>) semaphore(%arg15 : memref<!tpu.dma_semaphore, #tpu.memory_space<semaphore_mem>>)
    %dma_start3A_158 = arith.constant 0 : i32
    %dma_start3A_159 = arith.constant 5 : i32
    %dma_start3A_160 = arith.constant 0 : i32
    %dma_start3A_161 = arith.constant 5 : i32
    %dma_start3A_162 = arith.constant 0 : i32
    %dma_start3A_163 = arith.constant 0 : i32
    %dma_start3A_164 = tpu.memref_slice %arg8[%dma_start3A_160, %dma_start3A_161, %dma_start3A_162, %dma_start3A_163] : memref<2x10x32x128xbf16, #tpu.memory_space<vmem>> -> memref<1x1x32x128xbf16, #tpu.memory_space<vmem>>
    %dma_start3A_165 = tpu.memref_squeeze %dma_start3A_164 : memref<1x1x32x128xbf16, #tpu.memory_space<vmem>> -> memref<32x128xbf16, #tpu.memory_space<vmem>>
    %dma_start3A_166 = arith.constant 0 : i32
    %dma_start3A_167 = tpu.memref_slice %arg7[%dma_start3A_158, %dma_start3A_159, %dma_start3A_166] : memref<2x10x32xi32, #tpu.memory_space<vmem>> -> memref<1x1x32xi32, #tpu.memory_space<vmem>>
    %dma_start3A_168 = tpu.memref_squeeze %dma_start3A_167 : memref<1x1x32xi32, #tpu.memory_space<vmem>> -> memref<32xi32, #tpu.memory_space<vmem>>
    %dma_start3A_169 = arith.constant 0 : i32
    %dma_start3A_170 = arith.constant 0 : i32
    %dma_start3A_171 = tpu.memref_slice %arg6[%dma_start3A_169, %dma_start3A_170] : memref<10000x128xbf16, #tpu.memory_space<vmem_shared>> -> memref<10000x128xbf16, #tpu.memory_space<vmem_shared>>
    tpu.enqueue_indirect_dma source(%dma_start3A_171 : memref<10000x128xbf16, #tpu.memory_space<vmem_shared>>) target(%dma_start3A_165 : memref<32x128xbf16, #tpu.memory_space<vmem>>) offsets(%dma_start3A_168 : memref<32xi32, #tpu.memory_space<vmem>>) semaphore(%arg15 : memref<!tpu.dma_semaphore, #tpu.memory_space<semaphore_mem>>)
    %dma_start3A_172 = arith.constant 0 : i32
    %dma_start3A_173 = arith.constant 6 : i32
    %dma_start3A_174 = arith.constant 0 : i32
    %dma_start3A_175 = arith.constant 6 : i32
    %dma_start3A_176 = arith.constant 0 : i32
    %dma_start3A_177 = arith.constant 0 : i32
    %dma_start3A_178 = tpu.memref_slice %arg8[%dma_start3A_174, %dma_start3A_175, %dma_start3A_176, %dma_start3A_177] : memref<2x10x32x128xbf16, #tpu.memory_space<vmem>> -> memref<1x1x32x128xbf16, #tpu.memory_space<vmem>>
    %dma_start3A_179 = tpu.memref_squeeze %dma_start3A_178 : memref<1x1x32x128xbf16, #tpu.memory_space<vmem>> -> memref<32x128xbf16, #tpu.memory_space<vmem>>
    %dma_start3A_180 = arith.constant 0 : i32
    %dma_start3A_181 = tpu.memref_slice %arg7[%dma_start3A_172, %dma_start3A_173, %dma_start3A_180] : memref<2x10x32xi32, #tpu.memory_space<vmem>> -> memref<1x1x32xi32, #tpu.memory_space<vmem>>
    %dma_start3A_182 = tpu.memref_squeeze %dma_start3A_181 : memref<1x1x32xi32, #tpu.memory_space<vmem>> -> memref<32xi32, #tpu.memory_space<vmem>>
    %dma_start3A_183 = arith.constant 0 : i32
    %dma_start3A_184 = arith.constant 0 : i32
    %dma_start3A_185 = tpu.memref_slice %arg6[%dma_start3A_183, %dma_start3A_184] : memref<10000x128xbf16, #tpu.memory_space<vmem_shared>> -> memref<10000x128xbf16, #tpu.memory_space<vmem_shared>>
    tpu.enqueue_indirect_dma source(%dma_start3A_185 : memref<10000x128xbf16, #tpu.memory_space<vmem_shared>>) target(%dma_start3A_179 : memref<32x128xbf16, #tpu.memory_space<vmem>>) offsets(%dma_start3A_182 : memref<32xi32, #tpu.memory_space<vmem>>) semaphore(%arg15 : memref<!tpu.dma_semaphore, #tpu.memory_space<semaphore_mem>>)
    %dma_start3A_186 = arith.constant 0 : i32
    %dma_start3A_187 = arith.constant 7 : i32
    %dma_start3A_188 = arith.constant 0 : i32
    %dma_start3A_189 = arith.constant 7 : i32
    %dma_start3A_190 = arith.constant 0 : i32
    %dma_start3A_191 = arith.constant 0 : i32
    %dma_start3A_192 = tpu.memref_slice %arg8[%dma_start3A_188, %dma_start3A_189, %dma_start3A_190, %dma_start3A_191] : memref<2x10x32x128xbf16, #tpu.memory_space<vmem>> -> memref<1x1x32x128xbf16, #tpu.memory_space<vmem>>
    %dma_start3A_193 = tpu.memref_squeeze %dma_start3A_192 : memref<1x1x32x128xbf16, #tpu.memory_space<vmem>> -> memref<32x128xbf16, #tpu.memory_space<vmem>>
    %dma_start3A_194 = arith.constant 0 : i32
    %dma_start3A_195 = tpu.memref_slice %arg7[%dma_start3A_186, %dma_start3A_187, %dma_start3A_194] : memref<2x10x32xi32, #tpu.memory_space<vmem>> -> memref<1x1x32xi32, #tpu.memory_space<vmem>>
    %dma_start3A_196 = tpu.memref_squeeze %dma_start3A_195 : memref<1x1x32xi32, #tpu.memory_space<vmem>> -> memref<32xi32, #tpu.memory_space<vmem>>
    %dma_start3A_197 = arith.constant 0 : i32
    %dma_start3A_198 = arith.constant 0 : i32
    %dma_start3A_199 = tpu.memref_slice %arg6[%dma_start3A_197, %dma_start3A_198] : memref<10000x128xbf16, #tpu.memory_space<vmem_shared>> -> memref<10000x128xbf16, #tpu.memory_space<vmem_shared>>
    tpu.enqueue_indirect_dma source(%dma_start3A_199 : memref<10000x128xbf16, #tpu.memory_space<vmem_shared>>) target(%dma_start3A_193 : memref<32x128xbf16, #tpu.memory_space<vmem>>) offsets(%dma_start3A_196 : memref<32xi32, #tpu.memory_space<vmem>>) semaphore(%arg15 : memref<!tpu.dma_semaphore, #tpu.memory_space<semaphore_mem>>)
    %dma_start3A_200 = arith.constant 0 : i32
    %dma_start3A_201 = arith.constant 8 : i32
    %dma_start3A_202 = arith.constant 0 : i32
    %dma_start3A_203 = arith.constant 8 : i32
    %dma_start3A_204 = arith.constant 0 : i32
    %dma_start3A_205 = arith.constant 0 : i32
    %dma_start3A_206 = tpu.memref_slice %arg8[%dma_start3A_202, %dma_start3A_203, %dma_start3A_204, %dma_start3A_205] : memref<2x10x32x128xbf16, #tpu.memory_space<vmem>> -> memref<1x1x32x128xbf16, #tpu.memory_space<vmem>>
    %dma_start3A_207 = tpu.memref_squeeze %dma_start3A_206 : memref<1x1x32x128xbf16, #tpu.memory_space<vmem>> -> memref<32x128xbf16, #tpu.memory_space<vmem>>
    %dma_start3A_208 = arith.constant 0 : i32
    %dma_start3A_209 = tpu.memref_slice %arg7[%dma_start3A_200, %dma_start3A_201, %dma_start3A_208] : memref<2x10x32xi32, #tpu.memory_space<vmem>> -> memref<1x1x32xi32, #tpu.memory_space<vmem>>
    %dma_start3A_210 = tpu.memref_squeeze %dma_start3A_209 : memref<1x1x32xi32, #tpu.memory_space<vmem>> -> memref<32xi32, #tpu.memory_space<vmem>>
    %dma_start3A_211 = arith.constant 0 : i32
    %dma_start3A_212 = arith.constant 0 : i32
    %dma_start3A_213 = tpu.memref_slice %arg6[%dma_start3A_211, %dma_start3A_212] : memref<10000x128xbf16, #tpu.memory_space<vmem_shared>> -> memref<10000x128xbf16, #tpu.memory_space<vmem_shared>>
    tpu.enqueue_indirect_dma source(%dma_start3A_213 : memref<10000x128xbf16, #tpu.memory_space<vmem_shared>>) target(%dma_start3A_207 : memref<32x128xbf16, #tpu.memory_space<vmem>>) offsets(%dma_start3A_210 : memref<32xi32, #tpu.memory_space<vmem>>) semaphore(%arg15 : memref<!tpu.dma_semaphore, #tpu.memory_space<semaphore_mem>>)
    %dma_start3A_214 = arith.constant 0 : i32
    %dma_start3A_215 = arith.constant 9 : i32
    %dma_start3A_216 = arith.constant 0 : i32
    %dma_start3A_217 = arith.constant 9 : i32
    %dma_start3A_218 = arith.constant 0 : i32
    %dma_start3A_219 = arith.constant 0 : i32
    %dma_start3A_220 = tpu.memref_slice %arg8[%dma_start3A_216, %dma_start3A_217, %dma_start3A_218, %dma_start3A_219] : memref<2x10x32x128xbf16, #tpu.memory_space<vmem>> -> memref<1x1x32x128xbf16, #tpu.memory_space<vmem>>
    %dma_start3A_221 = tpu.memref_squeeze %dma_start3A_220 : memref<1x1x32x128xbf16, #tpu.memory_space<vmem>> -> memref<32x128xbf16, #tpu.memory_space<vmem>>
    %dma_start3A_222 = arith.constant 0 : i32
    %dma_start3A_223 = tpu.memref_slice %arg7[%dma_start3A_214, %dma_start3A_215, %dma_start3A_222] : memref<2x10x32xi32, #tpu.memory_space<vmem>> -> memref<1x1x32xi32, #tpu.memory_space<vmem>>
    %dma_start3A_224 = tpu.memref_squeeze %dma_start3A_223 : memref<1x1x32xi32, #tpu.memory_space<vmem>> -> memref<32xi32, #tpu.memory_space<vmem>>
    %dma_start3A_225 = arith.constant 0 : i32
    %dma_start3A_226 = arith.constant 0 : i32
    %dma_start3A_227 = tpu.memref_slice %arg6[%dma_start3A_225, %dma_start3A_226] : memref<10000x128xbf16, #tpu.memory_space<vmem_shared>> -> memref<10000x128xbf16, #tpu.memory_space<vmem_shared>>
    tpu.enqueue_indirect_dma source(%dma_start3A_227 : memref<10000x128xbf16, #tpu.memory_space<vmem_shared>>) target(%dma_start3A_221 : memref<32x128xbf16, #tpu.memory_space<vmem>>) offsets(%dma_start3A_224 : memref<32xi32, #tpu.memory_space<vmem>>) semaphore(%arg15 : memref<!tpu.dma_semaphore, #tpu.memory_space<semaphore_mem>>)
    %scan3A = arith.constant 0 : i32
    %scan3A_228 = arith.constant 0 : i32
    %scan3A_229 = arith.constant 49 : i32
    %scan3A_230 = arith.addi %scan3A_228, %scan3A_229 : i32
    %scan3A_231 = arith.constant 1 : i32
    scf.for %scan3A_249 = %scan3A_228 to %scan3A_230 step %scan3A_231  : i32 {
      %mul3A_250 = arith.constant 2 : i32
      %mul3A_251 = arith.muli %mul3A_250, %scan3A_249 : i32
      %add3A_252 = arith.constant 0 : i32
      %add3A_253 = arith.addi %mul3A_251, %add3A_252 : i32
      %add3A_254 = arith.addi %mul3A_2, %add3A_253 : i32
      %add3A_255 = arith.constant 1 : i32
      %add3A_256 = arith.addi %add3A_253, %add3A_255 : i32
      %lt3A_257 = arith.constant 98 : i32
      %lt3A_258 = arith.cmpi slt, %add3A_256, %lt3A_257 : i32
      %add3A_259 = arith.constant 1 : i32
      %add3A_260 = arith.addi %add3A_254, %add3A_259 : i32
      %lt3A_261 = arith.constant 3125 : i32
      %lt3A_262 = arith.cmpi slt, %add3A_260, %lt3A_261 : i32
      %and3A = arith.andi %lt3A_258, %lt3A_262 : i1
      %convert_element_type3A_263 = arith.extui %and3A : i1 to i32
      %cond3A_264 = arith.constant 0 : i32
      %cond3A_265 = arith.cmpi ne, %convert_element_type3A_263, %cond3A_264 : i32
      scf.if %cond3A_265 {
        %add3A_382 = arith.constant 1 : i32
        %add3A_383 = arith.addi %add3A_254, %add3A_382 : i32
        %dma_wait3A_384 = arith.constant 1 : i32
        %dma_wait3A_385 = arith.constant 0 : i32
        %dma_wait3A_386 = arith.constant 0 : i32
        %dma_wait3A_387 = tpu.memref_slice %arg7[%dma_wait3A_384, %dma_wait3A_385, %dma_wait3A_386] : memref<2x10x32xi32, #tpu.memory_space<vmem>> -> memref<1x10x32xi32, #tpu.memory_space<vmem>>
        %dma_wait3A_388 = tpu.memref_squeeze %dma_wait3A_387 : memref<1x10x32xi32, #tpu.memory_space<vmem>> -> memref<10x32xi32, #tpu.memory_space<vmem>>
        %dma_wait3A_389 = arith.constant 0 : i32
        %dma_wait3A_390 = arith.constant 0 : i32
        %dma_wait3A_391 = tpu.memref_slice %arg3[%add3A_383, %dma_wait3A_389, %dma_wait3A_390] : memref<3125x10x32xi32, #tpu.memory_space<hbm>> -> memref<1x10x32xi32, #tpu.memory_space<hbm>>
        %dma_wait3A_392 = tpu.memref_squeeze %dma_wait3A_391 : memref<1x10x32xi32, #tpu.memory_space<hbm>> -> memref<10x32xi32, #tpu.memory_space<hbm>>
        %dma_wait3A_393 = arith.constant 0 : i32
        %dma_wait3A_394 = arith.constant 0 : i32
        %dma_wait3A_395 = tpu.memref_slice %arg7[%dma_wait3A_384, %dma_wait3A_393, %dma_wait3A_394] : memref<2x10x32xi32, #tpu.memory_space<vmem>> -> memref<1x10x32xi32, #tpu.memory_space<vmem>>
        %dma_wait3A_396 = tpu.memref_squeeze %dma_wait3A_395 : memref<1x10x32xi32, #tpu.memory_space<vmem>> -> memref<10x32xi32, #tpu.memory_space<vmem>>
        %dma_wait3A_397 = arith.constant 0 : i32
        %dma_wait3A_398 = arith.constant 0 : i32
        %dma_wait3A_399 = tpu.memref_slice %arg3[%add3A_383, %dma_wait3A_397, %dma_wait3A_398] : memref<3125x10x32xi32, #tpu.memory_space<hbm>> -> memref<1x10x32xi32, #tpu.memory_space<hbm>>
        %dma_wait3A_400 = tpu.memref_squeeze %dma_wait3A_399 : memref<1x10x32xi32, #tpu.memory_space<hbm>> -> memref<10x32xi32, #tpu.memory_space<hbm>>
        tpu.wait_dma2 semaphore(%arg12 : memref<!tpu.dma_semaphore, #tpu.memory_space<semaphore_mem>>) src(%dma_wait3A_400 : memref<10x32xi32, #tpu.memory_space<hbm>>) dst(%dma_wait3A_396 : memref<10x32xi32, #tpu.memory_space<vmem>>)
        %dma_start3A_401 = arith.constant 1 : i32
        %dma_start3A_402 = arith.constant 0 : i32
        %dma_start3A_403 = arith.constant 1 : i32
        %dma_start3A_404 = arith.constant 0 : i32
        %dma_start3A_405 = arith.constant 0 : i32
        %dma_start3A_406 = arith.constant 0 : i32
        %dma_start3A_407 = tpu.memref_slice %arg8[%dma_start3A_403, %dma_start3A_404, %dma_start3A_405, %dma_start3A_406] : memref<2x10x32x128xbf16, #tpu.memory_space<vmem>> -> memref<1x1x32x128xbf16, #tpu.memory_space<vmem>>
        %dma_start3A_408 = tpu.memref_squeeze %dma_start3A_407 : memref<1x1x32x128xbf16, #tpu.memory_space<vmem>> -> memref<32x128xbf16, #tpu.memory_space<vmem>>
        %dma_start3A_409 = arith.constant 0 : i32
        %dma_start3A_410 = tpu.memref_slice %arg7[%dma_start3A_401, %dma_start3A_402, %dma_start3A_409] : memref<2x10x32xi32, #tpu.memory_space<vmem>> -> memref<1x1x32xi32, #tpu.memory_space<vmem>>
        %dma_start3A_411 = tpu.memref_squeeze %dma_start3A_410 : memref<1x1x32xi32, #tpu.memory_space<vmem>> -> memref<32xi32, #tpu.memory_space<vmem>>
        %dma_start3A_412 = arith.constant 0 : i32
        %dma_start3A_413 = arith.constant 0 : i32
        %dma_start3A_414 = tpu.memref_slice %arg6[%dma_start3A_412, %dma_start3A_413] : memref<10000x128xbf16, #tpu.memory_space<vmem_shared>> -> memref<10000x128xbf16, #tpu.memory_space<vmem_shared>>
        tpu.enqueue_indirect_dma source(%dma_start3A_414 : memref<10000x128xbf16, #tpu.memory_space<vmem_shared>>) target(%dma_start3A_408 : memref<32x128xbf16, #tpu.memory_space<vmem>>) offsets(%dma_start3A_411 : memref<32xi32, #tpu.memory_space<vmem>>) semaphore(%arg16 : memref<!tpu.dma_semaphore, #tpu.memory_space<semaphore_mem>>)
        %dma_start3A_415 = arith.constant 1 : i32
        %dma_start3A_416 = arith.constant 1 : i32
        %dma_start3A_417 = arith.constant 1 : i32
        %dma_start3A_418 = arith.constant 1 : i32
        %dma_start3A_419 = arith.constant 0 : i32
        %dma_start3A_420 = arith.constant 0 : i32
        %dma_start3A_421 = tpu.memref_slice %arg8[%dma_start3A_417, %dma_start3A_418, %dma_start3A_419, %dma_start3A_420] : memref<2x10x32x128xbf16, #tpu.memory_space<vmem>> -> memref<1x1x32x128xbf16, #tpu.memory_space<vmem>>
        %dma_start3A_422 = tpu.memref_squeeze %dma_start3A_421 : memref<1x1x32x128xbf16, #tpu.memory_space<vmem>> -> memref<32x128xbf16, #tpu.memory_space<vmem>>
        %dma_start3A_423 = arith.constant 0 : i32
        %dma_start3A_424 = tpu.memref_slice %arg7[%dma_start3A_415, %dma_start3A_416, %dma_start3A_423] : memref<2x10x32xi32, #tpu.memory_space<vmem>> -> memref<1x1x32xi32, #tpu.memory_space<vmem>>
        %dma_start3A_425 = tpu.memref_squeeze %dma_start3A_424 : memref<1x1x32xi32, #tpu.memory_space<vmem>> -> memref<32xi32, #tpu.memory_space<vmem>>
        %dma_start3A_426 = arith.constant 0 : i32
        %dma_start3A_427 = arith.constant 0 : i32
        %dma_start3A_428 = tpu.memref_slice %arg6[%dma_start3A_426, %dma_start3A_427] : memref<10000x128xbf16, #tpu.memory_space<vmem_shared>> -> memref<10000x128xbf16, #tpu.memory_space<vmem_shared>>
        tpu.enqueue_indirect_dma source(%dma_start3A_428 : memref<10000x128xbf16, #tpu.memory_space<vmem_shared>>) target(%dma_start3A_422 : memref<32x128xbf16, #tpu.memory_space<vmem>>) offsets(%dma_start3A_425 : memref<32xi32, #tpu.memory_space<vmem>>) semaphore(%arg16 : memref<!tpu.dma_semaphore, #tpu.memory_space<semaphore_mem>>)
        %dma_start3A_429 = arith.constant 1 : i32
        %dma_start3A_430 = arith.constant 2 : i32
        %dma_start3A_431 = arith.constant 1 : i32
        %dma_start3A_432 = arith.constant 2 : i32
        %dma_start3A_433 = arith.constant 0 : i32
        %dma_start3A_434 = arith.constant 0 : i32
        %dma_start3A_435 = tpu.memref_slice %arg8[%dma_start3A_431, %dma_start3A_432, %dma_start3A_433, %dma_start3A_434] : memref<2x10x32x128xbf16, #tpu.memory_space<vmem>> -> memref<1x1x32x128xbf16, #tpu.memory_space<vmem>>
        %dma_start3A_436 = tpu.memref_squeeze %dma_start3A_435 : memref<1x1x32x128xbf16, #tpu.memory_space<vmem>> -> memref<32x128xbf16, #tpu.memory_space<vmem>>
        %dma_start3A_437 = arith.constant 0 : i32
        %dma_start3A_438 = tpu.memref_slice %arg7[%dma_start3A_429, %dma_start3A_430, %dma_start3A_437] : memref<2x10x32xi32, #tpu.memory_space<vmem>> -> memref<1x1x32xi32, #tpu.memory_space<vmem>>
        %dma_start3A_439 = tpu.memref_squeeze %dma_start3A_438 : memref<1x1x32xi32, #tpu.memory_space<vmem>> -> memref<32xi32, #tpu.memory_space<vmem>>
        %dma_start3A_440 = arith.constant 0 : i32
        %dma_start3A_441 = arith.constant 0 : i32
        %dma_start3A_442 = tpu.memref_slice %arg6[%dma_start3A_440, %dma_start3A_441] : memref<10000x128xbf16, #tpu.memory_space<vmem_shared>> -> memref<10000x128xbf16, #tpu.memory_space<vmem_shared>>
        tpu.enqueue_indirect_dma source(%dma_start3A_442 : memref<10000x128xbf16, #tpu.memory_space<vmem_shared>>) target(%dma_start3A_436 : memref<32x128xbf16, #tpu.memory_space<vmem>>) offsets(%dma_start3A_439 : memref<32xi32, #tpu.memory_space<vmem>>) semaphore(%arg16 : memref<!tpu.dma_semaphore, #tpu.memory_space<semaphore_mem>>)
        %dma_start3A_443 = arith.constant 1 : i32
        %dma_start3A_444 = arith.constant 3 : i32
        %dma_start3A_445 = arith.constant 1 : i32
        %dma_start3A_446 = arith.constant 3 : i32
        %dma_start3A_447 = arith.constant 0 : i32
        %dma_start3A_448 = arith.constant 0 : i32
        %dma_start3A_449 = tpu.memref_slice %arg8[%dma_start3A_445, %dma_start3A_446, %dma_start3A_447, %dma_start3A_448] : memref<2x10x32x128xbf16, #tpu.memory_space<vmem>> -> memref<1x1x32x128xbf16, #tpu.memory_space<vmem>>
        %dma_start3A_450 = tpu.memref_squeeze %dma_start3A_449 : memref<1x1x32x128xbf16, #tpu.memory_space<vmem>> -> memref<32x128xbf16, #tpu.memory_space<vmem>>
        %dma_start3A_451 = arith.constant 0 : i32
        %dma_start3A_452 = tpu.memref_slice %arg7[%dma_start3A_443, %dma_start3A_444, %dma_start3A_451] : memref<2x10x32xi32, #tpu.memory_space<vmem>> -> memref<1x1x32xi32, #tpu.memory_space<vmem>>
        %dma_start3A_453 = tpu.memref_squeeze %dma_start3A_452 : memref<1x1x32xi32, #tpu.memory_space<vmem>> -> memref<32xi32, #tpu.memory_space<vmem>>
        %dma_start3A_454 = arith.constant 0 : i32
        %dma_start3A_455 = arith.constant 0 : i32
        %dma_start3A_456 = tpu.memref_slice %arg6[%dma_start3A_454, %dma_start3A_455] : memref<10000x128xbf16, #tpu.memory_space<vmem_shared>> -> memref<10000x128xbf16, #tpu.memory_space<vmem_shared>>
        tpu.enqueue_indirect_dma source(%dma_start3A_456 : memref<10000x128xbf16, #tpu.memory_space<vmem_shared>>) target(%dma_start3A_450 : memref<32x128xbf16, #tpu.memory_space<vmem>>) offsets(%dma_start3A_453 : memref<32xi32, #tpu.memory_space<vmem>>) semaphore(%arg16 : memref<!tpu.dma_semaphore, #tpu.memory_space<semaphore_mem>>)
        %dma_start3A_457 = arith.constant 1 : i32
        %dma_start3A_458 = arith.constant 4 : i32
        %dma_start3A_459 = arith.constant 1 : i32
        %dma_start3A_460 = arith.constant 4 : i32
        %dma_start3A_461 = arith.constant 0 : i32
        %dma_start3A_462 = arith.constant 0 : i32
        %dma_start3A_463 = tpu.memref_slice %arg8[%dma_start3A_459, %dma_start3A_460, %dma_start3A_461, %dma_start3A_462] : memref<2x10x32x128xbf16, #tpu.memory_space<vmem>> -> memref<1x1x32x128xbf16, #tpu.memory_space<vmem>>
        %dma_start3A_464 = tpu.memref_squeeze %dma_start3A_463 : memref<1x1x32x128xbf16, #tpu.memory_space<vmem>> -> memref<32x128xbf16, #tpu.memory_space<vmem>>
        %dma_start3A_465 = arith.constant 0 : i32
        %dma_start3A_466 = tpu.memref_slice %arg7[%dma_start3A_457, %dma_start3A_458, %dma_start3A_465] : memref<2x10x32xi32, #tpu.memory_space<vmem>> -> memref<1x1x32xi32, #tpu.memory_space<vmem>>
        %dma_start3A_467 = tpu.memref_squeeze %dma_start3A_466 : memref<1x1x32xi32, #tpu.memory_space<vmem>> -> memref<32xi32, #tpu.memory_space<vmem>>
        %dma_start3A_468 = arith.constant 0 : i32
        %dma_start3A_469 = arith.constant 0 : i32
        %dma_start3A_470 = tpu.memref_slice %arg6[%dma_start3A_468, %dma_start3A_469] : memref<10000x128xbf16, #tpu.memory_space<vmem_shared>> -> memref<10000x128xbf16, #tpu.memory_space<vmem_shared>>
        tpu.enqueue_indirect_dma source(%dma_start3A_470 : memref<10000x128xbf16, #tpu.memory_space<vmem_shared>>) target(%dma_start3A_464 : memref<32x128xbf16, #tpu.memory_space<vmem>>) offsets(%dma_start3A_467 : memref<32xi32, #tpu.memory_space<vmem>>) semaphore(%arg16 : memref<!tpu.dma_semaphore, #tpu.memory_space<semaphore_mem>>)
        %dma_start3A_471 = arith.constant 1 : i32
        %dma_start3A_472 = arith.constant 5 : i32
        %dma_start3A_473 = arith.constant 1 : i32
        %dma_start3A_474 = arith.constant 5 : i32
        %dma_start3A_475 = arith.constant 0 : i32
        %dma_start3A_476 = arith.constant 0 : i32
        %dma_start3A_477 = tpu.memref_slice %arg8[%dma_start3A_473, %dma_start3A_474, %dma_start3A_475, %dma_start3A_476] : memref<2x10x32x128xbf16, #tpu.memory_space<vmem>> -> memref<1x1x32x128xbf16, #tpu.memory_space<vmem>>
        %dma_start3A_478 = tpu.memref_squeeze %dma_start3A_477 : memref<1x1x32x128xbf16, #tpu.memory_space<vmem>> -> memref<32x128xbf16, #tpu.memory_space<vmem>>
        %dma_start3A_479 = arith.constant 0 : i32
        %dma_start3A_480 = tpu.memref_slice %arg7[%dma_start3A_471, %dma_start3A_472, %dma_start3A_479] : memref<2x10x32xi32, #tpu.memory_space<vmem>> -> memref<1x1x32xi32, #tpu.memory_space<vmem>>
        %dma_start3A_481 = tpu.memref_squeeze %dma_start3A_480 : memref<1x1x32xi32, #tpu.memory_space<vmem>> -> memref<32xi32, #tpu.memory_space<vmem>>
        %dma_start3A_482 = arith.constant 0 : i32
        %dma_start3A_483 = arith.constant 0 : i32
        %dma_start3A_484 = tpu.memref_slice %arg6[%dma_start3A_482, %dma_start3A_483] : memref<10000x128xbf16, #tpu.memory_space<vmem_shared>> -> memref<10000x128xbf16, #tpu.memory_space<vmem_shared>>
        tpu.enqueue_indirect_dma source(%dma_start3A_484 : memref<10000x128xbf16, #tpu.memory_space<vmem_shared>>) target(%dma_start3A_478 : memref<32x128xbf16, #tpu.memory_space<vmem>>) offsets(%dma_start3A_481 : memref<32xi32, #tpu.memory_space<vmem>>) semaphore(%arg16 : memref<!tpu.dma_semaphore, #tpu.memory_space<semaphore_mem>>)
        %dma_start3A_485 = arith.constant 1 : i32
        %dma_start3A_486 = arith.constant 6 : i32
        %dma_start3A_487 = arith.constant 1 : i32
        %dma_start3A_488 = arith.constant 6 : i32
        %dma_start3A_489 = arith.constant 0 : i32
        %dma_start3A_490 = arith.constant 0 : i32
        %dma_start3A_491 = tpu.memref_slice %arg8[%dma_start3A_487, %dma_start3A_488, %dma_start3A_489, %dma_start3A_490] : memref<2x10x32x128xbf16, #tpu.memory_space<vmem>> -> memref<1x1x32x128xbf16, #tpu.memory_space<vmem>>
        %dma_start3A_492 = tpu.memref_squeeze %dma_start3A_491 : memref<1x1x32x128xbf16, #tpu.memory_space<vmem>> -> memref<32x128xbf16, #tpu.memory_space<vmem>>
        %dma_start3A_493 = arith.constant 0 : i32
        %dma_start3A_494 = tpu.memref_slice %arg7[%dma_start3A_485, %dma_start3A_486, %dma_start3A_493] : memref<2x10x32xi32, #tpu.memory_space<vmem>> -> memref<1x1x32xi32, #tpu.memory_space<vmem>>
        %dma_start3A_495 = tpu.memref_squeeze %dma_start3A_494 : memref<1x1x32xi32, #tpu.memory_space<vmem>> -> memref<32xi32, #tpu.memory_space<vmem>>
        %dma_start3A_496 = arith.constant 0 : i32
        %dma_start3A_497 = arith.constant 0 : i32
        %dma_start3A_498 = tpu.memref_slice %arg6[%dma_start3A_496, %dma_start3A_497] : memref<10000x128xbf16, #tpu.memory_space<vmem_shared>> -> memref<10000x128xbf16, #tpu.memory_space<vmem_shared>>
        tpu.enqueue_indirect_dma source(%dma_start3A_498 : memref<10000x128xbf16, #tpu.memory_space<vmem_shared>>) target(%dma_start3A_492 : memref<32x128xbf16, #tpu.memory_space<vmem>>) offsets(%dma_start3A_495 : memref<32xi32, #tpu.memory_space<vmem>>) semaphore(%arg16 : memref<!tpu.dma_semaphore, #tpu.memory_space<semaphore_mem>>)
        %dma_start3A_499 = arith.constant 1 : i32
        %dma_start3A_500 = arith.constant 7 : i32
        %dma_start3A_501 = arith.constant 1 : i32
        %dma_start3A_502 = arith.constant 7 : i32
        %dma_start3A_503 = arith.constant 0 : i32
        %dma_start3A_504 = arith.constant 0 : i32
        %dma_start3A_505 = tpu.memref_slice %arg8[%dma_start3A_501, %dma_start3A_502, %dma_start3A_503, %dma_start3A_504] : memref<2x10x32x128xbf16, #tpu.memory_space<vmem>> -> memref<1x1x32x128xbf16, #tpu.memory_space<vmem>>
        %dma_start3A_506 = tpu.memref_squeeze %dma_start3A_505 : memref<1x1x32x128xbf16, #tpu.memory_space<vmem>> -> memref<32x128xbf16, #tpu.memory_space<vmem>>
        %dma_start3A_507 = arith.constant 0 : i32
        %dma_start3A_508 = tpu.memref_slice %arg7[%dma_start3A_499, %dma_start3A_500, %dma_start3A_507] : memref<2x10x32xi32, #tpu.memory_space<vmem>> -> memref<1x1x32xi32, #tpu.memory_space<vmem>>
        %dma_start3A_509 = tpu.memref_squeeze %dma_start3A_508 : memref<1x1x32xi32, #tpu.memory_space<vmem>> -> memref<32xi32, #tpu.memory_space<vmem>>
        %dma_start3A_510 = arith.constant 0 : i32
        %dma_start3A_511 = arith.constant 0 : i32
        %dma_start3A_512 = tpu.memref_slice %arg6[%dma_start3A_510, %dma_start3A_511] : memref<10000x128xbf16, #tpu.memory_space<vmem_shared>> -> memref<10000x128xbf16, #tpu.memory_space<vmem_shared>>
        tpu.enqueue_indirect_dma source(%dma_start3A_512 : memref<10000x128xbf16, #tpu.memory_space<vmem_shared>>) target(%dma_start3A_506 : memref<32x128xbf16, #tpu.memory_space<vmem>>) offsets(%dma_start3A_509 : memref<32xi32, #tpu.memory_space<vmem>>) semaphore(%arg16 : memref<!tpu.dma_semaphore, #tpu.memory_space<semaphore_mem>>)
        %dma_start3A_513 = arith.constant 1 : i32
        %dma_start3A_514 = arith.constant 8 : i32
        %dma_start3A_515 = arith.constant 1 : i32
        %dma_start3A_516 = arith.constant 8 : i32
        %dma_start3A_517 = arith.constant 0 : i32
        %dma_start3A_518 = arith.constant 0 : i32
        %dma_start3A_519 = tpu.memref_slice %arg8[%dma_start3A_515, %dma_start3A_516, %dma_start3A_517, %dma_start3A_518] : memref<2x10x32x128xbf16, #tpu.memory_space<vmem>> -> memref<1x1x32x128xbf16, #tpu.memory_space<vmem>>
        %dma_start3A_520 = tpu.memref_squeeze %dma_start3A_519 : memref<1x1x32x128xbf16, #tpu.memory_space<vmem>> -> memref<32x128xbf16, #tpu.memory_space<vmem>>
        %dma_start3A_521 = arith.constant 0 : i32
        %dma_start3A_522 = tpu.memref_slice %arg7[%dma_start3A_513, %dma_start3A_514, %dma_start3A_521] : memref<2x10x32xi32, #tpu.memory_space<vmem>> -> memref<1x1x32xi32, #tpu.memory_space<vmem>>
        %dma_start3A_523 = tpu.memref_squeeze %dma_start3A_522 : memref<1x1x32xi32, #tpu.memory_space<vmem>> -> memref<32xi32, #tpu.memory_space<vmem>>
        %dma_start3A_524 = arith.constant 0 : i32
        %dma_start3A_525 = arith.constant 0 : i32
        %dma_start3A_526 = tpu.memref_slice %arg6[%dma_start3A_524, %dma_start3A_525] : memref<10000x128xbf16, #tpu.memory_space<vmem_shared>> -> memref<10000x128xbf16, #tpu.memory_space<vmem_shared>>
        tpu.enqueue_indirect_dma source(%dma_start3A_526 : memref<10000x128xbf16, #tpu.memory_space<vmem_shared>>) target(%dma_start3A_520 : memref<32x128xbf16, #tpu.memory_space<vmem>>) offsets(%dma_start3A_523 : memref<32xi32, #tpu.memory_space<vmem>>) semaphore(%arg16 : memref<!tpu.dma_semaphore, #tpu.memory_space<semaphore_mem>>)
        %dma_start3A_527 = arith.constant 1 : i32
        %dma_start3A_528 = arith.constant 9 : i32
        %dma_start3A_529 = arith.constant 1 : i32
        %dma_start3A_530 = arith.constant 9 : i32
        %dma_start3A_531 = arith.constant 0 : i32
        %dma_start3A_532 = arith.constant 0 : i32
        %dma_start3A_533 = tpu.memref_slice %arg8[%dma_start3A_529, %dma_start3A_530, %dma_start3A_531, %dma_start3A_532] : memref<2x10x32x128xbf16, #tpu.memory_space<vmem>> -> memref<1x1x32x128xbf16, #tpu.memory_space<vmem>>
        %dma_start3A_534 = tpu.memref_squeeze %dma_start3A_533 : memref<1x1x32x128xbf16, #tpu.memory_space<vmem>> -> memref<32x128xbf16, #tpu.memory_space<vmem>>
        %dma_start3A_535 = arith.constant 0 : i32
        %dma_start3A_536 = tpu.memref_slice %arg7[%dma_start3A_527, %dma_start3A_528, %dma_start3A_535] : memref<2x10x32xi32, #tpu.memory_space<vmem>> -> memref<1x1x32xi32, #tpu.memory_space<vmem>>
        %dma_start3A_537 = tpu.memref_squeeze %dma_start3A_536 : memref<1x1x32xi32, #tpu.memory_space<vmem>> -> memref<32xi32, #tpu.memory_space<vmem>>
        %dma_start3A_538 = arith.constant 0 : i32
        %dma_start3A_539 = arith.constant 0 : i32
        %dma_start3A_540 = tpu.memref_slice %arg6[%dma_start3A_538, %dma_start3A_539] : memref<10000x128xbf16, #tpu.memory_space<vmem_shared>> -> memref<10000x128xbf16, #tpu.memory_space<vmem_shared>>
        tpu.enqueue_indirect_dma source(%dma_start3A_540 : memref<10000x128xbf16, #tpu.memory_space<vmem_shared>>) target(%dma_start3A_534 : memref<32x128xbf16, #tpu.memory_space<vmem>>) offsets(%dma_start3A_537 : memref<32xi32, #tpu.memory_space<vmem>>) semaphore(%arg16 : memref<!tpu.dma_semaphore, #tpu.memory_space<semaphore_mem>>)
      } else {
      }
      %lt3A_266 = arith.constant 3125 : i32
      %lt3A_267 = arith.cmpi slt, %add3A_254, %lt3A_266 : i32
      %convert_element_type3A_268 = arith.extui %lt3A_267 : i1 to i32
      %cond3A_269 = arith.constant 0 : i32
      %cond3A_270 = arith.cmpi ne, %convert_element_type3A_268, %cond3A_269 : i32
      scf.if %cond3A_270 {
        %mul3A_382 = arith.constant 32 : i32
        %mul3A_383 = arith.muli %add3A_254, %mul3A_382 : i32
        %dma_wait3A_384 = arith.constant 0 : i32
        %dma_wait3A_385 = arith.constant 0 : i32
        %dma_wait3A_386 = arith.constant 0 : i32
        %dma_wait3A_387 = tpu.memref_slice %arg9[%dma_wait3A_384, %dma_wait3A_385, %dma_wait3A_386] : memref<2x32x128xf32, #tpu.memory_space<vmem>> -> memref<1x32x128xf32, #tpu.memory_space<vmem>>
        %dma_wait3A_388 = tpu.memref_squeeze %dma_wait3A_387 : memref<1x32x128xf32, #tpu.memory_space<vmem>> -> memref<32x128xf32, #tpu.memory_space<vmem>>
        %dma_wait3A_389 = arith.constant 0 : i32
        %dma_wait3A_390 = tpu.memref_slice %arg4[%mul3A_383, %dma_wait3A_389] : memref<100000x128xf32, #tpu.memory_space<hbm>> -> memref<32x128xf32, #tpu.memory_space<hbm>>
        %dma_wait3A_391 = arith.constant 0 : i32
        %dma_wait3A_392 = arith.constant 0 : i32
        %dma_wait3A_393 = tpu.memref_slice %arg9[%dma_wait3A_384, %dma_wait3A_391, %dma_wait3A_392] : memref<2x32x128xf32, #tpu.memory_space<vmem>> -> memref<1x32x128xf32, #tpu.memory_space<vmem>>
        %dma_wait3A_394 = tpu.memref_squeeze %dma_wait3A_393 : memref<1x32x128xf32, #tpu.memory_space<vmem>> -> memref<32x128xf32, #tpu.memory_space<vmem>>
        %dma_wait3A_395 = arith.constant 0 : i32
        %dma_wait3A_396 = tpu.memref_slice %arg4[%mul3A_383, %dma_wait3A_395] : memref<100000x128xf32, #tpu.memory_space<hbm>> -> memref<32x128xf32, #tpu.memory_space<hbm>>
        tpu.wait_dma2 semaphore(%arg13 : memref<!tpu.dma_semaphore, #tpu.memory_space<semaphore_mem>>) src(%dma_wait3A_396 : memref<32x128xf32, #tpu.memory_space<hbm>>) dst(%dma_wait3A_394 : memref<32x128xf32, #tpu.memory_space<vmem>>)
        %dma_wait3A_397 = arith.constant 0 : i32
        %dma_wait3A_398 = arith.constant 0 : i32
        %dma_wait3A_399 = arith.constant 0 : i32
        %dma_wait3A_400 = arith.constant 0 : i32
        %dma_wait3A_401 = arith.constant 0 : i32
        %dma_wait3A_402 = arith.constant 0 : i32
        %dma_wait3A_403 = tpu.memref_slice %arg8[%dma_wait3A_399, %dma_wait3A_400, %dma_wait3A_401, %dma_wait3A_402] : memref<2x10x32x128xbf16, #tpu.memory_space<vmem>> -> memref<1x1x32x128xbf16, #tpu.memory_space<vmem>>
        %dma_wait3A_404 = tpu.memref_squeeze %dma_wait3A_403 : memref<1x1x32x128xbf16, #tpu.memory_space<vmem>> -> memref<32x128xbf16, #tpu.memory_space<vmem>>
        %dma_wait3A_405 = arith.constant 0 : i32
        %dma_wait3A_406 = tpu.memref_slice %arg7[%dma_wait3A_397, %dma_wait3A_398, %dma_wait3A_405] : memref<2x10x32xi32, #tpu.memory_space<vmem>> -> memref<1x1x32xi32, #tpu.memory_space<vmem>>
        %dma_wait3A_407 = tpu.memref_squeeze %dma_wait3A_406 : memref<1x1x32xi32, #tpu.memory_space<vmem>> -> memref<32xi32, #tpu.memory_space<vmem>>
        %dma_wait3A_408 = arith.constant 0 : i32
        %dma_wait3A_409 = arith.constant 0 : i32
        %dma_wait3A_410 = tpu.memref_slice %arg6[%dma_wait3A_408, %dma_wait3A_409] : memref<10000x128xbf16, #tpu.memory_space<vmem_shared>> -> memref<10000x128xbf16, #tpu.memory_space<vmem_shared>>
        tpu.wait_indirect_dma semaphore(%arg15 : memref<!tpu.dma_semaphore, #tpu.memory_space<semaphore_mem>>) src(%dma_wait3A_410 : memref<10000x128xbf16, #tpu.memory_space<vmem_shared>>) dst(%dma_wait3A_404 : memref<32x128xbf16, #tpu.memory_space<vmem>>)
        %dma_wait3A_411 = arith.constant 0 : i32
        %dma_wait3A_412 = arith.constant 1 : i32
        %dma_wait3A_413 = arith.constant 0 : i32
        %dma_wait3A_414 = arith.constant 1 : i32
        %dma_wait3A_415 = arith.constant 0 : i32
        %dma_wait3A_416 = arith.constant 0 : i32
        %dma_wait3A_417 = tpu.memref_slice %arg8[%dma_wait3A_413, %dma_wait3A_414, %dma_wait3A_415, %dma_wait3A_416] : memref<2x10x32x128xbf16, #tpu.memory_space<vmem>> -> memref<1x1x32x128xbf16, #tpu.memory_space<vmem>>
        %dma_wait3A_418 = tpu.memref_squeeze %dma_wait3A_417 : memref<1x1x32x128xbf16, #tpu.memory_space<vmem>> -> memref<32x128xbf16, #tpu.memory_space<vmem>>
        %dma_wait3A_419 = arith.constant 0 : i32
        %dma_wait3A_420 = tpu.memref_slice %arg7[%dma_wait3A_411, %dma_wait3A_412, %dma_wait3A_419] : memref<2x10x32xi32, #tpu.memory_space<vmem>> -> memref<1x1x32xi32, #tpu.memory_space<vmem>>
        %dma_wait3A_421 = tpu.memref_squeeze %dma_wait3A_420 : memref<1x1x32xi32, #tpu.memory_space<vmem>> -> memref<32xi32, #tpu.memory_space<vmem>>
        %dma_wait3A_422 = arith.constant 0 : i32
        %dma_wait3A_423 = arith.constant 0 : i32
        %dma_wait3A_424 = tpu.memref_slice %arg6[%dma_wait3A_422, %dma_wait3A_423] : memref<10000x128xbf16, #tpu.memory_space<vmem_shared>> -> memref<10000x128xbf16, #tpu.memory_space<vmem_shared>>
        tpu.wait_indirect_dma semaphore(%arg15 : memref<!tpu.dma_semaphore, #tpu.memory_space<semaphore_mem>>) src(%dma_wait3A_424 : memref<10000x128xbf16, #tpu.memory_space<vmem_shared>>) dst(%dma_wait3A_418 : memref<32x128xbf16, #tpu.memory_space<vmem>>)
        %dma_wait3A_425 = arith.constant 0 : i32
        %dma_wait3A_426 = arith.constant 2 : i32
        %dma_wait3A_427 = arith.constant 0 : i32
        %dma_wait3A_428 = arith.constant 2 : i32
        %dma_wait3A_429 = arith.constant 0 : i32
        %dma_wait3A_430 = arith.constant 0 : i32
        %dma_wait3A_431 = tpu.memref_slice %arg8[%dma_wait3A_427, %dma_wait3A_428, %dma_wait3A_429, %dma_wait3A_430] : memref<2x10x32x128xbf16, #tpu.memory_space<vmem>> -> memref<1x1x32x128xbf16, #tpu.memory_space<vmem>>
        %dma_wait3A_432 = tpu.memref_squeeze %dma_wait3A_431 : memref<1x1x32x128xbf16, #tpu.memory_space<vmem>> -> memref<32x128xbf16, #tpu.memory_space<vmem>>
        %dma_wait3A_433 = arith.constant 0 : i32
        %dma_wait3A_434 = tpu.memref_slice %arg7[%dma_wait3A_425, %dma_wait3A_426, %dma_wait3A_433] : memref<2x10x32xi32, #tpu.memory_space<vmem>> -> memref<1x1x32xi32, #tpu.memory_space<vmem>>
        %dma_wait3A_435 = tpu.memref_squeeze %dma_wait3A_434 : memref<1x1x32xi32, #tpu.memory_space<vmem>> -> memref<32xi32, #tpu.memory_space<vmem>>
        %dma_wait3A_436 = arith.constant 0 : i32
        %dma_wait3A_437 = arith.constant 0 : i32
        %dma_wait3A_438 = tpu.memref_slice %arg6[%dma_wait3A_436, %dma_wait3A_437] : memref<10000x128xbf16, #tpu.memory_space<vmem_shared>> -> memref<10000x128xbf16, #tpu.memory_space<vmem_shared>>
        tpu.wait_indirect_dma semaphore(%arg15 : memref<!tpu.dma_semaphore, #tpu.memory_space<semaphore_mem>>) src(%dma_wait3A_438 : memref<10000x128xbf16, #tpu.memory_space<vmem_shared>>) dst(%dma_wait3A_432 : memref<32x128xbf16, #tpu.memory_space<vmem>>)
        %dma_wait3A_439 = arith.constant 0 : i32
        %dma_wait3A_440 = arith.constant 3 : i32
        %dma_wait3A_441 = arith.constant 0 : i32
        %dma_wait3A_442 = arith.constant 3 : i32
        %dma_wait3A_443 = arith.constant 0 : i32
        %dma_wait3A_444 = arith.constant 0 : i32
        %dma_wait3A_445 = tpu.memref_slice %arg8[%dma_wait3A_441, %dma_wait3A_442, %dma_wait3A_443, %dma_wait3A_444] : memref<2x10x32x128xbf16, #tpu.memory_space<vmem>> -> memref<1x1x32x128xbf16, #tpu.memory_space<vmem>>
        %dma_wait3A_446 = tpu.memref_squeeze %dma_wait3A_445 : memref<1x1x32x128xbf16, #tpu.memory_space<vmem>> -> memref<32x128xbf16, #tpu.memory_space<vmem>>
        %dma_wait3A_447 = arith.constant 0 : i32
        %dma_wait3A_448 = tpu.memref_slice %arg7[%dma_wait3A_439, %dma_wait3A_440, %dma_wait3A_447] : memref<2x10x32xi32, #tpu.memory_space<vmem>> -> memref<1x1x32xi32, #tpu.memory_space<vmem>>
        %dma_wait3A_449 = tpu.memref_squeeze %dma_wait3A_448 : memref<1x1x32xi32, #tpu.memory_space<vmem>> -> memref<32xi32, #tpu.memory_space<vmem>>
        %dma_wait3A_450 = arith.constant 0 : i32
        %dma_wait3A_451 = arith.constant 0 : i32
        %dma_wait3A_452 = tpu.memref_slice %arg6[%dma_wait3A_450, %dma_wait3A_451] : memref<10000x128xbf16, #tpu.memory_space<vmem_shared>> -> memref<10000x128xbf16, #tpu.memory_space<vmem_shared>>
        tpu.wait_indirect_dma semaphore(%arg15 : memref<!tpu.dma_semaphore, #tpu.memory_space<semaphore_mem>>) src(%dma_wait3A_452 : memref<10000x128xbf16, #tpu.memory_space<vmem_shared>>) dst(%dma_wait3A_446 : memref<32x128xbf16, #tpu.memory_space<vmem>>)
        %dma_wait3A_453 = arith.constant 0 : i32
        %dma_wait3A_454 = arith.constant 4 : i32
        %dma_wait3A_455 = arith.constant 0 : i32
        %dma_wait3A_456 = arith.constant 4 : i32
        %dma_wait3A_457 = arith.constant 0 : i32
        %dma_wait3A_458 = arith.constant 0 : i32
        %dma_wait3A_459 = tpu.memref_slice %arg8[%dma_wait3A_455, %dma_wait3A_456, %dma_wait3A_457, %dma_wait3A_458] : memref<2x10x32x128xbf16, #tpu.memory_space<vmem>> -> memref<1x1x32x128xbf16, #tpu.memory_space<vmem>>
        %dma_wait3A_460 = tpu.memref_squeeze %dma_wait3A_459 : memref<1x1x32x128xbf16, #tpu.memory_space<vmem>> -> memref<32x128xbf16, #tpu.memory_space<vmem>>
        %dma_wait3A_461 = arith.constant 0 : i32
        %dma_wait3A_462 = tpu.memref_slice %arg7[%dma_wait3A_453, %dma_wait3A_454, %dma_wait3A_461] : memref<2x10x32xi32, #tpu.memory_space<vmem>> -> memref<1x1x32xi32, #tpu.memory_space<vmem>>
        %dma_wait3A_463 = tpu.memref_squeeze %dma_wait3A_462 : memref<1x1x32xi32, #tpu.memory_space<vmem>> -> memref<32xi32, #tpu.memory_space<vmem>>
        %dma_wait3A_464 = arith.constant 0 : i32
        %dma_wait3A_465 = arith.constant 0 : i32
        %dma_wait3A_466 = tpu.memref_slice %arg6[%dma_wait3A_464, %dma_wait3A_465] : memref<10000x128xbf16, #tpu.memory_space<vmem_shared>> -> memref<10000x128xbf16, #tpu.memory_space<vmem_shared>>
        tpu.wait_indirect_dma semaphore(%arg15 : memref<!tpu.dma_semaphore, #tpu.memory_space<semaphore_mem>>) src(%dma_wait3A_466 : memref<10000x128xbf16, #tpu.memory_space<vmem_shared>>) dst(%dma_wait3A_460 : memref<32x128xbf16, #tpu.memory_space<vmem>>)
        %dma_wait3A_467 = arith.constant 0 : i32
        %dma_wait3A_468 = arith.constant 5 : i32
        %dma_wait3A_469 = arith.constant 0 : i32
        %dma_wait3A_470 = arith.constant 5 : i32
        %dma_wait3A_471 = arith.constant 0 : i32
        %dma_wait3A_472 = arith.constant 0 : i32
        %dma_wait3A_473 = tpu.memref_slice %arg8[%dma_wait3A_469, %dma_wait3A_470, %dma_wait3A_471, %dma_wait3A_472] : memref<2x10x32x128xbf16, #tpu.memory_space<vmem>> -> memref<1x1x32x128xbf16, #tpu.memory_space<vmem>>
        %dma_wait3A_474 = tpu.memref_squeeze %dma_wait3A_473 : memref<1x1x32x128xbf16, #tpu.memory_space<vmem>> -> memref<32x128xbf16, #tpu.memory_space<vmem>>
        %dma_wait3A_475 = arith.constant 0 : i32
        %dma_wait3A_476 = tpu.memref_slice %arg7[%dma_wait3A_467, %dma_wait3A_468, %dma_wait3A_475] : memref<2x10x32xi32, #tpu.memory_space<vmem>> -> memref<1x1x32xi32, #tpu.memory_space<vmem>>
        %dma_wait3A_477 = tpu.memref_squeeze %dma_wait3A_476 : memref<1x1x32xi32, #tpu.memory_space<vmem>> -> memref<32xi32, #tpu.memory_space<vmem>>
        %dma_wait3A_478 = arith.constant 0 : i32
        %dma_wait3A_479 = arith.constant 0 : i32
        %dma_wait3A_480 = tpu.memref_slice %arg6[%dma_wait3A_478, %dma_wait3A_479] : memref<10000x128xbf16, #tpu.memory_space<vmem_shared>> -> memref<10000x128xbf16, #tpu.memory_space<vmem_shared>>
        tpu.wait_indirect_dma semaphore(%arg15 : memref<!tpu.dma_semaphore, #tpu.memory_space<semaphore_mem>>) src(%dma_wait3A_480 : memref<10000x128xbf16, #tpu.memory_space<vmem_shared>>) dst(%dma_wait3A_474 : memref<32x128xbf16, #tpu.memory_space<vmem>>)
        %dma_wait3A_481 = arith.constant 0 : i32
        %dma_wait3A_482 = arith.constant 6 : i32
        %dma_wait3A_483 = arith.constant 0 : i32
        %dma_wait3A_484 = arith.constant 6 : i32
        %dma_wait3A_485 = arith.constant 0 : i32
        %dma_wait3A_486 = arith.constant 0 : i32
        %dma_wait3A_487 = tpu.memref_slice %arg8[%dma_wait3A_483, %dma_wait3A_484, %dma_wait3A_485, %dma_wait3A_486] : memref<2x10x32x128xbf16, #tpu.memory_space<vmem>> -> memref<1x1x32x128xbf16, #tpu.memory_space<vmem>>
        %dma_wait3A_488 = tpu.memref_squeeze %dma_wait3A_487 : memref<1x1x32x128xbf16, #tpu.memory_space<vmem>> -> memref<32x128xbf16, #tpu.memory_space<vmem>>
        %dma_wait3A_489 = arith.constant 0 : i32
        %dma_wait3A_490 = tpu.memref_slice %arg7[%dma_wait3A_481, %dma_wait3A_482, %dma_wait3A_489] : memref<2x10x32xi32, #tpu.memory_space<vmem>> -> memref<1x1x32xi32, #tpu.memory_space<vmem>>
        %dma_wait3A_491 = tpu.memref_squeeze %dma_wait3A_490 : memref<1x1x32xi32, #tpu.memory_space<vmem>> -> memref<32xi32, #tpu.memory_space<vmem>>
        %dma_wait3A_492 = arith.constant 0 : i32
        %dma_wait3A_493 = arith.constant 0 : i32
        %dma_wait3A_494 = tpu.memref_slice %arg6[%dma_wait3A_492, %dma_wait3A_493] : memref<10000x128xbf16, #tpu.memory_space<vmem_shared>> -> memref<10000x128xbf16, #tpu.memory_space<vmem_shared>>
        tpu.wait_indirect_dma semaphore(%arg15 : memref<!tpu.dma_semaphore, #tpu.memory_space<semaphore_mem>>) src(%dma_wait3A_494 : memref<10000x128xbf16, #tpu.memory_space<vmem_shared>>) dst(%dma_wait3A_488 : memref<32x128xbf16, #tpu.memory_space<vmem>>)
        %dma_wait3A_495 = arith.constant 0 : i32
        %dma_wait3A_496 = arith.constant 7 : i32
        %dma_wait3A_497 = arith.constant 0 : i32
        %dma_wait3A_498 = arith.constant 7 : i32
        %dma_wait3A_499 = arith.constant 0 : i32
        %dma_wait3A_500 = arith.constant 0 : i32
        %dma_wait3A_501 = tpu.memref_slice %arg8[%dma_wait3A_497, %dma_wait3A_498, %dma_wait3A_499, %dma_wait3A_500] : memref<2x10x32x128xbf16, #tpu.memory_space<vmem>> -> memref<1x1x32x128xbf16, #tpu.memory_space<vmem>>
        %dma_wait3A_502 = tpu.memref_squeeze %dma_wait3A_501 : memref<1x1x32x128xbf16, #tpu.memory_space<vmem>> -> memref<32x128xbf16, #tpu.memory_space<vmem>>
        %dma_wait3A_503 = arith.constant 0 : i32
        %dma_wait3A_504 = tpu.memref_slice %arg7[%dma_wait3A_495, %dma_wait3A_496, %dma_wait3A_503] : memref<2x10x32xi32, #tpu.memory_space<vmem>> -> memref<1x1x32xi32, #tpu.memory_space<vmem>>
        %dma_wait3A_505 = tpu.memref_squeeze %dma_wait3A_504 : memref<1x1x32xi32, #tpu.memory_space<vmem>> -> memref<32xi32, #tpu.memory_space<vmem>>
        %dma_wait3A_506 = arith.constant 0 : i32
        %dma_wait3A_507 = arith.constant 0 : i32
        %dma_wait3A_508 = tpu.memref_slice %arg6[%dma_wait3A_506, %dma_wait3A_507] : memref<10000x128xbf16, #tpu.memory_space<vmem_shared>> -> memref<10000x128xbf16, #tpu.memory_space<vmem_shared>>
        tpu.wait_indirect_dma semaphore(%arg15 : memref<!tpu.dma_semaphore, #tpu.memory_space<semaphore_mem>>) src(%dma_wait3A_508 : memref<10000x128xbf16, #tpu.memory_space<vmem_shared>>) dst(%dma_wait3A_502 : memref<32x128xbf16, #tpu.memory_space<vmem>>)
        %dma_wait3A_509 = arith.constant 0 : i32
        %dma_wait3A_510 = arith.constant 8 : i32
        %dma_wait3A_511 = arith.constant 0 : i32
        %dma_wait3A_512 = arith.constant 8 : i32
        %dma_wait3A_513 = arith.constant 0 : i32
        %dma_wait3A_514 = arith.constant 0 : i32
        %dma_wait3A_515 = tpu.memref_slice %arg8[%dma_wait3A_511, %dma_wait3A_512, %dma_wait3A_513, %dma_wait3A_514] : memref<2x10x32x128xbf16, #tpu.memory_space<vmem>> -> memref<1x1x32x128xbf16, #tpu.memory_space<vmem>>
        %dma_wait3A_516 = tpu.memref_squeeze %dma_wait3A_515 : memref<1x1x32x128xbf16, #tpu.memory_space<vmem>> -> memref<32x128xbf16, #tpu.memory_space<vmem>>
        %dma_wait3A_517 = arith.constant 0 : i32
        %dma_wait3A_518 = tpu.memref_slice %arg7[%dma_wait3A_509, %dma_wait3A_510, %dma_wait3A_517] : memref<2x10x32xi32, #tpu.memory_space<vmem>> -> memref<1x1x32xi32, #tpu.memory_space<vmem>>
        %dma_wait3A_519 = tpu.memref_squeeze %dma_wait3A_518 : memref<1x1x32xi32, #tpu.memory_space<vmem>> -> memref<32xi32, #tpu.memory_space<vmem>>
        %dma_wait3A_520 = arith.constant 0 : i32
        %dma_wait3A_521 = arith.constant 0 : i32
        %dma_wait3A_522 = tpu.memref_slice %arg6[%dma_wait3A_520, %dma_wait3A_521] : memref<10000x128xbf16, #tpu.memory_space<vmem_shared>> -> memref<10000x128xbf16, #tpu.memory_space<vmem_shared>>
        tpu.wait_indirect_dma semaphore(%arg15 : memref<!tpu.dma_semaphore, #tpu.memory_space<semaphore_mem>>) src(%dma_wait3A_522 : memref<10000x128xbf16, #tpu.memory_space<vmem_shared>>) dst(%dma_wait3A_516 : memref<32x128xbf16, #tpu.memory_space<vmem>>)
        %dma_wait3A_523 = arith.constant 0 : i32
        %dma_wait3A_524 = arith.constant 9 : i32
        %dma_wait3A_525 = arith.constant 0 : i32
        %dma_wait3A_526 = arith.constant 9 : i32
        %dma_wait3A_527 = arith.constant 0 : i32
        %dma_wait3A_528 = arith.constant 0 : i32
        %dma_wait3A_529 = tpu.memref_slice %arg8[%dma_wait3A_525, %dma_wait3A_526, %dma_wait3A_527, %dma_wait3A_528] : memref<2x10x32x128xbf16, #tpu.memory_space<vmem>> -> memref<1x1x32x128xbf16, #tpu.memory_space<vmem>>
        %dma_wait3A_530 = tpu.memref_squeeze %dma_wait3A_529 : memref<1x1x32x128xbf16, #tpu.memory_space<vmem>> -> memref<32x128xbf16, #tpu.memory_space<vmem>>
        %dma_wait3A_531 = arith.constant 0 : i32
        %dma_wait3A_532 = tpu.memref_slice %arg7[%dma_wait3A_523, %dma_wait3A_524, %dma_wait3A_531] : memref<2x10x32xi32, #tpu.memory_space<vmem>> -> memref<1x1x32xi32, #tpu.memory_space<vmem>>
        %dma_wait3A_533 = tpu.memref_squeeze %dma_wait3A_532 : memref<1x1x32xi32, #tpu.memory_space<vmem>> -> memref<32xi32, #tpu.memory_space<vmem>>
        %dma_wait3A_534 = arith.constant 0 : i32
        %dma_wait3A_535 = arith.constant 0 : i32
        %dma_wait3A_536 = tpu.memref_slice %arg6[%dma_wait3A_534, %dma_wait3A_535] : memref<10000x128xbf16, #tpu.memory_space<vmem_shared>> -> memref<10000x128xbf16, #tpu.memory_space<vmem_shared>>
        tpu.wait_indirect_dma semaphore(%arg15 : memref<!tpu.dma_semaphore, #tpu.memory_space<semaphore_mem>>) src(%dma_wait3A_536 : memref<10000x128xbf16, #tpu.memory_space<vmem_shared>>) dst(%dma_wait3A_530 : memref<32x128xbf16, #tpu.memory_space<vmem>>)
      } else {
      }
      %add3A_271 = arith.constant 2 : i32
      %add3A_272 = arith.addi %add3A_253, %add3A_271 : i32
      %lt3A_273 = arith.constant 98 : i32
      %lt3A_274 = arith.cmpi slt, %add3A_272, %lt3A_273 : i32
      %add3A_275 = arith.constant 2 : i32
      %add3A_276 = arith.addi %add3A_254, %add3A_275 : i32
      %lt3A_277 = arith.constant 3125 : i32
      %lt3A_278 = arith.cmpi slt, %add3A_276, %lt3A_277 : i32
      %and3A_279 = arith.andi %lt3A_274, %lt3A_278 : i1
      %convert_element_type3A_280 = arith.extui %and3A_279 : i1 to i32
      %cond3A_281 = arith.constant 0 : i32
      %cond3A_282 = arith.cmpi ne, %convert_element_type3A_280, %cond3A_281 : i32
      scf.if %cond3A_282 {
        %add3A_382 = arith.constant 2 : i32
        %add3A_383 = arith.addi %add3A_254, %add3A_382 : i32
        %dma_start3A_384 = arith.constant 0 : i32
        %dma_start3A_385 = arith.constant 0 : i32
        %dma_start3A_386 = arith.constant 0 : i32
        %dma_start3A_387 = tpu.memref_slice %arg7[%dma_start3A_384, %dma_start3A_385, %dma_start3A_386] : memref<2x10x32xi32, #tpu.memory_space<vmem>> -> memref<1x10x32xi32, #tpu.memory_space<vmem>>
        %dma_start3A_388 = tpu.memref_squeeze %dma_start3A_387 : memref<1x10x32xi32, #tpu.memory_space<vmem>> -> memref<10x32xi32, #tpu.memory_space<vmem>>
        %dma_start3A_389 = arith.constant 0 : i32
        %dma_start3A_390 = arith.constant 0 : i32
        %dma_start3A_391 = tpu.memref_slice %arg3[%add3A_383, %dma_start3A_389, %dma_start3A_390] : memref<3125x10x32xi32, #tpu.memory_space<hbm>> -> memref<1x10x32xi32, #tpu.memory_space<hbm>>
        %dma_start3A_392 = tpu.memref_squeeze %dma_start3A_391 : memref<1x10x32xi32, #tpu.memory_space<hbm>> -> memref<10x32xi32, #tpu.memory_space<hbm>>
        %dma_start3A_393 = arith.constant 0 : i32
        %dma_start3A_394 = arith.constant 0 : i32
        %dma_start3A_395 = tpu.memref_slice %arg7[%dma_start3A_384, %dma_start3A_393, %dma_start3A_394] : memref<2x10x32xi32, #tpu.memory_space<vmem>> -> memref<1x10x32xi32, #tpu.memory_space<vmem>>
        %dma_start3A_396 = tpu.memref_squeeze %dma_start3A_395 : memref<1x10x32xi32, #tpu.memory_space<vmem>> -> memref<10x32xi32, #tpu.memory_space<vmem>>
        %dma_start3A_397 = arith.constant 0 : i32
        %dma_start3A_398 = arith.constant 0 : i32
        %dma_start3A_399 = tpu.memref_slice %arg3[%add3A_383, %dma_start3A_397, %dma_start3A_398] : memref<3125x10x32xi32, #tpu.memory_space<hbm>> -> memref<1x10x32xi32, #tpu.memory_space<hbm>>
        %dma_start3A_400 = tpu.memref_squeeze %dma_start3A_399 : memref<1x10x32xi32, #tpu.memory_space<hbm>> -> memref<10x32xi32, #tpu.memory_space<hbm>>
        tpu.enqueue_dma source(%dma_start3A_400 : memref<10x32xi32, #tpu.memory_space<hbm>>) target(%dma_start3A_396 : memref<10x32xi32, #tpu.memory_space<vmem>>) target_semaphore(%arg11 : memref<!tpu.dma_semaphore, #tpu.memory_space<semaphore_mem>>)
      } else {
      }
      %ge3A = arith.constant 2 : i32
      %ge3A_283 = arith.cmpi sge, %add3A_253, %ge3A : i32
      %sub3A_284 = arith.constant 2 : i32
      %sub3A_285 = arith.subi %add3A_254, %sub3A_284 : i32
      %lt3A_286 = arith.constant 3125 : i32
      %lt3A_287 = arith.cmpi slt, %sub3A_285, %lt3A_286 : i32
      %and3A_288 = arith.andi %ge3A_283, %lt3A_287 : i1
      %convert_element_type3A_289 = arith.extui %and3A_288 : i1 to i32
      %cond3A_290 = arith.constant 0 : i32
      %cond3A_291 = arith.cmpi ne, %convert_element_type3A_289, %cond3A_290 : i32
      scf.if %cond3A_291 {
        %sub3A_382 = arith.constant 2 : i32
        %sub3A_383 = arith.subi %add3A_254, %sub3A_382 : i32
        %mul3A_384 = arith.constant 32 : i32
        %mul3A_385 = arith.muli %sub3A_383, %mul3A_384 : i32
        %dma_wait3A_386 = arith.constant 0 : i32
        %dma_wait3A_387 = arith.constant 0 : i32
        %dma_wait3A_388 = arith.constant 0 : i32
        %dma_wait3A_389 = tpu.memref_slice %arg10[%dma_wait3A_386, %dma_wait3A_387, %dma_wait3A_388] : memref<2x32x128xf32, #tpu.memory_space<vmem>> -> memref<1x32x128xf32, #tpu.memory_space<vmem>>
        %dma_wait3A_390 = tpu.memref_squeeze %dma_wait3A_389 : memref<1x32x128xf32, #tpu.memory_space<vmem>> -> memref<32x128xf32, #tpu.memory_space<vmem>>
        %dma_wait3A_391 = arith.constant 0 : i32
        %dma_wait3A_392 = tpu.memref_slice %arg5[%mul3A_385, %dma_wait3A_391] : memref<100000x128xf32, #tpu.memory_space<hbm>> -> memref<32x128xf32, #tpu.memory_space<hbm>>
        %dma_wait3A_393 = arith.constant 0 : i32
        %dma_wait3A_394 = tpu.memref_slice %arg5[%mul3A_385, %dma_wait3A_393] : memref<100000x128xf32, #tpu.memory_space<hbm>> -> memref<32x128xf32, #tpu.memory_space<hbm>>
        %dma_wait3A_395 = arith.constant 0 : i32
        %dma_wait3A_396 = arith.constant 0 : i32
        %dma_wait3A_397 = tpu.memref_slice %arg10[%dma_wait3A_386, %dma_wait3A_395, %dma_wait3A_396] : memref<2x32x128xf32, #tpu.memory_space<vmem>> -> memref<1x32x128xf32, #tpu.memory_space<vmem>>
        %dma_wait3A_398 = tpu.memref_squeeze %dma_wait3A_397 : memref<1x32x128xf32, #tpu.memory_space<vmem>> -> memref<32x128xf32, #tpu.memory_space<vmem>>
        tpu.wait_dma2 semaphore(%arg17 : memref<!tpu.dma_semaphore, #tpu.memory_space<semaphore_mem>>) src(%dma_wait3A_398 : memref<32x128xf32, #tpu.memory_space<vmem>>) dst(%dma_wait3A_394 : memref<32x128xf32, #tpu.memory_space<hbm>>)
      } else {
      }
      %scan3A_292 = arith.constant 0 : i32
      %scan3A_293 = arith.constant 0 : i32
      %scan3A_294 = arith.constant 32 : i32
      %scan3A_295 = arith.addi %scan3A_293, %scan3A_294 : i32
      %scan3A_296 = arith.constant 1 : i32
      scf.for %scan3A_382 = %scan3A_293 to %scan3A_295 step %scan3A_296  : i32 {
        %get3A = arith.constant 0 : i32
        %get3A_383 = arith.index_cast %get3A : i32 to index
        %get3A_384 = arith.index_cast %scan3A_382 : i32 to index
        %get3A_385 = arith.constant 0 : index
        %get3A_386 = tpu.vector_load %arg9[%get3A_383, %get3A_384, %get3A_385] {strides = array<i32>} : memref<2x32x128xf32, #tpu.memory_space<vmem>>, vector<16xf32>,
        %get3A_387 = arith.constant 0 : i32
        %get3A_388 = arith.index_cast %get3A_387 : i32 to index
        %get3A_389 = arith.index_cast %scan3A_382 : i32 to index
        %get3A_390 = arith.constant 16 : index
        %get3A_391 = tpu.vector_load %arg9[%get3A_388, %get3A_389, %get3A_390] {strides = array<i32>} : memref<2x32x128xf32, #tpu.memory_space<vmem>>, vector<16xf32>,
        %get3A_392 = arith.constant 0 : i32
        %get3A_393 = arith.index_cast %get3A_392 : i32 to index
        %get3A_394 = arith.index_cast %scan3A_382 : i32 to index
        %get3A_395 = arith.constant 32 : index
        %get3A_396 = tpu.vector_load %arg9[%get3A_393, %get3A_394, %get3A_395] {strides = array<i32>} : memref<2x32x128xf32, #tpu.memory_space<vmem>>, vector<16xf32>,
        %get3A_397 = arith.constant 0 : i32
        %get3A_398 = arith.index_cast %get3A_397 : i32 to index
        %get3A_399 = arith.index_cast %scan3A_382 : i32 to index
        %get3A_400 = arith.constant 48 : index
        %get3A_401 = tpu.vector_load %arg9[%get3A_398, %get3A_399, %get3A_400] {strides = array<i32>} : memref<2x32x128xf32, #tpu.memory_space<vmem>>, vector<16xf32>,
        %get3A_402 = arith.constant 0 : i32
        %get3A_403 = arith.index_cast %get3A_402 : i32 to index
        %get3A_404 = arith.index_cast %scan3A_382 : i32 to index
        %get3A_405 = arith.constant 64 : index
        %get3A_406 = tpu.vector_load %arg9[%get3A_403, %get3A_404, %get3A_405] {strides = array<i32>} : memref<2x32x128xf32, #tpu.memory_space<vmem>>, vector<16xf32>,
        %get3A_407 = arith.constant 0 : i32
        %get3A_408 = arith.index_cast %get3A_407 : i32 to index
        %get3A_409 = arith.index_cast %scan3A_382 : i32 to index
        %get3A_410 = arith.constant 80 : index
        %get3A_411 = tpu.vector_load %arg9[%get3A_408, %get3A_409, %get3A_410] {strides = array<i32>} : memref<2x32x128xf32, #tpu.memory_space<vmem>>, vector<16xf32>,
        %get3A_412 = arith.constant 0 : i32
        %get3A_413 = arith.index_cast %get3A_412 : i32 to index
        %get3A_414 = arith.index_cast %scan3A_382 : i32 to index
        %get3A_415 = arith.constant 96 : index
        %get3A_416 = tpu.vector_load %arg9[%get3A_413, %get3A_414, %get3A_415] {strides = array<i32>} : memref<2x32x128xf32, #tpu.memory_space<vmem>>, vector<16xf32>,
        %get3A_417 = arith.constant 0 : i32
        %get3A_418 = arith.index_cast %get3A_417 : i32 to index
        %get3A_419 = arith.index_cast %scan3A_382 : i32 to index
        %get3A_420 = arith.constant 112 : index
        %get3A_421 = tpu.vector_load %arg9[%get3A_418, %get3A_419, %get3A_420] {strides = array<i32>} : memref<2x32x128xf32, #tpu.memory_space<vmem>>, vector<16xf32>,
        %get3A_422 = arith.constant 0 : i32
        %get3A_423 = arith.constant 0 : i32
        %get3A_424 = arith.index_cast %get3A_422 : i32 to index
        %get3A_425 = arith.index_cast %get3A_423 : i32 to index
        %get3A_426 = arith.index_cast %scan3A_382 : i32 to index
        %get3A_427 = arith.constant 0 : index
        %get3A_428 = tpu.vector_load %arg8[%get3A_424, %get3A_425, %get3A_426, %get3A_427] {strides = array<i32>} : memref<2x10x32x128xbf16, #tpu.memory_space<vmem>>, vector<32xbf16>,
        %bitcast3A = vector.bitcast %get3A_428 : vector<32xbf16> to vector<16xi32>
        %shift_left3A = arith.constant 16 : i32
        %shift_left3A_429 = vector.broadcast %shift_left3A : i32 to vector<16xi32>
        %shift_left3A_430 = arith.shli %bitcast3A, %shift_left3A_429 : vector<16xi32>
        %bitcast3A_431 = vector.bitcast %shift_left3A_430 : vector<16xi32> to vector<16xf32>
        %add3A_432 = arith.addf %get3A_386, %bitcast3A_431 : vector<16xf32>
        %and3A_433 = arith.constant -65536 : i32
        %and3A_434 = vector.broadcast %and3A_433 : i32 to vector<16xi32>
        %and3A_435 = arith.andi %bitcast3A, %and3A_434 : vector<16xi32>
        %bitcast3A_436 = vector.bitcast %and3A_435 : vector<16xi32> to vector<16xf32>
        %add3A_437 = arith.addf %get3A_406, %bitcast3A_436 : vector<16xf32>
        %get3A_438 = arith.constant 0 : i32
        %get3A_439 = arith.constant 0 : i32
        %get3A_440 = arith.index_cast %get3A_438 : i32 to index
        %get3A_441 = arith.index_cast %get3A_439 : i32 to index
        %get3A_442 = arith.index_cast %scan3A_382 : i32 to index
        %get3A_443 = arith.constant 32 : index
        %get3A_444 = tpu.vector_load %arg8[%get3A_440, %get3A_441, %get3A_442, %get3A_443] {strides = array<i32>} : memref<2x10x32x128xbf16, #tpu.memory_space<vmem>>, vector<32xbf16>,
        %bitcast3A_445 = vector.bitcast %get3A_444 : vector<32xbf16> to vector<16xi32>
        %shift_left3A_446 = arith.constant 16 : i32
        %shift_left3A_447 = vector.broadcast %shift_left3A_446 : i32 to vector<16xi32>
        %shift_left3A_448 = arith.shli %bitcast3A_445, %shift_left3A_447 : vector<16xi32>
        %bitcast3A_449 = vector.bitcast %shift_left3A_448 : vector<16xi32> to vector<16xf32>
        %add3A_450 = arith.addf %get3A_391, %bitcast3A_449 : vector<16xf32>
        %and3A_451 = arith.constant -65536 : i32
        %and3A_452 = vector.broadcast %and3A_451 : i32 to vector<16xi32>
        %and3A_453 = arith.andi %bitcast3A_445, %and3A_452 : vector<16xi32>
        %bitcast3A_454 = vector.bitcast %and3A_453 : vector<16xi32> to vector<16xf32>
        %add3A_455 = arith.addf %get3A_411, %bitcast3A_454 : vector<16xf32>
        %get3A_456 = arith.constant 0 : i32
        %get3A_457 = arith.constant 0 : i32
        %get3A_458 = arith.index_cast %get3A_456 : i32 to index
        %get3A_459 = arith.index_cast %get3A_457 : i32 to index
        %get3A_460 = arith.index_cast %scan3A_382 : i32 to index
        %get3A_461 = arith.constant 64 : index
        %get3A_462 = tpu.vector_load %arg8[%get3A_458, %get3A_459, %get3A_460, %get3A_461] {strides = array<i32>} : memref<2x10x32x128xbf16, #tpu.memory_space<vmem>>, vector<32xbf16>,
        %bitcast3A_463 = vector.bitcast %get3A_462 : vector<32xbf16> to vector<16xi32>
        %shift_left3A_464 = arith.constant 16 : i32
        %shift_left3A_465 = vector.broadcast %shift_left3A_464 : i32 to vector<16xi32>
        %shift_left3A_466 = arith.shli %bitcast3A_463, %shift_left3A_465 : vector<16xi32>
        %bitcast3A_467 = vector.bitcast %shift_left3A_466 : vector<16xi32> to vector<16xf32>
        %add3A_468 = arith.addf %get3A_396, %bitcast3A_467 : vector<16xf32>
        %and3A_469 = arith.constant -65536 : i32
        %and3A_470 = vector.broadcast %and3A_469 : i32 to vector<16xi32>
        %and3A_471 = arith.andi %bitcast3A_463, %and3A_470 : vector<16xi32>
        %bitcast3A_472 = vector.bitcast %and3A_471 : vector<16xi32> to vector<16xf32>
        %add3A_473 = arith.addf %get3A_416, %bitcast3A_472 : vector<16xf32>
        %get3A_474 = arith.constant 0 : i32
        %get3A_475 = arith.constant 0 : i32
        %get3A_476 = arith.index_cast %get3A_474 : i32 to index
        %get3A_477 = arith.index_cast %get3A_475 : i32 to index
        %get3A_478 = arith.index_cast %scan3A_382 : i32 to index
        %get3A_479 = arith.constant 96 : index
        %get3A_480 = tpu.vector_load %arg8[%get3A_476, %get3A_477, %get3A_478, %get3A_479] {strides = array<i32>} : memref<2x10x32x128xbf16, #tpu.memory_space<vmem>>, vector<32xbf16>,
        %bitcast3A_481 = vector.bitcast %get3A_480 : vector<32xbf16> to vector<16xi32>
        %shift_left3A_482 = arith.constant 16 : i32
        %shift_left3A_483 = vector.broadcast %shift_left3A_482 : i32 to vector<16xi32>
        %shift_left3A_484 = arith.shli %bitcast3A_481, %shift_left3A_483 : vector<16xi32>
        %bitcast3A_485 = vector.bitcast %shift_left3A_484 : vector<16xi32> to vector<16xf32>
        %add3A_486 = arith.addf %get3A_401, %bitcast3A_485 : vector<16xf32>
        %and3A_487 = arith.constant -65536 : i32
        %and3A_488 = vector.broadcast %and3A_487 : i32 to vector<16xi32>
        %and3A_489 = arith.andi %bitcast3A_481, %and3A_488 : vector<16xi32>
        %bitcast3A_490 = vector.bitcast %and3A_489 : vector<16xi32> to vector<16xf32>
        %add3A_491 = arith.addf %get3A_421, %bitcast3A_490 : vector<16xf32>
        %get3A_492 = arith.constant 0 : i32
        %get3A_493 = arith.constant 1 : i32
        %get3A_494 = arith.index_cast %get3A_492 : i32 to index
        %get3A_495 = arith.index_cast %get3A_493 : i32 to index
        %get3A_496 = arith.index_cast %scan3A_382 : i32 to index
        %get3A_497 = arith.constant 0 : index
        %get3A_498 = tpu.vector_load %arg8[%get3A_494, %get3A_495, %get3A_496, %get3A_497] {strides = array<i32>} : memref<2x10x32x128xbf16, #tpu.memory_space<vmem>>, vector<32xbf16>,
        %bitcast3A_499 = vector.bitcast %get3A_498 : vector<32xbf16> to vector<16xi32>
        %shift_left3A_500 = arith.constant 16 : i32
        %shift_left3A_501 = vector.broadcast %shift_left3A_500 : i32 to vector<16xi32>
        %shift_left3A_502 = arith.shli %bitcast3A_499, %shift_left3A_501 : vector<16xi32>
        %bitcast3A_503 = vector.bitcast %shift_left3A_502 : vector<16xi32> to vector<16xf32>
        %add3A_504 = arith.addf %add3A_432, %bitcast3A_503 : vector<16xf32>
        %and3A_505 = arith.constant -65536 : i32
        %and3A_506 = vector.broadcast %and3A_505 : i32 to vector<16xi32>
        %and3A_507 = arith.andi %bitcast3A_499, %and3A_506 : vector<16xi32>
        %bitcast3A_508 = vector.bitcast %and3A_507 : vector<16xi32> to vector<16xf32>
        %add3A_509 = arith.addf %add3A_437, %bitcast3A_508 : vector<16xf32>
        %get3A_510 = arith.constant 0 : i32
        %get3A_511 = arith.constant 1 : i32
        %get3A_512 = arith.index_cast %get3A_510 : i32 to index
        %get3A_513 = arith.index_cast %get3A_511 : i32 to index
        %get3A_514 = arith.index_cast %scan3A_382 : i32 to index
        %get3A_515 = arith.constant 32 : index
        %get3A_516 = tpu.vector_load %arg8[%get3A_512, %get3A_513, %get3A_514, %get3A_515] {strides = array<i32>} : memref<2x10x32x128xbf16, #tpu.memory_space<vmem>>, vector<32xbf16>,
        %bitcast3A_517 = vector.bitcast %get3A_516 : vector<32xbf16> to vector<16xi32>
        %shift_left3A_518 = arith.constant 16 : i32
        %shift_left3A_519 = vector.broadcast %shift_left3A_518 : i32 to vector<16xi32>
        %shift_left3A_520 = arith.shli %bitcast3A_517, %shift_left3A_519 : vector<16xi32>
        %bitcast3A_521 = vector.bitcast %shift_left3A_520 : vector<16xi32> to vector<16xf32>
        %add3A_522 = arith.addf %add3A_450, %bitcast3A_521 : vector<16xf32>
        %and3A_523 = arith.constant -65536 : i32
        %and3A_524 = vector.broadcast %and3A_523 : i32 to vector<16xi32>
        %and3A_525 = arith.andi %bitcast3A_517, %and3A_524 : vector<16xi32>
        %bitcast3A_526 = vector.bitcast %and3A_525 : vector<16xi32> to vector<16xf32>
        %add3A_527 = arith.addf %add3A_455, %bitcast3A_526 : vector<16xf32>
        %get3A_528 = arith.constant 0 : i32
        %get3A_529 = arith.constant 1 : i32
        %get3A_530 = arith.index_cast %get3A_528 : i32 to index
        %get3A_531 = arith.index_cast %get3A_529 : i32 to index
        %get3A_532 = arith.index_cast %scan3A_382 : i32 to index
        %get3A_533 = arith.constant 64 : index
        %get3A_534 = tpu.vector_load %arg8[%get3A_530, %get3A_531, %get3A_532, %get3A_533] {strides = array<i32>} : memref<2x10x32x128xbf16, #tpu.memory_space<vmem>>, vector<32xbf16>,
        %bitcast3A_535 = vector.bitcast %get3A_534 : vector<32xbf16> to vector<16xi32>
        %shift_left3A_536 = arith.constant 16 : i32
        %shift_left3A_537 = vector.broadcast %shift_left3A_536 : i32 to vector<16xi32>
        %shift_left3A_538 = arith.shli %bitcast3A_535, %shift_left3A_537 : vector<16xi32>
        %bitcast3A_539 = vector.bitcast %shift_left3A_538 : vector<16xi32> to vector<16xf32>
        %add3A_540 = arith.addf %add3A_468, %bitcast3A_539 : vector<16xf32>
        %and3A_541 = arith.constant -65536 : i32
        %and3A_542 = vector.broadcast %and3A_541 : i32 to vector<16xi32>
        %and3A_543 = arith.andi %bitcast3A_535, %and3A_542 : vector<16xi32>
        %bitcast3A_544 = vector.bitcast %and3A_543 : vector<16xi32> to vector<16xf32>
        %add3A_545 = arith.addf %add3A_473, %bitcast3A_544 : vector<16xf32>
        %get3A_546 = arith.constant 0 : i32
        %get3A_547 = arith.constant 1 : i32
        %get3A_548 = arith.index_cast %get3A_546 : i32 to index
        %get3A_549 = arith.index_cast %get3A_547 : i32 to index
        %get3A_550 = arith.index_cast %scan3A_382 : i32 to index
        %get3A_551 = arith.constant 96 : index
        %get3A_552 = tpu.vector_load %arg8[%get3A_548, %get3A_549, %get3A_550, %get3A_551] {strides = array<i32>} : memref<2x10x32x128xbf16, #tpu.memory_space<vmem>>, vector<32xbf16>,
        %bitcast3A_553 = vector.bitcast %get3A_552 : vector<32xbf16> to vector<16xi32>
        %shift_left3A_554 = arith.constant 16 : i32
        %shift_left3A_555 = vector.broadcast %shift_left3A_554 : i32 to vector<16xi32>
        %shift_left3A_556 = arith.shli %bitcast3A_553, %shift_left3A_555 : vector<16xi32>
        %bitcast3A_557 = vector.bitcast %shift_left3A_556 : vector<16xi32> to vector<16xf32>
        %add3A_558 = arith.addf %add3A_486, %bitcast3A_557 : vector<16xf32>
        %and3A_559 = arith.constant -65536 : i32
        %and3A_560 = vector.broadcast %and3A_559 : i32 to vector<16xi32>
        %and3A_561 = arith.andi %bitcast3A_553, %and3A_560 : vector<16xi32>
        %bitcast3A_562 = vector.bitcast %and3A_561 : vector<16xi32> to vector<16xf32>
        %add3A_563 = arith.addf %add3A_491, %bitcast3A_562 : vector<16xf32>
        %get3A_564 = arith.constant 0 : i32
        %get3A_565 = arith.constant 2 : i32
        %get3A_566 = arith.index_cast %get3A_564 : i32 to index
        %get3A_567 = arith.index_cast %get3A_565 : i32 to index
        %get3A_568 = arith.index_cast %scan3A_382 : i32 to index
        %get3A_569 = arith.constant 0 : index
        %get3A_570 = tpu.vector_load %arg8[%get3A_566, %get3A_567, %get3A_568, %get3A_569] {strides = array<i32>} : memref<2x10x32x128xbf16, #tpu.memory_space<vmem>>, vector<32xbf16>,
        %bitcast3A_571 = vector.bitcast %get3A_570 : vector<32xbf16> to vector<16xi32>
        %shift_left3A_572 = arith.constant 16 : i32
        %shift_left3A_573 = vector.broadcast %shift_left3A_572 : i32 to vector<16xi32>
        %shift_left3A_574 = arith.shli %bitcast3A_571, %shift_left3A_573 : vector<16xi32>
        %bitcast3A_575 = vector.bitcast %shift_left3A_574 : vector<16xi32> to vector<16xf32>
        %add3A_576 = arith.addf %add3A_504, %bitcast3A_575 : vector<16xf32>
        %and3A_577 = arith.constant -65536 : i32
        %and3A_578 = vector.broadcast %and3A_577 : i32 to vector<16xi32>
        %and3A_579 = arith.andi %bitcast3A_571, %and3A_578 : vector<16xi32>
        %bitcast3A_580 = vector.bitcast %and3A_579 : vector<16xi32> to vector<16xf32>
        %add3A_581 = arith.addf %add3A_509, %bitcast3A_580 : vector<16xf32>
        %get3A_582 = arith.constant 0 : i32
        %get3A_583 = arith.constant 2 : i32
        %get3A_584 = arith.index_cast %get3A_582 : i32 to index
        %get3A_585 = arith.index_cast %get3A_583 : i32 to index
        %get3A_586 = arith.index_cast %scan3A_382 : i32 to index
        %get3A_587 = arith.constant 32 : index
        %get3A_588 = tpu.vector_load %arg8[%get3A_584, %get3A_585, %get3A_586, %get3A_587] {strides = array<i32>} : memref<2x10x32x128xbf16, #tpu.memory_space<vmem>>, vector<32xbf16>,
        %bitcast3A_589 = vector.bitcast %get3A_588 : vector<32xbf16> to vector<16xi32>
        %shift_left3A_590 = arith.constant 16 : i32
        %shift_left3A_591 = vector.broadcast %shift_left3A_590 : i32 to vector<16xi32>
        %shift_left3A_592 = arith.shli %bitcast3A_589, %shift_left3A_591 : vector<16xi32>
        %bitcast3A_593 = vector.bitcast %shift_left3A_592 : vector<16xi32> to vector<16xf32>
        %add3A_594 = arith.addf %add3A_522, %bitcast3A_593 : vector<16xf32>
        %and3A_595 = arith.constant -65536 : i32
        %and3A_596 = vector.broadcast %and3A_595 : i32 to vector<16xi32>
        %and3A_597 = arith.andi %bitcast3A_589, %and3A_596 : vector<16xi32>
        %bitcast3A_598 = vector.bitcast %and3A_597 : vector<16xi32> to vector<16xf32>
        %add3A_599 = arith.addf %add3A_527, %bitcast3A_598 : vector<16xf32>
        %get3A_600 = arith.constant 0 : i32
        %get3A_601 = arith.constant 2 : i32
        %get3A_602 = arith.index_cast %get3A_600 : i32 to index
        %get3A_603 = arith.index_cast %get3A_601 : i32 to index
        %get3A_604 = arith.index_cast %scan3A_382 : i32 to index
        %get3A_605 = arith.constant 64 : index
        %get3A_606 = tpu.vector_load %arg8[%get3A_602, %get3A_603, %get3A_604, %get3A_605] {strides = array<i32>} : memref<2x10x32x128xbf16, #tpu.memory_space<vmem>>, vector<32xbf16>,
        %bitcast3A_607 = vector.bitcast %get3A_606 : vector<32xbf16> to vector<16xi32>
        %shift_left3A_608 = arith.constant 16 : i32
        %shift_left3A_609 = vector.broadcast %shift_left3A_608 : i32 to vector<16xi32>
        %shift_left3A_610 = arith.shli %bitcast3A_607, %shift_left3A_609 : vector<16xi32>
        %bitcast3A_611 = vector.bitcast %shift_left3A_610 : vector<16xi32> to vector<16xf32>
        %add3A_612 = arith.addf %add3A_540, %bitcast3A_611 : vector<16xf32>
        %and3A_613 = arith.constant -65536 : i32
        %and3A_614 = vector.broadcast %and3A_613 : i32 to vector<16xi32>
        %and3A_615 = arith.andi %bitcast3A_607, %and3A_614 : vector<16xi32>
        %bitcast3A_616 = vector.bitcast %and3A_615 : vector<16xi32> to vector<16xf32>
        %add3A_617 = arith.addf %add3A_545, %bitcast3A_616 : vector<16xf32>
        %get3A_618 = arith.constant 0 : i32
        %get3A_619 = arith.constant 2 : i32
        %get3A_620 = arith.index_cast %get3A_618 : i32 to index
        %get3A_621 = arith.index_cast %get3A_619 : i32 to index
        %get3A_622 = arith.index_cast %scan3A_382 : i32 to index
        %get3A_623 = arith.constant 96 : index
        %get3A_624 = tpu.vector_load %arg8[%get3A_620, %get3A_621, %get3A_622, %get3A_623] {strides = array<i32>} : memref<2x10x32x128xbf16, #tpu.memory_space<vmem>>, vector<32xbf16>,
        %bitcast3A_625 = vector.bitcast %get3A_624 : vector<32xbf16> to vector<16xi32>
        %shift_left3A_626 = arith.constant 16 : i32
        %shift_left3A_627 = vector.broadcast %shift_left3A_626 : i32 to vector<16xi32>
        %shift_left3A_628 = arith.shli %bitcast3A_625, %shift_left3A_627 : vector<16xi32>
        %bitcast3A_629 = vector.bitcast %shift_left3A_628 : vector<16xi32> to vector<16xf32>
        %add3A_630 = arith.addf %add3A_558, %bitcast3A_629 : vector<16xf32>
        %and3A_631 = arith.constant -65536 : i32
        %and3A_632 = vector.broadcast %and3A_631 : i32 to vector<16xi32>
        %and3A_633 = arith.andi %bitcast3A_625, %and3A_632 : vector<16xi32>
        %bitcast3A_634 = vector.bitcast %and3A_633 : vector<16xi32> to vector<16xf32>
        %add3A_635 = arith.addf %add3A_563, %bitcast3A_634 : vector<16xf32>
        %get3A_636 = arith.constant 0 : i32
        %get3A_637 = arith.constant 3 : i32
        %get3A_638 = arith.index_cast %get3A_636 : i32 to index
        %get3A_639 = arith.index_cast %get3A_637 : i32 to index
        %get3A_640 = arith.index_cast %scan3A_382 : i32 to index
        %get3A_641 = arith.constant 0 : index
        %get3A_642 = tpu.vector_load %arg8[%get3A_638, %get3A_639, %get3A_640, %get3A_641] {strides = array<i32>} : memref<2x10x32x128xbf16, #tpu.memory_space<vmem>>, vector<32xbf16>,
        %bitcast3A_643 = vector.bitcast %get3A_642 : vector<32xbf16> to vector<16xi32>
        %shift_left3A_644 = arith.constant 16 : i32
        %shift_left3A_645 = vector.broadcast %shift_left3A_644 : i32 to vector<16xi32>
        %shift_left3A_646 = arith.shli %bitcast3A_643, %shift_left3A_645 : vector<16xi32>
        %bitcast3A_647 = vector.bitcast %shift_left3A_646 : vector<16xi32> to vector<16xf32>
        %add3A_648 = arith.addf %add3A_576, %bitcast3A_647 : vector<16xf32>
        %and3A_649 = arith.constant -65536 : i32
        %and3A_650 = vector.broadcast %and3A_649 : i32 to vector<16xi32>
        %and3A_651 = arith.andi %bitcast3A_643, %and3A_650 : vector<16xi32>
        %bitcast3A_652 = vector.bitcast %and3A_651 : vector<16xi32> to vector<16xf32>
        %add3A_653 = arith.addf %add3A_581, %bitcast3A_652 : vector<16xf32>
        %get3A_654 = arith.constant 0 : i32
        %get3A_655 = arith.constant 3 : i32
        %get3A_656 = arith.index_cast %get3A_654 : i32 to index
        %get3A_657 = arith.index_cast %get3A_655 : i32 to index
        %get3A_658 = arith.index_cast %scan3A_382 : i32 to index
        %get3A_659 = arith.constant 32 : index
        %get3A_660 = tpu.vector_load %arg8[%get3A_656, %get3A_657, %get3A_658, %get3A_659] {strides = array<i32>} : memref<2x10x32x128xbf16, #tpu.memory_space<vmem>>, vector<32xbf16>,
        %bitcast3A_661 = vector.bitcast %get3A_660 : vector<32xbf16> to vector<16xi32>
        %shift_left3A_662 = arith.constant 16 : i32
        %shift_left3A_663 = vector.broadcast %shift_left3A_662 : i32 to vector<16xi32>
        %shift_left3A_664 = arith.shli %bitcast3A_661, %shift_left3A_663 : vector<16xi32>
        %bitcast3A_665 = vector.bitcast %shift_left3A_664 : vector<16xi32> to vector<16xf32>
        %add3A_666 = arith.addf %add3A_594, %bitcast3A_665 : vector<16xf32>
        %and3A_667 = arith.constant -65536 : i32
        %and3A_668 = vector.broadcast %and3A_667 : i32 to vector<16xi32>
        %and3A_669 = arith.andi %bitcast3A_661, %and3A_668 : vector<16xi32>
        %bitcast3A_670 = vector.bitcast %and3A_669 : vector<16xi32> to vector<16xf32>
        %add3A_671 = arith.addf %add3A_599, %bitcast3A_670 : vector<16xf32>
        %get3A_672 = arith.constant 0 : i32
        %get3A_673 = arith.constant 3 : i32
        %get3A_674 = arith.index_cast %get3A_672 : i32 to index
        %get3A_675 = arith.index_cast %get3A_673 : i32 to index
        %get3A_676 = arith.index_cast %scan3A_382 : i32 to index
        %get3A_677 = arith.constant 64 : index
        %get3A_678 = tpu.vector_load %arg8[%get3A_674, %get3A_675, %get3A_676, %get3A_677] {strides = array<i32>} : memref<2x10x32x128xbf16, #tpu.memory_space<vmem>>, vector<32xbf16>,
        %bitcast3A_679 = vector.bitcast %get3A_678 : vector<32xbf16> to vector<16xi32>
        %shift_left3A_680 = arith.constant 16 : i32
        %shift_left3A_681 = vector.broadcast %shift_left3A_680 : i32 to vector<16xi32>
        %shift_left3A_682 = arith.shli %bitcast3A_679, %shift_left3A_681 : vector<16xi32>
        %bitcast3A_683 = vector.bitcast %shift_left3A_682 : vector<16xi32> to vector<16xf32>
        %add3A_684 = arith.addf %add3A_612, %bitcast3A_683 : vector<16xf32>
        %and3A_685 = arith.constant -65536 : i32
        %and3A_686 = vector.broadcast %and3A_685 : i32 to vector<16xi32>
        %and3A_687 = arith.andi %bitcast3A_679, %and3A_686 : vector<16xi32>
        %bitcast3A_688 = vector.bitcast %and3A_687 : vector<16xi32> to vector<16xf32>
        %add3A_689 = arith.addf %add3A_617, %bitcast3A_688 : vector<16xf32>
        %get3A_690 = arith.constant 0 : i32
        %get3A_691 = arith.constant 3 : i32
        %get3A_692 = arith.index_cast %get3A_690 : i32 to index
        %get3A_693 = arith.index_cast %get3A_691 : i32 to index
        %get3A_694 = arith.index_cast %scan3A_382 : i32 to index
        %get3A_695 = arith.constant 96 : index
        %get3A_696 = tpu.vector_load %arg8[%get3A_692, %get3A_693, %get3A_694, %get3A_695] {strides = array<i32>} : memref<2x10x32x128xbf16, #tpu.memory_space<vmem>>, vector<32xbf16>,
        %bitcast3A_697 = vector.bitcast %get3A_696 : vector<32xbf16> to vector<16xi32>
        %shift_left3A_698 = arith.constant 16 : i32
        %shift_left3A_699 = vector.broadcast %shift_left3A_698 : i32 to vector<16xi32>
        %shift_left3A_700 = arith.shli %bitcast3A_697, %shift_left3A_699 : vector<16xi32>
        %bitcast3A_701 = vector.bitcast %shift_left3A_700 : vector<16xi32> to vector<16xf32>
        %add3A_702 = arith.addf %add3A_630, %bitcast3A_701 : vector<16xf32>
        %and3A_703 = arith.constant -65536 : i32
        %and3A_704 = vector.broadcast %and3A_703 : i32 to vector<16xi32>
        %and3A_705 = arith.andi %bitcast3A_697, %and3A_704 : vector<16xi32>
        %bitcast3A_706 = vector.bitcast %and3A_705 : vector<16xi32> to vector<16xf32>
        %add3A_707 = arith.addf %add3A_635, %bitcast3A_706 : vector<16xf32>
        %get3A_708 = arith.constant 0 : i32
        %get3A_709 = arith.constant 4 : i32
        %get3A_710 = arith.index_cast %get3A_708 : i32 to index
        %get3A_711 = arith.index_cast %get3A_709 : i32 to index
        %get3A_712 = arith.index_cast %scan3A_382 : i32 to index
        %get3A_713 = arith.constant 0 : index
        %get3A_714 = tpu.vector_load %arg8[%get3A_710, %get3A_711, %get3A_712, %get3A_713] {strides = array<i32>} : memref<2x10x32x128xbf16, #tpu.memory_space<vmem>>, vector<32xbf16>,
        %bitcast3A_715 = vector.bitcast %get3A_714 : vector<32xbf16> to vector<16xi32>
        %shift_left3A_716 = arith.constant 16 : i32
        %shift_left3A_717 = vector.broadcast %shift_left3A_716 : i32 to vector<16xi32>
        %shift_left3A_718 = arith.shli %bitcast3A_715, %shift_left3A_717 : vector<16xi32>
        %bitcast3A_719 = vector.bitcast %shift_left3A_718 : vector<16xi32> to vector<16xf32>
        %add3A_720 = arith.addf %add3A_648, %bitcast3A_719 : vector<16xf32>
        %and3A_721 = arith.constant -65536 : i32
        %and3A_722 = vector.broadcast %and3A_721 : i32 to vector<16xi32>
        %and3A_723 = arith.andi %bitcast3A_715, %and3A_722 : vector<16xi32>
        %bitcast3A_724 = vector.bitcast %and3A_723 : vector<16xi32> to vector<16xf32>
        %add3A_725 = arith.addf %add3A_653, %bitcast3A_724 : vector<16xf32>
        %get3A_726 = arith.constant 0 : i32
        %get3A_727 = arith.constant 4 : i32
        %get3A_728 = arith.index_cast %get3A_726 : i32 to index
        %get3A_729 = arith.index_cast %get3A_727 : i32 to index
        %get3A_730 = arith.index_cast %scan3A_382 : i32 to index
        %get3A_731 = arith.constant 32 : index
        %get3A_732 = tpu.vector_load %arg8[%get3A_728, %get3A_729, %get3A_730, %get3A_731] {strides = array<i32>} : memref<2x10x32x128xbf16, #tpu.memory_space<vmem>>, vector<32xbf16>,
        %bitcast3A_733 = vector.bitcast %get3A_732 : vector<32xbf16> to vector<16xi32>
        %shift_left3A_734 = arith.constant 16 : i32
        %shift_left3A_735 = vector.broadcast %shift_left3A_734 : i32 to vector<16xi32>
        %shift_left3A_736 = arith.shli %bitcast3A_733, %shift_left3A_735 : vector<16xi32>
        %bitcast3A_737 = vector.bitcast %shift_left3A_736 : vector<16xi32> to vector<16xf32>
        %add3A_738 = arith.addf %add3A_666, %bitcast3A_737 : vector<16xf32>
        %and3A_739 = arith.constant -65536 : i32
        %and3A_740 = vector.broadcast %and3A_739 : i32 to vector<16xi32>
        %and3A_741 = arith.andi %bitcast3A_733, %and3A_740 : vector<16xi32>
        %bitcast3A_742 = vector.bitcast %and3A_741 : vector<16xi32> to vector<16xf32>
        %add3A_743 = arith.addf %add3A_671, %bitcast3A_742 : vector<16xf32>
        %get3A_744 = arith.constant 0 : i32
        %get3A_745 = arith.constant 4 : i32
        %get3A_746 = arith.index_cast %get3A_744 : i32 to index
        %get3A_747 = arith.index_cast %get3A_745 : i32 to index
        %get3A_748 = arith.index_cast %scan3A_382 : i32 to index
        %get3A_749 = arith.constant 64 : index
        %get3A_750 = tpu.vector_load %arg8[%get3A_746, %get3A_747, %get3A_748, %get3A_749] {strides = array<i32>} : memref<2x10x32x128xbf16, #tpu.memory_space<vmem>>, vector<32xbf16>,
        %bitcast3A_751 = vector.bitcast %get3A_750 : vector<32xbf16> to vector<16xi32>
        %shift_left3A_752 = arith.constant 16 : i32
        %shift_left3A_753 = vector.broadcast %shift_left3A_752 : i32 to vector<16xi32>
        %shift_left3A_754 = arith.shli %bitcast3A_751, %shift_left3A_753 : vector<16xi32>
        %bitcast3A_755 = vector.bitcast %shift_left3A_754 : vector<16xi32> to vector<16xf32>
        %add3A_756 = arith.addf %add3A_684, %bitcast3A_755 : vector<16xf32>
        %and3A_757 = arith.constant -65536 : i32
        %and3A_758 = vector.broadcast %and3A_757 : i32 to vector<16xi32>
        %and3A_759 = arith.andi %bitcast3A_751, %and3A_758 : vector<16xi32>
        %bitcast3A_760 = vector.bitcast %and3A_759 : vector<16xi32> to vector<16xf32>
        %add3A_761 = arith.addf %add3A_689, %bitcast3A_760 : vector<16xf32>
        %get3A_762 = arith.constant 0 : i32
        %get3A_763 = arith.constant 4 : i32
        %get3A_764 = arith.index_cast %get3A_762 : i32 to index
        %get3A_765 = arith.index_cast %get3A_763 : i32 to index
        %get3A_766 = arith.index_cast %scan3A_382 : i32 to index
        %get3A_767 = arith.constant 96 : index
        %get3A_768 = tpu.vector_load %arg8[%get3A_764, %get3A_765, %get3A_766, %get3A_767] {strides = array<i32>} : memref<2x10x32x128xbf16, #tpu.memory_space<vmem>>, vector<32xbf16>,
        %bitcast3A_769 = vector.bitcast %get3A_768 : vector<32xbf16> to vector<16xi32>
        %shift_left3A_770 = arith.constant 16 : i32
        %shift_left3A_771 = vector.broadcast %shift_left3A_770 : i32 to vector<16xi32>
        %shift_left3A_772 = arith.shli %bitcast3A_769, %shift_left3A_771 : vector<16xi32>
        %bitcast3A_773 = vector.bitcast %shift_left3A_772 : vector<16xi32> to vector<16xf32>
        %add3A_774 = arith.addf %add3A_702, %bitcast3A_773 : vector<16xf32>
        %and3A_775 = arith.constant -65536 : i32
        %and3A_776 = vector.broadcast %and3A_775 : i32 to vector<16xi32>
        %and3A_777 = arith.andi %bitcast3A_769, %and3A_776 : vector<16xi32>
        %bitcast3A_778 = vector.bitcast %and3A_777 : vector<16xi32> to vector<16xf32>
        %add3A_779 = arith.addf %add3A_707, %bitcast3A_778 : vector<16xf32>
        %get3A_780 = arith.constant 0 : i32
        %get3A_781 = arith.constant 5 : i32
        %get3A_782 = arith.index_cast %get3A_780 : i32 to index
        %get3A_783 = arith.index_cast %get3A_781 : i32 to index
        %get3A_784 = arith.index_cast %scan3A_382 : i32 to index
        %get3A_785 = arith.constant 0 : index
        %get3A_786 = tpu.vector_load %arg8[%get3A_782, %get3A_783, %get3A_784, %get3A_785] {strides = array<i32>} : memref<2x10x32x128xbf16, #tpu.memory_space<vmem>>, vector<32xbf16>,
        %bitcast3A_787 = vector.bitcast %get3A_786 : vector<32xbf16> to vector<16xi32>
        %shift_left3A_788 = arith.constant 16 : i32
        %shift_left3A_789 = vector.broadcast %shift_left3A_788 : i32 to vector<16xi32>
        %shift_left3A_790 = arith.shli %bitcast3A_787, %shift_left3A_789 : vector<16xi32>
        %bitcast3A_791 = vector.bitcast %shift_left3A_790 : vector<16xi32> to vector<16xf32>
        %add3A_792 = arith.addf %add3A_720, %bitcast3A_791 : vector<16xf32>
        %and3A_793 = arith.constant -65536 : i32
        %and3A_794 = vector.broadcast %and3A_793 : i32 to vector<16xi32>
        %and3A_795 = arith.andi %bitcast3A_787, %and3A_794 : vector<16xi32>
        %bitcast3A_796 = vector.bitcast %and3A_795 : vector<16xi32> to vector<16xf32>
        %add3A_797 = arith.addf %add3A_725, %bitcast3A_796 : vector<16xf32>
        %get3A_798 = arith.constant 0 : i32
        %get3A_799 = arith.constant 5 : i32
        %get3A_800 = arith.index_cast %get3A_798 : i32 to index
        %get3A_801 = arith.index_cast %get3A_799 : i32 to index
        %get3A_802 = arith.index_cast %scan3A_382 : i32 to index
        %get3A_803 = arith.constant 32 : index
        %get3A_804 = tpu.vector_load %arg8[%get3A_800, %get3A_801, %get3A_802, %get3A_803] {strides = array<i32>} : memref<2x10x32x128xbf16, #tpu.memory_space<vmem>>, vector<32xbf16>,
        %bitcast3A_805 = vector.bitcast %get3A_804 : vector<32xbf16> to vector<16xi32>
        %shift_left3A_806 = arith.constant 16 : i32
        %shift_left3A_807 = vector.broadcast %shift_left3A_806 : i32 to vector<16xi32>
        %shift_left3A_808 = arith.shli %bitcast3A_805, %shift_left3A_807 : vector<16xi32>
        %bitcast3A_809 = vector.bitcast %shift_left3A_808 : vector<16xi32> to vector<16xf32>
        %add3A_810 = arith.addf %add3A_738, %bitcast3A_809 : vector<16xf32>
        %and3A_811 = arith.constant -65536 : i32
        %and3A_812 = vector.broadcast %and3A_811 : i32 to vector<16xi32>
        %and3A_813 = arith.andi %bitcast3A_805, %and3A_812 : vector<16xi32>
        %bitcast3A_814 = vector.bitcast %and3A_813 : vector<16xi32> to vector<16xf32>
        %add3A_815 = arith.addf %add3A_743, %bitcast3A_814 : vector<16xf32>
        %get3A_816 = arith.constant 0 : i32
        %get3A_817 = arith.constant 5 : i32
        %get3A_818 = arith.index_cast %get3A_816 : i32 to index
        %get3A_819 = arith.index_cast %get3A_817 : i32 to index
        %get3A_820 = arith.index_cast %scan3A_382 : i32 to index
        %get3A_821 = arith.constant 64 : index
        %get3A_822 = tpu.vector_load %arg8[%get3A_818, %get3A_819, %get3A_820, %get3A_821] {strides = array<i32>} : memref<2x10x32x128xbf16, #tpu.memory_space<vmem>>, vector<32xbf16>,
        %bitcast3A_823 = vector.bitcast %get3A_822 : vector<32xbf16> to vector<16xi32>
        %shift_left3A_824 = arith.constant 16 : i32
        %shift_left3A_825 = vector.broadcast %shift_left3A_824 : i32 to vector<16xi32>
        %shift_left3A_826 = arith.shli %bitcast3A_823, %shift_left3A_825 : vector<16xi32>
        %bitcast3A_827 = vector.bitcast %shift_left3A_826 : vector<16xi32> to vector<16xf32>
        %add3A_828 = arith.addf %add3A_756, %bitcast3A_827 : vector<16xf32>
        %and3A_829 = arith.constant -65536 : i32
        %and3A_830 = vector.broadcast %and3A_829 : i32 to vector<16xi32>
        %and3A_831 = arith.andi %bitcast3A_823, %and3A_830 : vector<16xi32>
        %bitcast3A_832 = vector.bitcast %and3A_831 : vector<16xi32> to vector<16xf32>
        %add3A_833 = arith.addf %add3A_761, %bitcast3A_832 : vector<16xf32>
        %get3A_834 = arith.constant 0 : i32
        %get3A_835 = arith.constant 5 : i32
        %get3A_836 = arith.index_cast %get3A_834 : i32 to index
        %get3A_837 = arith.index_cast %get3A_835 : i32 to index
        %get3A_838 = arith.index_cast %scan3A_382 : i32 to index
        %get3A_839 = arith.constant 96 : index
        %get3A_840 = tpu.vector_load %arg8[%get3A_836, %get3A_837, %get3A_838, %get3A_839] {strides = array<i32>} : memref<2x10x32x128xbf16, #tpu.memory_space<vmem>>, vector<32xbf16>,
        %bitcast3A_841 = vector.bitcast %get3A_840 : vector<32xbf16> to vector<16xi32>
        %shift_left3A_842 = arith.constant 16 : i32
        %shift_left3A_843 = vector.broadcast %shift_left3A_842 : i32 to vector<16xi32>
        %shift_left3A_844 = arith.shli %bitcast3A_841, %shift_left3A_843 : vector<16xi32>
        %bitcast3A_845 = vector.bitcast %shift_left3A_844 : vector<16xi32> to vector<16xf32>
        %add3A_846 = arith.addf %add3A_774, %bitcast3A_845 : vector<16xf32>
        %and3A_847 = arith.constant -65536 : i32
        %and3A_848 = vector.broadcast %and3A_847 : i32 to vector<16xi32>
        %and3A_849 = arith.andi %bitcast3A_841, %and3A_848 : vector<16xi32>
        %bitcast3A_850 = vector.bitcast %and3A_849 : vector<16xi32> to vector<16xf32>
        %add3A_851 = arith.addf %add3A_779, %bitcast3A_850 : vector<16xf32>
        %get3A_852 = arith.constant 0 : i32
        %get3A_853 = arith.constant 6 : i32
        %get3A_854 = arith.index_cast %get3A_852 : i32 to index
        %get3A_855 = arith.index_cast %get3A_853 : i32 to index
        %get3A_856 = arith.index_cast %scan3A_382 : i32 to index
        %get3A_857 = arith.constant 0 : index
        %get3A_858 = tpu.vector_load %arg8[%get3A_854, %get3A_855, %get3A_856, %get3A_857] {strides = array<i32>} : memref<2x10x32x128xbf16, #tpu.memory_space<vmem>>, vector<32xbf16>,
        %bitcast3A_859 = vector.bitcast %get3A_858 : vector<32xbf16> to vector<16xi32>
        %shift_left3A_860 = arith.constant 16 : i32
        %shift_left3A_861 = vector.broadcast %shift_left3A_860 : i32 to vector<16xi32>
        %shift_left3A_862 = arith.shli %bitcast3A_859, %shift_left3A_861 : vector<16xi32>
        %bitcast3A_863 = vector.bitcast %shift_left3A_862 : vector<16xi32> to vector<16xf32>
        %add3A_864 = arith.addf %add3A_792, %bitcast3A_863 : vector<16xf32>
        %and3A_865 = arith.constant -65536 : i32
        %and3A_866 = vector.broadcast %and3A_865 : i32 to vector<16xi32>
        %and3A_867 = arith.andi %bitcast3A_859, %and3A_866 : vector<16xi32>
        %bitcast3A_868 = vector.bitcast %and3A_867 : vector<16xi32> to vector<16xf32>
        %add3A_869 = arith.addf %add3A_797, %bitcast3A_868 : vector<16xf32>
        %get3A_870 = arith.constant 0 : i32
        %get3A_871 = arith.constant 6 : i32
        %get3A_872 = arith.index_cast %get3A_870 : i32 to index
        %get3A_873 = arith.index_cast %get3A_871 : i32 to index
        %get3A_874 = arith.index_cast %scan3A_382 : i32 to index
        %get3A_875 = arith.constant 32 : index
        %get3A_876 = tpu.vector_load %arg8[%get3A_872, %get3A_873, %get3A_874, %get3A_875] {strides = array<i32>} : memref<2x10x32x128xbf16, #tpu.memory_space<vmem>>, vector<32xbf16>,
        %bitcast3A_877 = vector.bitcast %get3A_876 : vector<32xbf16> to vector<16xi32>
        %shift_left3A_878 = arith.constant 16 : i32
        %shift_left3A_879 = vector.broadcast %shift_left3A_878 : i32 to vector<16xi32>
        %shift_left3A_880 = arith.shli %bitcast3A_877, %shift_left3A_879 : vector<16xi32>
        %bitcast3A_881 = vector.bitcast %shift_left3A_880 : vector<16xi32> to vector<16xf32>
        %add3A_882 = arith.addf %add3A_810, %bitcast3A_881 : vector<16xf32>
        %and3A_883 = arith.constant -65536 : i32
        %and3A_884 = vector.broadcast %and3A_883 : i32 to vector<16xi32>
        %and3A_885 = arith.andi %bitcast3A_877, %and3A_884 : vector<16xi32>
        %bitcast3A_886 = vector.bitcast %and3A_885 : vector<16xi32> to vector<16xf32>
        %add3A_887 = arith.addf %add3A_815, %bitcast3A_886 : vector<16xf32>
        %get3A_888 = arith.constant 0 : i32
        %get3A_889 = arith.constant 6 : i32
        %get3A_890 = arith.index_cast %get3A_888 : i32 to index
        %get3A_891 = arith.index_cast %get3A_889 : i32 to index
        %get3A_892 = arith.index_cast %scan3A_382 : i32 to index
        %get3A_893 = arith.constant 64 : index
        %get3A_894 = tpu.vector_load %arg8[%get3A_890, %get3A_891, %get3A_892, %get3A_893] {strides = array<i32>} : memref<2x10x32x128xbf16, #tpu.memory_space<vmem>>, vector<32xbf16>,
        %bitcast3A_895 = vector.bitcast %get3A_894 : vector<32xbf16> to vector<16xi32>
        %shift_left3A_896 = arith.constant 16 : i32
        %shift_left3A_897 = vector.broadcast %shift_left3A_896 : i32 to vector<16xi32>
        %shift_left3A_898 = arith.shli %bitcast3A_895, %shift_left3A_897 : vector<16xi32>
        %bitcast3A_899 = vector.bitcast %shift_left3A_898 : vector<16xi32> to vector<16xf32>
        %add3A_900 = arith.addf %add3A_828, %bitcast3A_899 : vector<16xf32>
        %and3A_901 = arith.constant -65536 : i32
        %and3A_902 = vector.broadcast %and3A_901 : i32 to vector<16xi32>
        %and3A_903 = arith.andi %bitcast3A_895, %and3A_902 : vector<16xi32>
        %bitcast3A_904 = vector.bitcast %and3A_903 : vector<16xi32> to vector<16xf32>
        %add3A_905 = arith.addf %add3A_833, %bitcast3A_904 : vector<16xf32>
        %get3A_906 = arith.constant 0 : i32
        %get3A_907 = arith.constant 6 : i32
        %get3A_908 = arith.index_cast %get3A_906 : i32 to index
        %get3A_909 = arith.index_cast %get3A_907 : i32 to index
        %get3A_910 = arith.index_cast %scan3A_382 : i32 to index
        %get3A_911 = arith.constant 96 : index
        %get3A_912 = tpu.vector_load %arg8[%get3A_908, %get3A_909, %get3A_910, %get3A_911] {strides = array<i32>} : memref<2x10x32x128xbf16, #tpu.memory_space<vmem>>, vector<32xbf16>,
        %bitcast3A_913 = vector.bitcast %get3A_912 : vector<32xbf16> to vector<16xi32>
        %shift_left3A_914 = arith.constant 16 : i32
        %shift_left3A_915 = vector.broadcast %shift_left3A_914 : i32 to vector<16xi32>
        %shift_left3A_916 = arith.shli %bitcast3A_913, %shift_left3A_915 : vector<16xi32>
        %bitcast3A_917 = vector.bitcast %shift_left3A_916 : vector<16xi32> to vector<16xf32>
        %add3A_918 = arith.addf %add3A_846, %bitcast3A_917 : vector<16xf32>
        %and3A_919 = arith.constant -65536 : i32
        %and3A_920 = vector.broadcast %and3A_919 : i32 to vector<16xi32>
        %and3A_921 = arith.andi %bitcast3A_913, %and3A_920 : vector<16xi32>
        %bitcast3A_922 = vector.bitcast %and3A_921 : vector<16xi32> to vector<16xf32>
        %add3A_923 = arith.addf %add3A_851, %bitcast3A_922 : vector<16xf32>
        %get3A_924 = arith.constant 0 : i32
        %get3A_925 = arith.constant 7 : i32
        %get3A_926 = arith.index_cast %get3A_924 : i32 to index
        %get3A_927 = arith.index_cast %get3A_925 : i32 to index
        %get3A_928 = arith.index_cast %scan3A_382 : i32 to index
        %get3A_929 = arith.constant 0 : index
        %get3A_930 = tpu.vector_load %arg8[%get3A_926, %get3A_927, %get3A_928, %get3A_929] {strides = array<i32>} : memref<2x10x32x128xbf16, #tpu.memory_space<vmem>>, vector<32xbf16>,
        %bitcast3A_931 = vector.bitcast %get3A_930 : vector<32xbf16> to vector<16xi32>
        %shift_left3A_932 = arith.constant 16 : i32
        %shift_left3A_933 = vector.broadcast %shift_left3A_932 : i32 to vector<16xi32>
        %shift_left3A_934 = arith.shli %bitcast3A_931, %shift_left3A_933 : vector<16xi32>
        %bitcast3A_935 = vector.bitcast %shift_left3A_934 : vector<16xi32> to vector<16xf32>
        %add3A_936 = arith.addf %add3A_864, %bitcast3A_935 : vector<16xf32>
        %and3A_937 = arith.constant -65536 : i32
        %and3A_938 = vector.broadcast %and3A_937 : i32 to vector<16xi32>
        %and3A_939 = arith.andi %bitcast3A_931, %and3A_938 : vector<16xi32>
        %bitcast3A_940 = vector.bitcast %and3A_939 : vector<16xi32> to vector<16xf32>
        %add3A_941 = arith.addf %add3A_869, %bitcast3A_940 : vector<16xf32>
        %get3A_942 = arith.constant 0 : i32
        %get3A_943 = arith.constant 7 : i32
        %get3A_944 = arith.index_cast %get3A_942 : i32 to index
        %get3A_945 = arith.index_cast %get3A_943 : i32 to index
        %get3A_946 = arith.index_cast %scan3A_382 : i32 to index
        %get3A_947 = arith.constant 32 : index
        %get3A_948 = tpu.vector_load %arg8[%get3A_944, %get3A_945, %get3A_946, %get3A_947] {strides = array<i32>} : memref<2x10x32x128xbf16, #tpu.memory_space<vmem>>, vector<32xbf16>,
        %bitcast3A_949 = vector.bitcast %get3A_948 : vector<32xbf16> to vector<16xi32>
        %shift_left3A_950 = arith.constant 16 : i32
        %shift_left3A_951 = vector.broadcast %shift_left3A_950 : i32 to vector<16xi32>
        %shift_left3A_952 = arith.shli %bitcast3A_949, %shift_left3A_951 : vector<16xi32>
        %bitcast3A_953 = vector.bitcast %shift_left3A_952 : vector<16xi32> to vector<16xf32>
        %add3A_954 = arith.addf %add3A_882, %bitcast3A_953 : vector<16xf32>
        %and3A_955 = arith.constant -65536 : i32
        %and3A_956 = vector.broadcast %and3A_955 : i32 to vector<16xi32>
        %and3A_957 = arith.andi %bitcast3A_949, %and3A_956 : vector<16xi32>
        %bitcast3A_958 = vector.bitcast %and3A_957 : vector<16xi32> to vector<16xf32>
        %add3A_959 = arith.addf %add3A_887, %bitcast3A_958 : vector<16xf32>
        %get3A_960 = arith.constant 0 : i32
        %get3A_961 = arith.constant 7 : i32
        %get3A_962 = arith.index_cast %get3A_960 : i32 to index
        %get3A_963 = arith.index_cast %get3A_961 : i32 to index
        %get3A_964 = arith.index_cast %scan3A_382 : i32 to index
        %get3A_965 = arith.constant 64 : index
        %get3A_966 = tpu.vector_load %arg8[%get3A_962, %get3A_963, %get3A_964, %get3A_965] {strides = array<i32>} : memref<2x10x32x128xbf16, #tpu.memory_space<vmem>>, vector<32xbf16>,
        %bitcast3A_967 = vector.bitcast %get3A_966 : vector<32xbf16> to vector<16xi32>
        %shift_left3A_968 = arith.constant 16 : i32
        %shift_left3A_969 = vector.broadcast %shift_left3A_968 : i32 to vector<16xi32>
        %shift_left3A_970 = arith.shli %bitcast3A_967, %shift_left3A_969 : vector<16xi32>
        %bitcast3A_971 = vector.bitcast %shift_left3A_970 : vector<16xi32> to vector<16xf32>
        %add3A_972 = arith.addf %add3A_900, %bitcast3A_971 : vector<16xf32>
        %and3A_973 = arith.constant -65536 : i32
        %and3A_974 = vector.broadcast %and3A_973 : i32 to vector<16xi32>
        %and3A_975 = arith.andi %bitcast3A_967, %and3A_974 : vector<16xi32>
        %bitcast3A_976 = vector.bitcast %and3A_975 : vector<16xi32> to vector<16xf32>
        %add3A_977 = arith.addf %add3A_905, %bitcast3A_976 : vector<16xf32>
        %get3A_978 = arith.constant 0 : i32
        %get3A_979 = arith.constant 7 : i32
        %get3A_980 = arith.index_cast %get3A_978 : i32 to index
        %get3A_981 = arith.index_cast %get3A_979 : i32 to index
        %get3A_982 = arith.index_cast %scan3A_382 : i32 to index
        %get3A_983 = arith.constant 96 : index
        %get3A_984 = tpu.vector_load %arg8[%get3A_980, %get3A_981, %get3A_982, %get3A_983] {strides = array<i32>} : memref<2x10x32x128xbf16, #tpu.memory_space<vmem>>, vector<32xbf16>,
        %bitcast3A_985 = vector.bitcast %get3A_984 : vector<32xbf16> to vector<16xi32>
        %shift_left3A_986 = arith.constant 16 : i32
        %shift_left3A_987 = vector.broadcast %shift_left3A_986 : i32 to vector<16xi32>
        %shift_left3A_988 = arith.shli %bitcast3A_985, %shift_left3A_987 : vector<16xi32>
        %bitcast3A_989 = vector.bitcast %shift_left3A_988 : vector<16xi32> to vector<16xf32>
        %add3A_990 = arith.addf %add3A_918, %bitcast3A_989 : vector<16xf32>
        %and3A_991 = arith.constant -65536 : i32
        %and3A_992 = vector.broadcast %and3A_991 : i32 to vector<16xi32>
        %and3A_993 = arith.andi %bitcast3A_985, %and3A_992 : vector<16xi32>
        %bitcast3A_994 = vector.bitcast %and3A_993 : vector<16xi32> to vector<16xf32>
        %add3A_995 = arith.addf %add3A_923, %bitcast3A_994 : vector<16xf32>
        %get3A_996 = arith.constant 0 : i32
        %get3A_997 = arith.constant 8 : i32
        %get3A_998 = arith.index_cast %get3A_996 : i32 to index
        %get3A_999 = arith.index_cast %get3A_997 : i32 to index
        %get3A_1000 = arith.index_cast %scan3A_382 : i32 to index
        %get3A_1001 = arith.constant 0 : index
        %get3A_1002 = tpu.vector_load %arg8[%get3A_998, %get3A_999, %get3A_1000, %get3A_1001] {strides = array<i32>} : memref<2x10x32x128xbf16, #tpu.memory_space<vmem>>, vector<32xbf16>,
        %bitcast3A_1003 = vector.bitcast %get3A_1002 : vector<32xbf16> to vector<16xi32>
        %shift_left3A_1004 = arith.constant 16 : i32
        %shift_left3A_1005 = vector.broadcast %shift_left3A_1004 : i32 to vector<16xi32>
        %shift_left3A_1006 = arith.shli %bitcast3A_1003, %shift_left3A_1005 : vector<16xi32>
        %bitcast3A_1007 = vector.bitcast %shift_left3A_1006 : vector<16xi32> to vector<16xf32>
        %add3A_1008 = arith.addf %add3A_936, %bitcast3A_1007 : vector<16xf32>
        %and3A_1009 = arith.constant -65536 : i32
        %and3A_1010 = vector.broadcast %and3A_1009 : i32 to vector<16xi32>
        %and3A_1011 = arith.andi %bitcast3A_1003, %and3A_1010 : vector<16xi32>
        %bitcast3A_1012 = vector.bitcast %and3A_1011 : vector<16xi32> to vector<16xf32>
        %add3A_1013 = arith.addf %add3A_941, %bitcast3A_1012 : vector<16xf32>
        %get3A_1014 = arith.constant 0 : i32
        %get3A_1015 = arith.constant 8 : i32
        %get3A_1016 = arith.index_cast %get3A_1014 : i32 to index
        %get3A_1017 = arith.index_cast %get3A_1015 : i32 to index
        %get3A_1018 = arith.index_cast %scan3A_382 : i32 to index
        %get3A_1019 = arith.constant 32 : index
        %get3A_1020 = tpu.vector_load %arg8[%get3A_1016, %get3A_1017, %get3A_1018, %get3A_1019] {strides = array<i32>} : memref<2x10x32x128xbf16, #tpu.memory_space<vmem>>, vector<32xbf16>,
        %bitcast3A_1021 = vector.bitcast %get3A_1020 : vector<32xbf16> to vector<16xi32>
        %shift_left3A_1022 = arith.constant 16 : i32
        %shift_left3A_1023 = vector.broadcast %shift_left3A_1022 : i32 to vector<16xi32>
        %shift_left3A_1024 = arith.shli %bitcast3A_1021, %shift_left3A_1023 : vector<16xi32>
        %bitcast3A_1025 = vector.bitcast %shift_left3A_1024 : vector<16xi32> to vector<16xf32>
        %add3A_1026 = arith.addf %add3A_954, %bitcast3A_1025 : vector<16xf32>
        %and3A_1027 = arith.constant -65536 : i32
        %and3A_1028 = vector.broadcast %and3A_1027 : i32 to vector<16xi32>
        %and3A_1029 = arith.andi %bitcast3A_1021, %and3A_1028 : vector<16xi32>
        %bitcast3A_1030 = vector.bitcast %and3A_1029 : vector<16xi32> to vector<16xf32>
        %add3A_1031 = arith.addf %add3A_959, %bitcast3A_1030 : vector<16xf32>
        %get3A_1032 = arith.constant 0 : i32
        %get3A_1033 = arith.constant 8 : i32
        %get3A_1034 = arith.index_cast %get3A_1032 : i32 to index
        %get3A_1035 = arith.index_cast %get3A_1033 : i32 to index
        %get3A_1036 = arith.index_cast %scan3A_382 : i32 to index
        %get3A_1037 = arith.constant 64 : index
        %get3A_1038 = tpu.vector_load %arg8[%get3A_1034, %get3A_1035, %get3A_1036, %get3A_1037] {strides = array<i32>} : memref<2x10x32x128xbf16, #tpu.memory_space<vmem>>, vector<32xbf16>,
        %bitcast3A_1039 = vector.bitcast %get3A_1038 : vector<32xbf16> to vector<16xi32>
        %shift_left3A_1040 = arith.constant 16 : i32
        %shift_left3A_1041 = vector.broadcast %shift_left3A_1040 : i32 to vector<16xi32>
        %shift_left3A_1042 = arith.shli %bitcast3A_1039, %shift_left3A_1041 : vector<16xi32>
        %bitcast3A_1043 = vector.bitcast %shift_left3A_1042 : vector<16xi32> to vector<16xf32>
        %add3A_1044 = arith.addf %add3A_972, %bitcast3A_1043 : vector<16xf32>
        %and3A_1045 = arith.constant -65536 : i32
        %and3A_1046 = vector.broadcast %and3A_1045 : i32 to vector<16xi32>
        %and3A_1047 = arith.andi %bitcast3A_1039, %and3A_1046 : vector<16xi32>
        %bitcast3A_1048 = vector.bitcast %and3A_1047 : vector<16xi32> to vector<16xf32>
        %add3A_1049 = arith.addf %add3A_977, %bitcast3A_1048 : vector<16xf32>
        %get3A_1050 = arith.constant 0 : i32
        %get3A_1051 = arith.constant 8 : i32
        %get3A_1052 = arith.index_cast %get3A_1050 : i32 to index
        %get3A_1053 = arith.index_cast %get3A_1051 : i32 to index
        %get3A_1054 = arith.index_cast %scan3A_382 : i32 to index
        %get3A_1055 = arith.constant 96 : index
        %get3A_1056 = tpu.vector_load %arg8[%get3A_1052, %get3A_1053, %get3A_1054, %get3A_1055] {strides = array<i32>} : memref<2x10x32x128xbf16, #tpu.memory_space<vmem>>, vector<32xbf16>,
        %bitcast3A_1057 = vector.bitcast %get3A_1056 : vector<32xbf16> to vector<16xi32>
        %shift_left3A_1058 = arith.constant 16 : i32
        %shift_left3A_1059 = vector.broadcast %shift_left3A_1058 : i32 to vector<16xi32>
        %shift_left3A_1060 = arith.shli %bitcast3A_1057, %shift_left3A_1059 : vector<16xi32>
        %bitcast3A_1061 = vector.bitcast %shift_left3A_1060 : vector<16xi32> to vector<16xf32>
        %add3A_1062 = arith.addf %add3A_990, %bitcast3A_1061 : vector<16xf32>
        %and3A_1063 = arith.constant -65536 : i32
        %and3A_1064 = vector.broadcast %and3A_1063 : i32 to vector<16xi32>
        %and3A_1065 = arith.andi %bitcast3A_1057, %and3A_1064 : vector<16xi32>
        %bitcast3A_1066 = vector.bitcast %and3A_1065 : vector<16xi32> to vector<16xf32>
        %add3A_1067 = arith.addf %add3A_995, %bitcast3A_1066 : vector<16xf32>
        %get3A_1068 = arith.constant 0 : i32
        %get3A_1069 = arith.constant 9 : i32
        %get3A_1070 = arith.index_cast %get3A_1068 : i32 to index
        %get3A_1071 = arith.index_cast %get3A_1069 : i32 to index
        %get3A_1072 = arith.index_cast %scan3A_382 : i32 to index
        %get3A_1073 = arith.constant 0 : index
        %get3A_1074 = tpu.vector_load %arg8[%get3A_1070, %get3A_1071, %get3A_1072, %get3A_1073] {strides = array<i32>} : memref<2x10x32x128xbf16, #tpu.memory_space<vmem>>, vector<32xbf16>,
        %bitcast3A_1075 = vector.bitcast %get3A_1074 : vector<32xbf16> to vector<16xi32>
        %shift_left3A_1076 = arith.constant 16 : i32
        %shift_left3A_1077 = vector.broadcast %shift_left3A_1076 : i32 to vector<16xi32>
        %shift_left3A_1078 = arith.shli %bitcast3A_1075, %shift_left3A_1077 : vector<16xi32>
        %bitcast3A_1079 = vector.bitcast %shift_left3A_1078 : vector<16xi32> to vector<16xf32>
        %add3A_1080 = arith.addf %add3A_1008, %bitcast3A_1079 : vector<16xf32>
        %and3A_1081 = arith.constant -65536 : i32
        %and3A_1082 = vector.broadcast %and3A_1081 : i32 to vector<16xi32>
        %and3A_1083 = arith.andi %bitcast3A_1075, %and3A_1082 : vector<16xi32>
        %bitcast3A_1084 = vector.bitcast %and3A_1083 : vector<16xi32> to vector<16xf32>
        %add3A_1085 = arith.addf %add3A_1013, %bitcast3A_1084 : vector<16xf32>
        %get3A_1086 = arith.constant 0 : i32
        %get3A_1087 = arith.constant 9 : i32
        %get3A_1088 = arith.index_cast %get3A_1086 : i32 to index
        %get3A_1089 = arith.index_cast %get3A_1087 : i32 to index
        %get3A_1090 = arith.index_cast %scan3A_382 : i32 to index
        %get3A_1091 = arith.constant 32 : index
        %get3A_1092 = tpu.vector_load %arg8[%get3A_1088, %get3A_1089, %get3A_1090, %get3A_1091] {strides = array<i32>} : memref<2x10x32x128xbf16, #tpu.memory_space<vmem>>, vector<32xbf16>,
        %bitcast3A_1093 = vector.bitcast %get3A_1092 : vector<32xbf16> to vector<16xi32>
        %shift_left3A_1094 = arith.constant 16 : i32
        %shift_left3A_1095 = vector.broadcast %shift_left3A_1094 : i32 to vector<16xi32>
        %shift_left3A_1096 = arith.shli %bitcast3A_1093, %shift_left3A_1095 : vector<16xi32>
        %bitcast3A_1097 = vector.bitcast %shift_left3A_1096 : vector<16xi32> to vector<16xf32>
        %add3A_1098 = arith.addf %add3A_1026, %bitcast3A_1097 : vector<16xf32>
        %and3A_1099 = arith.constant -65536 : i32
        %and3A_1100 = vector.broadcast %and3A_1099 : i32 to vector<16xi32>
        %and3A_1101 = arith.andi %bitcast3A_1093, %and3A_1100 : vector<16xi32>
        %bitcast3A_1102 = vector.bitcast %and3A_1101 : vector<16xi32> to vector<16xf32>
        %add3A_1103 = arith.addf %add3A_1031, %bitcast3A_1102 : vector<16xf32>
        %get3A_1104 = arith.constant 0 : i32
        %get3A_1105 = arith.constant 9 : i32
        %get3A_1106 = arith.index_cast %get3A_1104 : i32 to index
        %get3A_1107 = arith.index_cast %get3A_1105 : i32 to index
        %get3A_1108 = arith.index_cast %scan3A_382 : i32 to index
        %get3A_1109 = arith.constant 64 : index
        %get3A_1110 = tpu.vector_load %arg8[%get3A_1106, %get3A_1107, %get3A_1108, %get3A_1109] {strides = array<i32>} : memref<2x10x32x128xbf16, #tpu.memory_space<vmem>>, vector<32xbf16>,
        %bitcast3A_1111 = vector.bitcast %get3A_1110 : vector<32xbf16> to vector<16xi32>
        %shift_left3A_1112 = arith.constant 16 : i32
        %shift_left3A_1113 = vector.broadcast %shift_left3A_1112 : i32 to vector<16xi32>
        %shift_left3A_1114 = arith.shli %bitcast3A_1111, %shift_left3A_1113 : vector<16xi32>
        %bitcast3A_1115 = vector.bitcast %shift_left3A_1114 : vector<16xi32> to vector<16xf32>
        %add3A_1116 = arith.addf %add3A_1044, %bitcast3A_1115 : vector<16xf32>
        %and3A_1117 = arith.constant -65536 : i32
        %and3A_1118 = vector.broadcast %and3A_1117 : i32 to vector<16xi32>
        %and3A_1119 = arith.andi %bitcast3A_1111, %and3A_1118 : vector<16xi32>
        %bitcast3A_1120 = vector.bitcast %and3A_1119 : vector<16xi32> to vector<16xf32>
        %add3A_1121 = arith.addf %add3A_1049, %bitcast3A_1120 : vector<16xf32>
        %get3A_1122 = arith.constant 0 : i32
        %get3A_1123 = arith.constant 9 : i32
        %get3A_1124 = arith.index_cast %get3A_1122 : i32 to index
        %get3A_1125 = arith.index_cast %get3A_1123 : i32 to index
        %get3A_1126 = arith.index_cast %scan3A_382 : i32 to index
        %get3A_1127 = arith.constant 96 : index
        %get3A_1128 = tpu.vector_load %arg8[%get3A_1124, %get3A_1125, %get3A_1126, %get3A_1127] {strides = array<i32>} : memref<2x10x32x128xbf16, #tpu.memory_space<vmem>>, vector<32xbf16>,
        %bitcast3A_1129 = vector.bitcast %get3A_1128 : vector<32xbf16> to vector<16xi32>
        %shift_left3A_1130 = arith.constant 16 : i32
        %shift_left3A_1131 = vector.broadcast %shift_left3A_1130 : i32 to vector<16xi32>
        %shift_left3A_1132 = arith.shli %bitcast3A_1129, %shift_left3A_1131 : vector<16xi32>
        %bitcast3A_1133 = vector.bitcast %shift_left3A_1132 : vector<16xi32> to vector<16xf32>
        %add3A_1134 = arith.addf %add3A_1062, %bitcast3A_1133 : vector<16xf32>
        %and3A_1135 = arith.constant -65536 : i32
        %and3A_1136 = vector.broadcast %and3A_1135 : i32 to vector<16xi32>
        %and3A_1137 = arith.andi %bitcast3A_1129, %and3A_1136 : vector<16xi32>
        %bitcast3A_1138 = vector.bitcast %and3A_1137 : vector<16xi32> to vector<16xf32>
        %add3A_1139 = arith.addf %add3A_1067, %bitcast3A_1138 : vector<16xf32>
        %max3A = arith.constant 0.000000e+00 : f32
        %max3A_1140 = vector.broadcast %max3A : f32 to vector<16xf32>
        %max3A_1141 = arith.maximumf %add3A_1080, %max3A_1140 : vector<16xf32>
        %swap3A = arith.constant 0 : i32
        %swap3A_1142 = arith.index_cast %swap3A : i32 to index
        %swap3A_1143 = arith.index_cast %scan3A_382 : i32 to index
        %swap3A_1144 = arith.constant 0 : index
        %swap3A_1145 = tpu.vector_load %arg10[%swap3A_1142, %swap3A_1143, %swap3A_1144] {strides = array<i32>} : memref<2x32x128xf32, #tpu.memory_space<vmem>>, vector<16xf32>,
        tpu.vector_store %arg10[%swap3A_1142, %swap3A_1143, %swap3A_1144], %max3A_1141 {strides = array<i32>} : memref<2x32x128xf32, #tpu.memory_space<vmem>>, vector<16xf32>,
        %max3A_1146 = arith.constant 0.000000e+00 : f32
        %max3A_1147 = vector.broadcast %max3A_1146 : f32 to vector<16xf32>
        %max3A_1148 = arith.maximumf %add3A_1098, %max3A_1147 : vector<16xf32>
        %swap3A_1149 = arith.constant 0 : i32
        %swap3A_1150 = arith.index_cast %swap3A_1149 : i32 to index
        %swap3A_1151 = arith.index_cast %scan3A_382 : i32 to index
        %swap3A_1152 = arith.constant 16 : index
        %swap3A_1153 = tpu.vector_load %arg10[%swap3A_1150, %swap3A_1151, %swap3A_1152] {strides = array<i32>} : memref<2x32x128xf32, #tpu.memory_space<vmem>>, vector<16xf32>,
        tpu.vector_store %arg10[%swap3A_1150, %swap3A_1151, %swap3A_1152], %max3A_1148 {strides = array<i32>} : memref<2x32x128xf32, #tpu.memory_space<vmem>>, vector<16xf32>,
        %max3A_1154 = arith.constant 0.000000e+00 : f32
        %max3A_1155 = vector.broadcast %max3A_1154 : f32 to vector<16xf32>
        %max3A_1156 = arith.maximumf %add3A_1116, %max3A_1155 : vector<16xf32>
        %swap3A_1157 = arith.constant 0 : i32
        %swap3A_1158 = arith.index_cast %swap3A_1157 : i32 to index
        %swap3A_1159 = arith.index_cast %scan3A_382 : i32 to index
        %swap3A_1160 = arith.constant 32 : index
        %swap3A_1161 = tpu.vector_load %arg10[%swap3A_1158, %swap3A_1159, %swap3A_1160] {strides = array<i32>} : memref<2x32x128xf32, #tpu.memory_space<vmem>>, vector<16xf32>,
        tpu.vector_store %arg10[%swap3A_1158, %swap3A_1159, %swap3A_1160], %max3A_1156 {strides = array<i32>} : memref<2x32x128xf32, #tpu.memory_space<vmem>>, vector<16xf32>,
        %max3A_1162 = arith.constant 0.000000e+00 : f32
        %max3A_1163 = vector.broadcast %max3A_1162 : f32 to vector<16xf32>
        %max3A_1164 = arith.maximumf %add3A_1134, %max3A_1163 : vector<16xf32>
        %swap3A_1165 = arith.constant 0 : i32
        %swap3A_1166 = arith.index_cast %swap3A_1165 : i32 to index
        %swap3A_1167 = arith.index_cast %scan3A_382 : i32 to index
        %swap3A_1168 = arith.constant 48 : index
        %swap3A_1169 = tpu.vector_load %arg10[%swap3A_1166, %swap3A_1167, %swap3A_1168] {strides = array<i32>} : memref<2x32x128xf32, #tpu.memory_space<vmem>>, vector<16xf32>,
        tpu.vector_store %arg10[%swap3A_1166, %swap3A_1167, %swap3A_1168], %max3A_1164 {strides = array<i32>} : memref<2x32x128xf32, #tpu.memory_space<vmem>>, vector<16xf32>,
        %max3A_1170 = arith.constant 0.000000e+00 : f32
        %max3A_1171 = vector.broadcast %max3A_1170 : f32 to vector<16xf32>
        %max3A_1172 = arith.maximumf %add3A_1085, %max3A_1171 : vector<16xf32>
        %swap3A_1173 = arith.constant 0 : i32
        %swap3A_1174 = arith.index_cast %swap3A_1173 : i32 to index
        %swap3A_1175 = arith.index_cast %scan3A_382 : i32 to index
        %swap3A_1176 = arith.constant 64 : index
        %swap3A_1177 = tpu.vector_load %arg10[%swap3A_1174, %swap3A_1175, %swap3A_1176] {strides = array<i32>} : memref<2x32x128xf32, #tpu.memory_space<vmem>>, vector<16xf32>,
        tpu.vector_store %arg10[%swap3A_1174, %swap3A_1175, %swap3A_1176], %max3A_1172 {strides = array<i32>} : memref<2x32x128xf32, #tpu.memory_space<vmem>>, vector<16xf32>,
        %max3A_1178 = arith.constant 0.000000e+00 : f32
        %max3A_1179 = vector.broadcast %max3A_1178 : f32 to vector<16xf32>
        %max3A_1180 = arith.maximumf %add3A_1103, %max3A_1179 : vector<16xf32>
        %swap3A_1181 = arith.constant 0 : i32
        %swap3A_1182 = arith.index_cast %swap3A_1181 : i32 to index
        %swap3A_1183 = arith.index_cast %scan3A_382 : i32 to index
        %swap3A_1184 = arith.constant 80 : index
        %swap3A_1185 = tpu.vector_load %arg10[%swap3A_1182, %swap3A_1183, %swap3A_1184] {strides = array<i32>} : memref<2x32x128xf32, #tpu.memory_space<vmem>>, vector<16xf32>,
        tpu.vector_store %arg10[%swap3A_1182, %swap3A_1183, %swap3A_1184], %max3A_1180 {strides = array<i32>} : memref<2x32x128xf32, #tpu.memory_space<vmem>>, vector<16xf32>,
        %max3A_1186 = arith.constant 0.000000e+00 : f32
        %max3A_1187 = vector.broadcast %max3A_1186 : f32 to vector<16xf32>
        %max3A_1188 = arith.maximumf %add3A_1121, %max3A_1187 : vector<16xf32>
        %swap3A_1189 = arith.constant 0 : i32
        %swap3A_1190 = arith.index_cast %swap3A_1189 : i32 to index
        %swap3A_1191 = arith.index_cast %scan3A_382 : i32 to index
        %swap3A_1192 = arith.constant 96 : index
        %swap3A_1193 = tpu.vector_load %arg10[%swap3A_1190, %swap3A_1191, %swap3A_1192] {strides = array<i32>} : memref<2x32x128xf32, #tpu.memory_space<vmem>>, vector<16xf32>,
        tpu.vector_store %arg10[%swap3A_1190, %swap3A_1191, %swap3A_1192], %max3A_1188 {strides = array<i32>} : memref<2x32x128xf32, #tpu.memory_space<vmem>>, vector<16xf32>,
        %max3A_1194 = arith.constant 0.000000e+00 : f32
        %max3A_1195 = vector.broadcast %max3A_1194 : f32 to vector<16xf32>
        %max3A_1196 = arith.maximumf %add3A_1139, %max3A_1195 : vector<16xf32>
        %swap3A_1197 = arith.constant 0 : i32
        %swap3A_1198 = arith.index_cast %swap3A_1197 : i32 to index
        %swap3A_1199 = arith.index_cast %scan3A_382 : i32 to index
        %swap3A_1200 = arith.constant 112 : index
        %swap3A_1201 = tpu.vector_load %arg10[%swap3A_1198, %swap3A_1199, %swap3A_1200] {strides = array<i32>} : memref<2x32x128xf32, #tpu.memory_space<vmem>>, vector<16xf32>,
        tpu.vector_store %arg10[%swap3A_1198, %swap3A_1199, %swap3A_1200], %max3A_1196 {strides = array<i32>} : memref<2x32x128xf32, #tpu.memory_space<vmem>>, vector<16xf32>,
      }
      %scan3A_297 = arith.constant 32 : i32
      %lt3A_298 = arith.constant 3125 : i32
      %lt3A_299 = arith.cmpi slt, %add3A_254, %lt3A_298 : i32
      %convert_element_type3A_300 = arith.extui %lt3A_299 : i1 to i32
      %cond3A_301 = arith.constant 0 : i32
      %cond3A_302 = arith.cmpi ne, %convert_element_type3A_300, %cond3A_301 : i32
      scf.if %cond3A_302 {
        %mul3A_382 = arith.constant 32 : i32
        %mul3A_383 = arith.muli %add3A_254, %mul3A_382 : i32
        %dma_start3A_384 = arith.constant 0 : i32
        %dma_start3A_385 = arith.constant 0 : i32
        %dma_start3A_386 = arith.constant 0 : i32
        %dma_start3A_387 = tpu.memref_slice %arg10[%dma_start3A_384, %dma_start3A_385, %dma_start3A_386] : memref<2x32x128xf32, #tpu.memory_space<vmem>> -> memref<1x32x128xf32, #tpu.memory_space<vmem>>
        %dma_start3A_388 = tpu.memref_squeeze %dma_start3A_387 : memref<1x32x128xf32, #tpu.memory_space<vmem>> -> memref<32x128xf32, #tpu.memory_space<vmem>>
        %dma_start3A_389 = arith.constant 0 : i32
        %dma_start3A_390 = tpu.memref_slice %arg5[%mul3A_383, %dma_start3A_389] : memref<100000x128xf32, #tpu.memory_space<hbm>> -> memref<32x128xf32, #tpu.memory_space<hbm>>
        %dma_start3A_391 = arith.constant 0 : i32
        %dma_start3A_392 = tpu.memref_slice %arg5[%mul3A_383, %dma_start3A_391] : memref<100000x128xf32, #tpu.memory_space<hbm>> -> memref<32x128xf32, #tpu.memory_space<hbm>>
        %dma_start3A_393 = arith.constant 0 : i32
        %dma_start3A_394 = arith.constant 0 : i32
        %dma_start3A_395 = tpu.memref_slice %arg10[%dma_start3A_384, %dma_start3A_393, %dma_start3A_394] : memref<2x32x128xf32, #tpu.memory_space<vmem>> -> memref<1x32x128xf32, #tpu.memory_space<vmem>>
        %dma_start3A_396 = tpu.memref_squeeze %dma_start3A_395 : memref<1x32x128xf32, #tpu.memory_space<vmem>> -> memref<32x128xf32, #tpu.memory_space<vmem>>
        tpu.enqueue_dma source(%dma_start3A_396 : memref<32x128xf32, #tpu.memory_space<vmem>>) target(%dma_start3A_392 : memref<32x128xf32, #tpu.memory_space<hbm>>) target_semaphore(%arg17 : memref<!tpu.dma_semaphore, #tpu.memory_space<semaphore_mem>>)
      } else {
      }
      %add3A_303 = arith.constant 2 : i32
      %add3A_304 = arith.addi %add3A_253, %add3A_303 : i32
      %lt3A_305 = arith.constant 98 : i32
      %lt3A_306 = arith.cmpi slt, %add3A_304, %lt3A_305 : i32
      %add3A_307 = arith.constant 2 : i32
      %add3A_308 = arith.addi %add3A_254, %add3A_307 : i32
      %lt3A_309 = arith.constant 3125 : i32
      %lt3A_310 = arith.cmpi slt, %add3A_308, %lt3A_309 : i32
      %and3A_311 = arith.andi %lt3A_306, %lt3A_310 : i1
      %convert_element_type3A_312 = arith.extui %and3A_311 : i1 to i32
      %cond3A_313 = arith.constant 0 : i32
      %cond3A_314 = arith.cmpi ne, %convert_element_type3A_312, %cond3A_313 : i32
      scf.if %cond3A_314 {
        %add3A_382 = arith.constant 2 : i32
        %add3A_383 = arith.addi %add3A_254, %add3A_382 : i32
        %mul3A_384 = arith.constant 32 : i32
        %mul3A_385 = arith.muli %add3A_383, %mul3A_384 : i32
        %dma_start3A_386 = arith.constant 0 : i32
        %dma_start3A_387 = arith.constant 0 : i32
        %dma_start3A_388 = arith.constant 0 : i32
        %dma_start3A_389 = tpu.memref_slice %arg9[%dma_start3A_386, %dma_start3A_387, %dma_start3A_388] : memref<2x32x128xf32, #tpu.memory_space<vmem>> -> memref<1x32x128xf32, #tpu.memory_space<vmem>>
        %dma_start3A_390 = tpu.memref_squeeze %dma_start3A_389 : memref<1x32x128xf32, #tpu.memory_space<vmem>> -> memref<32x128xf32, #tpu.memory_space<vmem>>
        %dma_start3A_391 = arith.constant 0 : i32
        %dma_start3A_392 = tpu.memref_slice %arg4[%mul3A_385, %dma_start3A_391] : memref<100000x128xf32, #tpu.memory_space<hbm>> -> memref<32x128xf32, #tpu.memory_space<hbm>>
        %dma_start3A_393 = arith.constant 0 : i32
        %dma_start3A_394 = arith.constant 0 : i32
        %dma_start3A_395 = tpu.memref_slice %arg9[%dma_start3A_386, %dma_start3A_393, %dma_start3A_394] : memref<2x32x128xf32, #tpu.memory_space<vmem>> -> memref<1x32x128xf32, #tpu.memory_space<vmem>>
        %dma_start3A_396 = tpu.memref_squeeze %dma_start3A_395 : memref<1x32x128xf32, #tpu.memory_space<vmem>> -> memref<32x128xf32, #tpu.memory_space<vmem>>
        %dma_start3A_397 = arith.constant 0 : i32
        %dma_start3A_398 = tpu.memref_slice %arg4[%mul3A_385, %dma_start3A_397] : memref<100000x128xf32, #tpu.memory_space<hbm>> -> memref<32x128xf32, #tpu.memory_space<hbm>>
        tpu.enqueue_dma source(%dma_start3A_398 : memref<32x128xf32, #tpu.memory_space<hbm>>) target(%dma_start3A_396 : memref<32x128xf32, #tpu.memory_space<vmem>>) target_semaphore(%arg13 : memref<!tpu.dma_semaphore, #tpu.memory_space<semaphore_mem>>)
      } else {
      }
      %mul3A_315 = arith.constant 2 : i32
      %mul3A_316 = arith.muli %mul3A_315, %scan3A_249 : i32
      %add3A_317 = arith.constant 1 : i32
      %add3A_318 = arith.addi %mul3A_316, %add3A_317 : i32
      %add3A_319 = arith.addi %mul3A_2, %add3A_318 : i32
      %add3A_320 = arith.constant 1 : i32
      %add3A_321 = arith.addi %add3A_318, %add3A_320 : i32
      %lt3A_322 = arith.constant 98 : i32
      %lt3A_323 = arith.cmpi slt, %add3A_321, %lt3A_322 : i32
      %add3A_324 = arith.constant 1 : i32
      %add3A_325 = arith.addi %add3A_319, %add3A_324 : i32
      %lt3A_326 = arith.constant 3125 : i32
      %lt3A_327 = arith.cmpi slt, %add3A_325, %lt3A_326 : i32
      %and3A_328 = arith.andi %lt3A_323, %lt3A_327 : i1
      %convert_element_type3A_329 = arith.extui %and3A_328 : i1 to i32
      %cond3A_330 = arith.constant 0 : i32
      %cond3A_331 = arith.cmpi ne, %convert_element_type3A_329, %cond3A_330 : i32
      scf.if %cond3A_331 {
        %add3A_382 = arith.constant 1 : i32
        %add3A_383 = arith.addi %add3A_319, %add3A_382 : i32
        %dma_wait3A_384 = arith.constant 0 : i32
        %dma_wait3A_385 = arith.constant 0 : i32
        %dma_wait3A_386 = arith.constant 0 : i32
        %dma_wait3A_387 = tpu.memref_slice %arg7[%dma_wait3A_384, %dma_wait3A_385, %dma_wait3A_386] : memref<2x10x32xi32, #tpu.memory_space<vmem>> -> memref<1x10x32xi32, #tpu.memory_space<vmem>>
        %dma_wait3A_388 = tpu.memref_squeeze %dma_wait3A_387 : memref<1x10x32xi32, #tpu.memory_space<vmem>> -> memref<10x32xi32, #tpu.memory_space<vmem>>
        %dma_wait3A_389 = arith.constant 0 : i32
        %dma_wait3A_390 = arith.constant 0 : i32
        %dma_wait3A_391 = tpu.memref_slice %arg3[%add3A_383, %dma_wait3A_389, %dma_wait3A_390] : memref<3125x10x32xi32, #tpu.memory_space<hbm>> -> memref<1x10x32xi32, #tpu.memory_space<hbm>>
        %dma_wait3A_392 = tpu.memref_squeeze %dma_wait3A_391 : memref<1x10x32xi32, #tpu.memory_space<hbm>> -> memref<10x32xi32, #tpu.memory_space<hbm>>
        %dma_wait3A_393 = arith.constant 0 : i32
        %dma_wait3A_394 = arith.constant 0 : i32
        %dma_wait3A_395 = tpu.memref_slice %arg7[%dma_wait3A_384, %dma_wait3A_393, %dma_wait3A_394] : memref<2x10x32xi32, #tpu.memory_space<vmem>> -> memref<1x10x32xi32, #tpu.memory_space<vmem>>
        %dma_wait3A_396 = tpu.memref_squeeze %dma_wait3A_395 : memref<1x10x32xi32, #tpu.memory_space<vmem>> -> memref<10x32xi32, #tpu.memory_space<vmem>>
        %dma_wait3A_397 = arith.constant 0 : i32
        %dma_wait3A_398 = arith.constant 0 : i32
        %dma_wait3A_399 = tpu.memref_slice %arg3[%add3A_383, %dma_wait3A_397, %dma_wait3A_398] : memref<3125x10x32xi32, #tpu.memory_space<hbm>> -> memref<1x10x32xi32, #tpu.memory_space<hbm>>
        %dma_wait3A_400 = tpu.memref_squeeze %dma_wait3A_399 : memref<1x10x32xi32, #tpu.memory_space<hbm>> -> memref<10x32xi32, #tpu.memory_space<hbm>>
        tpu.wait_dma2 semaphore(%arg11 : memref<!tpu.dma_semaphore, #tpu.memory_space<semaphore_mem>>) src(%dma_wait3A_400 : memref<10x32xi32, #tpu.memory_space<hbm>>) dst(%dma_wait3A_396 : memref<10x32xi32, #tpu.memory_space<vmem>>)
        %dma_start3A_401 = arith.constant 0 : i32
        %dma_start3A_402 = arith.constant 0 : i32
        %dma_start3A_403 = arith.constant 0 : i32
        %dma_start3A_404 = arith.constant 0 : i32
        %dma_start3A_405 = arith.constant 0 : i32
        %dma_start3A_406 = arith.constant 0 : i32
        %dma_start3A_407 = tpu.memref_slice %arg8[%dma_start3A_403, %dma_start3A_404, %dma_start3A_405, %dma_start3A_406] : memref<2x10x32x128xbf16, #tpu.memory_space<vmem>> -> memref<1x1x32x128xbf16, #tpu.memory_space<vmem>>
        %dma_start3A_408 = tpu.memref_squeeze %dma_start3A_407 : memref<1x1x32x128xbf16, #tpu.memory_space<vmem>> -> memref<32x128xbf16, #tpu.memory_space<vmem>>
        %dma_start3A_409 = arith.constant 0 : i32
        %dma_start3A_410 = tpu.memref_slice %arg7[%dma_start3A_401, %dma_start3A_402, %dma_start3A_409] : memref<2x10x32xi32, #tpu.memory_space<vmem>> -> memref<1x1x32xi32, #tpu.memory_space<vmem>>
        %dma_start3A_411 = tpu.memref_squeeze %dma_start3A_410 : memref<1x1x32xi32, #tpu.memory_space<vmem>> -> memref<32xi32, #tpu.memory_space<vmem>>
        %dma_start3A_412 = arith.constant 0 : i32
        %dma_start3A_413 = arith.constant 0 : i32
        %dma_start3A_414 = tpu.memref_slice %arg6[%dma_start3A_412, %dma_start3A_413] : memref<10000x128xbf16, #tpu.memory_space<vmem_shared>> -> memref<10000x128xbf16, #tpu.memory_space<vmem_shared>>
        tpu.enqueue_indirect_dma source(%dma_start3A_414 : memref<10000x128xbf16, #tpu.memory_space<vmem_shared>>) target(%dma_start3A_408 : memref<32x128xbf16, #tpu.memory_space<vmem>>) offsets(%dma_start3A_411 : memref<32xi32, #tpu.memory_space<vmem>>) semaphore(%arg15 : memref<!tpu.dma_semaphore, #tpu.memory_space<semaphore_mem>>)
        %dma_start3A_415 = arith.constant 0 : i32
        %dma_start3A_416 = arith.constant 1 : i32
        %dma_start3A_417 = arith.constant 0 : i32
        %dma_start3A_418 = arith.constant 1 : i32
        %dma_start3A_419 = arith.constant 0 : i32
        %dma_start3A_420 = arith.constant 0 : i32
        %dma_start3A_421 = tpu.memref_slice %arg8[%dma_start3A_417, %dma_start3A_418, %dma_start3A_419, %dma_start3A_420] : memref<2x10x32x128xbf16, #tpu.memory_space<vmem>> -> memref<1x1x32x128xbf16, #tpu.memory_space<vmem>>
        %dma_start3A_422 = tpu.memref_squeeze %dma_start3A_421 : memref<1x1x32x128xbf16, #tpu.memory_space<vmem>> -> memref<32x128xbf16, #tpu.memory_space<vmem>>
        %dma_start3A_423 = arith.constant 0 : i32
        %dma_start3A_424 = tpu.memref_slice %arg7[%dma_start3A_415, %dma_start3A_416, %dma_start3A_423] : memref<2x10x32xi32, #tpu.memory_space<vmem>> -> memref<1x1x32xi32, #tpu.memory_space<vmem>>
        %dma_start3A_425 = tpu.memref_squeeze %dma_start3A_424 : memref<1x1x32xi32, #tpu.memory_space<vmem>> -> memref<32xi32, #tpu.memory_space<vmem>>
        %dma_start3A_426 = arith.constant 0 : i32
        %dma_start3A_427 = arith.constant 0 : i32
        %dma_start3A_428 = tpu.memref_slice %arg6[%dma_start3A_426, %dma_start3A_427] : memref<10000x128xbf16, #tpu.memory_space<vmem_shared>> -> memref<10000x128xbf16, #tpu.memory_space<vmem_shared>>
        tpu.enqueue_indirect_dma source(%dma_start3A_428 : memref<10000x128xbf16, #tpu.memory_space<vmem_shared>>) target(%dma_start3A_422 : memref<32x128xbf16, #tpu.memory_space<vmem>>) offsets(%dma_start3A_425 : memref<32xi32, #tpu.memory_space<vmem>>) semaphore(%arg15 : memref<!tpu.dma_semaphore, #tpu.memory_space<semaphore_mem>>)
        %dma_start3A_429 = arith.constant 0 : i32
        %dma_start3A_430 = arith.constant 2 : i32
        %dma_start3A_431 = arith.constant 0 : i32
        %dma_start3A_432 = arith.constant 2 : i32
        %dma_start3A_433 = arith.constant 0 : i32
        %dma_start3A_434 = arith.constant 0 : i32
        %dma_start3A_435 = tpu.memref_slice %arg8[%dma_start3A_431, %dma_start3A_432, %dma_start3A_433, %dma_start3A_434] : memref<2x10x32x128xbf16, #tpu.memory_space<vmem>> -> memref<1x1x32x128xbf16, #tpu.memory_space<vmem>>
        %dma_start3A_436 = tpu.memref_squeeze %dma_start3A_435 : memref<1x1x32x128xbf16, #tpu.memory_space<vmem>> -> memref<32x128xbf16, #tpu.memory_space<vmem>>
        %dma_start3A_437 = arith.constant 0 : i32
        %dma_start3A_438 = tpu.memref_slice %arg7[%dma_start3A_429, %dma_start3A_430, %dma_start3A_437] : memref<2x10x32xi32, #tpu.memory_space<vmem>> -> memref<1x1x32xi32, #tpu.memory_space<vmem>>
        %dma_start3A_439 = tpu.memref_squeeze %dma_start3A_438 : memref<1x1x32xi32, #tpu.memory_space<vmem>> -> memref<32xi32, #tpu.memory_space<vmem>>
        %dma_start3A_440 = arith.constant 0 : i32
        %dma_start3A_441 = arith.constant 0 : i32
        %dma_start3A_442 = tpu.memref_slice %arg6[%dma_start3A_440, %dma_start3A_441] : memref<10000x128xbf16, #tpu.memory_space<vmem_shared>> -> memref<10000x128xbf16, #tpu.memory_space<vmem_shared>>
        tpu.enqueue_indirect_dma source(%dma_start3A_442 : memref<10000x128xbf16, #tpu.memory_space<vmem_shared>>) target(%dma_start3A_436 : memref<32x128xbf16, #tpu.memory_space<vmem>>) offsets(%dma_start3A_439 : memref<32xi32, #tpu.memory_space<vmem>>) semaphore(%arg15 : memref<!tpu.dma_semaphore, #tpu.memory_space<semaphore_mem>>)
        %dma_start3A_443 = arith.constant 0 : i32
        %dma_start3A_444 = arith.constant 3 : i32
        %dma_start3A_445 = arith.constant 0 : i32
        %dma_start3A_446 = arith.constant 3 : i32
        %dma_start3A_447 = arith.constant 0 : i32
        %dma_start3A_448 = arith.constant 0 : i32
        %dma_start3A_449 = tpu.memref_slice %arg8[%dma_start3A_445, %dma_start3A_446, %dma_start3A_447, %dma_start3A_448] : memref<2x10x32x128xbf16, #tpu.memory_space<vmem>> -> memref<1x1x32x128xbf16, #tpu.memory_space<vmem>>
        %dma_start3A_450 = tpu.memref_squeeze %dma_start3A_449 : memref<1x1x32x128xbf16, #tpu.memory_space<vmem>> -> memref<32x128xbf16, #tpu.memory_space<vmem>>
        %dma_start3A_451 = arith.constant 0 : i32
        %dma_start3A_452 = tpu.memref_slice %arg7[%dma_start3A_443, %dma_start3A_444, %dma_start3A_451] : memref<2x10x32xi32, #tpu.memory_space<vmem>> -> memref<1x1x32xi32, #tpu.memory_space<vmem>>
        %dma_start3A_453 = tpu.memref_squeeze %dma_start3A_452 : memref<1x1x32xi32, #tpu.memory_space<vmem>> -> memref<32xi32, #tpu.memory_space<vmem>>
        %dma_start3A_454 = arith.constant 0 : i32
        %dma_start3A_455 = arith.constant 0 : i32
        %dma_start3A_456 = tpu.memref_slice %arg6[%dma_start3A_454, %dma_start3A_455] : memref<10000x128xbf16, #tpu.memory_space<vmem_shared>> -> memref<10000x128xbf16, #tpu.memory_space<vmem_shared>>
        tpu.enqueue_indirect_dma source(%dma_start3A_456 : memref<10000x128xbf16, #tpu.memory_space<vmem_shared>>) target(%dma_start3A_450 : memref<32x128xbf16, #tpu.memory_space<vmem>>) offsets(%dma_start3A_453 : memref<32xi32, #tpu.memory_space<vmem>>) semaphore(%arg15 : memref<!tpu.dma_semaphore, #tpu.memory_space<semaphore_mem>>)
        %dma_start3A_457 = arith.constant 0 : i32
        %dma_start3A_458 = arith.constant 4 : i32
        %dma_start3A_459 = arith.constant 0 : i32
        %dma_start3A_460 = arith.constant 4 : i32
        %dma_start3A_461 = arith.constant 0 : i32
        %dma_start3A_462 = arith.constant 0 : i32
        %dma_start3A_463 = tpu.memref_slice %arg8[%dma_start3A_459, %dma_start3A_460, %dma_start3A_461, %dma_start3A_462] : memref<2x10x32x128xbf16, #tpu.memory_space<vmem>> -> memref<1x1x32x128xbf16, #tpu.memory_space<vmem>>
        %dma_start3A_464 = tpu.memref_squeeze %dma_start3A_463 : memref<1x1x32x128xbf16, #tpu.memory_space<vmem>> -> memref<32x128xbf16, #tpu.memory_space<vmem>>
        %dma_start3A_465 = arith.constant 0 : i32
        %dma_start3A_466 = tpu.memref_slice %arg7[%dma_start3A_457, %dma_start3A_458, %dma_start3A_465] : memref<2x10x32xi32, #tpu.memory_space<vmem>> -> memref<1x1x32xi32, #tpu.memory_space<vmem>>
        %dma_start3A_467 = tpu.memref_squeeze %dma_start3A_466 : memref<1x1x32xi32, #tpu.memory_space<vmem>> -> memref<32xi32, #tpu.memory_space<vmem>>
        %dma_start3A_468 = arith.constant 0 : i32
        %dma_start3A_469 = arith.constant 0 : i32
        %dma_start3A_470 = tpu.memref_slice %arg6[%dma_start3A_468, %dma_start3A_469] : memref<10000x128xbf16, #tpu.memory_space<vmem_shared>> -> memref<10000x128xbf16, #tpu.memory_space<vmem_shared>>
        tpu.enqueue_indirect_dma source(%dma_start3A_470 : memref<10000x128xbf16, #tpu.memory_space<vmem_shared>>) target(%dma_start3A_464 : memref<32x128xbf16, #tpu.memory_space<vmem>>) offsets(%dma_start3A_467 : memref<32xi32, #tpu.memory_space<vmem>>) semaphore(%arg15 : memref<!tpu.dma_semaphore, #tpu.memory_space<semaphore_mem>>)
        %dma_start3A_471 = arith.constant 0 : i32
        %dma_start3A_472 = arith.constant 5 : i32
        %dma_start3A_473 = arith.constant 0 : i32
        %dma_start3A_474 = arith.constant 5 : i32
        %dma_start3A_475 = arith.constant 0 : i32
        %dma_start3A_476 = arith.constant 0 : i32
        %dma_start3A_477 = tpu.memref_slice %arg8[%dma_start3A_473, %dma_start3A_474, %dma_start3A_475, %dma_start3A_476] : memref<2x10x32x128xbf16, #tpu.memory_space<vmem>> -> memref<1x1x32x128xbf16, #tpu.memory_space<vmem>>
        %dma_start3A_478 = tpu.memref_squeeze %dma_start3A_477 : memref<1x1x32x128xbf16, #tpu.memory_space<vmem>> -> memref<32x128xbf16, #tpu.memory_space<vmem>>
        %dma_start3A_479 = arith.constant 0 : i32
        %dma_start3A_480 = tpu.memref_slice %arg7[%dma_start3A_471, %dma_start3A_472, %dma_start3A_479] : memref<2x10x32xi32, #tpu.memory_space<vmem>> -> memref<1x1x32xi32, #tpu.memory_space<vmem>>
        %dma_start3A_481 = tpu.memref_squeeze %dma_start3A_480 : memref<1x1x32xi32, #tpu.memory_space<vmem>> -> memref<32xi32, #tpu.memory_space<vmem>>
        %dma_start3A_482 = arith.constant 0 : i32
        %dma_start3A_483 = arith.constant 0 : i32
        %dma_start3A_484 = tpu.memref_slice %arg6[%dma_start3A_482, %dma_start3A_483] : memref<10000x128xbf16, #tpu.memory_space<vmem_shared>> -> memref<10000x128xbf16, #tpu.memory_space<vmem_shared>>
        tpu.enqueue_indirect_dma source(%dma_start3A_484 : memref<10000x128xbf16, #tpu.memory_space<vmem_shared>>) target(%dma_start3A_478 : memref<32x128xbf16, #tpu.memory_space<vmem>>) offsets(%dma_start3A_481 : memref<32xi32, #tpu.memory_space<vmem>>) semaphore(%arg15 : memref<!tpu.dma_semaphore, #tpu.memory_space<semaphore_mem>>)
        %dma_start3A_485 = arith.constant 0 : i32
        %dma_start3A_486 = arith.constant 6 : i32
        %dma_start3A_487 = arith.constant 0 : i32
        %dma_start3A_488 = arith.constant 6 : i32
        %dma_start3A_489 = arith.constant 0 : i32
        %dma_start3A_490 = arith.constant 0 : i32
        %dma_start3A_491 = tpu.memref_slice %arg8[%dma_start3A_487, %dma_start3A_488, %dma_start3A_489, %dma_start3A_490] : memref<2x10x32x128xbf16, #tpu.memory_space<vmem>> -> memref<1x1x32x128xbf16, #tpu.memory_space<vmem>>
        %dma_start3A_492 = tpu.memref_squeeze %dma_start3A_491 : memref<1x1x32x128xbf16, #tpu.memory_space<vmem>> -> memref<32x128xbf16, #tpu.memory_space<vmem>>
        %dma_start3A_493 = arith.constant 0 : i32
        %dma_start3A_494 = tpu.memref_slice %arg7[%dma_start3A_485, %dma_start3A_486, %dma_start3A_493] : memref<2x10x32xi32, #tpu.memory_space<vmem>> -> memref<1x1x32xi32, #tpu.memory_space<vmem>>
        %dma_start3A_495 = tpu.memref_squeeze %dma_start3A_494 : memref<1x1x32xi32, #tpu.memory_space<vmem>> -> memref<32xi32, #tpu.memory_space<vmem>>
        %dma_start3A_496 = arith.constant 0 : i32
        %dma_start3A_497 = arith.constant 0 : i32
        %dma_start3A_498 = tpu.memref_slice %arg6[%dma_start3A_496, %dma_start3A_497] : memref<10000x128xbf16, #tpu.memory_space<vmem_shared>> -> memref<10000x128xbf16, #tpu.memory_space<vmem_shared>>
        tpu.enqueue_indirect_dma source(%dma_start3A_498 : memref<10000x128xbf16, #tpu.memory_space<vmem_shared>>) target(%dma_start3A_492 : memref<32x128xbf16, #tpu.memory_space<vmem>>) offsets(%dma_start3A_495 : memref<32xi32, #tpu.memory_space<vmem>>) semaphore(%arg15 : memref<!tpu.dma_semaphore, #tpu.memory_space<semaphore_mem>>)
        %dma_start3A_499 = arith.constant 0 : i32
        %dma_start3A_500 = arith.constant 7 : i32
        %dma_start3A_501 = arith.constant 0 : i32
        %dma_start3A_502 = arith.constant 7 : i32
        %dma_start3A_503 = arith.constant 0 : i32
        %dma_start3A_504 = arith.constant 0 : i32
        %dma_start3A_505 = tpu.memref_slice %arg8[%dma_start3A_501, %dma_start3A_502, %dma_start3A_503, %dma_start3A_504] : memref<2x10x32x128xbf16, #tpu.memory_space<vmem>> -> memref<1x1x32x128xbf16, #tpu.memory_space<vmem>>
        %dma_start3A_506 = tpu.memref_squeeze %dma_start3A_505 : memref<1x1x32x128xbf16, #tpu.memory_space<vmem>> -> memref<32x128xbf16, #tpu.memory_space<vmem>>
        %dma_start3A_507 = arith.constant 0 : i32
        %dma_start3A_508 = tpu.memref_slice %arg7[%dma_start3A_499, %dma_start3A_500, %dma_start3A_507] : memref<2x10x32xi32, #tpu.memory_space<vmem>> -> memref<1x1x32xi32, #tpu.memory_space<vmem>>
        %dma_start3A_509 = tpu.memref_squeeze %dma_start3A_508 : memref<1x1x32xi32, #tpu.memory_space<vmem>> -> memref<32xi32, #tpu.memory_space<vmem>>
        %dma_start3A_510 = arith.constant 0 : i32
        %dma_start3A_511 = arith.constant 0 : i32
        %dma_start3A_512 = tpu.memref_slice %arg6[%dma_start3A_510, %dma_start3A_511] : memref<10000x128xbf16, #tpu.memory_space<vmem_shared>> -> memref<10000x128xbf16, #tpu.memory_space<vmem_shared>>
        tpu.enqueue_indirect_dma source(%dma_start3A_512 : memref<10000x128xbf16, #tpu.memory_space<vmem_shared>>) target(%dma_start3A_506 : memref<32x128xbf16, #tpu.memory_space<vmem>>) offsets(%dma_start3A_509 : memref<32xi32, #tpu.memory_space<vmem>>) semaphore(%arg15 : memref<!tpu.dma_semaphore, #tpu.memory_space<semaphore_mem>>)
        %dma_start3A_513 = arith.constant 0 : i32
        %dma_start3A_514 = arith.constant 8 : i32
        %dma_start3A_515 = arith.constant 0 : i32
        %dma_start3A_516 = arith.constant 8 : i32
        %dma_start3A_517 = arith.constant 0 : i32
        %dma_start3A_518 = arith.constant 0 : i32
        %dma_start3A_519 = tpu.memref_slice %arg8[%dma_start3A_515, %dma_start3A_516, %dma_start3A_517, %dma_start3A_518] : memref<2x10x32x128xbf16, #tpu.memory_space<vmem>> -> memref<1x1x32x128xbf16, #tpu.memory_space<vmem>>
        %dma_start3A_520 = tpu.memref_squeeze %dma_start3A_519 : memref<1x1x32x128xbf16, #tpu.memory_space<vmem>> -> memref<32x128xbf16, #tpu.memory_space<vmem>>
        %dma_start3A_521 = arith.constant 0 : i32
        %dma_start3A_522 = tpu.memref_slice %arg7[%dma_start3A_513, %dma_start3A_514, %dma_start3A_521] : memref<2x10x32xi32, #tpu.memory_space<vmem>> -> memref<1x1x32xi32, #tpu.memory_space<vmem>>
        %dma_start3A_523 = tpu.memref_squeeze %dma_start3A_522 : memref<1x1x32xi32, #tpu.memory_space<vmem>> -> memref<32xi32, #tpu.memory_space<vmem>>
        %dma_start3A_524 = arith.constant 0 : i32
        %dma_start3A_525 = arith.constant 0 : i32
        %dma_start3A_526 = tpu.memref_slice %arg6[%dma_start3A_524, %dma_start3A_525] : memref<10000x128xbf16, #tpu.memory_space<vmem_shared>> -> memref<10000x128xbf16, #tpu.memory_space<vmem_shared>>
        tpu.enqueue_indirect_dma source(%dma_start3A_526 : memref<10000x128xbf16, #tpu.memory_space<vmem_shared>>) target(%dma_start3A_520 : memref<32x128xbf16, #tpu.memory_space<vmem>>) offsets(%dma_start3A_523 : memref<32xi32, #tpu.memory_space<vmem>>) semaphore(%arg15 : memref<!tpu.dma_semaphore, #tpu.memory_space<semaphore_mem>>)
        %dma_start3A_527 = arith.constant 0 : i32
        %dma_start3A_528 = arith.constant 9 : i32
        %dma_start3A_529 = arith.constant 0 : i32
        %dma_start3A_530 = arith.constant 9 : i32
        %dma_start3A_531 = arith.constant 0 : i32
        %dma_start3A_532 = arith.constant 0 : i32
        %dma_start3A_533 = tpu.memref_slice %arg8[%dma_start3A_529, %dma_start3A_530, %dma_start3A_531, %dma_start3A_532] : memref<2x10x32x128xbf16, #tpu.memory_space<vmem>> -> memref<1x1x32x128xbf16, #tpu.memory_space<vmem>>
        %dma_start3A_534 = tpu.memref_squeeze %dma_start3A_533 : memref<1x1x32x128xbf16, #tpu.memory_space<vmem>> -> memref<32x128xbf16, #tpu.memory_space<vmem>>
        %dma_start3A_535 = arith.constant 0 : i32
        %dma_start3A_536 = tpu.memref_slice %arg7[%dma_start3A_527, %dma_start3A_528, %dma_start3A_535] : memref<2x10x32xi32, #tpu.memory_space<vmem>> -> memref<1x1x32xi32, #tpu.memory_space<vmem>>
        %dma_start3A_537 = tpu.memref_squeeze %dma_start3A_536 : memref<1x1x32xi32, #tpu.memory_space<vmem>> -> memref<32xi32, #tpu.memory_space<vmem>>
        %dma_start3A_538 = arith.constant 0 : i32
        %dma_start3A_539 = arith.constant 0 : i32
        %dma_start3A_540 = tpu.memref_slice %arg6[%dma_start3A_538, %dma_start3A_539] : memref<10000x128xbf16, #tpu.memory_space<vmem_shared>> -> memref<10000x128xbf16, #tpu.memory_space<vmem_shared>>
        tpu.enqueue_indirect_dma source(%dma_start3A_540 : memref<10000x128xbf16, #tpu.memory_space<vmem_shared>>) target(%dma_start3A_534 : memref<32x128xbf16, #tpu.memory_space<vmem>>) offsets(%dma_start3A_537 : memref<32xi32, #tpu.memory_space<vmem>>) semaphore(%arg15 : memref<!tpu.dma_semaphore, #tpu.memory_space<semaphore_mem>>)
      } else {
      }
      %lt3A_332 = arith.constant 3125 : i32
      %lt3A_333 = arith.cmpi slt, %add3A_319, %lt3A_332 : i32
      %convert_element_type3A_334 = arith.extui %lt3A_333 : i1 to i32
      %cond3A_335 = arith.constant 0 : i32
      %cond3A_336 = arith.cmpi ne, %convert_element_type3A_334, %cond3A_335 : i32
      scf.if %cond3A_336 {
        %mul3A_382 = arith.constant 32 : i32
        %mul3A_383 = arith.muli %add3A_319, %mul3A_382 : i32
        %dma_wait3A_384 = arith.constant 1 : i32
        %dma_wait3A_385 = arith.constant 0 : i32
        %dma_wait3A_386 = arith.constant 0 : i32
        %dma_wait3A_387 = tpu.memref_slice %arg9[%dma_wait3A_384, %dma_wait3A_385, %dma_wait3A_386] : memref<2x32x128xf32, #tpu.memory_space<vmem>> -> memref<1x32x128xf32, #tpu.memory_space<vmem>>
        %dma_wait3A_388 = tpu.memref_squeeze %dma_wait3A_387 : memref<1x32x128xf32, #tpu.memory_space<vmem>> -> memref<32x128xf32, #tpu.memory_space<vmem>>
        %dma_wait3A_389 = arith.constant 0 : i32
        %dma_wait3A_390 = tpu.memref_slice %arg4[%mul3A_383, %dma_wait3A_389] : memref<100000x128xf32, #tpu.memory_space<hbm>> -> memref<32x128xf32, #tpu.memory_space<hbm>>
        %dma_wait3A_391 = arith.constant 0 : i32
        %dma_wait3A_392 = arith.constant 0 : i32
        %dma_wait3A_393 = tpu.memref_slice %arg9[%dma_wait3A_384, %dma_wait3A_391, %dma_wait3A_392] : memref<2x32x128xf32, #tpu.memory_space<vmem>> -> memref<1x32x128xf32, #tpu.memory_space<vmem>>
        %dma_wait3A_394 = tpu.memref_squeeze %dma_wait3A_393 : memref<1x32x128xf32, #tpu.memory_space<vmem>> -> memref<32x128xf32, #tpu.memory_space<vmem>>
        %dma_wait3A_395 = arith.constant 0 : i32
        %dma_wait3A_396 = tpu.memref_slice %arg4[%mul3A_383, %dma_wait3A_395] : memref<100000x128xf32, #tpu.memory_space<hbm>> -> memref<32x128xf32, #tpu.memory_space<hbm>>
        tpu.wait_dma2 semaphore(%arg14 : memref<!tpu.dma_semaphore, #tpu.memory_space<semaphore_mem>>) src(%dma_wait3A_396 : memref<32x128xf32, #tpu.memory_space<hbm>>) dst(%dma_wait3A_394 : memref<32x128xf32, #tpu.memory_space<vmem>>)
        %dma_wait3A_397 = arith.constant 1 : i32
        %dma_wait3A_398 = arith.constant 0 : i32
        %dma_wait3A_399 = arith.constant 1 : i32
        %dma_wait3A_400 = arith.constant 0 : i32
        %dma_wait3A_401 = arith.constant 0 : i32
        %dma_wait3A_402 = arith.constant 0 : i32
        %dma_wait3A_403 = tpu.memref_slice %arg8[%dma_wait3A_399, %dma_wait3A_400, %dma_wait3A_401, %dma_wait3A_402] : memref<2x10x32x128xbf16, #tpu.memory_space<vmem>> -> memref<1x1x32x128xbf16, #tpu.memory_space<vmem>>
        %dma_wait3A_404 = tpu.memref_squeeze %dma_wait3A_403 : memref<1x1x32x128xbf16, #tpu.memory_space<vmem>> -> memref<32x128xbf16, #tpu.memory_space<vmem>>
        %dma_wait3A_405 = arith.constant 0 : i32
        %dma_wait3A_406 = tpu.memref_slice %arg7[%dma_wait3A_397, %dma_wait3A_398, %dma_wait3A_405] : memref<2x10x32xi32, #tpu.memory_space<vmem>> -> memref<1x1x32xi32, #tpu.memory_space<vmem>>
        %dma_wait3A_407 = tpu.memref_squeeze %dma_wait3A_406 : memref<1x1x32xi32, #tpu.memory_space<vmem>> -> memref<32xi32, #tpu.memory_space<vmem>>
        %dma_wait3A_408 = arith.constant 0 : i32
        %dma_wait3A_409 = arith.constant 0 : i32
        %dma_wait3A_410 = tpu.memref_slice %arg6[%dma_wait3A_408, %dma_wait3A_409] : memref<10000x128xbf16, #tpu.memory_space<vmem_shared>> -> memref<10000x128xbf16, #tpu.memory_space<vmem_shared>>
        tpu.wait_indirect_dma semaphore(%arg16 : memref<!tpu.dma_semaphore, #tpu.memory_space<semaphore_mem>>) src(%dma_wait3A_410 : memref<10000x128xbf16, #tpu.memory_space<vmem_shared>>) dst(%dma_wait3A_404 : memref<32x128xbf16, #tpu.memory_space<vmem>>)
        %dma_wait3A_411 = arith.constant 1 : i32
        %dma_wait3A_412 = arith.constant 1 : i32
        %dma_wait3A_413 = arith.constant 1 : i32
        %dma_wait3A_414 = arith.constant 1 : i32
        %dma_wait3A_415 = arith.constant 0 : i32
        %dma_wait3A_416 = arith.constant 0 : i32
        %dma_wait3A_417 = tpu.memref_slice %arg8[%dma_wait3A_413, %dma_wait3A_414, %dma_wait3A_415, %dma_wait3A_416] : memref<2x10x32x128xbf16, #tpu.memory_space<vmem>> -> memref<1x1x32x128xbf16, #tpu.memory_space<vmem>>
        %dma_wait3A_418 = tpu.memref_squeeze %dma_wait3A_417 : memref<1x1x32x128xbf16, #tpu.memory_space<vmem>> -> memref<32x128xbf16, #tpu.memory_space<vmem>>
        %dma_wait3A_419 = arith.constant 0 : i32
        %dma_wait3A_420 = tpu.memref_slice %arg7[%dma_wait3A_411, %dma_wait3A_412, %dma_wait3A_419] : memref<2x10x32xi32, #tpu.memory_space<vmem>> -> memref<1x1x32xi32, #tpu.memory_space<vmem>>
        %dma_wait3A_421 = tpu.memref_squeeze %dma_wait3A_420 : memref<1x1x32xi32, #tpu.memory_space<vmem>> -> memref<32xi32, #tpu.memory_space<vmem>>
        %dma_wait3A_422 = arith.constant 0 : i32
        %dma_wait3A_423 = arith.constant 0 : i32
        %dma_wait3A_424 = tpu.memref_slice %arg6[%dma_wait3A_422, %dma_wait3A_423] : memref<10000x128xbf16, #tpu.memory_space<vmem_shared>> -> memref<10000x128xbf16, #tpu.memory_space<vmem_shared>>
        tpu.wait_indirect_dma semaphore(%arg16 : memref<!tpu.dma_semaphore, #tpu.memory_space<semaphore_mem>>) src(%dma_wait3A_424 : memref<10000x128xbf16, #tpu.memory_space<vmem_shared>>) dst(%dma_wait3A_418 : memref<32x128xbf16, #tpu.memory_space<vmem>>)
        %dma_wait3A_425 = arith.constant 1 : i32
        %dma_wait3A_426 = arith.constant 2 : i32
        %dma_wait3A_427 = arith.constant 1 : i32
        %dma_wait3A_428 = arith.constant 2 : i32
        %dma_wait3A_429 = arith.constant 0 : i32
        %dma_wait3A_430 = arith.constant 0 : i32
        %dma_wait3A_431 = tpu.memref_slice %arg8[%dma_wait3A_427, %dma_wait3A_428, %dma_wait3A_429, %dma_wait3A_430] : memref<2x10x32x128xbf16, #tpu.memory_space<vmem>> -> memref<1x1x32x128xbf16, #tpu.memory_space<vmem>>
        %dma_wait3A_432 = tpu.memref_squeeze %dma_wait3A_431 : memref<1x1x32x128xbf16, #tpu.memory_space<vmem>> -> memref<32x128xbf16, #tpu.memory_space<vmem>>
        %dma_wait3A_433 = arith.constant 0 : i32
        %dma_wait3A_434 = tpu.memref_slice %arg7[%dma_wait3A_425, %dma_wait3A_426, %dma_wait3A_433] : memref<2x10x32xi32, #tpu.memory_space<vmem>> -> memref<1x1x32xi32, #tpu.memory_space<vmem>>
        %dma_wait3A_435 = tpu.memref_squeeze %dma_wait3A_434 : memref<1x1x32xi32, #tpu.memory_space<vmem>> -> memref<32xi32, #tpu.memory_space<vmem>>
        %dma_wait3A_436 = arith.constant 0 : i32
        %dma_wait3A_437 = arith.constant 0 : i32
        %dma_wait3A_438 = tpu.memref_slice %arg6[%dma_wait3A_436, %dma_wait3A_437] : memref<10000x128xbf16, #tpu.memory_space<vmem_shared>> -> memref<10000x128xbf16, #tpu.memory_space<vmem_shared>>
        tpu.wait_indirect_dma semaphore(%arg16 : memref<!tpu.dma_semaphore, #tpu.memory_space<semaphore_mem>>) src(%dma_wait3A_438 : memref<10000x128xbf16, #tpu.memory_space<vmem_shared>>) dst(%dma_wait3A_432 : memref<32x128xbf16, #tpu.memory_space<vmem>>)
        %dma_wait3A_439 = arith.constant 1 : i32
        %dma_wait3A_440 = arith.constant 3 : i32
        %dma_wait3A_441 = arith.constant 1 : i32
        %dma_wait3A_442 = arith.constant 3 : i32
        %dma_wait3A_443 = arith.constant 0 : i32
        %dma_wait3A_444 = arith.constant 0 : i32
        %dma_wait3A_445 = tpu.memref_slice %arg8[%dma_wait3A_441, %dma_wait3A_442, %dma_wait3A_443, %dma_wait3A_444] : memref<2x10x32x128xbf16, #tpu.memory_space<vmem>> -> memref<1x1x32x128xbf16, #tpu.memory_space<vmem>>
        %dma_wait3A_446 = tpu.memref_squeeze %dma_wait3A_445 : memref<1x1x32x128xbf16, #tpu.memory_space<vmem>> -> memref<32x128xbf16, #tpu.memory_space<vmem>>
        %dma_wait3A_447 = arith.constant 0 : i32
        %dma_wait3A_448 = tpu.memref_slice %arg7[%dma_wait3A_439, %dma_wait3A_440, %dma_wait3A_447] : memref<2x10x32xi32, #tpu.memory_space<vmem>> -> memref<1x1x32xi32, #tpu.memory_space<vmem>>
        %dma_wait3A_449 = tpu.memref_squeeze %dma_wait3A_448 : memref<1x1x32xi32, #tpu.memory_space<vmem>> -> memref<32xi32, #tpu.memory_space<vmem>>
        %dma_wait3A_450 = arith.constant 0 : i32
        %dma_wait3A_451 = arith.constant 0 : i32
        %dma_wait3A_452 = tpu.memref_slice %arg6[%dma_wait3A_450, %dma_wait3A_451] : memref<10000x128xbf16, #tpu.memory_space<vmem_shared>> -> memref<10000x128xbf16, #tpu.memory_space<vmem_shared>>
        tpu.wait_indirect_dma semaphore(%arg16 : memref<!tpu.dma_semaphore, #tpu.memory_space<semaphore_mem>>) src(%dma_wait3A_452 : memref<10000x128xbf16, #tpu.memory_space<vmem_shared>>) dst(%dma_wait3A_446 : memref<32x128xbf16, #tpu.memory_space<vmem>>)
        %dma_wait3A_453 = arith.constant 1 : i32
        %dma_wait3A_454 = arith.constant 4 : i32
        %dma_wait3A_455 = arith.constant 1 : i32
        %dma_wait3A_456 = arith.constant 4 : i32
        %dma_wait3A_457 = arith.constant 0 : i32
        %dma_wait3A_458 = arith.constant 0 : i32
        %dma_wait3A_459 = tpu.memref_slice %arg8[%dma_wait3A_455, %dma_wait3A_456, %dma_wait3A_457, %dma_wait3A_458] : memref<2x10x32x128xbf16, #tpu.memory_space<vmem>> -> memref<1x1x32x128xbf16, #tpu.memory_space<vmem>>
        %dma_wait3A_460 = tpu.memref_squeeze %dma_wait3A_459 : memref<1x1x32x128xbf16, #tpu.memory_space<vmem>> -> memref<32x128xbf16, #tpu.memory_space<vmem>>
        %dma_wait3A_461 = arith.constant 0 : i32
        %dma_wait3A_462 = tpu.memref_slice %arg7[%dma_wait3A_453, %dma_wait3A_454, %dma_wait3A_461] : memref<2x10x32xi32, #tpu.memory_space<vmem>> -> memref<1x1x32xi32, #tpu.memory_space<vmem>>
        %dma_wait3A_463 = tpu.memref_squeeze %dma_wait3A_462 : memref<1x1x32xi32, #tpu.memory_space<vmem>> -> memref<32xi32, #tpu.memory_space<vmem>>
        %dma_wait3A_464 = arith.constant 0 : i32
        %dma_wait3A_465 = arith.constant 0 : i32
        %dma_wait3A_466 = tpu.memref_slice %arg6[%dma_wait3A_464, %dma_wait3A_465] : memref<10000x128xbf16, #tpu.memory_space<vmem_shared>> -> memref<10000x128xbf16, #tpu.memory_space<vmem_shared>>
        tpu.wait_indirect_dma semaphore(%arg16 : memref<!tpu.dma_semaphore, #tpu.memory_space<semaphore_mem>>) src(%dma_wait3A_466 : memref<10000x128xbf16, #tpu.memory_space<vmem_shared>>) dst(%dma_wait3A_460 : memref<32x128xbf16, #tpu.memory_space<vmem>>)
        %dma_wait3A_467 = arith.constant 1 : i32
        %dma_wait3A_468 = arith.constant 5 : i32
        %dma_wait3A_469 = arith.constant 1 : i32
        %dma_wait3A_470 = arith.constant 5 : i32
        %dma_wait3A_471 = arith.constant 0 : i32
        %dma_wait3A_472 = arith.constant 0 : i32
        %dma_wait3A_473 = tpu.memref_slice %arg8[%dma_wait3A_469, %dma_wait3A_470, %dma_wait3A_471, %dma_wait3A_472] : memref<2x10x32x128xbf16, #tpu.memory_space<vmem>> -> memref<1x1x32x128xbf16, #tpu.memory_space<vmem>>
        %dma_wait3A_474 = tpu.memref_squeeze %dma_wait3A_473 : memref<1x1x32x128xbf16, #tpu.memory_space<vmem>> -> memref<32x128xbf16, #tpu.memory_space<vmem>>
        %dma_wait3A_475 = arith.constant 0 : i32
        %dma_wait3A_476 = tpu.memref_slice %arg7[%dma_wait3A_467, %dma_wait3A_468, %dma_wait3A_475] : memref<2x10x32xi32, #tpu.memory_space<vmem>> -> memref<1x1x32xi32, #tpu.memory_space<vmem>>
        %dma_wait3A_477 = tpu.memref_squeeze %dma_wait3A_476 : memref<1x1x32xi32, #tpu.memory_space<vmem>> -> memref<32xi32, #tpu.memory_space<vmem>>
        %dma_wait3A_478 = arith.constant 0 : i32
        %dma_wait3A_479 = arith.constant 0 : i32
        %dma_wait3A_480 = tpu.memref_slice %arg6[%dma_wait3A_478, %dma_wait3A_479] : memref<10000x128xbf16, #tpu.memory_space<vmem_shared>> -> memref<10000x128xbf16, #tpu.memory_space<vmem_shared>>
        tpu.wait_indirect_dma semaphore(%arg16 : memref<!tpu.dma_semaphore, #tpu.memory_space<semaphore_mem>>) src(%dma_wait3A_480 : memref<10000x128xbf16, #tpu.memory_space<vmem_shared>>) dst(%dma_wait3A_474 : memref<32x128xbf16, #tpu.memory_space<vmem>>)
        %dma_wait3A_481 = arith.constant 1 : i32
        %dma_wait3A_482 = arith.constant 6 : i32
        %dma_wait3A_483 = arith.constant 1 : i32
        %dma_wait3A_484 = arith.constant 6 : i32
        %dma_wait3A_485 = arith.constant 0 : i32
        %dma_wait3A_486 = arith.constant 0 : i32
        %dma_wait3A_487 = tpu.memref_slice %arg8[%dma_wait3A_483, %dma_wait3A_484, %dma_wait3A_485, %dma_wait3A_486] : memref<2x10x32x128xbf16, #tpu.memory_space<vmem>> -> memref<1x1x32x128xbf16, #tpu.memory_space<vmem>>
        %dma_wait3A_488 = tpu.memref_squeeze %dma_wait3A_487 : memref<1x1x32x128xbf16, #tpu.memory_space<vmem>> -> memref<32x128xbf16, #tpu.memory_space<vmem>>
        %dma_wait3A_489 = arith.constant 0 : i32
        %dma_wait3A_490 = tpu.memref_slice %arg7[%dma_wait3A_481, %dma_wait3A_482, %dma_wait3A_489] : memref<2x10x32xi32, #tpu.memory_space<vmem>> -> memref<1x1x32xi32, #tpu.memory_space<vmem>>
        %dma_wait3A_491 = tpu.memref_squeeze %dma_wait3A_490 : memref<1x1x32xi32, #tpu.memory_space<vmem>> -> memref<32xi32, #tpu.memory_space<vmem>>
        %dma_wait3A_492 = arith.constant 0 : i32
        %dma_wait3A_493 = arith.constant 0 : i32
        %dma_wait3A_494 = tpu.memref_slice %arg6[%dma_wait3A_492, %dma_wait3A_493] : memref<10000x128xbf16, #tpu.memory_space<vmem_shared>> -> memref<10000x128xbf16, #tpu.memory_space<vmem_shared>>
        tpu.wait_indirect_dma semaphore(%arg16 : memref<!tpu.dma_semaphore, #tpu.memory_space<semaphore_mem>>) src(%dma_wait3A_494 : memref<10000x128xbf16, #tpu.memory_space<vmem_shared>>) dst(%dma_wait3A_488 : memref<32x128xbf16, #tpu.memory_space<vmem>>)
        %dma_wait3A_495 = arith.constant 1 : i32
        %dma_wait3A_496 = arith.constant 7 : i32
        %dma_wait3A_497 = arith.constant 1 : i32
        %dma_wait3A_498 = arith.constant 7 : i32
        %dma_wait3A_499 = arith.constant 0 : i32
        %dma_wait3A_500 = arith.constant 0 : i32
        %dma_wait3A_501 = tpu.memref_slice %arg8[%dma_wait3A_497, %dma_wait3A_498, %dma_wait3A_499, %dma_wait3A_500] : memref<2x10x32x128xbf16, #tpu.memory_space<vmem>> -> memref<1x1x32x128xbf16, #tpu.memory_space<vmem>>
        %dma_wait3A_502 = tpu.memref_squeeze %dma_wait3A_501 : memref<1x1x32x128xbf16, #tpu.memory_space<vmem>> -> memref<32x128xbf16, #tpu.memory_space<vmem>>
        %dma_wait3A_503 = arith.constant 0 : i32
        %dma_wait3A_504 = tpu.memref_slice %arg7[%dma_wait3A_495, %dma_wait3A_496, %dma_wait3A_503] : memref<2x10x32xi32, #tpu.memory_space<vmem>> -> memref<1x1x32xi32, #tpu.memory_space<vmem>>
        %dma_wait3A_505 = tpu.memref_squeeze %dma_wait3A_504 : memref<1x1x32xi32, #tpu.memory_space<vmem>> -> memref<32xi32, #tpu.memory_space<vmem>>
        %dma_wait3A_506 = arith.constant 0 : i32
        %dma_wait3A_507 = arith.constant 0 : i32
        %dma_wait3A_508 = tpu.memref_slice %arg6[%dma_wait3A_506, %dma_wait3A_507] : memref<10000x128xbf16, #tpu.memory_space<vmem_shared>> -> memref<10000x128xbf16, #tpu.memory_space<vmem_shared>>
        tpu.wait_indirect_dma semaphore(%arg16 : memref<!tpu.dma_semaphore, #tpu.memory_space<semaphore_mem>>) src(%dma_wait3A_508 : memref<10000x128xbf16, #tpu.memory_space<vmem_shared>>) dst(%dma_wait3A_502 : memref<32x128xbf16, #tpu.memory_space<vmem>>)
        %dma_wait3A_509 = arith.constant 1 : i32
        %dma_wait3A_510 = arith.constant 8 : i32
        %dma_wait3A_511 = arith.constant 1 : i32
        %dma_wait3A_512 = arith.constant 8 : i32
        %dma_wait3A_513 = arith.constant 0 : i32
        %dma_wait3A_514 = arith.constant 0 : i32
        %dma_wait3A_515 = tpu.memref_slice %arg8[%dma_wait3A_511, %dma_wait3A_512, %dma_wait3A_513, %dma_wait3A_514] : memref<2x10x32x128xbf16, #tpu.memory_space<vmem>> -> memref<1x1x32x128xbf16, #tpu.memory_space<vmem>>
        %dma_wait3A_516 = tpu.memref_squeeze %dma_wait3A_515 : memref<1x1x32x128xbf16, #tpu.memory_space<vmem>> -> memref<32x128xbf16, #tpu.memory_space<vmem>>
        %dma_wait3A_517 = arith.constant 0 : i32
        %dma_wait3A_518 = tpu.memref_slice %arg7[%dma_wait3A_509, %dma_wait3A_510, %dma_wait3A_517] : memref<2x10x32xi32, #tpu.memory_space<vmem>> -> memref<1x1x32xi32, #tpu.memory_space<vmem>>
        %dma_wait3A_519 = tpu.memref_squeeze %dma_wait3A_518 : memref<1x1x32xi32, #tpu.memory_space<vmem>> -> memref<32xi32, #tpu.memory_space<vmem>>
        %dma_wait3A_520 = arith.constant 0 : i32
        %dma_wait3A_521 = arith.constant 0 : i32
        %dma_wait3A_522 = tpu.memref_slice %arg6[%dma_wait3A_520, %dma_wait3A_521] : memref<10000x128xbf16, #tpu.memory_space<vmem_shared>> -> memref<10000x128xbf16, #tpu.memory_space<vmem_shared>>
        tpu.wait_indirect_dma semaphore(%arg16 : memref<!tpu.dma_semaphore, #tpu.memory_space<semaphore_mem>>) src(%dma_wait3A_522 : memref<10000x128xbf16, #tpu.memory_space<vmem_shared>>) dst(%dma_wait3A_516 : memref<32x128xbf16, #tpu.memory_space<vmem>>)
        %dma_wait3A_523 = arith.constant 1 : i32
        %dma_wait3A_524 = arith.constant 9 : i32
        %dma_wait3A_525 = arith.constant 1 : i32
        %dma_wait3A_526 = arith.constant 9 : i32
        %dma_wait3A_527 = arith.constant 0 : i32
        %dma_wait3A_528 = arith.constant 0 : i32
        %dma_wait3A_529 = tpu.memref_slice %arg8[%dma_wait3A_525, %dma_wait3A_526, %dma_wait3A_527, %dma_wait3A_528] : memref<2x10x32x128xbf16, #tpu.memory_space<vmem>> -> memref<1x1x32x128xbf16, #tpu.memory_space<vmem>>
        %dma_wait3A_530 = tpu.memref_squeeze %dma_wait3A_529 : memref<1x1x32x128xbf16, #tpu.memory_space<vmem>> -> memref<32x128xbf16, #tpu.memory_space<vmem>>
        %dma_wait3A_531 = arith.constant 0 : i32
        %dma_wait3A_532 = tpu.memref_slice %arg7[%dma_wait3A_523, %dma_wait3A_524, %dma_wait3A_531] : memref<2x10x32xi32, #tpu.memory_space<vmem>> -> memref<1x1x32xi32, #tpu.memory_space<vmem>>
        %dma_wait3A_533 = tpu.memref_squeeze %dma_wait3A_532 : memref<1x1x32xi32, #tpu.memory_space<vmem>> -> memref<32xi32, #tpu.memory_space<vmem>>
        %dma_wait3A_534 = arith.constant 0 : i32
        %dma_wait3A_535 = arith.constant 0 : i32
        %dma_wait3A_536 = tpu.memref_slice %arg6[%dma_wait3A_534, %dma_wait3A_535] : memref<10000x128xbf16, #tpu.memory_space<vmem_shared>> -> memref<10000x128xbf16, #tpu.memory_space<vmem_shared>>
        tpu.wait_indirect_dma semaphore(%arg16 : memref<!tpu.dma_semaphore, #tpu.memory_space<semaphore_mem>>) src(%dma_wait3A_536 : memref<10000x128xbf16, #tpu.memory_space<vmem_shared>>) dst(%dma_wait3A_530 : memref<32x128xbf16, #tpu.memory_space<vmem>>)
      } else {
      }
      %add3A_337 = arith.constant 2 : i32
      %add3A_338 = arith.addi %add3A_318, %add3A_337 : i32
      %lt3A_339 = arith.constant 98 : i32
      %lt3A_340 = arith.cmpi slt, %add3A_338, %lt3A_339 : i32
      %add3A_341 = arith.constant 2 : i32
      %add3A_342 = arith.addi %add3A_319, %add3A_341 : i32
      %lt3A_343 = arith.constant 3125 : i32
      %lt3A_344 = arith.cmpi slt, %add3A_342, %lt3A_343 : i32
      %and3A_345 = arith.andi %lt3A_340, %lt3A_344 : i1
      %convert_element_type3A_346 = arith.extui %and3A_345 : i1 to i32
      %cond3A_347 = arith.constant 0 : i32
      %cond3A_348 = arith.cmpi ne, %convert_element_type3A_346, %cond3A_347 : i32
      scf.if %cond3A_348 {
        %add3A_382 = arith.constant 2 : i32
        %add3A_383 = arith.addi %add3A_319, %add3A_382 : i32
        %dma_start3A_384 = arith.constant 1 : i32
        %dma_start3A_385 = arith.constant 0 : i32
        %dma_start3A_386 = arith.constant 0 : i32
        %dma_start3A_387 = tpu.memref_slice %arg7[%dma_start3A_384, %dma_start3A_385, %dma_start3A_386] : memref<2x10x32xi32, #tpu.memory_space<vmem>> -> memref<1x10x32xi32, #tpu.memory_space<vmem>>
        %dma_start3A_388 = tpu.memref_squeeze %dma_start3A_387 : memref<1x10x32xi32, #tpu.memory_space<vmem>> -> memref<10x32xi32, #tpu.memory_space<vmem>>
        %dma_start3A_389 = arith.constant 0 : i32
        %dma_start3A_390 = arith.constant 0 : i32
        %dma_start3A_391 = tpu.memref_slice %arg3[%add3A_383, %dma_start3A_389, %dma_start3A_390] : memref<3125x10x32xi32, #tpu.memory_space<hbm>> -> memref<1x10x32xi32, #tpu.memory_space<hbm>>
        %dma_start3A_392 = tpu.memref_squeeze %dma_start3A_391 : memref<1x10x32xi32, #tpu.memory_space<hbm>> -> memref<10x32xi32, #tpu.memory_space<hbm>>
        %dma_start3A_393 = arith.constant 0 : i32
        %dma_start3A_394 = arith.constant 0 : i32
        %dma_start3A_395 = tpu.memref_slice %arg7[%dma_start3A_384, %dma_start3A_393, %dma_start3A_394] : memref<2x10x32xi32, #tpu.memory_space<vmem>> -> memref<1x10x32xi32, #tpu.memory_space<vmem>>
        %dma_start3A_396 = tpu.memref_squeeze %dma_start3A_395 : memref<1x10x32xi32, #tpu.memory_space<vmem>> -> memref<10x32xi32, #tpu.memory_space<vmem>>
        %dma_start3A_397 = arith.constant 0 : i32
        %dma_start3A_398 = arith.constant 0 : i32
        %dma_start3A_399 = tpu.memref_slice %arg3[%add3A_383, %dma_start3A_397, %dma_start3A_398] : memref<3125x10x32xi32, #tpu.memory_space<hbm>> -> memref<1x10x32xi32, #tpu.memory_space<hbm>>
        %dma_start3A_400 = tpu.memref_squeeze %dma_start3A_399 : memref<1x10x32xi32, #tpu.memory_space<hbm>> -> memref<10x32xi32, #tpu.memory_space<hbm>>
        tpu.enqueue_dma source(%dma_start3A_400 : memref<10x32xi32, #tpu.memory_space<hbm>>) target(%dma_start3A_396 : memref<10x32xi32, #tpu.memory_space<vmem>>) target_semaphore(%arg12 : memref<!tpu.dma_semaphore, #tpu.memory_space<semaphore_mem>>)
      } else {
      }
      %ge3A_349 = arith.constant 2 : i32
      %ge3A_350 = arith.cmpi sge, %add3A_318, %ge3A_349 : i32
      %sub3A_351 = arith.constant 2 : i32
      %sub3A_352 = arith.subi %add3A_319, %sub3A_351 : i32
      %lt3A_353 = arith.constant 3125 : i32
      %lt3A_354 = arith.cmpi slt, %sub3A_352, %lt3A_353 : i32
      %and3A_355 = arith.andi %ge3A_350, %lt3A_354 : i1
      %convert_element_type3A_356 = arith.extui %and3A_355 : i1 to i32
      %cond3A_357 = arith.constant 0 : i32
      %cond3A_358 = arith.cmpi ne, %convert_element_type3A_356, %cond3A_357 : i32
      scf.if %cond3A_358 {
        %sub3A_382 = arith.constant 2 : i32
        %sub3A_383 = arith.subi %add3A_319, %sub3A_382 : i32
        %mul3A_384 = arith.constant 32 : i32
        %mul3A_385 = arith.muli %sub3A_383, %mul3A_384 : i32
        %dma_wait3A_386 = arith.constant 1 : i32
        %dma_wait3A_387 = arith.constant 0 : i32
        %dma_wait3A_388 = arith.constant 0 : i32
        %dma_wait3A_389 = tpu.memref_slice %arg10[%dma_wait3A_386, %dma_wait3A_387, %dma_wait3A_388] : memref<2x32x128xf32, #tpu.memory_space<vmem>> -> memref<1x32x128xf32, #tpu.memory_space<vmem>>
        %dma_wait3A_390 = tpu.memref_squeeze %dma_wait3A_389 : memref<1x32x128xf32, #tpu.memory_space<vmem>> -> memref<32x128xf32, #tpu.memory_space<vmem>>
        %dma_wait3A_391 = arith.constant 0 : i32
        %dma_wait3A_392 = tpu.memref_slice %arg5[%mul3A_385, %dma_wait3A_391] : memref<100000x128xf32, #tpu.memory_space<hbm>> -> memref<32x128xf32, #tpu.memory_space<hbm>>
        %dma_wait3A_393 = arith.constant 0 : i32
        %dma_wait3A_394 = tpu.memref_slice %arg5[%mul3A_385, %dma_wait3A_393] : memref<100000x128xf32, #tpu.memory_space<hbm>> -> memref<32x128xf32, #tpu.memory_space<hbm>>
        %dma_wait3A_395 = arith.constant 0 : i32
        %dma_wait3A_396 = arith.constant 0 : i32
        %dma_wait3A_397 = tpu.memref_slice %arg10[%dma_wait3A_386, %dma_wait3A_395, %dma_wait3A_396] : memref<2x32x128xf32, #tpu.memory_space<vmem>> -> memref<1x32x128xf32, #tpu.memory_space<vmem>>
        %dma_wait3A_398 = tpu.memref_squeeze %dma_wait3A_397 : memref<1x32x128xf32, #tpu.memory_space<vmem>> -> memref<32x128xf32, #tpu.memory_space<vmem>>
        tpu.wait_dma2 semaphore(%arg18 : memref<!tpu.dma_semaphore, #tpu.memory_space<semaphore_mem>>) src(%dma_wait3A_398 : memref<32x128xf32, #tpu.memory_space<vmem>>) dst(%dma_wait3A_394 : memref<32x128xf32, #tpu.memory_space<hbm>>)
      } else {
      }
      %scan3A_359 = arith.constant 0 : i32
      %scan3A_360 = arith.constant 0 : i32
      %scan3A_361 = arith.constant 32 : i32
      %scan3A_362 = arith.addi %scan3A_360, %scan3A_361 : i32
      %scan3A_363 = arith.constant 1 : i32
      scf.for %scan3A_382 = %scan3A_360 to %scan3A_362 step %scan3A_363  : i32 {
        %get3A = arith.constant 1 : i32
        %get3A_383 = arith.index_cast %get3A : i32 to index
        %get3A_384 = arith.index_cast %scan3A_382 : i32 to index
        %get3A_385 = arith.constant 0 : index
        %get3A_386 = tpu.vector_load %arg9[%get3A_383, %get3A_384, %get3A_385] {strides = array<i32>} : memref<2x32x128xf32, #tpu.memory_space<vmem>>, vector<16xf32>,
        %get3A_387 = arith.constant 1 : i32
        %get3A_388 = arith.index_cast %get3A_387 : i32 to index
        %get3A_389 = arith.index_cast %scan3A_382 : i32 to index
        %get3A_390 = arith.constant 16 : index
        %get3A_391 = tpu.vector_load %arg9[%get3A_388, %get3A_389, %get3A_390] {strides = array<i32>} : memref<2x32x128xf32, #tpu.memory_space<vmem>>, vector<16xf32>,
        %get3A_392 = arith.constant 1 : i32
        %get3A_393 = arith.index_cast %get3A_392 : i32 to index
        %get3A_394 = arith.index_cast %scan3A_382 : i32 to index
        %get3A_395 = arith.constant 32 : index
        %get3A_396 = tpu.vector_load %arg9[%get3A_393, %get3A_394, %get3A_395] {strides = array<i32>} : memref<2x32x128xf32, #tpu.memory_space<vmem>>, vector<16xf32>,
        %get3A_397 = arith.constant 1 : i32
        %get3A_398 = arith.index_cast %get3A_397 : i32 to index
        %get3A_399 = arith.index_cast %scan3A_382 : i32 to index
        %get3A_400 = arith.constant 48 : index
        %get3A_401 = tpu.vector_load %arg9[%get3A_398, %get3A_399, %get3A_400] {strides = array<i32>} : memref<2x32x128xf32, #tpu.memory_space<vmem>>, vector<16xf32>,
        %get3A_402 = arith.constant 1 : i32
        %get3A_403 = arith.index_cast %get3A_402 : i32 to index
        %get3A_404 = arith.index_cast %scan3A_382 : i32 to index
        %get3A_405 = arith.constant 64 : index
        %get3A_406 = tpu.vector_load %arg9[%get3A_403, %get3A_404, %get3A_405] {strides = array<i32>} : memref<2x32x128xf32, #tpu.memory_space<vmem>>, vector<16xf32>,
        %get3A_407 = arith.constant 1 : i32
        %get3A_408 = arith.index_cast %get3A_407 : i32 to index
        %get3A_409 = arith.index_cast %scan3A_382 : i32 to index
        %get3A_410 = arith.constant 80 : index
        %get3A_411 = tpu.vector_load %arg9[%get3A_408, %get3A_409, %get3A_410] {strides = array<i32>} : memref<2x32x128xf32, #tpu.memory_space<vmem>>, vector<16xf32>,
        %get3A_412 = arith.constant 1 : i32
        %get3A_413 = arith.index_cast %get3A_412 : i32 to index
        %get3A_414 = arith.index_cast %scan3A_382 : i32 to index
        %get3A_415 = arith.constant 96 : index
        %get3A_416 = tpu.vector_load %arg9[%get3A_413, %get3A_414, %get3A_415] {strides = array<i32>} : memref<2x32x128xf32, #tpu.memory_space<vmem>>, vector<16xf32>,
        %get3A_417 = arith.constant 1 : i32
        %get3A_418 = arith.index_cast %get3A_417 : i32 to index
        %get3A_419 = arith.index_cast %scan3A_382 : i32 to index
        %get3A_420 = arith.constant 112 : index
        %get3A_421 = tpu.vector_load %arg9[%get3A_418, %get3A_419, %get3A_420] {strides = array<i32>} : memref<2x32x128xf32, #tpu.memory_space<vmem>>, vector<16xf32>,
        %get3A_422 = arith.constant 1 : i32
        %get3A_423 = arith.constant 0 : i32
        %get3A_424 = arith.index_cast %get3A_422 : i32 to index
        %get3A_425 = arith.index_cast %get3A_423 : i32 to index
        %get3A_426 = arith.index_cast %scan3A_382 : i32 to index
        %get3A_427 = arith.constant 0 : index
        %get3A_428 = tpu.vector_load %arg8[%get3A_424, %get3A_425, %get3A_426, %get3A_427] {strides = array<i32>} : memref<2x10x32x128xbf16, #tpu.memory_space<vmem>>, vector<32xbf16>,
        %bitcast3A = vector.bitcast %get3A_428 : vector<32xbf16> to vector<16xi32>
        %shift_left3A = arith.constant 16 : i32
        %shift_left3A_429 = vector.broadcast %shift_left3A : i32 to vector<16xi32>
        %shift_left3A_430 = arith.shli %bitcast3A, %shift_left3A_429 : vector<16xi32>
        %bitcast3A_431 = vector.bitcast %shift_left3A_430 : vector<16xi32> to vector<16xf32>
        %add3A_432 = arith.addf %get3A_386, %bitcast3A_431 : vector<16xf32>
        %and3A_433 = arith.constant -65536 : i32
        %and3A_434 = vector.broadcast %and3A_433 : i32 to vector<16xi32>
        %and3A_435 = arith.andi %bitcast3A, %and3A_434 : vector<16xi32>
        %bitcast3A_436 = vector.bitcast %and3A_435 : vector<16xi32> to vector<16xf32>
        %add3A_437 = arith.addf %get3A_406, %bitcast3A_436 : vector<16xf32>
        %get3A_438 = arith.constant 1 : i32
        %get3A_439 = arith.constant 0 : i32
        %get3A_440 = arith.index_cast %get3A_438 : i32 to index
        %get3A_441 = arith.index_cast %get3A_439 : i32 to index
        %get3A_442 = arith.index_cast %scan3A_382 : i32 to index
        %get3A_443 = arith.constant 32 : index
        %get3A_444 = tpu.vector_load %arg8[%get3A_440, %get3A_441, %get3A_442, %get3A_443] {strides = array<i32>} : memref<2x10x32x128xbf16, #tpu.memory_space<vmem>>, vector<32xbf16>,
        %bitcast3A_445 = vector.bitcast %get3A_444 : vector<32xbf16> to vector<16xi32>
        %shift_left3A_446 = arith.constant 16 : i32
        %shift_left3A_447 = vector.broadcast %shift_left3A_446 : i32 to vector<16xi32>
        %shift_left3A_448 = arith.shli %bitcast3A_445, %shift_left3A_447 : vector<16xi32>
        %bitcast3A_449 = vector.bitcast %shift_left3A_448 : vector<16xi32> to vector<16xf32>
        %add3A_450 = arith.addf %get3A_391, %bitcast3A_449 : vector<16xf32>
        %and3A_451 = arith.constant -65536 : i32
        %and3A_452 = vector.broadcast %and3A_451 : i32 to vector<16xi32>
        %and3A_453 = arith.andi %bitcast3A_445, %and3A_452 : vector<16xi32>
        %bitcast3A_454 = vector.bitcast %and3A_453 : vector<16xi32> to vector<16xf32>
        %add3A_455 = arith.addf %get3A_411, %bitcast3A_454 : vector<16xf32>
        %get3A_456 = arith.constant 1 : i32
        %get3A_457 = arith.constant 0 : i32
        %get3A_458 = arith.index_cast %get3A_456 : i32 to index
        %get3A_459 = arith.index_cast %get3A_457 : i32 to index
        %get3A_460 = arith.index_cast %scan3A_382 : i32 to index
        %get3A_461 = arith.constant 64 : index
        %get3A_462 = tpu.vector_load %arg8[%get3A_458, %get3A_459, %get3A_460, %get3A_461] {strides = array<i32>} : memref<2x10x32x128xbf16, #tpu.memory_space<vmem>>, vector<32xbf16>,
        %bitcast3A_463 = vector.bitcast %get3A_462 : vector<32xbf16> to vector<16xi32>
        %shift_left3A_464 = arith.constant 16 : i32
        %shift_left3A_465 = vector.broadcast %shift_left3A_464 : i32 to vector<16xi32>
        %shift_left3A_466 = arith.shli %bitcast3A_463, %shift_left3A_465 : vector<16xi32>
        %bitcast3A_467 = vector.bitcast %shift_left3A_466 : vector<16xi32> to vector<16xf32>
        %add3A_468 = arith.addf %get3A_396, %bitcast3A_467 : vector<16xf32>
        %and3A_469 = arith.constant -65536 : i32
        %and3A_470 = vector.broadcast %and3A_469 : i32 to vector<16xi32>
        %and3A_471 = arith.andi %bitcast3A_463, %and3A_470 : vector<16xi32>
        %bitcast3A_472 = vector.bitcast %and3A_471 : vector<16xi32> to vector<16xf32>
        %add3A_473 = arith.addf %get3A_416, %bitcast3A_472 : vector<16xf32>
        %get3A_474 = arith.constant 1 : i32
        %get3A_475 = arith.constant 0 : i32
        %get3A_476 = arith.index_cast %get3A_474 : i32 to index
        %get3A_477 = arith.index_cast %get3A_475 : i32 to index
        %get3A_478 = arith.index_cast %scan3A_382 : i32 to index
        %get3A_479 = arith.constant 96 : index
        %get3A_480 = tpu.vector_load %arg8[%get3A_476, %get3A_477, %get3A_478, %get3A_479] {strides = array<i32>} : memref<2x10x32x128xbf16, #tpu.memory_space<vmem>>, vector<32xbf16>,
        %bitcast3A_481 = vector.bitcast %get3A_480 : vector<32xbf16> to vector<16xi32>
        %shift_left3A_482 = arith.constant 16 : i32
        %shift_left3A_483 = vector.broadcast %shift_left3A_482 : i32 to vector<16xi32>
        %shift_left3A_484 = arith.shli %bitcast3A_481, %shift_left3A_483 : vector<16xi32>
        %bitcast3A_485 = vector.bitcast %shift_left3A_484 : vector<16xi32> to vector<16xf32>
        %add3A_486 = arith.addf %get3A_401, %bitcast3A_485 : vector<16xf32>
        %and3A_487 = arith.constant -65536 : i32
        %and3A_488 = vector.broadcast %and3A_487 : i32 to vector<16xi32>
        %and3A_489 = arith.andi %bitcast3A_481, %and3A_488 : vector<16xi32>
        %bitcast3A_490 = vector.bitcast %and3A_489 : vector<16xi32> to vector<16xf32>
        %add3A_491 = arith.addf %get3A_421, %bitcast3A_490 : vector<16xf32>
        %get3A_492 = arith.constant 1 : i32
        %get3A_493 = arith.constant 1 : i32
        %get3A_494 = arith.index_cast %get3A_492 : i32 to index
        %get3A_495 = arith.index_cast %get3A_493 : i32 to index
        %get3A_496 = arith.index_cast %scan3A_382 : i32 to index
        %get3A_497 = arith.constant 0 : index
        %get3A_498 = tpu.vector_load %arg8[%get3A_494, %get3A_495, %get3A_496, %get3A_497] {strides = array<i32>} : memref<2x10x32x128xbf16, #tpu.memory_space<vmem>>, vector<32xbf16>,
        %bitcast3A_499 = vector.bitcast %get3A_498 : vector<32xbf16> to vector<16xi32>
        %shift_left3A_500 = arith.constant 16 : i32
        %shift_left3A_501 = vector.broadcast %shift_left3A_500 : i32 to vector<16xi32>
        %shift_left3A_502 = arith.shli %bitcast3A_499, %shift_left3A_501 : vector<16xi32>
        %bitcast3A_503 = vector.bitcast %shift_left3A_502 : vector<16xi32> to vector<16xf32>
        %add3A_504 = arith.addf %add3A_432, %bitcast3A_503 : vector<16xf32>
        %and3A_505 = arith.constant -65536 : i32
        %and3A_506 = vector.broadcast %and3A_505 : i32 to vector<16xi32>
        %and3A_507 = arith.andi %bitcast3A_499, %and3A_506 : vector<16xi32>
        %bitcast3A_508 = vector.bitcast %and3A_507 : vector<16xi32> to vector<16xf32>
        %add3A_509 = arith.addf %add3A_437, %bitcast3A_508 : vector<16xf32>
        %get3A_510 = arith.constant 1 : i32
        %get3A_511 = arith.constant 1 : i32
        %get3A_512 = arith.index_cast %get3A_510 : i32 to index
        %get3A_513 = arith.index_cast %get3A_511 : i32 to index
        %get3A_514 = arith.index_cast %scan3A_382 : i32 to index
        %get3A_515 = arith.constant 32 : index
        %get3A_516 = tpu.vector_load %arg8[%get3A_512, %get3A_513, %get3A_514, %get3A_515] {strides = array<i32>} : memref<2x10x32x128xbf16, #tpu.memory_space<vmem>>, vector<32xbf16>,
        %bitcast3A_517 = vector.bitcast %get3A_516 : vector<32xbf16> to vector<16xi32>
        %shift_left3A_518 = arith.constant 16 : i32
        %shift_left3A_519 = vector.broadcast %shift_left3A_518 : i32 to vector<16xi32>
        %shift_left3A_520 = arith.shli %bitcast3A_517, %shift_left3A_519 : vector<16xi32>
        %bitcast3A_521 = vector.bitcast %shift_left3A_520 : vector<16xi32> to vector<16xf32>
        %add3A_522 = arith.addf %add3A_450, %bitcast3A_521 : vector<16xf32>
        %and3A_523 = arith.constant -65536 : i32
        %and3A_524 = vector.broadcast %and3A_523 : i32 to vector<16xi32>
        %and3A_525 = arith.andi %bitcast3A_517, %and3A_524 : vector<16xi32>
        %bitcast3A_526 = vector.bitcast %and3A_525 : vector<16xi32> to vector<16xf32>
        %add3A_527 = arith.addf %add3A_455, %bitcast3A_526 : vector<16xf32>
        %get3A_528 = arith.constant 1 : i32
        %get3A_529 = arith.constant 1 : i32
        %get3A_530 = arith.index_cast %get3A_528 : i32 to index
        %get3A_531 = arith.index_cast %get3A_529 : i32 to index
        %get3A_532 = arith.index_cast %scan3A_382 : i32 to index
        %get3A_533 = arith.constant 64 : index
        %get3A_534 = tpu.vector_load %arg8[%get3A_530, %get3A_531, %get3A_532, %get3A_533] {strides = array<i32>} : memref<2x10x32x128xbf16, #tpu.memory_space<vmem>>, vector<32xbf16>,
        %bitcast3A_535 = vector.bitcast %get3A_534 : vector<32xbf16> to vector<16xi32>
        %shift_left3A_536 = arith.constant 16 : i32
        %shift_left3A_537 = vector.broadcast %shift_left3A_536 : i32 to vector<16xi32>
        %shift_left3A_538 = arith.shli %bitcast3A_535, %shift_left3A_537 : vector<16xi32>
        %bitcast3A_539 = vector.bitcast %shift_left3A_538 : vector<16xi32> to vector<16xf32>
        %add3A_540 = arith.addf %add3A_468, %bitcast3A_539 : vector<16xf32>
        %and3A_541 = arith.constant -65536 : i32
        %and3A_542 = vector.broadcast %and3A_541 : i32 to vector<16xi32>
        %and3A_543 = arith.andi %bitcast3A_535, %and3A_542 : vector<16xi32>
        %bitcast3A_544 = vector.bitcast %and3A_543 : vector<16xi32> to vector<16xf32>
        %add3A_545 = arith.addf %add3A_473, %bitcast3A_544 : vector<16xf32>
        %get3A_546 = arith.constant 1 : i32
        %get3A_547 = arith.constant 1 : i32
        %get3A_548 = arith.index_cast %get3A_546 : i32 to index
        %get3A_549 = arith.index_cast %get3A_547 : i32 to index
        %get3A_550 = arith.index_cast %scan3A_382 : i32 to index
        %get3A_551 = arith.constant 96 : index
        %get3A_552 = tpu.vector_load %arg8[%get3A_548, %get3A_549, %get3A_550, %get3A_551] {strides = array<i32>} : memref<2x10x32x128xbf16, #tpu.memory_space<vmem>>, vector<32xbf16>,
        %bitcast3A_553 = vector.bitcast %get3A_552 : vector<32xbf16> to vector<16xi32>
        %shift_left3A_554 = arith.constant 16 : i32
        %shift_left3A_555 = vector.broadcast %shift_left3A_554 : i32 to vector<16xi32>
        %shift_left3A_556 = arith.shli %bitcast3A_553, %shift_left3A_555 : vector<16xi32>
        %bitcast3A_557 = vector.bitcast %shift_left3A_556 : vector<16xi32> to vector<16xf32>
        %add3A_558 = arith.addf %add3A_486, %bitcast3A_557 : vector<16xf32>
        %and3A_559 = arith.constant -65536 : i32
        %and3A_560 = vector.broadcast %and3A_559 : i32 to vector<16xi32>
        %and3A_561 = arith.andi %bitcast3A_553, %and3A_560 : vector<16xi32>
        %bitcast3A_562 = vector.bitcast %and3A_561 : vector<16xi32> to vector<16xf32>
        %add3A_563 = arith.addf %add3A_491, %bitcast3A_562 : vector<16xf32>
        %get3A_564 = arith.constant 1 : i32
        %get3A_565 = arith.constant 2 : i32
        %get3A_566 = arith.index_cast %get3A_564 : i32 to index
        %get3A_567 = arith.index_cast %get3A_565 : i32 to index
        %get3A_568 = arith.index_cast %scan3A_382 : i32 to index
        %get3A_569 = arith.constant 0 : index
        %get3A_570 = tpu.vector_load %arg8[%get3A_566, %get3A_567, %get3A_568, %get3A_569] {strides = array<i32>} : memref<2x10x32x128xbf16, #tpu.memory_space<vmem>>, vector<32xbf16>,
        %bitcast3A_571 = vector.bitcast %get3A_570 : vector<32xbf16> to vector<16xi32>
        %shift_left3A_572 = arith.constant 16 : i32
        %shift_left3A_573 = vector.broadcast %shift_left3A_572 : i32 to vector<16xi32>
        %shift_left3A_574 = arith.shli %bitcast3A_571, %shift_left3A_573 : vector<16xi32>
        %bitcast3A_575 = vector.bitcast %shift_left3A_574 : vector<16xi32> to vector<16xf32>
        %add3A_576 = arith.addf %add3A_504, %bitcast3A_575 : vector<16xf32>
        %and3A_577 = arith.constant -65536 : i32
        %and3A_578 = vector.broadcast %and3A_577 : i32 to vector<16xi32>
        %and3A_579 = arith.andi %bitcast3A_571, %and3A_578 : vector<16xi32>
        %bitcast3A_580 = vector.bitcast %and3A_579 : vector<16xi32> to vector<16xf32>
        %add3A_581 = arith.addf %add3A_509, %bitcast3A_580 : vector<16xf32>
        %get3A_582 = arith.constant 1 : i32
        %get3A_583 = arith.constant 2 : i32
        %get3A_584 = arith.index_cast %get3A_582 : i32 to index
        %get3A_585 = arith.index_cast %get3A_583 : i32 to index
        %get3A_586 = arith.index_cast %scan3A_382 : i32 to index
        %get3A_587 = arith.constant 32 : index
        %get3A_588 = tpu.vector_load %arg8[%get3A_584, %get3A_585, %get3A_586, %get3A_587] {strides = array<i32>} : memref<2x10x32x128xbf16, #tpu.memory_space<vmem>>, vector<32xbf16>,
        %bitcast3A_589 = vector.bitcast %get3A_588 : vector<32xbf16> to vector<16xi32>
        %shift_left3A_590 = arith.constant 16 : i32
        %shift_left3A_591 = vector.broadcast %shift_left3A_590 : i32 to vector<16xi32>
        %shift_left3A_592 = arith.shli %bitcast3A_589, %shift_left3A_591 : vector<16xi32>
        %bitcast3A_593 = vector.bitcast %shift_left3A_592 : vector<16xi32> to vector<16xf32>
        %add3A_594 = arith.addf %add3A_522, %bitcast3A_593 : vector<16xf32>
        %and3A_595 = arith.constant -65536 : i32
        %and3A_596 = vector.broadcast %and3A_595 : i32 to vector<16xi32>
        %and3A_597 = arith.andi %bitcast3A_589, %and3A_596 : vector<16xi32>
        %bitcast3A_598 = vector.bitcast %and3A_597 : vector<16xi32> to vector<16xf32>
        %add3A_599 = arith.addf %add3A_527, %bitcast3A_598 : vector<16xf32>
        %get3A_600 = arith.constant 1 : i32
        %get3A_601 = arith.constant 2 : i32
        %get3A_602 = arith.index_cast %get3A_600 : i32 to index
        %get3A_603 = arith.index_cast %get3A_601 : i32 to index
        %get3A_604 = arith.index_cast %scan3A_382 : i32 to index
        %get3A_605 = arith.constant 64 : index
        %get3A_606 = tpu.vector_load %arg8[%get3A_602, %get3A_603, %get3A_604, %get3A_605] {strides = array<i32>} : memref<2x10x32x128xbf16, #tpu.memory_space<vmem>>, vector<32xbf16>,
        %bitcast3A_607 = vector.bitcast %get3A_606 : vector<32xbf16> to vector<16xi32>
        %shift_left3A_608 = arith.constant 16 : i32
        %shift_left3A_609 = vector.broadcast %shift_left3A_608 : i32 to vector<16xi32>
        %shift_left3A_610 = arith.shli %bitcast3A_607, %shift_left3A_609 : vector<16xi32>
        %bitcast3A_611 = vector.bitcast %shift_left3A_610 : vector<16xi32> to vector<16xf32>
        %add3A_612 = arith.addf %add3A_540, %bitcast3A_611 : vector<16xf32>
        %and3A_613 = arith.constant -65536 : i32
        %and3A_614 = vector.broadcast %and3A_613 : i32 to vector<16xi32>
        %and3A_615 = arith.andi %bitcast3A_607, %and3A_614 : vector<16xi32>
        %bitcast3A_616 = vector.bitcast %and3A_615 : vector<16xi32> to vector<16xf32>
        %add3A_617 = arith.addf %add3A_545, %bitcast3A_616 : vector<16xf32>
        %get3A_618 = arith.constant 1 : i32
        %get3A_619 = arith.constant 2 : i32
        %get3A_620 = arith.index_cast %get3A_618 : i32 to index
        %get3A_621 = arith.index_cast %get3A_619 : i32 to index
        %get3A_622 = arith.index_cast %scan3A_382 : i32 to index
        %get3A_623 = arith.constant 96 : index
        %get3A_624 = tpu.vector_load %arg8[%get3A_620, %get3A_621, %get3A_622, %get3A_623] {strides = array<i32>} : memref<2x10x32x128xbf16, #tpu.memory_space<vmem>>, vector<32xbf16>,
        %bitcast3A_625 = vector.bitcast %get3A_624 : vector<32xbf16> to vector<16xi32>
        %shift_left3A_626 = arith.constant 16 : i32
        %shift_left3A_627 = vector.broadcast %shift_left3A_626 : i32 to vector<16xi32>
        %shift_left3A_628 = arith.shli %bitcast3A_625, %shift_left3A_627 : vector<16xi32>
        %bitcast3A_629 = vector.bitcast %shift_left3A_628 : vector<16xi32> to vector<16xf32>
        %add3A_630 = arith.addf %add3A_558, %bitcast3A_629 : vector<16xf32>
        %and3A_631 = arith.constant -65536 : i32
        %and3A_632 = vector.broadcast %and3A_631 : i32 to vector<16xi32>
        %and3A_633 = arith.andi %bitcast3A_625, %and3A_632 : vector<16xi32>
        %bitcast3A_634 = vector.bitcast %and3A_633 : vector<16xi32> to vector<16xf32>
        %add3A_635 = arith.addf %add3A_563, %bitcast3A_634 : vector<16xf32>
        %get3A_636 = arith.constant 1 : i32
        %get3A_637 = arith.constant 3 : i32
        %get3A_638 = arith.index_cast %get3A_636 : i32 to index
        %get3A_639 = arith.index_cast %get3A_637 : i32 to index
        %get3A_640 = arith.index_cast %scan3A_382 : i32 to index
        %get3A_641 = arith.constant 0 : index
        %get3A_642 = tpu.vector_load %arg8[%get3A_638, %get3A_639, %get3A_640, %get3A_641] {strides = array<i32>} : memref<2x10x32x128xbf16, #tpu.memory_space<vmem>>, vector<32xbf16>,
        %bitcast3A_643 = vector.bitcast %get3A_642 : vector<32xbf16> to vector<16xi32>
        %shift_left3A_644 = arith.constant 16 : i32
        %shift_left3A_645 = vector.broadcast %shift_left3A_644 : i32 to vector<16xi32>
        %shift_left3A_646 = arith.shli %bitcast3A_643, %shift_left3A_645 : vector<16xi32>
        %bitcast3A_647 = vector.bitcast %shift_left3A_646 : vector<16xi32> to vector<16xf32>
        %add3A_648 = arith.addf %add3A_576, %bitcast3A_647 : vector<16xf32>
        %and3A_649 = arith.constant -65536 : i32
        %and3A_650 = vector.broadcast %and3A_649 : i32 to vector<16xi32>
        %and3A_651 = arith.andi %bitcast3A_643, %and3A_650 : vector<16xi32>
        %bitcast3A_652 = vector.bitcast %and3A_651 : vector<16xi32> to vector<16xf32>
        %add3A_653 = arith.addf %add3A_581, %bitcast3A_652 : vector<16xf32>
        %get3A_654 = arith.constant 1 : i32
        %get3A_655 = arith.constant 3 : i32
        %get3A_656 = arith.index_cast %get3A_654 : i32 to index
        %get3A_657 = arith.index_cast %get3A_655 : i32 to index
        %get3A_658 = arith.index_cast %scan3A_382 : i32 to index
        %get3A_659 = arith.constant 32 : index
        %get3A_660 = tpu.vector_load %arg8[%get3A_656, %get3A_657, %get3A_658, %get3A_659] {strides = array<i32>} : memref<2x10x32x128xbf16, #tpu.memory_space<vmem>>, vector<32xbf16>,
        %bitcast3A_661 = vector.bitcast %get3A_660 : vector<32xbf16> to vector<16xi32>
        %shift_left3A_662 = arith.constant 16 : i32
        %shift_left3A_663 = vector.broadcast %shift_left3A_662 : i32 to vector<16xi32>
        %shift_left3A_664 = arith.shli %bitcast3A_661, %shift_left3A_663 : vector<16xi32>
        %bitcast3A_665 = vector.bitcast %shift_left3A_664 : vector<16xi32> to vector<16xf32>
        %add3A_666 = arith.addf %add3A_594, %bitcast3A_665 : vector<16xf32>
        %and3A_667 = arith.constant -65536 : i32
        %and3A_668 = vector.broadcast %and3A_667 : i32 to vector<16xi32>
        %and3A_669 = arith.andi %bitcast3A_661, %and3A_668 : vector<16xi32>
        %bitcast3A_670 = vector.bitcast %and3A_669 : vector<16xi32> to vector<16xf32>
        %add3A_671 = arith.addf %add3A_599, %bitcast3A_670 : vector<16xf32>
        %get3A_672 = arith.constant 1 : i32
        %get3A_673 = arith.constant 3 : i32
        %get3A_674 = arith.index_cast %get3A_672 : i32 to index
        %get3A_675 = arith.index_cast %get3A_673 : i32 to index
        %get3A_676 = arith.index_cast %scan3A_382 : i32 to index
        %get3A_677 = arith.constant 64 : index
        %get3A_678 = tpu.vector_load %arg8[%get3A_674, %get3A_675, %get3A_676, %get3A_677] {strides = array<i32>} : memref<2x10x32x128xbf16, #tpu.memory_space<vmem>>, vector<32xbf16>,
        %bitcast3A_679 = vector.bitcast %get3A_678 : vector<32xbf16> to vector<16xi32>
        %shift_left3A_680 = arith.constant 16 : i32
        %shift_left3A_681 = vector.broadcast %shift_left3A_680 : i32 to vector<16xi32>
        %shift_left3A_682 = arith.shli %bitcast3A_679, %shift_left3A_681 : vector<16xi32>
        %bitcast3A_683 = vector.bitcast %shift_left3A_682 : vector<16xi32> to vector<16xf32>
        %add3A_684 = arith.addf %add3A_612, %bitcast3A_683 : vector<16xf32>
        %and3A_685 = arith.constant -65536 : i32
        %and3A_686 = vector.broadcast %and3A_685 : i32 to vector<16xi32>
        %and3A_687 = arith.andi %bitcast3A_679, %and3A_686 : vector<16xi32>
        %bitcast3A_688 = vector.bitcast %and3A_687 : vector<16xi32> to vector<16xf32>
        %add3A_689 = arith.addf %add3A_617, %bitcast3A_688 : vector<16xf32>
        %get3A_690 = arith.constant 1 : i32
        %get3A_691 = arith.constant 3 : i32
        %get3A_692 = arith.index_cast %get3A_690 : i32 to index
        %get3A_693 = arith.index_cast %get3A_691 : i32 to index
        %get3A_694 = arith.index_cast %scan3A_382 : i32 to index
        %get3A_695 = arith.constant 96 : index
        %get3A_696 = tpu.vector_load %arg8[%get3A_692, %get3A_693, %get3A_694, %get3A_695] {strides = array<i32>} : memref<2x10x32x128xbf16, #tpu.memory_space<vmem>>, vector<32xbf16>,
        %bitcast3A_697 = vector.bitcast %get3A_696 : vector<32xbf16> to vector<16xi32>
        %shift_left3A_698 = arith.constant 16 : i32
        %shift_left3A_699 = vector.broadcast %shift_left3A_698 : i32 to vector<16xi32>
        %shift_left3A_700 = arith.shli %bitcast3A_697, %shift_left3A_699 : vector<16xi32>
        %bitcast3A_701 = vector.bitcast %shift_left3A_700 : vector<16xi32> to vector<16xf32>
        %add3A_702 = arith.addf %add3A_630, %bitcast3A_701 : vector<16xf32>
        %and3A_703 = arith.constant -65536 : i32
        %and3A_704 = vector.broadcast %and3A_703 : i32 to vector<16xi32>
        %and3A_705 = arith.andi %bitcast3A_697, %and3A_704 : vector<16xi32>
        %bitcast3A_706 = vector.bitcast %and3A_705 : vector<16xi32> to vector<16xf32>
        %add3A_707 = arith.addf %add3A_635, %bitcast3A_706 : vector<16xf32>
        %get3A_708 = arith.constant 1 : i32
        %get3A_709 = arith.constant 4 : i32
        %get3A_710 = arith.index_cast %get3A_708 : i32 to index
        %get3A_711 = arith.index_cast %get3A_709 : i32 to index
        %get3A_712 = arith.index_cast %scan3A_382 : i32 to index
        %get3A_713 = arith.constant 0 : index
        %get3A_714 = tpu.vector_load %arg8[%get3A_710, %get3A_711, %get3A_712, %get3A_713] {strides = array<i32>} : memref<2x10x32x128xbf16, #tpu.memory_space<vmem>>, vector<32xbf16>,
        %bitcast3A_715 = vector.bitcast %get3A_714 : vector<32xbf16> to vector<16xi32>
        %shift_left3A_716 = arith.constant 16 : i32
        %shift_left3A_717 = vector.broadcast %shift_left3A_716 : i32 to vector<16xi32>
        %shift_left3A_718 = arith.shli %bitcast3A_715, %shift_left3A_717 : vector<16xi32>
        %bitcast3A_719 = vector.bitcast %shift_left3A_718 : vector<16xi32> to vector<16xf32>
        %add3A_720 = arith.addf %add3A_648, %bitcast3A_719 : vector<16xf32>
        %and3A_721 = arith.constant -65536 : i32
        %and3A_722 = vector.broadcast %and3A_721 : i32 to vector<16xi32>
        %and3A_723 = arith.andi %bitcast3A_715, %and3A_722 : vector<16xi32>
        %bitcast3A_724 = vector.bitcast %and3A_723 : vector<16xi32> to vector<16xf32>
        %add3A_725 = arith.addf %add3A_653, %bitcast3A_724 : vector<16xf32>
        %get3A_726 = arith.constant 1 : i32
        %get3A_727 = arith.constant 4 : i32
        %get3A_728 = arith.index_cast %get3A_726 : i32 to index
        %get3A_729 = arith.index_cast %get3A_727 : i32 to index
        %get3A_730 = arith.index_cast %scan3A_382 : i32 to index
        %get3A_731 = arith.constant 32 : index
        %get3A_732 = tpu.vector_load %arg8[%get3A_728, %get3A_729, %get3A_730, %get3A_731] {strides = array<i32>} : memref<2x10x32x128xbf16, #tpu.memory_space<vmem>>, vector<32xbf16>,
        %bitcast3A_733 = vector.bitcast %get3A_732 : vector<32xbf16> to vector<16xi32>
        %shift_left3A_734 = arith.constant 16 : i32
        %shift_left3A_735 = vector.broadcast %shift_left3A_734 : i32 to vector<16xi32>
        %shift_left3A_736 = arith.shli %bitcast3A_733, %shift_left3A_735 : vector<16xi32>
        %bitcast3A_737 = vector.bitcast %shift_left3A_736 : vector<16xi32> to vector<16xf32>
        %add3A_738 = arith.addf %add3A_666, %bitcast3A_737 : vector<16xf32>
        %and3A_739 = arith.constant -65536 : i32
        %and3A_740 = vector.broadcast %and3A_739 : i32 to vector<16xi32>
        %and3A_741 = arith.andi %bitcast3A_733, %and3A_740 : vector<16xi32>
        %bitcast3A_742 = vector.bitcast %and3A_741 : vector<16xi32> to vector<16xf32>
        %add3A_743 = arith.addf %add3A_671, %bitcast3A_742 : vector<16xf32>
        %get3A_744 = arith.constant 1 : i32
        %get3A_745 = arith.constant 4 : i32
        %get3A_746 = arith.index_cast %get3A_744 : i32 to index
        %get3A_747 = arith.index_cast %get3A_745 : i32 to index
        %get3A_748 = arith.index_cast %scan3A_382 : i32 to index
        %get3A_749 = arith.constant 64 : index
        %get3A_750 = tpu.vector_load %arg8[%get3A_746, %get3A_747, %get3A_748, %get3A_749] {strides = array<i32>} : memref<2x10x32x128xbf16, #tpu.memory_space<vmem>>, vector<32xbf16>,
        %bitcast3A_751 = vector.bitcast %get3A_750 : vector<32xbf16> to vector<16xi32>
        %shift_left3A_752 = arith.constant 16 : i32
        %shift_left3A_753 = vector.broadcast %shift_left3A_752 : i32 to vector<16xi32>
        %shift_left3A_754 = arith.shli %bitcast3A_751, %shift_left3A_753 : vector<16xi32>
        %bitcast3A_755 = vector.bitcast %shift_left3A_754 : vector<16xi32> to vector<16xf32>
        %add3A_756 = arith.addf %add3A_684, %bitcast3A_755 : vector<16xf32>
        %and3A_757 = arith.constant -65536 : i32
        %and3A_758 = vector.broadcast %and3A_757 : i32 to vector<16xi32>
        %and3A_759 = arith.andi %bitcast3A_751, %and3A_758 : vector<16xi32>
        %bitcast3A_760 = vector.bitcast %and3A_759 : vector<16xi32> to vector<16xf32>
        %add3A_761 = arith.addf %add3A_689, %bitcast3A_760 : vector<16xf32>
        %get3A_762 = arith.constant 1 : i32
        %get3A_763 = arith.constant 4 : i32
        %get3A_764 = arith.index_cast %get3A_762 : i32 to index
        %get3A_765 = arith.index_cast %get3A_763 : i32 to index
        %get3A_766 = arith.index_cast %scan3A_382 : i32 to index
        %get3A_767 = arith.constant 96 : index
        %get3A_768 = tpu.vector_load %arg8[%get3A_764, %get3A_765, %get3A_766, %get3A_767] {strides = array<i32>} : memref<2x10x32x128xbf16, #tpu.memory_space<vmem>>, vector<32xbf16>,
        %bitcast3A_769 = vector.bitcast %get3A_768 : vector<32xbf16> to vector<16xi32>
        %shift_left3A_770 = arith.constant 16 : i32
        %shift_left3A_771 = vector.broadcast %shift_left3A_770 : i32 to vector<16xi32>
        %shift_left3A_772 = arith.shli %bitcast3A_769, %shift_left3A_771 : vector<16xi32>
        %bitcast3A_773 = vector.bitcast %shift_left3A_772 : vector<16xi32> to vector<16xf32>
        %add3A_774 = arith.addf %add3A_702, %bitcast3A_773 : vector<16xf32>
        %and3A_775 = arith.constant -65536 : i32
        %and3A_776 = vector.broadcast %and3A_775 : i32 to vector<16xi32>
        %and3A_777 = arith.andi %bitcast3A_769, %and3A_776 : vector<16xi32>
        %bitcast3A_778 = vector.bitcast %and3A_777 : vector<16xi32> to vector<16xf32>
        %add3A_779 = arith.addf %add3A_707, %bitcast3A_778 : vector<16xf32>
        %get3A_780 = arith.constant 1 : i32
        %get3A_781 = arith.constant 5 : i32
        %get3A_782 = arith.index_cast %get3A_780 : i32 to index
        %get3A_783 = arith.index_cast %get3A_781 : i32 to index
        %get3A_784 = arith.index_cast %scan3A_382 : i32 to index
        %get3A_785 = arith.constant 0 : index
        %get3A_786 = tpu.vector_load %arg8[%get3A_782, %get3A_783, %get3A_784, %get3A_785] {strides = array<i32>} : memref<2x10x32x128xbf16, #tpu.memory_space<vmem>>, vector<32xbf16>,
        %bitcast3A_787 = vector.bitcast %get3A_786 : vector<32xbf16> to vector<16xi32>
        %shift_left3A_788 = arith.constant 16 : i32
        %shift_left3A_789 = vector.broadcast %shift_left3A_788 : i32 to vector<16xi32>
        %shift_left3A_790 = arith.shli %bitcast3A_787, %shift_left3A_789 : vector<16xi32>
        %bitcast3A_791 = vector.bitcast %shift_left3A_790 : vector<16xi32> to vector<16xf32>
        %add3A_792 = arith.addf %add3A_720, %bitcast3A_791 : vector<16xf32>
        %and3A_793 = arith.constant -65536 : i32
        %and3A_794 = vector.broadcast %and3A_793 : i32 to vector<16xi32>
        %and3A_795 = arith.andi %bitcast3A_787, %and3A_794 : vector<16xi32>
        %bitcast3A_796 = vector.bitcast %and3A_795 : vector<16xi32> to vector<16xf32>
        %add3A_797 = arith.addf %add3A_725, %bitcast3A_796 : vector<16xf32>
        %get3A_798 = arith.constant 1 : i32
        %get3A_799 = arith.constant 5 : i32
        %get3A_800 = arith.index_cast %get3A_798 : i32 to index
        %get3A_801 = arith.index_cast %get3A_799 : i32 to index
        %get3A_802 = arith.index_cast %scan3A_382 : i32 to index
        %get3A_803 = arith.constant 32 : index
        %get3A_804 = tpu.vector_load %arg8[%get3A_800, %get3A_801, %get3A_802, %get3A_803] {strides = array<i32>} : memref<2x10x32x128xbf16, #tpu.memory_space<vmem>>, vector<32xbf16>,
        %bitcast3A_805 = vector.bitcast %get3A_804 : vector<32xbf16> to vector<16xi32>
        %shift_left3A_806 = arith.constant 16 : i32
        %shift_left3A_807 = vector.broadcast %shift_left3A_806 : i32 to vector<16xi32>
        %shift_left3A_808 = arith.shli %bitcast3A_805, %shift_left3A_807 : vector<16xi32>
        %bitcast3A_809 = vector.bitcast %shift_left3A_808 : vector<16xi32> to vector<16xf32>
        %add3A_810 = arith.addf %add3A_738, %bitcast3A_809 : vector<16xf32>
        %and3A_811 = arith.constant -65536 : i32
        %and3A_812 = vector.broadcast %and3A_811 : i32 to vector<16xi32>
        %and3A_813 = arith.andi %bitcast3A_805, %and3A_812 : vector<16xi32>
        %bitcast3A_814 = vector.bitcast %and3A_813 : vector<16xi32> to vector<16xf32>
        %add3A_815 = arith.addf %add3A_743, %bitcast3A_814 : vector<16xf32>
        %get3A_816 = arith.constant 1 : i32
        %get3A_817 = arith.constant 5 : i32
        %get3A_818 = arith.index_cast %get3A_816 : i32 to index
        %get3A_819 = arith.index_cast %get3A_817 : i32 to index
        %get3A_820 = arith.index_cast %scan3A_382 : i32 to index
        %get3A_821 = arith.constant 64 : index
        %get3A_822 = tpu.vector_load %arg8[%get3A_818, %get3A_819, %get3A_820, %get3A_821] {strides = array<i32>} : memref<2x10x32x128xbf16, #tpu.memory_space<vmem>>, vector<32xbf16>,
        %bitcast3A_823 = vector.bitcast %get3A_822 : vector<32xbf16> to vector<16xi32>
        %shift_left3A_824 = arith.constant 16 : i32
        %shift_left3A_825 = vector.broadcast %shift_left3A_824 : i32 to vector<16xi32>
        %shift_left3A_826 = arith.shli %bitcast3A_823, %shift_left3A_825 : vector<16xi32>
        %bitcast3A_827 = vector.bitcast %shift_left3A_826 : vector<16xi32> to vector<16xf32>
        %add3A_828 = arith.addf %add3A_756, %bitcast3A_827 : vector<16xf32>
        %and3A_829 = arith.constant -65536 : i32
        %and3A_830 = vector.broadcast %and3A_829 : i32 to vector<16xi32>
        %and3A_831 = arith.andi %bitcast3A_823, %and3A_830 : vector<16xi32>
        %bitcast3A_832 = vector.bitcast %and3A_831 : vector<16xi32> to vector<16xf32>
        %add3A_833 = arith.addf %add3A_761, %bitcast3A_832 : vector<16xf32>
        %get3A_834 = arith.constant 1 : i32
        %get3A_835 = arith.constant 5 : i32
        %get3A_836 = arith.index_cast %get3A_834 : i32 to index
        %get3A_837 = arith.index_cast %get3A_835 : i32 to index
        %get3A_838 = arith.index_cast %scan3A_382 : i32 to index
        %get3A_839 = arith.constant 96 : index
        %get3A_840 = tpu.vector_load %arg8[%get3A_836, %get3A_837, %get3A_838, %get3A_839] {strides = array<i32>} : memref<2x10x32x128xbf16, #tpu.memory_space<vmem>>, vector<32xbf16>,
        %bitcast3A_841 = vector.bitcast %get3A_840 : vector<32xbf16> to vector<16xi32>
        %shift_left3A_842 = arith.constant 16 : i32
        %shift_left3A_843 = vector.broadcast %shift_left3A_842 : i32 to vector<16xi32>
        %shift_left3A_844 = arith.shli %bitcast3A_841, %shift_left3A_843 : vector<16xi32>
        %bitcast3A_845 = vector.bitcast %shift_left3A_844 : vector<16xi32> to vector<16xf32>
        %add3A_846 = arith.addf %add3A_774, %bitcast3A_845 : vector<16xf32>
        %and3A_847 = arith.constant -65536 : i32
        %and3A_848 = vector.broadcast %and3A_847 : i32 to vector<16xi32>
        %and3A_849 = arith.andi %bitcast3A_841, %and3A_848 : vector<16xi32>
        %bitcast3A_850 = vector.bitcast %and3A_849 : vector<16xi32> to vector<16xf32>
        %add3A_851 = arith.addf %add3A_779, %bitcast3A_850 : vector<16xf32>
        %get3A_852 = arith.constant 1 : i32
        %get3A_853 = arith.constant 6 : i32
        %get3A_854 = arith.index_cast %get3A_852 : i32 to index
        %get3A_855 = arith.index_cast %get3A_853 : i32 to index
        %get3A_856 = arith.index_cast %scan3A_382 : i32 to index
        %get3A_857 = arith.constant 0 : index
        %get3A_858 = tpu.vector_load %arg8[%get3A_854, %get3A_855, %get3A_856, %get3A_857] {strides = array<i32>} : memref<2x10x32x128xbf16, #tpu.memory_space<vmem>>, vector<32xbf16>,
        %bitcast3A_859 = vector.bitcast %get3A_858 : vector<32xbf16> to vector<16xi32>
        %shift_left3A_860 = arith.constant 16 : i32
        %shift_left3A_861 = vector.broadcast %shift_left3A_860 : i32 to vector<16xi32>
        %shift_left3A_862 = arith.shli %bitcast3A_859, %shift_left3A_861 : vector<16xi32>
        %bitcast3A_863 = vector.bitcast %shift_left3A_862 : vector<16xi32> to vector<16xf32>
        %add3A_864 = arith.addf %add3A_792, %bitcast3A_863 : vector<16xf32>
        %and3A_865 = arith.constant -65536 : i32
        %and3A_866 = vector.broadcast %and3A_865 : i32 to vector<16xi32>
        %and3A_867 = arith.andi %bitcast3A_859, %and3A_866 : vector<16xi32>
        %bitcast3A_868 = vector.bitcast %and3A_867 : vector<16xi32> to vector<16xf32>
        %add3A_869 = arith.addf %add3A_797, %bitcast3A_868 : vector<16xf32>
        %get3A_870 = arith.constant 1 : i32
        %get3A_871 = arith.constant 6 : i32
        %get3A_872 = arith.index_cast %get3A_870 : i32 to index
        %get3A_873 = arith.index_cast %get3A_871 : i32 to index
        %get3A_874 = arith.index_cast %scan3A_382 : i32 to index
        %get3A_875 = arith.constant 32 : index
        %get3A_876 = tpu.vector_load %arg8[%get3A_872, %get3A_873, %get3A_874, %get3A_875] {strides = array<i32>} : memref<2x10x32x128xbf16, #tpu.memory_space<vmem>>, vector<32xbf16>,
        %bitcast3A_877 = vector.bitcast %get3A_876 : vector<32xbf16> to vector<16xi32>
        %shift_left3A_878 = arith.constant 16 : i32
        %shift_left3A_879 = vector.broadcast %shift_left3A_878 : i32 to vector<16xi32>
        %shift_left3A_880 = arith.shli %bitcast3A_877, %shift_left3A_879 : vector<16xi32>
        %bitcast3A_881 = vector.bitcast %shift_left3A_880 : vector<16xi32> to vector<16xf32>
        %add3A_882 = arith.addf %add3A_810, %bitcast3A_881 : vector<16xf32>
        %and3A_883 = arith.constant -65536 : i32
        %and3A_884 = vector.broadcast %and3A_883 : i32 to vector<16xi32>
        %and3A_885 = arith.andi %bitcast3A_877, %and3A_884 : vector<16xi32>
        %bitcast3A_886 = vector.bitcast %and3A_885 : vector<16xi32> to vector<16xf32>
        %add3A_887 = arith.addf %add3A_815, %bitcast3A_886 : vector<16xf32>
        %get3A_888 = arith.constant 1 : i32
        %get3A_889 = arith.constant 6 : i32
        %get3A_890 = arith.index_cast %get3A_888 : i32 to index
        %get3A_891 = arith.index_cast %get3A_889 : i32 to index
        %get3A_892 = arith.index_cast %scan3A_382 : i32 to index
        %get3A_893 = arith.constant 64 : index
        %get3A_894 = tpu.vector_load %arg8[%get3A_890, %get3A_891, %get3A_892, %get3A_893] {strides = array<i32>} : memref<2x10x32x128xbf16, #tpu.memory_space<vmem>>, vector<32xbf16>,
        %bitcast3A_895 = vector.bitcast %get3A_894 : vector<32xbf16> to vector<16xi32>
        %shift_left3A_896 = arith.constant 16 : i32
        %shift_left3A_897 = vector.broadcast %shift_left3A_896 : i32 to vector<16xi32>
        %shift_left3A_898 = arith.shli %bitcast3A_895, %shift_left3A_897 : vector<16xi32>
        %bitcast3A_899 = vector.bitcast %shift_left3A_898 : vector<16xi32> to vector<16xf32>
        %add3A_900 = arith.addf %add3A_828, %bitcast3A_899 : vector<16xf32>
        %and3A_901 = arith.constant -65536 : i32
        %and3A_902 = vector.broadcast %and3A_901 : i32 to vector<16xi32>
        %and3A_903 = arith.andi %bitcast3A_895, %and3A_902 : vector<16xi32>
        %bitcast3A_904 = vector.bitcast %and3A_903 : vector<16xi32> to vector<16xf32>
        %add3A_905 = arith.addf %add3A_833, %bitcast3A_904 : vector<16xf32>
        %get3A_906 = arith.constant 1 : i32
        %get3A_907 = arith.constant 6 : i32
        %get3A_908 = arith.index_cast %get3A_906 : i32 to index
        %get3A_909 = arith.index_cast %get3A_907 : i32 to index
        %get3A_910 = arith.index_cast %scan3A_382 : i32 to index
        %get3A_911 = arith.constant 96 : index
        %get3A_912 = tpu.vector_load %arg8[%get3A_908, %get3A_909, %get3A_910, %get3A_911] {strides = array<i32>} : memref<2x10x32x128xbf16, #tpu.memory_space<vmem>>, vector<32xbf16>,
        %bitcast3A_913 = vector.bitcast %get3A_912 : vector<32xbf16> to vector<16xi32>
        %shift_left3A_914 = arith.constant 16 : i32
        %shift_left3A_915 = vector.broadcast %shift_left3A_914 : i32 to vector<16xi32>
        %shift_left3A_916 = arith.shli %bitcast3A_913, %shift_left3A_915 : vector<16xi32>
        %bitcast3A_917 = vector.bitcast %shift_left3A_916 : vector<16xi32> to vector<16xf32>
        %add3A_918 = arith.addf %add3A_846, %bitcast3A_917 : vector<16xf32>
        %and3A_919 = arith.constant -65536 : i32
        %and3A_920 = vector.broadcast %and3A_919 : i32 to vector<16xi32>
        %and3A_921 = arith.andi %bitcast3A_913, %and3A_920 : vector<16xi32>
        %bitcast3A_922 = vector.bitcast %and3A_921 : vector<16xi32> to vector<16xf32>
        %add3A_923 = arith.addf %add3A_851, %bitcast3A_922 : vector<16xf32>
        %get3A_924 = arith.constant 1 : i32
        %get3A_925 = arith.constant 7 : i32
        %get3A_926 = arith.index_cast %get3A_924 : i32 to index
        %get3A_927 = arith.index_cast %get3A_925 : i32 to index
        %get3A_928 = arith.index_cast %scan3A_382 : i32 to index
        %get3A_929 = arith.constant 0 : index
        %get3A_930 = tpu.vector_load %arg8[%get3A_926, %get3A_927, %get3A_928, %get3A_929] {strides = array<i32>} : memref<2x10x32x128xbf16, #tpu.memory_space<vmem>>, vector<32xbf16>,
        %bitcast3A_931 = vector.bitcast %get3A_930 : vector<32xbf16> to vector<16xi32>
        %shift_left3A_932 = arith.constant 16 : i32
        %shift_left3A_933 = vector.broadcast %shift_left3A_932 : i32 to vector<16xi32>
        %shift_left3A_934 = arith.shli %bitcast3A_931, %shift_left3A_933 : vector<16xi32>
        %bitcast3A_935 = vector.bitcast %shift_left3A_934 : vector<16xi32> to vector<16xf32>
        %add3A_936 = arith.addf %add3A_864, %bitcast3A_935 : vector<16xf32>
        %and3A_937 = arith.constant -65536 : i32
        %and3A_938 = vector.broadcast %and3A_937 : i32 to vector<16xi32>
        %and3A_939 = arith.andi %bitcast3A_931, %and3A_938 : vector<16xi32>
        %bitcast3A_940 = vector.bitcast %and3A_939 : vector<16xi32> to vector<16xf32>
        %add3A_941 = arith.addf %add3A_869, %bitcast3A_940 : vector<16xf32>
        %get3A_942 = arith.constant 1 : i32
        %get3A_943 = arith.constant 7 : i32
        %get3A_944 = arith.index_cast %get3A_942 : i32 to index
        %get3A_945 = arith.index_cast %get3A_943 : i32 to index
        %get3A_946 = arith.index_cast %scan3A_382 : i32 to index
        %get3A_947 = arith.constant 32 : index
        %get3A_948 = tpu.vector_load %arg8[%get3A_944, %get3A_945, %get3A_946, %get3A_947] {strides = array<i32>} : memref<2x10x32x128xbf16, #tpu.memory_space<vmem>>, vector<32xbf16>,
        %bitcast3A_949 = vector.bitcast %get3A_948 : vector<32xbf16> to vector<16xi32>
        %shift_left3A_950 = arith.constant 16 : i32
        %shift_left3A_951 = vector.broadcast %shift_left3A_950 : i32 to vector<16xi32>
        %shift_left3A_952 = arith.shli %bitcast3A_949, %shift_left3A_951 : vector<16xi32>
        %bitcast3A_953 = vector.bitcast %shift_left3A_952 : vector<16xi32> to vector<16xf32>
        %add3A_954 = arith.addf %add3A_882, %bitcast3A_953 : vector<16xf32>
        %and3A_955 = arith.constant -65536 : i32
        %and3A_956 = vector.broadcast %and3A_955 : i32 to vector<16xi32>
        %and3A_957 = arith.andi %bitcast3A_949, %and3A_956 : vector<16xi32>
        %bitcast3A_958 = vector.bitcast %and3A_957 : vector<16xi32> to vector<16xf32>
        %add3A_959 = arith.addf %add3A_887, %bitcast3A_958 : vector<16xf32>
        %get3A_960 = arith.constant 1 : i32
        %get3A_961 = arith.constant 7 : i32
        %get3A_962 = arith.index_cast %get3A_960 : i32 to index
        %get3A_963 = arith.index_cast %get3A_961 : i32 to index
        %get3A_964 = arith.index_cast %scan3A_382 : i32 to index
        %get3A_965 = arith.constant 64 : index
        %get3A_966 = tpu.vector_load %arg8[%get3A_962, %get3A_963, %get3A_964, %get3A_965] {strides = array<i32>} : memref<2x10x32x128xbf16, #tpu.memory_space<vmem>>, vector<32xbf16>,
        %bitcast3A_967 = vector.bitcast %get3A_966 : vector<32xbf16> to vector<16xi32>
        %shift_left3A_968 = arith.constant 16 : i32
        %shift_left3A_969 = vector.broadcast %shift_left3A_968 : i32 to vector<16xi32>
        %shift_left3A_970 = arith.shli %bitcast3A_967, %shift_left3A_969 : vector<16xi32>
        %bitcast3A_971 = vector.bitcast %shift_left3A_970 : vector<16xi32> to vector<16xf32>
        %add3A_972 = arith.addf %add3A_900, %bitcast3A_971 : vector<16xf32>
        %and3A_973 = arith.constant -65536 : i32
        %and3A_974 = vector.broadcast %and3A_973 : i32 to vector<16xi32>
        %and3A_975 = arith.andi %bitcast3A_967, %and3A_974 : vector<16xi32>
        %bitcast3A_976 = vector.bitcast %and3A_975 : vector<16xi32> to vector<16xf32>
        %add3A_977 = arith.addf %add3A_905, %bitcast3A_976 : vector<16xf32>
        %get3A_978 = arith.constant 1 : i32
        %get3A_979 = arith.constant 7 : i32
        %get3A_980 = arith.index_cast %get3A_978 : i32 to index
        %get3A_981 = arith.index_cast %get3A_979 : i32 to index
        %get3A_982 = arith.index_cast %scan3A_382 : i32 to index
        %get3A_983 = arith.constant 96 : index
        %get3A_984 = tpu.vector_load %arg8[%get3A_980, %get3A_981, %get3A_982, %get3A_983] {strides = array<i32>} : memref<2x10x32x128xbf16, #tpu.memory_space<vmem>>, vector<32xbf16>,
        %bitcast3A_985 = vector.bitcast %get3A_984 : vector<32xbf16> to vector<16xi32>
        %shift_left3A_986 = arith.constant 16 : i32
        %shift_left3A_987 = vector.broadcast %shift_left3A_986 : i32 to vector<16xi32>
        %shift_left3A_988 = arith.shli %bitcast3A_985, %shift_left3A_987 : vector<16xi32>
        %bitcast3A_989 = vector.bitcast %shift_left3A_988 : vector<16xi32> to vector<16xf32>
        %add3A_990 = arith.addf %add3A_918, %bitcast3A_989 : vector<16xf32>
        %and3A_991 = arith.constant -65536 : i32
        %and3A_992 = vector.broadcast %and3A_991 : i32 to vector<16xi32>
        %and3A_993 = arith.andi %bitcast3A_985, %and3A_992 : vector<16xi32>
        %bitcast3A_994 = vector.bitcast %and3A_993 : vector<16xi32> to vector<16xf32>
        %add3A_995 = arith.addf %add3A_923, %bitcast3A_994 : vector<16xf32>
        %get3A_996 = arith.constant 1 : i32
        %get3A_997 = arith.constant 8 : i32
        %get3A_998 = arith.index_cast %get3A_996 : i32 to index
        %get3A_999 = arith.index_cast %get3A_997 : i32 to index
        %get3A_1000 = arith.index_cast %scan3A_382 : i32 to index
        %get3A_1001 = arith.constant 0 : index
        %get3A_1002 = tpu.vector_load %arg8[%get3A_998, %get3A_999, %get3A_1000, %get3A_1001] {strides = array<i32>} : memref<2x10x32x128xbf16, #tpu.memory_space<vmem>>, vector<32xbf16>,
        %bitcast3A_1003 = vector.bitcast %get3A_1002 : vector<32xbf16> to vector<16xi32>
        %shift_left3A_1004 = arith.constant 16 : i32
        %shift_left3A_1005 = vector.broadcast %shift_left3A_1004 : i32 to vector<16xi32>
        %shift_left3A_1006 = arith.shli %bitcast3A_1003, %shift_left3A_1005 : vector<16xi32>
        %bitcast3A_1007 = vector.bitcast %shift_left3A_1006 : vector<16xi32> to vector<16xf32>
        %add3A_1008 = arith.addf %add3A_936, %bitcast3A_1007 : vector<16xf32>
        %and3A_1009 = arith.constant -65536 : i32
        %and3A_1010 = vector.broadcast %and3A_1009 : i32 to vector<16xi32>
        %and3A_1011 = arith.andi %bitcast3A_1003, %and3A_1010 : vector<16xi32>
        %bitcast3A_1012 = vector.bitcast %and3A_1011 : vector<16xi32> to vector<16xf32>
        %add3A_1013 = arith.addf %add3A_941, %bitcast3A_1012 : vector<16xf32>
        %get3A_1014 = arith.constant 1 : i32
        %get3A_1015 = arith.constant 8 : i32
        %get3A_1016 = arith.index_cast %get3A_1014 : i32 to index
        %get3A_1017 = arith.index_cast %get3A_1015 : i32 to index
        %get3A_1018 = arith.index_cast %scan3A_382 : i32 to index
        %get3A_1019 = arith.constant 32 : index
        %get3A_1020 = tpu.vector_load %arg8[%get3A_1016, %get3A_1017, %get3A_1018, %get3A_1019] {strides = array<i32>} : memref<2x10x32x128xbf16, #tpu.memory_space<vmem>>, vector<32xbf16>,
        %bitcast3A_1021 = vector.bitcast %get3A_1020 : vector<32xbf16> to vector<16xi32>
        %shift_left3A_1022 = arith.constant 16 : i32
        %shift_left3A_1023 = vector.broadcast %shift_left3A_1022 : i32 to vector<16xi32>
        %shift_left3A_1024 = arith.shli %bitcast3A_1021, %shift_left3A_1023 : vector<16xi32>
        %bitcast3A_1025 = vector.bitcast %shift_left3A_1024 : vector<16xi32> to vector<16xf32>
        %add3A_1026 = arith.addf %add3A_954, %bitcast3A_1025 : vector<16xf32>
        %and3A_1027 = arith.constant -65536 : i32
        %and3A_1028 = vector.broadcast %and3A_1027 : i32 to vector<16xi32>
        %and3A_1029 = arith.andi %bitcast3A_1021, %and3A_1028 : vector<16xi32>
        %bitcast3A_1030 = vector.bitcast %and3A_1029 : vector<16xi32> to vector<16xf32>
        %add3A_1031 = arith.addf %add3A_959, %bitcast3A_1030 : vector<16xf32>
        %get3A_1032 = arith.constant 1 : i32
        %get3A_1033 = arith.constant 8 : i32
        %get3A_1034 = arith.index_cast %get3A_1032 : i32 to index
        %get3A_1035 = arith.index_cast %get3A_1033 : i32 to index
        %get3A_1036 = arith.index_cast %scan3A_382 : i32 to index
        %get3A_1037 = arith.constant 64 : index
        %get3A_1038 = tpu.vector_load %arg8[%get3A_1034, %get3A_1035, %get3A_1036, %get3A_1037] {strides = array<i32>} : memref<2x10x32x128xbf16, #tpu.memory_space<vmem>>, vector<32xbf16>,
        %bitcast3A_1039 = vector.bitcast %get3A_1038 : vector<32xbf16> to vector<16xi32>
        %shift_left3A_1040 = arith.constant 16 : i32
        %shift_left3A_1041 = vector.broadcast %shift_left3A_1040 : i32 to vector<16xi32>
        %shift_left3A_1042 = arith.shli %bitcast3A_1039, %shift_left3A_1041 : vector<16xi32>
        %bitcast3A_1043 = vector.bitcast %shift_left3A_1042 : vector<16xi32> to vector<16xf32>
        %add3A_1044 = arith.addf %add3A_972, %bitcast3A_1043 : vector<16xf32>
        %and3A_1045 = arith.constant -65536 : i32
        %and3A_1046 = vector.broadcast %and3A_1045 : i32 to vector<16xi32>
        %and3A_1047 = arith.andi %bitcast3A_1039, %and3A_1046 : vector<16xi32>
        %bitcast3A_1048 = vector.bitcast %and3A_1047 : vector<16xi32> to vector<16xf32>
        %add3A_1049 = arith.addf %add3A_977, %bitcast3A_1048 : vector<16xf32>
        %get3A_1050 = arith.constant 1 : i32
        %get3A_1051 = arith.constant 8 : i32
        %get3A_1052 = arith.index_cast %get3A_1050 : i32 to index
        %get3A_1053 = arith.index_cast %get3A_1051 : i32 to index
        %get3A_1054 = arith.index_cast %scan3A_382 : i32 to index
        %get3A_1055 = arith.constant 96 : index
        %get3A_1056 = tpu.vector_load %arg8[%get3A_1052, %get3A_1053, %get3A_1054, %get3A_1055] {strides = array<i32>} : memref<2x10x32x128xbf16, #tpu.memory_space<vmem>>, vector<32xbf16>,
        %bitcast3A_1057 = vector.bitcast %get3A_1056 : vector<32xbf16> to vector<16xi32>
        %shift_left3A_1058 = arith.constant 16 : i32
        %shift_left3A_1059 = vector.broadcast %shift_left3A_1058 : i32 to vector<16xi32>
        %shift_left3A_1060 = arith.shli %bitcast3A_1057, %shift_left3A_1059 : vector<16xi32>
        %bitcast3A_1061 = vector.bitcast %shift_left3A_1060 : vector<16xi32> to vector<16xf32>
        %add3A_1062 = arith.addf %add3A_990, %bitcast3A_1061 : vector<16xf32>
        %and3A_1063 = arith.constant -65536 : i32
        %and3A_1064 = vector.broadcast %and3A_1063 : i32 to vector<16xi32>
        %and3A_1065 = arith.andi %bitcast3A_1057, %and3A_1064 : vector<16xi32>
        %bitcast3A_1066 = vector.bitcast %and3A_1065 : vector<16xi32> to vector<16xf32>
        %add3A_1067 = arith.addf %add3A_995, %bitcast3A_1066 : vector<16xf32>
        %get3A_1068 = arith.constant 1 : i32
        %get3A_1069 = arith.constant 9 : i32
        %get3A_1070 = arith.index_cast %get3A_1068 : i32 to index
        %get3A_1071 = arith.index_cast %get3A_1069 : i32 to index
        %get3A_1072 = arith.index_cast %scan3A_382 : i32 to index
        %get3A_1073 = arith.constant 0 : index
        %get3A_1074 = tpu.vector_load %arg8[%get3A_1070, %get3A_1071, %get3A_1072, %get3A_1073] {strides = array<i32>} : memref<2x10x32x128xbf16, #tpu.memory_space<vmem>>, vector<32xbf16>,
        %bitcast3A_1075 = vector.bitcast %get3A_1074 : vector<32xbf16> to vector<16xi32>
        %shift_left3A_1076 = arith.constant 16 : i32
        %shift_left3A_1077 = vector.broadcast %shift_left3A_1076 : i32 to vector<16xi32>
        %shift_left3A_1078 = arith.shli %bitcast3A_1075, %shift_left3A_1077 : vector<16xi32>
        %bitcast3A_1079 = vector.bitcast %shift_left3A_1078 : vector<16xi32> to vector<16xf32>
        %add3A_1080 = arith.addf %add3A_1008, %bitcast3A_1079 : vector<16xf32>
        %and3A_1081 = arith.constant -65536 : i32
        %and3A_1082 = vector.broadcast %and3A_1081 : i32 to vector<16xi32>
        %and3A_1083 = arith.andi %bitcast3A_1075, %and3A_1082 : vector<16xi32>
        %bitcast3A_1084 = vector.bitcast %and3A_1083 : vector<16xi32> to vector<16xf32>
        %add3A_1085 = arith.addf %add3A_1013, %bitcast3A_1084 : vector<16xf32>
        %get3A_1086 = arith.constant 1 : i32
        %get3A_1087 = arith.constant 9 : i32
        %get3A_1088 = arith.index_cast %get3A_1086 : i32 to index
        %get3A_1089 = arith.index_cast %get3A_1087 : i32 to index
        %get3A_1090 = arith.index_cast %scan3A_382 : i32 to index
        %get3A_1091 = arith.constant 32 : index
        %get3A_1092 = tpu.vector_load %arg8[%get3A_1088, %get3A_1089, %get3A_1090, %get3A_1091] {strides = array<i32>} : memref<2x10x32x128xbf16, #tpu.memory_space<vmem>>, vector<32xbf16>,
        %bitcast3A_1093 = vector.bitcast %get3A_1092 : vector<32xbf16> to vector<16xi32>
        %shift_left3A_1094 = arith.constant 16 : i32
        %shift_left3A_1095 = vector.broadcast %shift_left3A_1094 : i32 to vector<16xi32>
        %shift_left3A_1096 = arith.shli %bitcast3A_1093, %shift_left3A_1095 : vector<16xi32>
        %bitcast3A_1097 = vector.bitcast %shift_left3A_1096 : vector<16xi32> to vector<16xf32>
        %add3A_1098 = arith.addf %add3A_1026, %bitcast3A_1097 : vector<16xf32>
        %and3A_1099 = arith.constant -65536 : i32
        %and3A_1100 = vector.broadcast %and3A_1099 : i32 to vector<16xi32>
        %and3A_1101 = arith.andi %bitcast3A_1093, %and3A_1100 : vector<16xi32>
        %bitcast3A_1102 = vector.bitcast %and3A_1101 : vector<16xi32> to vector<16xf32>
        %add3A_1103 = arith.addf %add3A_1031, %bitcast3A_1102 : vector<16xf32>
        %get3A_1104 = arith.constant 1 : i32
        %get3A_1105 = arith.constant 9 : i32
        %get3A_1106 = arith.index_cast %get3A_1104 : i32 to index
        %get3A_1107 = arith.index_cast %get3A_1105 : i32 to index
        %get3A_1108 = arith.index_cast %scan3A_382 : i32 to index
        %get3A_1109 = arith.constant 64 : index
        %get3A_1110 = tpu.vector_load %arg8[%get3A_1106, %get3A_1107, %get3A_1108, %get3A_1109] {strides = array<i32>} : memref<2x10x32x128xbf16, #tpu.memory_space<vmem>>, vector<32xbf16>,
        %bitcast3A_1111 = vector.bitcast %get3A_1110 : vector<32xbf16> to vector<16xi32>
        %shift_left3A_1112 = arith.constant 16 : i32
        %shift_left3A_1113 = vector.broadcast %shift_left3A_1112 : i32 to vector<16xi32>
        %shift_left3A_1114 = arith.shli %bitcast3A_1111, %shift_left3A_1113 : vector<16xi32>
        %bitcast3A_1115 = vector.bitcast %shift_left3A_1114 : vector<16xi32> to vector<16xf32>
        %add3A_1116 = arith.addf %add3A_1044, %bitcast3A_1115 : vector<16xf32>
        %and3A_1117 = arith.constant -65536 : i32
        %and3A_1118 = vector.broadcast %and3A_1117 : i32 to vector<16xi32>
        %and3A_1119 = arith.andi %bitcast3A_1111, %and3A_1118 : vector<16xi32>
        %bitcast3A_1120 = vector.bitcast %and3A_1119 : vector<16xi32> to vector<16xf32>
        %add3A_1121 = arith.addf %add3A_1049, %bitcast3A_1120 : vector<16xf32>
        %get3A_1122 = arith.constant 1 : i32
        %get3A_1123 = arith.constant 9 : i32
        %get3A_1124 = arith.index_cast %get3A_1122 : i32 to index
        %get3A_1125 = arith.index_cast %get3A_1123 : i32 to index
        %get3A_1126 = arith.index_cast %scan3A_382 : i32 to index
        %get3A_1127 = arith.constant 96 : index
        %get3A_1128 = tpu.vector_load %arg8[%get3A_1124, %get3A_1125, %get3A_1126, %get3A_1127] {strides = array<i32>} : memref<2x10x32x128xbf16, #tpu.memory_space<vmem>>, vector<32xbf16>,
        %bitcast3A_1129 = vector.bitcast %get3A_1128 : vector<32xbf16> to vector<16xi32>
        %shift_left3A_1130 = arith.constant 16 : i32
        %shift_left3A_1131 = vector.broadcast %shift_left3A_1130 : i32 to vector<16xi32>
        %shift_left3A_1132 = arith.shli %bitcast3A_1129, %shift_left3A_1131 : vector<16xi32>
        %bitcast3A_1133 = vector.bitcast %shift_left3A_1132 : vector<16xi32> to vector<16xf32>
        %add3A_1134 = arith.addf %add3A_1062, %bitcast3A_1133 : vector<16xf32>
        %and3A_1135 = arith.constant -65536 : i32
        %and3A_1136 = vector.broadcast %and3A_1135 : i32 to vector<16xi32>
        %and3A_1137 = arith.andi %bitcast3A_1129, %and3A_1136 : vector<16xi32>
        %bitcast3A_1138 = vector.bitcast %and3A_1137 : vector<16xi32> to vector<16xf32>
        %add3A_1139 = arith.addf %add3A_1067, %bitcast3A_1138 : vector<16xf32>
        %max3A = arith.constant 0.000000e+00 : f32
        %max3A_1140 = vector.broadcast %max3A : f32 to vector<16xf32>
        %max3A_1141 = arith.maximumf %add3A_1080, %max3A_1140 : vector<16xf32>
        %swap3A = arith.constant 1 : i32
        %swap3A_1142 = arith.index_cast %swap3A : i32 to index
        %swap3A_1143 = arith.index_cast %scan3A_382 : i32 to index
        %swap3A_1144 = arith.constant 0 : index
        %swap3A_1145 = tpu.vector_load %arg10[%swap3A_1142, %swap3A_1143, %swap3A_1144] {strides = array<i32>} : memref<2x32x128xf32, #tpu.memory_space<vmem>>, vector<16xf32>,
        tpu.vector_store %arg10[%swap3A_1142, %swap3A_1143, %swap3A_1144], %max3A_1141 {strides = array<i32>} : memref<2x32x128xf32, #tpu.memory_space<vmem>>, vector<16xf32>,
        %max3A_1146 = arith.constant 0.000000e+00 : f32
        %max3A_1147 = vector.broadcast %max3A_1146 : f32 to vector<16xf32>
        %max3A_1148 = arith.maximumf %add3A_1098, %max3A_1147 : vector<16xf32>
        %swap3A_1149 = arith.constant 1 : i32
        %swap3A_1150 = arith.index_cast %swap3A_1149 : i32 to index
        %swap3A_1151 = arith.index_cast %scan3A_382 : i32 to index
        %swap3A_1152 = arith.constant 16 : index
        %swap3A_1153 = tpu.vector_load %arg10[%swap3A_1150, %swap3A_1151, %swap3A_1152] {strides = array<i32>} : memref<2x32x128xf32, #tpu.memory_space<vmem>>, vector<16xf32>,
        tpu.vector_store %arg10[%swap3A_1150, %swap3A_1151, %swap3A_1152], %max3A_1148 {strides = array<i32>} : memref<2x32x128xf32, #tpu.memory_space<vmem>>, vector<16xf32>,
        %max3A_1154 = arith.constant 0.000000e+00 : f32
        %max3A_1155 = vector.broadcast %max3A_1154 : f32 to vector<16xf32>
        %max3A_1156 = arith.maximumf %add3A_1116, %max3A_1155 : vector<16xf32>
        %swap3A_1157 = arith.constant 1 : i32
        %swap3A_1158 = arith.index_cast %swap3A_1157 : i32 to index
        %swap3A_1159 = arith.index_cast %scan3A_382 : i32 to index
        %swap3A_1160 = arith.constant 32 : index
        %swap3A_1161 = tpu.vector_load %arg10[%swap3A_1158, %swap3A_1159, %swap3A_1160] {strides = array<i32>} : memref<2x32x128xf32, #tpu.memory_space<vmem>>, vector<16xf32>,
        tpu.vector_store %arg10[%swap3A_1158, %swap3A_1159, %swap3A_1160], %max3A_1156 {strides = array<i32>} : memref<2x32x128xf32, #tpu.memory_space<vmem>>, vector<16xf32>,
        %max3A_1162 = arith.constant 0.000000e+00 : f32
        %max3A_1163 = vector.broadcast %max3A_1162 : f32 to vector<16xf32>
        %max3A_1164 = arith.maximumf %add3A_1134, %max3A_1163 : vector<16xf32>
        %swap3A_1165 = arith.constant 1 : i32
        %swap3A_1166 = arith.index_cast %swap3A_1165 : i32 to index
        %swap3A_1167 = arith.index_cast %scan3A_382 : i32 to index
        %swap3A_1168 = arith.constant 48 : index
        %swap3A_1169 = tpu.vector_load %arg10[%swap3A_1166, %swap3A_1167, %swap3A_1168] {strides = array<i32>} : memref<2x32x128xf32, #tpu.memory_space<vmem>>, vector<16xf32>,
        tpu.vector_store %arg10[%swap3A_1166, %swap3A_1167, %swap3A_1168], %max3A_1164 {strides = array<i32>} : memref<2x32x128xf32, #tpu.memory_space<vmem>>, vector<16xf32>,
        %max3A_1170 = arith.constant 0.000000e+00 : f32
        %max3A_1171 = vector.broadcast %max3A_1170 : f32 to vector<16xf32>
        %max3A_1172 = arith.maximumf %add3A_1085, %max3A_1171 : vector<16xf32>
        %swap3A_1173 = arith.constant 1 : i32
        %swap3A_1174 = arith.index_cast %swap3A_1173 : i32 to index
        %swap3A_1175 = arith.index_cast %scan3A_382 : i32 to index
        %swap3A_1176 = arith.constant 64 : index
        %swap3A_1177 = tpu.vector_load %arg10[%swap3A_1174, %swap3A_1175, %swap3A_1176] {strides = array<i32>} : memref<2x32x128xf32, #tpu.memory_space<vmem>>, vector<16xf32>,
        tpu.vector_store %arg10[%swap3A_1174, %swap3A_1175, %swap3A_1176], %max3A_1172 {strides = array<i32>} : memref<2x32x128xf32, #tpu.memory_space<vmem>>, vector<16xf32>,
        %max3A_1178 = arith.constant 0.000000e+00 : f32
        %max3A_1179 = vector.broadcast %max3A_1178 : f32 to vector<16xf32>
        %max3A_1180 = arith.maximumf %add3A_1103, %max3A_1179 : vector<16xf32>
        %swap3A_1181 = arith.constant 1 : i32
        %swap3A_1182 = arith.index_cast %swap3A_1181 : i32 to index
        %swap3A_1183 = arith.index_cast %scan3A_382 : i32 to index
        %swap3A_1184 = arith.constant 80 : index
        %swap3A_1185 = tpu.vector_load %arg10[%swap3A_1182, %swap3A_1183, %swap3A_1184] {strides = array<i32>} : memref<2x32x128xf32, #tpu.memory_space<vmem>>, vector<16xf32>,
        tpu.vector_store %arg10[%swap3A_1182, %swap3A_1183, %swap3A_1184], %max3A_1180 {strides = array<i32>} : memref<2x32x128xf32, #tpu.memory_space<vmem>>, vector<16xf32>,
        %max3A_1186 = arith.constant 0.000000e+00 : f32
        %max3A_1187 = vector.broadcast %max3A_1186 : f32 to vector<16xf32>
        %max3A_1188 = arith.maximumf %add3A_1121, %max3A_1187 : vector<16xf32>
        %swap3A_1189 = arith.constant 1 : i32
        %swap3A_1190 = arith.index_cast %swap3A_1189 : i32 to index
        %swap3A_1191 = arith.index_cast %scan3A_382 : i32 to index
        %swap3A_1192 = arith.constant 96 : index
        %swap3A_1193 = tpu.vector_load %arg10[%swap3A_1190, %swap3A_1191, %swap3A_1192] {strides = array<i32>} : memref<2x32x128xf32, #tpu.memory_space<vmem>>, vector<16xf32>,
        tpu.vector_store %arg10[%swap3A_1190, %swap3A_1191, %swap3A_1192], %max3A_1188 {strides = array<i32>} : memref<2x32x128xf32, #tpu.memory_space<vmem>>, vector<16xf32>,
        %max3A_1194 = arith.constant 0.000000e+00 : f32
        %max3A_1195 = vector.broadcast %max3A_1194 : f32 to vector<16xf32>
        %max3A_1196 = arith.maximumf %add3A_1139, %max3A_1195 : vector<16xf32>
        %swap3A_1197 = arith.constant 1 : i32
        %swap3A_1198 = arith.index_cast %swap3A_1197 : i32 to index
        %swap3A_1199 = arith.index_cast %scan3A_382 : i32 to index
        %swap3A_1200 = arith.constant 112 : index
        %swap3A_1201 = tpu.vector_load %arg10[%swap3A_1198, %swap3A_1199, %swap3A_1200] {strides = array<i32>} : memref<2x32x128xf32, #tpu.memory_space<vmem>>, vector<16xf32>,
        tpu.vector_store %arg10[%swap3A_1198, %swap3A_1199, %swap3A_1200], %max3A_1196 {strides = array<i32>} : memref<2x32x128xf32, #tpu.memory_space<vmem>>, vector<16xf32>,
      }
      %scan3A_364 = arith.constant 32 : i32
      %lt3A_365 = arith.constant 3125 : i32
      %lt3A_366 = arith.cmpi slt, %add3A_319, %lt3A_365 : i32
      %convert_element_type3A_367 = arith.extui %lt3A_366 : i1 to i32
      %cond3A_368 = arith.constant 0 : i32
      %cond3A_369 = arith.cmpi ne, %convert_element_type3A_367, %cond3A_368 : i32
      scf.if %cond3A_369 {
        %mul3A_382 = arith.constant 32 : i32
        %mul3A_383 = arith.muli %add3A_319, %mul3A_382 : i32
        %dma_start3A_384 = arith.constant 1 : i32
        %dma_start3A_385 = arith.constant 0 : i32
        %dma_start3A_386 = arith.constant 0 : i32
        %dma_start3A_387 = tpu.memref_slice %arg10[%dma_start3A_384, %dma_start3A_385, %dma_start3A_386] : memref<2x32x128xf32, #tpu.memory_space<vmem>> -> memref<1x32x128xf32, #tpu.memory_space<vmem>>
        %dma_start3A_388 = tpu.memref_squeeze %dma_start3A_387 : memref<1x32x128xf32, #tpu.memory_space<vmem>> -> memref<32x128xf32, #tpu.memory_space<vmem>>
        %dma_start3A_389 = arith.constant 0 : i32
        %dma_start3A_390 = tpu.memref_slice %arg5[%mul3A_383, %dma_start3A_389] : memref<100000x128xf32, #tpu.memory_space<hbm>> -> memref<32x128xf32, #tpu.memory_space<hbm>>
        %dma_start3A_391 = arith.constant 0 : i32
        %dma_start3A_392 = tpu.memref_slice %arg5[%mul3A_383, %dma_start3A_391] : memref<100000x128xf32, #tpu.memory_space<hbm>> -> memref<32x128xf32, #tpu.memory_space<hbm>>
        %dma_start3A_393 = arith.constant 0 : i32
        %dma_start3A_394 = arith.constant 0 : i32
        %dma_start3A_395 = tpu.memref_slice %arg10[%dma_start3A_384, %dma_start3A_393, %dma_start3A_394] : memref<2x32x128xf32, #tpu.memory_space<vmem>> -> memref<1x32x128xf32, #tpu.memory_space<vmem>>
        %dma_start3A_396 = tpu.memref_squeeze %dma_start3A_395 : memref<1x32x128xf32, #tpu.memory_space<vmem>> -> memref<32x128xf32, #tpu.memory_space<vmem>>
        tpu.enqueue_dma source(%dma_start3A_396 : memref<32x128xf32, #tpu.memory_space<vmem>>) target(%dma_start3A_392 : memref<32x128xf32, #tpu.memory_space<hbm>>) target_semaphore(%arg18 : memref<!tpu.dma_semaphore, #tpu.memory_space<semaphore_mem>>)
      } else {
      }
      %add3A_370 = arith.constant 2 : i32
      %add3A_371 = arith.addi %add3A_318, %add3A_370 : i32
      %lt3A_372 = arith.constant 98 : i32
      %lt3A_373 = arith.cmpi slt, %add3A_371, %lt3A_372 : i32
      %add3A_374 = arith.constant 2 : i32
      %add3A_375 = arith.addi %add3A_319, %add3A_374 : i32
      %lt3A_376 = arith.constant 3125 : i32
      %lt3A_377 = arith.cmpi slt, %add3A_375, %lt3A_376 : i32
      %and3A_378 = arith.andi %lt3A_373, %lt3A_377 : i1
      %convert_element_type3A_379 = arith.extui %and3A_378 : i1 to i32
      %cond3A_380 = arith.constant 0 : i32
      %cond3A_381 = arith.cmpi ne, %convert_element_type3A_379, %cond3A_380 : i32
      scf.if %cond3A_381 {
        %add3A_382 = arith.constant 2 : i32
        %add3A_383 = arith.addi %add3A_319, %add3A_382 : i32
        %mul3A_384 = arith.constant 32 : i32
        %mul3A_385 = arith.muli %add3A_383, %mul3A_384 : i32
        %dma_start3A_386 = arith.constant 1 : i32
        %dma_start3A_387 = arith.constant 0 : i32
        %dma_start3A_388 = arith.constant 0 : i32
        %dma_start3A_389 = tpu.memref_slice %arg9[%dma_start3A_386, %dma_start3A_387, %dma_start3A_388] : memref<2x32x128xf32, #tpu.memory_space<vmem>> -> memref<1x32x128xf32, #tpu.memory_space<vmem>>
        %dma_start3A_390 = tpu.memref_squeeze %dma_start3A_389 : memref<1x32x128xf32, #tpu.memory_space<vmem>> -> memref<32x128xf32, #tpu.memory_space<vmem>>
        %dma_start3A_391 = arith.constant 0 : i32
        %dma_start3A_392 = tpu.memref_slice %arg4[%mul3A_385, %dma_start3A_391] : memref<100000x128xf32, #tpu.memory_space<hbm>> -> memref<32x128xf32, #tpu.memory_space<hbm>>
        %dma_start3A_393 = arith.constant 0 : i32
        %dma_start3A_394 = arith.constant 0 : i32
        %dma_start3A_395 = tpu.memref_slice %arg9[%dma_start3A_386, %dma_start3A_393, %dma_start3A_394] : memref<2x32x128xf32, #tpu.memory_space<vmem>> -> memref<1x32x128xf32, #tpu.memory_space<vmem>>
        %dma_start3A_396 = tpu.memref_squeeze %dma_start3A_395 : memref<1x32x128xf32, #tpu.memory_space<vmem>> -> memref<32x128xf32, #tpu.memory_space<vmem>>
        %dma_start3A_397 = arith.constant 0 : i32
        %dma_start3A_398 = tpu.memref_slice %arg4[%mul3A_385, %dma_start3A_397] : memref<100000x128xf32, #tpu.memory_space<hbm>> -> memref<32x128xf32, #tpu.memory_space<hbm>>
        tpu.enqueue_dma source(%dma_start3A_398 : memref<32x128xf32, #tpu.memory_space<hbm>>) target(%dma_start3A_396 : memref<32x128xf32, #tpu.memory_space<vmem>>) target_semaphore(%arg14 : memref<!tpu.dma_semaphore, #tpu.memory_space<semaphore_mem>>)
      } else {
      }
    }
    %scan3A_232 = arith.constant 49 : i32
    %add3A_233 = arith.constant 98 : i32
    %add3A_234 = arith.addi %mul3A_2, %add3A_233 : i32
    %sub3A = arith.constant 2 : i32
    %sub3A_235 = arith.subi %add3A_234, %sub3A : i32
    %lt3A = arith.constant 3125 : i32
    %lt3A_236 = arith.cmpi slt, %sub3A_235, %lt3A : i32
    %convert_element_type3A_237 = arith.extui %lt3A_236 : i1 to i32
    %cond3A_238 = arith.constant 0 : i32
    %cond3A_239 = arith.cmpi ne, %convert_element_type3A_237, %cond3A_238 : i32
    scf.if %cond3A_239 {
      %add3A_249 = arith.constant 98 : i32
      %add3A_250 = arith.addi %mul3A_2, %add3A_249 : i32
      %sub3A_251 = arith.constant 2 : i32
      %sub3A_252 = arith.subi %add3A_250, %sub3A_251 : i32
      %mul3A_253 = arith.constant 32 : i32
      %mul3A_254 = arith.muli %sub3A_252, %mul3A_253 : i32
      %dma_wait3A_255 = arith.constant 0 : i32
      %dma_wait3A_256 = arith.constant 0 : i32
      %dma_wait3A_257 = arith.constant 0 : i32
      %dma_wait3A_258 = tpu.memref_slice %arg10[%dma_wait3A_255, %dma_wait3A_256, %dma_wait3A_257] : memref<2x32x128xf32, #tpu.memory_space<vmem>> -> memref<1x32x128xf32, #tpu.memory_space<vmem>>
      %dma_wait3A_259 = tpu.memref_squeeze %dma_wait3A_258 : memref<1x32x128xf32, #tpu.memory_space<vmem>> -> memref<32x128xf32, #tpu.memory_space<vmem>>
      %dma_wait3A_260 = arith.constant 0 : i32
      %dma_wait3A_261 = tpu.memref_slice %arg5[%mul3A_254, %dma_wait3A_260] : memref<100000x128xf32, #tpu.memory_space<hbm>> -> memref<32x128xf32, #tpu.memory_space<hbm>>
      %dma_wait3A_262 = arith.constant 0 : i32
      %dma_wait3A_263 = tpu.memref_slice %arg5[%mul3A_254, %dma_wait3A_262] : memref<100000x128xf32, #tpu.memory_space<hbm>> -> memref<32x128xf32, #tpu.memory_space<hbm>>
      %dma_wait3A_264 = arith.constant 0 : i32
      %dma_wait3A_265 = arith.constant 0 : i32
      %dma_wait3A_266 = tpu.memref_slice %arg10[%dma_wait3A_255, %dma_wait3A_264, %dma_wait3A_265] : memref<2x32x128xf32, #tpu.memory_space<vmem>> -> memref<1x32x128xf32, #tpu.memory_space<vmem>>
      %dma_wait3A_267 = tpu.memref_squeeze %dma_wait3A_266 : memref<1x32x128xf32, #tpu.memory_space<vmem>> -> memref<32x128xf32, #tpu.memory_space<vmem>>
      tpu.wait_dma2 semaphore(%arg17 : memref<!tpu.dma_semaphore, #tpu.memory_space<semaphore_mem>>) src(%dma_wait3A_267 : memref<32x128xf32, #tpu.memory_space<vmem>>) dst(%dma_wait3A_263 : memref<32x128xf32, #tpu.memory_space<hbm>>)
    } else {
    }
    %add3A_240 = arith.constant 98 : i32
    %add3A_241 = arith.addi %mul3A_2, %add3A_240 : i32
    %sub3A_242 = arith.constant 1 : i32
    %sub3A_243 = arith.subi %add3A_241, %sub3A_242 : i32
    %lt3A_244 = arith.constant 3125 : i32
    %lt3A_245 = arith.cmpi slt, %sub3A_243, %lt3A_244 : i32
    %convert_element_type3A_246 = arith.extui %lt3A_245 : i1 to i32
    %cond3A_247 = arith.constant 0 : i32
    %cond3A_248 = arith.cmpi ne, %convert_element_type3A_246, %cond3A_247 : i32
    scf.if %cond3A_248 {
      %add3A_249 = arith.constant 98 : i32
      %add3A_250 = arith.addi %mul3A_2, %add3A_249 : i32
      %sub3A_251 = arith.constant 1 : i32
      %sub3A_252 = arith.subi %add3A_250, %sub3A_251 : i32
      %mul3A_253 = arith.constant 32 : i32
      %mul3A_254 = arith.muli %sub3A_252, %mul3A_253 : i32
      %dma_wait3A_255 = arith.constant 1 : i32
      %dma_wait3A_256 = arith.constant 0 : i32
      %dma_wait3A_257 = arith.constant 0 : i32
      %dma_wait3A_258 = tpu.memref_slice %arg10[%dma_wait3A_255, %dma_wait3A_256, %dma_wait3A_257] : memref<2x32x128xf32, #tpu.memory_space<vmem>> -> memref<1x32x128xf32, #tpu.memory_space<vmem>>
      %dma_wait3A_259 = tpu.memref_squeeze %dma_wait3A_258 : memref<1x32x128xf32, #tpu.memory_space<vmem>> -> memref<32x128xf32, #tpu.memory_space<vmem>>
      %dma_wait3A_260 = arith.constant 0 : i32
      %dma_wait3A_261 = tpu.memref_slice %arg5[%mul3A_254, %dma_wait3A_260] : memref<100000x128xf32, #tpu.memory_space<hbm>> -> memref<32x128xf32, #tpu.memory_space<hbm>>
      %dma_wait3A_262 = arith.constant 0 : i32
      %dma_wait3A_263 = tpu.memref_slice %arg5[%mul3A_254, %dma_wait3A_262] : memref<100000x128xf32, #tpu.memory_space<hbm>> -> memref<32x128xf32, #tpu.memory_space<hbm>>
      %dma_wait3A_264 = arith.constant 0 : i32
      %dma_wait3A_265 = arith.constant 0 : i32
      %dma_wait3A_266 = tpu.memref_slice %arg10[%dma_wait3A_255, %dma_wait3A_264, %dma_wait3A_265] : memref<2x32x128xf32, #tpu.memory_space<vmem>> -> memref<1x32x128xf32, #tpu.memory_space<vmem>>
      %dma_wait3A_267 = tpu.memref_squeeze %dma_wait3A_266 : memref<1x32x128xf32, #tpu.memory_space<vmem>> -> memref<32x128xf32, #tpu.memory_space<vmem>>
      tpu.wait_dma2 semaphore(%arg18 : memref<!tpu.dma_semaphore, #tpu.memory_space<semaphore_mem>>) src(%dma_wait3A_267 : memref<32x128xf32, #tpu.memory_space<vmem>>) dst(%dma_wait3A_263 : memref<32x128xf32, #tpu.memory_space<hbm>>)
    } else {
    }
    return
  }
}

module attributes {stable_mosaic.version = 14 : i64} {
  func.func @body(%arg0: i32, %arg1: memref<16x4096xf32, #tpu.memory_space<vmem>>, %arg2: memref<16x128xf32, #tpu.memory_space<vmem>>, %arg3: memref<1x128xf32, #tpu.memory_space<vmem>>, %arg4: memref<4096x128xf32, #tpu.memory_space<vmem>>) attributes {dimension_semantics = [#tpu.dimension_semantics<arbitrary>], iteration_bounds = array<i64: 25>, scalar_prefetch = 0 : i64, scratch_operands = 0 : i64, tpu.core_type = #tpu.core_type<tc>, window_params = [{transform_indices = @transform_0, window_bounds = array<i64: 16, 4096>}, {pipeline_mode = #tpu.pipeline_mode<synchronous>, transform_indices = @transform_1, window_bounds = array<i64: 16, 128>}, {pipeline_mode = #tpu.pipeline_mode<synchronous>, transform_indices = @transform_2, window_bounds = array<i64: 1, 128>}, {transform_indices = @transform_3, window_bounds = array<i64: 4096, 128>}]} {
    %get3A = arith.constant 0 : index
    %get3A_0 = arith.constant 0 : index
    %get3A_1 = vector.load %arg1[%get3A, %get3A_0] : memref<16x4096xf32, #tpu.memory_space<vmem>>, vector<16x4096xf32>
    %get3A_2 = arith.constant 0 : index
    %get3A_3 = arith.constant 0 : index
    %get3A_4 = vector.load %arg2[%get3A_2, %get3A_3] : memref<16x128xf32, #tpu.memory_space<vmem>>, vector<16x128xf32>
    %dot_general3A = arith.constant dense<0.000000e+00> : vector<4096x128xf32>
    %dot_general3A_5 = tpu.matmul %get3A_1, %get3A_4, %dot_general3A {dimension_numbers = #tpu.dot_dimension_numbers<[0], [0], [1], [1], [0, 1, 1, 1], [], []>, transpose_lhs_hint = false} : vector<16x4096xf32>, vector<16x128xf32>, vector<4096x128xf32> -> vector<4096x128xf32>
    %get3A_6 = arith.constant 0 : index
    %get3A_7 = arith.constant 0 : index
    %get3A_8 = vector.load %arg3[%get3A_6, %get3A_7] : memref<1x128xf32, #tpu.memory_space<vmem>>, vector<1x128xf32>
    %add3A = vector.broadcast %get3A_8 : vector<1x128xf32> to vector<4096x128xf32>
    %add3A_9 = arith.addf %dot_general3A_5, %add3A : vector<4096x128xf32>
    %swap3A = arith.constant 0 : index
    %swap3A_10 = arith.constant 0 : index
    %swap3A_11 = vector.load %arg4[%swap3A, %swap3A_10] : memref<4096x128xf32, #tpu.memory_space<vmem>>, vector<4096x128xf32>
    tpu.vector_store %arg4[%swap3A, %swap3A_10], %add3A_9 {strides = array<i32>} : memref<4096x128xf32, #tpu.memory_space<vmem>>, vector<4096x128xf32>,
    return
  }
  func.func @transform_0(%arg0: i32) -> (i32, i32) {
    %c0_i32 = arith.constant 0 : i32
    %c0_i32_0 = arith.constant 0 : i32
    return %c0_i32, %arg0 : i32, i32
  }
  func.func @transform_1(%arg0: i32) -> (i32, i32) {
    %c0_i32 = arith.constant 0 : i32
    %c0_i32_0 = arith.constant 0 : i32
    %c0_i32_1 = arith.constant 0 : i32
    return %c0_i32, %c0_i32_0 : i32, i32
  }
  func.func @transform_2(%arg0: i32) -> (i32, i32) {
    %c0_i32 = arith.constant 0 : i32
    %c0_i32_0 = arith.constant 0 : i32
    %c0_i32_1 = arith.constant 0 : i32
    return %c0_i32, %c0_i32_0 : i32, i32
  }
  func.func @transform_3(%arg0: i32) -> (i32, i32) {
    %c0_i32 = arith.constant 0 : i32
    %c0_i32_0 = arith.constant 0 : i32
    return %arg0, %c0_i32 : i32, i32
  }
}

</mosaic_0001>

<sc_bundles>
// kernel: kernel.4.cloned.1.call-start
scs
__scs_entry_jumppad:
0x0: {  	(pc) =	sbr.rel $0x88, $3  }
0x1: {  	(tag) =	ssettag $0x0;
	lr =	simm.s32 $0x1  }
0x2: {  	[smem:$0x3F9C] =	sst lr;
	_ =	strace $0xD0000000  }
0x3: {  	_ = 	snop  }
0x4: {  	_ = 	snop  }
0x5: {  	_ = 	snop  }
0x6: {  	_ = 	snop  }
0x7: {  	_ = 	snop  }
__scs_overlays_trampoline_lowered:
0x8: {  	[smem:$0x3FAB] =	sst s0  }
0x9: {  	[smem:$0x3FAC] =	sst s1  }
0xa: {  	[smem:$0x3FAD] =	sst s2  }
0xb: {  	[smem:$0x3FAE] =	sst s3  }
0xc: {  	[smem:$0x3FAF] =	sst s4  }
0xd: {  	[smem:$0x3FB0] =	sst s5  }
0xe: {  	[smem:$0x3FB1] =	sst s6  }
0xf: {  	[smem:$0x3FB2] =	sst s7  }
0x10: {  	[smem:$0x3FB3] =	sst s8  }
0x11: {  	[smem:$0x3FB4] =	sst s9;
	s0 =	simm.s32 @!p0 $0x0  }
0x12: {  	s1 =	sld [smem:$0x3F9A];
	s0 =	simm.s32 @p0 $0x1  }
0x13: {  	[smem:$0x3FB5] =	sst s0;
	s0 =	simm.s32 @!p1 $0x0  }
0x14: {  	s2 =	sld [smem:$0x3F99];
	s0 =	simm.s32 @p1 $0x1  }
0x15: {  	[smem:$0x3FB6] =	sst s0;
	s0 =	simm.s32 @!p2 $0x0  }
0x16: {  	s3 =	sld [smem:$0x3FDB];
	s0 =	simm.s32 @p2 $0x1  }
0x17: {  	s4 =	simm.s32 $0x1BF5;
	[smem:$0x3FB8] =	sst s0  }
0x18: {  	s0 =	sld [smem:$0x3F9B];
	_ =	swait.ge [sflag:s4], $0x0  }
0x19: {  	s7 =	sld [smem:$0x3F9C]  }
0x1a: {  	s8 =	sadd.s32 $0xFFFFE003, lr  }
0x1b: {  	s9 =	sadd.s32 $0xFFFFFEF7, lr;
	s5 =	simm.s32 $0xFFFFFFFF;
	p2 =	slt.u32 s8, $0xFFFFF086  }
0x1c: {  	p1 =	slt.u32 s9, $0xF7A;
	s5 =	simm.s32 @!p2 $0x0  }
0x1d: {  	s5 =	simm.s32 @p1 $0x1;
	p0 =	seq.s32 s7, s2  }
0x1e: {  	s7 =	smul.u32 @!p0 $0xF7A, s2;
	p2 =	seq.s32 @!p0 s5, $0x0  }
0x1f: {  	s9 =	smul.u32 $0xF7A, s1;
	s8 =	simm.s32 @!p0 $0x1BF5;
	p2 =	por !p2, p0  }
0x20: {  	[sflag:s8] =	ssyncset.s32 @!p0 $0xFFFFF086;
	s6 =	sadd.s32 @!p0 s3, s7;
	s7 =	simm.s32 @!p0 $0x108  }
0x21: {  	s3 =	sadd.s32 s3, s9;
	s6 =	sadd.s32 @!p0 $0x88, s6;
	s7 =	simm.s32 @p2 $0x1082  }
0x22: {  	[simem:s7], [sflag:s8] =	dma.local @!p0 [hbm:s6], $0xF7A  }
0x23: {  	s9 =	sor.u32 $0xD0000000, s2;
	s6 =	simm.s32 $0x108;
	_ =	swait.ge @!p0 [sflag:s8], $0x0  }
0x24: {  	s3 =	sadd.s32 $0x88, s3;
	s6 =	simm.s32 @!p1 $0x1082;
	[sflag:s4] =	ssyncset.s32 $0xFFFFF086  }
0x25: {  	[simem:s6], [sflag:s4] =	dma.local [hbm:s3], $0xF7A  }
0x26: {  	[smem:$0x3F9C] =	sst s1;
	(tag) =	ssettag s2;
	_ =	strace s9  }
0x27: {  	s1 =	sld [smem:$0x3FAC]  }
0x28: {  	s2 =	sld [smem:$0x3FAD]  }
0x29: {  	s4 =	sld [smem:$0x3FAF]  }
0x2a: {  	p0 =	seq.s32 s5, $0x0;
	s5 =	sld [smem:$0x3FB0]  }
0x2b: {  	s6 =	sld [smem:$0x3FB1]  }
0x2c: {  	s7 =	sld [smem:$0x3FB2]  }
0x2d: {  	s3 =	simm.s32 $0x108;
	s8 =	sld [smem:$0x3FB3]  }
0x2e: {  	s3 =	simm.s32 @!p0 $0x1082;
	s9 =	sld [smem:$0x3FB4]  }
0x2f: {  	lr =	sadd.s32 s0, s3;
	s0 =	sld [smem:$0x3FAB]  }
0x30: {  	s3 =	sld [smem:$0x3FAE]  }
0x31: {  	[smem:$0x3FB7] =	sst s10  }
0x32: {  	s10 =	sld [smem:$0x3FB5];
	_ =	sdelay $0x3  }
0x33: {  	p0 =	seq.s32 s10, $0x1;
	s10 =	sld [smem:$0x3FB7];
	_ =	sdelay $0x3  }
0x34: {  	[smem:$0x3FB7] =	sst s10  }
0x35: {  	s10 =	sld [smem:$0x3FB6];
	_ =	sdelay $0x3  }
0x36: {  	p1 =	seq.s32 s10, $0x1;
	s10 =	sld [smem:$0x3FB7];
	_ =	sdelay $0x3  }
0x37: {  	[smem:$0x3FB7] =	sst s10  }
0x38: {  	s10 =	sld [smem:$0x3FB8]  }
0x39: {  	_ = 	snop;
	(pc) =	sbr.ind lr, $3  }
0x3a: {  	_ = 	snop  }
0x3b: {  	_ = 	snop  }
0x3c: {  	p2 =	seq.s32 s10, $0x1;
	s10 =	sld [smem:$0x3FB7]  }
0x3d: {  	_ =	shalt  }
0x3e: {  	_ =	shalt  }
0x3f: {  	_ =	shalt  }
0x40: {  	_ =	shalt  }
0x41: {  	_ =	shalt  }
0x42: {  	_ =	shalt  }
0x43: {  	_ =	shalt  }
0x44: {  	_ =	shalt  }
0x45: {  	_ =	shalt  }
0x46: {  	_ =	shalt  }
0x47: {  	_ =	shalt  }
0x48: {  	_ =	shalt  }
0x49: {  	_ =	shalt  }
0x4a: {  	_ =	shalt  }
0x4b: {  	_ =	shalt  }
0x4c: {  	_ =	shalt  }
0x4d: {  	_ =	shalt  }
0x4e: {  	_ =	shalt  }
0x4f: {  	_ =	shalt  }
0x50: {  	_ =	shalt  }
0x51: {  	_ =	shalt  }
0x52: {  	_ =	shalt  }
0x53: {  	_ =	shalt  }
0x54: {  	_ =	shalt  }
0x55: {  	_ =	shalt  }
0x56: {  	_ =	shalt  }
0x57: {  	_ =	shalt  }
0x58: {  	_ =	shalt  }
0x59: {  	_ =	shalt  }
0x5a: {  	_ =	shalt  }
0x5b: {  	_ =	shalt  }
0x5c: {  	_ =	shalt  }
0x5d: {  	_ =	shalt  }
0x5e: {  	_ =	shalt  }
0x5f: {  	_ =	shalt  }
0x60: {  	_ =	shalt  }
0x61: {  	_ =	shalt  }
0x62: {  	_ =	shalt  }
0x63: {  	_ =	shalt  }
0x64: {  	_ =	shalt  }
0x65: {  	_ =	shalt  }
0x66: {  	_ =	shalt  }
0x67: {  	_ =	shalt  }
0x68: {  	_ =	shalt  }
0x69: {  	_ =	shalt  }
0x6a: {  	_ =	shalt  }
0x6b: {  	_ =	shalt  }
0x6c: {  	_ =	shalt  }
0x6d: {  	_ =	shalt  }
0x6e: {  	_ =	shalt  }
0x6f: {  	_ =	shalt  }
0x70: {  	_ =	shalt  }
0x71: {  	_ =	shalt  }
0x72: {  	_ =	shalt  }
0x73: {  	_ =	shalt  }
0x74: {  	_ =	shalt  }
0x75: {  	_ =	shalt  }
0x76: {  	_ =	shalt  }
0x77: {  	_ =	shalt  }
0x78: {  	_ =	shalt  }
0x79: {  	_ =	shalt  }
0x7a: {  	_ =	shalt  }
0x7b: {  	_ =	shalt  }
0x7c: {  	_ =	shalt  }
0x7d: {  	_ =	shalt  }
0x7e: {  	_ =	shalt  }
0x7f: {  	_ =	shalt  }
0x80: {  	_ =	shalt  }
0x81: {  	_ =	shalt  }
0x82: {  	_ =	shalt  }
0x83: {  	_ =	shalt  }
0x84: {  	_ =	shalt  }
0x85: {  	_ =	shalt  }
0x86: {  	_ =	shalt  }
0x87: {  	_ =	shalt  }
.Lfunc_end0:
.L_simem_size_0:
called_computation_lowered:
.L_overlay_start_0:
0x88: {  	s2 =	sld [smem:$0x3FD9]  }
0x89: {  	s3 =	sld [smem:$0x3FFE];
	_ =	sdelay $0x1  }
0x8a: {  	s1 =	srdreg.scid  }
0x8b: {  	s0 =	sand.u32 $0x1, s1  }
0x8c: {  	s17 =	sshll.u32 s0, $0xA;
	s2 =	sadd.s32 s3, s2  }
0x8d: {  	s2 =	sadd.s32 s2, s17  }
0x8e: {  	[smem:$0x3FC3] =	sst s2  }
0x8f: {  	_ = 	snop  }
0x90: {  	s2 =	sld [smem:$0x3FD0];
	(tm) =	ssettm $0x1  }
0x91: {  	s18 =	sld [smem:$0x3FFB];
	_ =	sdelay $0x3  }
0x92: {  	_ =	strace s18  }
0x93: {  	s3 =	sld [smem:$0x3FFC];
	_ =	sdelay $0x3  }
0x94: {  	_ =	strace s3  }
0x95: {  	s3 =	sld [smem:$0x3FFD];
	_ =	sdelay $0x3  }
0x96: {  	_ =	strace s3  }
0x97: {  	_ =	strace $0x8FFFFFFF  }
0x98: {  	s19 =	sld [smem:$0x3FDB];
	_ =	sdelay $0x1  }
0x99: {  	s4 =	simm.s32 $_scs_section_size  }
0x9a: {  	s5 =	simm.s32 $_size__tile_overlayer_lowered;
	s6 =	simm.s32 $_tile_overlayer_lowered  }
0x9b: {  	s22 =	simm.s32 $0x1BFF;
	s21 =	sshll.u32 s6, $0x1;
	s3 =	sadd.s32 s4, s19  }
0x9c: {  	s7 =	simm.s32 $0x0;
	s20 =	sshll.u32 s5, $0x1;
	s5 =	sadd.s32 s21, s3  }
0x9d: {  	[timem:s7], [sflag:s22] =	dma.local [hbm:s5], s20  }
0x9e: {  	_ =	swait.ge [sflag:s22], s20  }
0x9f: {  	s4 =	ssub.s32 $0x0, s20;
	[sflag:s22] =	ssyncset.done $0x0  }
0xa0: {  	[sflag:s22] =	ssyncadd.s32 s4;
	_ =	sdelay $0x1  }
0xa1: {  	s23 =	simm.s32 $0x1B8B  }
0xa2: {  	_ =	swait.ge [sflag:s23], $0x1  }
0xa3: {  	[sflag:s23] =	ssyncset.done $0x0  }
0xa4: {  	s25 =	simm.s32 $0x1B8E;
	s24 =	sld [smem:$0x3FFE];
	[sflag:s23] =	ssyncadd.s32 $0xFFFFFFFF  }
0xa5: {  	s26 =	simm.s32 $execute0_lowered;
	[smem:$0x3FD2] =	sst s25  }
0xa6: {  	s5 =	sshll.u32 s26, $0x1;
	_ =	strace $0x80000046;
	[dreg:$0x1] =	wrdreg $0xFFFFFFFF  }
0xa7: {  	s28 =	simm.s32 $_size_execute0_lowered;
	s3 =	sadd.s32 s3, s5;
	[dreg:$0x0] =	wrdreg $0x0  }
0xa8: {  	s5 =	sshll.u32 s28, $0x1;
	[dreg:$0x2] =	wrdreg s3  }
0xa9: {  	[dreg:$0x3] =	wrdreg s5  }
0xaa: {  	[dreg:$0x4] =	wrdreg $0xC0  }
0xab: {  	_ =	task [dreg:s7], $0x5FFFF  }
0xac: {  	[dreg:$0x1] =	wrdreg $0xFFFFFFFF  }
0xad: {  	[dreg:$0x0] =	wrdreg $0x60  }
0xae: {  	[dreg:$0x2] =	wrdreg s24  }
0xaf: {  	[dreg:$0x3] =	wrdreg s2  }
0xb0: {  	[dreg:$0x4] =	wrdreg $0x0  }
0xb1: {  	[dreg:$0x5] =	wrdreg $0x9  }
0xb2: {  	_ =	task.clear_ibuf [dreg:s7], $0x6FFFF;
	_ =	strace $0x90000046  }
0xb3: {  	s29 =	simm.s32 $0x9;
	_ =	strace $0x80000048  }
0xb4: {  	_ =	swait.ge [sflag:s29], $0x1  }
0xb5: {  	[sflag:s29] =	ssyncadd.s32 $0xFFFFFFFF  }
0xb6: {  	_ =	strace $0x90000048  }
0xb7: {  	_ =	sfence  }
0xb8: {  	s30 =	sld [smem:$0x0];
	_ =	sdelay $0x2  }
0xb9: {  	s31 =	sshll.u32 s1, $0xD;
	s1 =	sshrl.u32 s1, $0x2  }
0xba: {  	s3 =	sand.u32 $0x4000, s31;
	s1 =	sadd.s32 s1, s30  }
0xbb: {  	s0 =	sor.u32 s3, s0;
	s1 =	sshll.u32 s1, $0x11  }
0xbc: {  	s0 =	sor.u32 s1, s0  }
0xbd: {  	s0 =	sadd.s32 $0x8F2B, s0  }
0xbe: {  	[sflag:s0] =	ssyncadd.remote.s32 $0x1  }
0xbf: {  	_ =	sfence.sel $0xFFFF  }
0xc0: {  	[dreg:$0x0] =	wrdreg $0xFFFFFFFF;
	(pc) =	sbr.abs _section_cstart, $3  }
0xc1: {  	[dreg:$0x1] =	wrdreg $0xFFFFFFFF  }
0xc2: {  	_ =	task.clear_ibuf [dreg:s7], $0x2FFFF;
	_ =	strace $0x9FFFFFFF  }
0xc3: {  	(tm) =	ssettm $0x7FFFFFFF  }
tec
execute0_lowered:
.L_overlay_start_1:
0x0: {  	(tag) =	ssettag $0x1  }
0x1: {  	s1 =	rddreg [dreg:$0x0]  }
0x2: {  	s0 =	rddreg [dreg:$0x1]  }
0x3: {  	s3 =	srdreg.scid;
	s5 =	stileid.u32  }
0x4: {  	s2 =	rddreg [dreg:$0x2];
	s6 =	simm.s32 $0x0;
	s14 =	simm.s32 $0x9C40  }
0x5: {  	s18 =	simm.s32 $0x1;
	s19 =	simm.s32 $0x20;
	s15 =	simm.s32 $0xCEC0  }
0x6: {  	s17 =	simm.s32 $0x9D20;
	s16 =	simm.s32 $0x4;
	s20 =	simm.s32 $0x6  }
0x7: {  	s23 =	simm.s32 $0x0;
	s3 =	sand.u32 $0x1, s3;
	s4 =	sshll.u32 s5, $0x1  }
0x8: {  	[smem:$0x7FF] =	sst s6;
	s25 =	sadd.s32 $0x1800, s1;
	s6 =	sadd.s32 $0x15200, s1  }
0x9: {  	s7 =	sadd.s32 $0x33C00, s1;
	p0 =	sne.s32 s5, $0x0;
	s8 =	sor.u32 s3, s4  }
0xa: {  	s5 =	simm.s32 $0xD6C0;
	s3 =	ssub.s32 $0x2, s3;
	s4 =	smul.u32 $0x62, s8  }
0xb: {  	_ =	strace $0x80000047;
	s9 =	smul.u32 $0xF50, s8;
	s12 =	sshrl.u32 s3, $0x1  }
0xc: {  	[dreg:$0x4] =	wrdreg s25;
	s10 =	smul.u32 $0xC400, s8;
	s26 =	ssub.s32 s3, s12  }
0xd: {  	s12 =	simm.s32 $0x2;
	s11 =	sor.u32 $0x1, s4;
	s28 =	sadd.s32 s6, s9  }
0xe: {  	s29 =	sadd.s32 s7, s10;
	s1 =	smax.u32 s26, $0x1;
	[dreg:$0x5] =	wrdreg s28  }
0xf: {  	s9 =	simm.s32 $0xDEC0;
	s10 =	simm.s32 $0x9D60;
	[dreg:$0x6] =	wrdreg s29  }
0x10: {  	s13 =	smul.u32 $0x28, s11;
	s31 =	sshll.u32 s11, $0x9;
	[dreg:$0x9] =	wrdreg s1  }
0x11: {  	s1 =	simm.s32 @!p0 $0x0;
	s11 =	simm.s32 $0xE6C0;
	s3 =	sadd.s32 s7, s31  }
0x12: {  	s1 =	simm.s32 @p0 $0x1;
	s30 =	sadd.s32 s6, s13;
	[dreg:$0x8] =	wrdreg s3  }
0x13: {  	[smem:$0x7FC] =	sst s1;
	s1 =	sshrl.u32 @!p0 s2, $0x3;
	p0 =	seq.s32 s8, $0x1F  }
0x14: {  	s8 =	simm.s32 $0x9D40;
	[dreg:$0xa] =	wrdreg s1;
	s1 =	simm.s32 @!p0 $0x0  }
0x15: {  	s3 =	simm.s32 $0x3;
	[dreg:$0x7] =	wrdreg s30;
	s1 =	simm.s32 @p0 $0x1  }
0x16: {  	s13 =	simm.s32 $0x5;
	[smem:$0x7FD] =	sst s1;
	s1 =	simm.s32 $0x9D00  }
.LBB2_1:
0x17: {  	s21 =	sld [smem:$0x7FC];
	_ =	sdelay $0x1  }
0x18: {  	[dreg:$0xb] =	wrdreg s23  }
0x19: {  	s22 =	rddreg [dreg:$0x4];
	p0 =	seq.s32 s21, $0x1  }
0x1a: {  	s23 =	rddreg [dreg:$0xa];
	s21 =	simm.s32 @!p0 $0x1C09  }
0x1b: {  	[spmem:s23], [sflag:s21] =	dma.local @!p0 [hbm:s22], $0x13880  }
0x1c: {  	s21 =	simm.s32 @!p0 $0x9  }
0x1d: {  	_ =	swait.ge @!p0 [sflag:s21], $0x13880  }
0x1e: {  	[sflag:s21] =	ssyncset.done @!p0 $0x0  }
0x1f: {  	[sflag:s21] =	ssyncadd.s32 @!p0 $0xFFFEC780  }
0x20: {  	[bflag:$0x0] =	sbarrier.arrive $0xFFFF  }
0x21: {  	s21 =	simm.s32 $0x0;
	s29 =	rddreg [dreg:$0x5]  }
0x22: {  	[tilespmem:s14], [sflag:$0x1] =	stream.linear.gather [hbm4b:s29+s21], $0x140, $0x38;
	[tilespmem:$0x17EC0] =	vst v63  }
0x23: {  	s31 =	simm.s32 $0x13EC0;
	s30 =	rddreg [dreg:$0x6]  }
0x24: {  	[tilespmem:s31], [sflag:$0x3] =	stream.linear.gather [hbm4b:s30+s21], $0x1000, $0x38;
	[tilespmem:$0x17EC0] =	vst v63  }
0x25: {  	s25 =	simm.s32 $0x9D80;
	s24 =	rddreg [dreg:$0x7]  }
0x26: {  	[tilespmem:s25], [sflag:$0x2] =	stream.linear.gather [hbm4b:s24+s21], $0x140, $0x38;
	[tilespmem:$0x17EC0] =	vst v63  }
0x27: {  	s28 =	simm.s32 $0x14EC0;
	s26 =	rddreg [dreg:$0x8]  }
0x28: {  	[tilespmem:s28], [sflag:$0x4] =	stream.linear.gather [hbm4b:s26+s21], $0x1000, $0x38;
	[tilespmem:$0x17EC0] =	vst v63  }
0x29: {  	_ =	swait.ge [sflag:s18], $0x140  }
0x2a: {  	[sflag:s18] =	ssyncset.done $0x0  }
0x2b: {  	s29 =	simm.s32 $0x9EC0;
	[sflag:s18] =	ssyncadd.s32 $0xFFFFFEC0  }
0x2c: {  	[tilespmem:s29], [sflag:$0x5] =	stream.indirect.gather [spmem:s2], $0x40, s14, s19, $0xb8;
	[tilespmem:$0x17EC0] =	vst v63  }
0x2d: {  	s30 =	simm.s32 $0x9C60;
	s31 =	simm.s32 $0xA6C0  }
0x2e: {  	[tilespmem:s31], [sflag:$0x5] =	stream.indirect.gather [spmem:s2], $0x40, s30, s19, $0xb8;
	[tilespmem:$0x17EC0] =	vst v63  }
0x2f: {  	s23 =	simm.s32 $0x9C80;
	s24 =	simm.s32 $0xAEC0  }
0x30: {  	[tilespmem:s24], [sflag:$0x5] =	stream.indirect.gather [spmem:s2], $0x40, s23, s19, $0xb8;
	[tilespmem:$0x17EC0] =	vst v63  }
0x31: {  	s25 =	simm.s32 $0x9CA0;
	s26 =	simm.s32 $0xB6C0  }
0x32: {  	[tilespmem:s26], [sflag:$0x5] =	stream.indirect.gather [spmem:s2], $0x40, s25, s19, $0xb8;
	[tilespmem:$0x17EC0] =	vst v63  }
0x33: {  	s28 =	simm.s32 $0x9CC0;
	s29 =	simm.s32 $0xBEC0  }
0x34: {  	[tilespmem:s29], [sflag:$0x5] =	stream.indirect.gather [spmem:s2], $0x40, s28, s19, $0xb8;
	[tilespmem:$0x17EC0] =	vst v63  }
0x35: {  	s30 =	simm.s32 $0x9CE0;
	s31 =	simm.s32 $0xC6C0  }
0x36: {  	[tilespmem:s31], [sflag:$0x5] =	stream.indirect.gather [spmem:s2], $0x40, s30, s19, $0xb8;
	[tilespmem:$0x17EC0] =	vst v63  }
0x37: {  	_ = 	snop  }
0x38: {  	[tilespmem:s15], [sflag:$0x5] =	stream.indirect.gather [spmem:s2], $0x40, s1, s19, $0xb8;
	[tilespmem:$0x17EC0] =	vst v63  }
0x39: {  	_ = 	snop  }
0x3a: {  	[tilespmem:s5], [sflag:$0x5] =	stream.indirect.gather [spmem:s2], $0x40, s17, s19, $0xb8;
	[tilespmem:$0x17EC0] =	vst v63  }
0x3b: {  	_ = 	snop  }
0x3c: {  	[tilespmem:s9], [sflag:$0x5] =	stream.indirect.gather [spmem:s2], $0x40, s8, s19, $0xb8;
	[tilespmem:$0x17EC0] =	vst v63  }
0x3d: {  	s21 =	simm.s32 $0x0  }
0x3e: {  	[tilespmem:s11], [sflag:$0x5] =	stream.indirect.gather [spmem:s2], $0x40, s10, s19, $0xb8;
	[tilespmem:$0x17EC0] =	vst v63  }
.LBB2_2:
0x3f: {  	s22 =	sshll.u32 s21, $0x1  }
0x40: {  	s22 =	sadd.s32 s4, s22  }
0x41: {  	p0 =	sgt.u32 s22, $0xC33  }
.Ltmp0:
0x42: {  	_ = 	snop;
	(pc) =	sbr.rel @p0 .LBB2_5-.Ltmp0, $1  }
0x43: {  	_ =	sdelay $0x3  }
0x44: {  	_ =	swait.ge [sflag:s12], $0x140  }
0x45: {  	[sflag:s12] =	ssyncset.done $0x0  }
0x46: {  	s23 =	simm.s32 $0x9D80;
	s24 =	simm.s32 $0xEEC0;
	[sflag:s12] =	ssyncadd.s32 $0xFFFFFEC0  }
0x47: {  	[tilespmem:s24], [sflag:$0x6] =	stream.indirect.gather [spmem:s2], $0x40, s23, s19, $0xb8;
	[tilespmem:$0x17EC0] =	vst v63  }
0x48: {  	s25 =	simm.s32 $0x9DA0;
	s26 =	simm.s32 $0xF6C0  }
0x49: {  	[tilespmem:s26], [sflag:$0x6] =	stream.indirect.gather [spmem:s2], $0x40, s25, s19, $0xb8;
	[tilespmem:$0x17EC0] =	vst v63  }
0x4a: {  	s28 =	simm.s32 $0x9DC0;
	s29 =	simm.s32 $0xFEC0  }
0x4b: {  	[tilespmem:s29], [sflag:$0x6] =	stream.indirect.gather [spmem:s2], $0x40, s28, s19, $0xb8;
	[tilespmem:$0x17EC0] =	vst v63  }
0x4c: {  	s30 =	simm.s32 $0x9DE0;
	s31 =	simm.s32 $0x106C0  }
0x4d: {  	[tilespmem:s31], [sflag:$0x6] =	stream.indirect.gather [spmem:s2], $0x40, s30, s19, $0xb8;
	[tilespmem:$0x17EC0] =	vst v63  }
0x4e: {  	s25 =	simm.s32 $0x9E00;
	s26 =	simm.s32 $0x10EC0  }
0x4f: {  	[tilespmem:s26], [sflag:$0x6] =	stream.indirect.gather [spmem:s2], $0x40, s25, s19, $0xb8;
	[tilespmem:$0x17EC0] =	vst v63  }
0x50: {  	s28 =	simm.s32 $0x9E20;
	s29 =	simm.s32 $0x116C0  }
0x51: {  	[tilespmem:s29], [sflag:$0x6] =	stream.indirect.gather [spmem:s2], $0x40, s28, s19, $0xb8;
	[tilespmem:$0x17EC0] =	vst v63  }
0x52: {  	s30 =	simm.s32 $0x9E40;
	s31 =	simm.s32 $0x11EC0  }
0x53: {  	[tilespmem:s31], [sflag:$0x6] =	stream.indirect.gather [spmem:s2], $0x40, s30, s19, $0xb8;
	[tilespmem:$0x17EC0] =	vst v63  }
0x54: {  	s25 =	simm.s32 $0x9E60;
	s26 =	simm.s32 $0x126C0  }
0x55: {  	[tilespmem:s26], [sflag:$0x6] =	stream.indirect.gather [spmem:s2], $0x40, s25, s19, $0xb8;
	[tilespmem:$0x17EC0] =	vst v63  }
.Ltmp1:
0x56: {  	_ = 	snop;
	(pc) =	sbr.rel .LBB2_4-.Ltmp1, $4  }
0x57: {  	s28 =	simm.s32 $0x9E80;
	s29 =	simm.s32 $0x12EC0  }
0x58: {  	[tilespmem:s29], [sflag:$0x6] =	stream.indirect.gather [spmem:s2], $0x40, s28, s19, $0xb8;
	[tilespmem:$0x17EC0] =	vst v63  }
0x59: {  	s30 =	simm.s32 $0x9EA0;
	s31 =	simm.s32 $0x136C0  }
0x5a: {  	[tilespmem:s31], [sflag:$0x6] =	stream.indirect.gather [spmem:s2], $0x40, s30, s19, $0xb8;
	[tilespmem:$0x17EC0] =	vst v63  }
.LBB2_5:
0x5b: {  	p0 =	seq.s32 s22, $0xC34  }
.Ltmp2:
0x5c: {  	_ = 	snop;
	(pc) =	sbr.rel @!p0 .LBB2_6-.Ltmp2, $1  }
0x5d: {  	_ =	sdelay $0x3  }
.LBB2_4:
0x5e: {  	_ =	swait.ge [sflag:s3], $0x1000  }
0x5f: {  	[sflag:s3] =	ssyncset.done $0x0  }
0x60: {  	[sflag:s3] =	ssyncadd.s32 $0xFFFFF000  }
0x61: {  	_ =	swait.ge [sflag:s13], $0x800  }
0x62: {  	[sflag:s13] =	ssyncset.done $0x0  }
0x63: {  	[sflag:s13] =	ssyncadd.s32 $0xFFFFF800  }
0x64: {  	_ =	swait.ge [sflag:s13], $0x800  }
0x65: {  	[sflag:s13] =	ssyncset.done $0x0  }
0x66: {  	[sflag:s13] =	ssyncadd.s32 $0xFFFFF800  }
0x67: {  	_ =	swait.ge [sflag:s13], $0x800  }
0x68: {  	[sflag:s13] =	ssyncset.done $0x0  }
0x69: {  	[sflag:s13] =	ssyncadd.s32 $0xFFFFF800  }
0x6a: {  	_ =	swait.ge [sflag:s13], $0x800  }
0x6b: {  	[sflag:s13] =	ssyncset.done $0x0  }
0x6c: {  	[sflag:s13] =	ssyncadd.s32 $0xFFFFF800  }
0x6d: {  	_ =	swait.ge [sflag:s13], $0x800  }
0x6e: {  	[sflag:s13] =	ssyncset.done $0x0  }
0x6f: {  	[sflag:s13] =	ssyncadd.s32 $0xFFFFF800  }
0x70: {  	_ =	swait.ge [sflag:s13], $0x800  }
0x71: {  	[sflag:s13] =	ssyncset.done $0x0  }
0x72: {  	[sflag:s13] =	ssyncadd.s32 $0xFFFFF800  }
0x73: {  	_ =	swait.ge [sflag:s13], $0x800  }
0x74: {  	[sflag:s13] =	ssyncset.done $0x0  }
0x75: {  	[sflag:s13] =	ssyncadd.s32 $0xFFFFF800  }
0x76: {  	_ =	swait.ge [sflag:s13], $0x800  }
0x77: {  	[sflag:s13] =	ssyncset.done $0x0  }
0x78: {  	[sflag:s13] =	ssyncadd.s32 $0xFFFFF800  }
0x79: {  	p1 =	seq.s32 s21, $0x30;
	_ =	swait.ge [sflag:s13], $0x800  }
0x7a: {  	p0 =	sgt.u32 @!p1 s22, $0xC32;
	[sflag:s13] =	ssyncset.done $0x0  }
0x7b: {  	s23 =	sadd.s32 $0x2, s22;
	p4 =	por p0, p1;
	[sflag:s13] =	ssyncadd.s32 $0xFFFFF800  }
0x7c: {  	s24 =	smul.u32 @!p4 $0x28, s23;
	_ =	swait.ge [sflag:s13], $0x800  }
0x7d: {  	p5 =	sne.s32 s21, $0x30;
	s25 =	simm.s32 @!p4 $0x0;
	[sflag:s13] =	ssyncset.done $0x0  }
0x7e: {  	s26 =	simm.s32 @!p4 $0x9C40;
	s24 =	sadd.s32 @!p4 s6, s24;
	[sflag:s13] =	ssyncadd.s32 $0xFFFFF800  }
0x7f: {  	[tilespmem:s26], [sflag:$0x1] =	stream.linear.gather @!p4 [hbm4b:s24+s25], $0x140, $0x38;
	[tilespmem:$0x17EC0] =	vst v63  }
.Ltmp3:
0x80: {  	p6 =	por !p0, p1;
	p4 =	por @!p4 $0x1, $0x1;
	(pc) =	sbr.rel .LBB2_7-.Ltmp3, $4  }
0x81: {  	p0 =	por $0x1, $0x1;
	p2 =	por p4, p4;
	p3 =	por p4, p4  }
0x82: {  	p4 =	por @!p6 p5, p5;
	p2 =	por @!p6 p0, p0;
	p0 =	por $0x0, $0x0  }
0x83: {  	p3 =	por @!p6 p0, p0;
	p0 =	por $0x1, $0x1;
	p6 =	por $0x0, $0x0  }
0x84: {  	p5 =	por @!p1 p4, p4;
	p0 =	por @!p1 p2, p2;
	p6 =	por @!p1 p3, p3  }
.LBB2_6:
0x85: {  	p5 =	sne.s32 s21, $0x30  }
0x86: {  	s23 =	sadd.s32 $0x2, s22;
	p0 =	por $0x0, $0x0;
	p6 =	por $0x0, $0x0  }
.LBB2_7:
0x87: {  	p4 =	seq.s32 s21, $0x0  }
0x88: {  	p1 =	sgt.u32 @!p4 s22, $0xC36  }
0x89: {  	p1 =	por p1, p4  }
0x8a: {  	s24 =	simm.s32 @!p1 $0x7  }
0x8b: {  	_ =	swait.ge @!p1 [sflag:s24], $0x1000  }
0x8c: {  	[sflag:s24] =	ssyncset.done @!p1 $0x0  }
0x8d: {  	s28 =	simm.s32 $0x13F00;
	[sflag:s24] =	ssyncadd.s32 @!p1 $0xFFFFF000  }
0x8e: {  	v0 =	vld [tilespmem:s28+$0x10]  }
0x8f: {  	v2 =	vld [tilespmem:s28+$0xFFFFFFD0]  }
0x90: {  	v1 =	vld [tilespmem:s28+$0xFFFFFFC0]  }
0x91: {  	s26 =	simm.s32 $0x0;
	v4 =	vld [tilespmem:s28+$0xFFFFFFF0]  }
0x92: {  	v6 =	vld [tilespmem:s26+$0xA6E0]  }
0x93: {  	v7 =	vld [tilespmem:s26+$0xA6F0]  }
0x94: {  	v8 =	vld [tilespmem:s26+$0x9EF0]  }
0x95: {  	v9 =	vld [tilespmem:s26+$0x9ED0]  }
0x96: {  	v10 =	vld [tilespmem:s26+$0x9EC0]  }
0x97: {  	v5 =	vld [tilespmem:s26+$0xA6D0]  }
0x98: {  	v12 =	vld [tilespmem:s28+$0x0]  }
0x99: {  	v3 =	vld [tilespmem:s28+$0x30];
	v13 =	vand.u32 $0xFFFF0000, v7  }
0x9a: {  	v14 =	vld [tilespmem:s26+$0xA6C0];
	v15 =	vshll.u32 v8, $0x10;
	v8 =	vand.u32 $0xFFFF0000, v8;
	v7 =	vshll.u32 v7, $0x10  }
0x9b: {  	v11 =	vld [tilespmem:s26+$0xAEF0];
	v16 =	vand.u32 $0xFFFF0000, v9;
	v18 =	vshll.u32 v6, $0x10;
	v17 =	vshll.u32 v10, $0x10  }
0x9c: {  	v20 =	vld [tilespmem:s26+$0xAED0];
	v10 =	vand.u32 $0xFFFF0000, v10;
	v19 =	vshll.u32 v5, $0x10;
	v4 =	vadd.f32 v15, v4  }
0x9d: {  	v21 =	vld [tilespmem:s26+$0xB6C0];
	v17 =	vadd.f32 v17, v1;
	v1 =	vand.u32 $0xFFFF0000, v6;
	v10 =	vadd.f32 v10, v12  }
0x9e: {  	v22 =	vld [tilespmem:s26+$0xBEE0];
	v3 =	vadd.f32 v8, v3;
	v8 =	vand.u32 $0xFFFF0000, v5;
	v5 =	vshll.u32 v9, $0x10  }
0x9f: {  	v15 =	vld [tilespmem:s26+$0xAEC0];
	v9 =	vshll.u32 v14, $0x10;
	v14 =	vand.u32 $0xFFFF0000, v14;
	v0 =	vadd.f32 v16, v0  }
0xa0: {  	v6 =	vshll.u32 v11, $0x10;
	v12 =	vld [tilespmem:s26+$0x9EE0];
	v23 =	vadd.f32 v9, v17;
	v24 =	vadd.f32 v14, v10  }
0xa1: {  	v16 =	vld [tilespmem:s26+$0xB6D0];
	v9 =	vadd.f32 v5, v2;
	v10 =	vand.u32 $0xFFFF0000, v20;
	v7 =	vadd.f32 v7, v4  }
0xa2: {  	v14 =	vld [tilespmem:s26+$0xB6F0];
	v5 =	vshll.u32 v21, $0x10;
	v8 =	vadd.f32 v8, v0;
	v4 =	vand.u32 $0xFFFF0000, v21  }
0xa3: {  	v2 =	vld [tilespmem:s26+$0xBEC0];
	v0 =	vand.u32 $0xFFFF0000, v22;
	v3 =	vadd.f32 v13, v3;
	v6 =	vadd.f32 v6, v7  }
0xa4: {  	v21 =	vld [tilespmem:s28+$0x20];
	v17 =	vshll.u32 v20, $0x10;
	v8 =	vadd.f32 v10, v8;
	v9 =	vadd.f32 v19, v9  }
0xa5: {  	v7 =	vld [tilespmem:s28+$0xFFFFFFE0];
	v10 =	vand.u32 $0xFFFF0000, v11;
	v25 =	vshll.u32 v15, $0x10;
	v15 =	vand.u32 $0xFFFF0000, v15  }
0xa6: {  	v27 =	vld [tilespmem:s26+$0xBED0];
	v26 =	vshll.u32 v12, $0x10;
	v3 =	vadd.f32 v10, v3;
	v10 =	vand.u32 $0xFFFF0000, v16  }
0xa7: {  	v20 =	vand.u32 $0xFFFF0000, v12;
	v19 =	vadd.f32 v17, v9;
	v17 =	vadd.f32 v10, v8  }
0xa8: {  	v10 =	vshll.u32 v16, $0x10;
	v16 =	vld [tilespmem:s26+$0xAEE0];
	v15 =	vadd.f32 v15, v24;
	v11 =	vand.u32 $0xFFFF0000, v14  }
0xa9: {  	v12 =	vshll.u32 v14, $0x10;
	v14 =	vld [tilespmem:s26+$0xC6D0];
	v13 =	vadd.f32 v20, v21;
	v8 =	vadd.f32 v11, v3  }
0xaa: {  	v9 =	vand.u32 $0xFFFF0000, v2;
	v20 =	vadd.f32 v10, v19;
	v10 =	vld [tilespmem:s26+$0xBEF0];
	v11 =	vadd.f32 v26, v7  }
0xab: {  	s29 =	simm.s32 $0x15F00;
	v21 =	vshll.u32 v27, $0x10;
	v3 =	vshll.u32 v22, $0x10;
	v19 =	vadd.f32 v25, v23;
	v7 =	vld [tilespmem:s26+$0xB6E0]  }
0xac: {  	s30 =	simm.s32 $0x100;
	s25 =	simm.s32 $0x15F00;
	s24 =	sshllo.u32 s21, $0x1;
	v18 =	vadd.f32 v18, v11;
	v11 =	vadd.f32 v21, v20;
	v20 =	vand.u32 $0xFFFF0000, v27  }
.LBB2_8:
0xad: {  	p1 =	sne.s32 s30, $0x1F00;
	v21 =	vand.u32 $0xFFFF0000, v16;
	v5 =	vadd.f32 v5, v19;
	v17 =	vadd.f32 v20, v17;
	v19 =	vld [tilespmem:s26+$0xC6F0];
	s29 =	sadd.s32 $0x80, s29;
	s28 =	sadd.s32 $0x80, s28  }
0xae: {  	v16 =	vshll.u32 v16, $0x10;
	v22 =	vshll.u32 v14, $0x10;
	v14 =	vand.u32 $0xFFFF0000, v14;
	s31 =	smov.u32 s30;
	s30 =	sadd.s32 $0x100, s30;
	v20 =	vld [tilespmem:s26+$0xC6C0]  }
0xaf: {  	v6 =	vadd.f32 v12, v6;
	v12 =	vshll.u32 v10, $0x10;
	v14 =	vadd.f32 v14, v17;
	v17 =	vld [tilespmem:s26+$0xD6D0]  }
0xb0: {  	v1 =	vadd.f32 v1, v13;
	v4 =	vadd.f32 v4, v15;
	v13 =	vshll.u32 v7, $0x10;
	v15 =	vld [tilespmem:s26+$0xCED0]  }
0xb1: {  	v2 =	vshll.u32 v2, $0x10;
	v16 =	vadd.f32 v16, v18;
	v6 =	vadd.f32 v12, v6;
	v12 =	vld [tilespmem:s26+$0xCEF0]  }
0xb2: {  	v2 =	vadd.f32 v2, v5;
	v4 =	vadd.f32 v9, v4;
	v5 =	vand.u32 $0xFFFF0000, v10;
	v9 =	vld [tilespmem:s26+$0xC6E0]  }
0xb3: {  	v5 =	vadd.f32 v5, v8;
	v10 =	vadd.f32 v13, v16;
	v8 =	vshll.u32 v19, $0x10;
	v13 =	vld [tilespmem:s26+$0xCEC0]  }
0xb4: {  	v11 =	vadd.f32 v22, v11;
	v16 =	vshll.u32 v20, $0x10;
	v6 =	vadd.f32 v8, v6  }
0xb5: {  	v1 =	vadd.f32 v21, v1;
	v18 =	vand.u32 $0xFFFF0000, v17;
	v8 =	vand.u32 $0xFFFF0000, v15  }
0xb6: {  	v7 =	vand.u32 $0xFFFF0000, v7;
	v20 =	vand.u32 $0xFFFF0000, v20;
	v8 =	vadd.f32 v8, v14;
	v14 =	vld [tilespmem:s26+$0xCEE0]  }
0xb7: {  	v1 =	vadd.f32 v7, v1;
	v4 =	vadd.f32 v20, v4;
	v7 =	vshll.u32 v12, $0x10;
	v20 =	vld [tilespmem:s26+$0xD6C0]  }
0xb8: {  	v3 =	vadd.f32 v3, v10;
	v2 =	vadd.f32 v16, v2;
	v10 =	vand.u32 $0xFFFF0000, v13;
	v16 =	vld [tilespmem:s26+$0xD6E0]  }
0xb9: {  	v21 =	vshll.u32 v9, $0x10;
	v13 =	vshll.u32 v13, $0x10;
	v8 =	vadd.f32 v18, v8  }
0xba: {  	v0 =	vadd.f32 v0, v1;
	v1 =	vadd.f32 v21, v3;
	v3 =	vand.u32 $0xFFFF0000, v19;
	v18 =	vld [tilespmem:s26+$0xDED0]  }
0xbb: {  	v3 =	vadd.f32 v3, v5;
	v2 =	vadd.f32 v13, v2;
	v5 =	vshll.u32 v14, $0x10;
	v13 =	vld [tilespmem:s26+$0xD6F0]  }
0xbc: {  	v6 =	vadd.f32 v7, v6;
	v4 =	vadd.f32 v10, v4;
	v10 =	vshll.u32 v15, $0x10  }
0xbd: {  	v7 =	vadd.f32 v10, v11;
	v10 =	vshll.u32 v20, $0x10;
	v11 =	vand.u32 $0xFFFF0000, v20;
	v15 =	vld [tilespmem:s26+$0xDEF0]  }
0xbe: {  	v1 =	vadd.f32 v5, v1;
	v5 =	vand.u32 $0xFFFF0000, v12;
	v12 =	vshll.u32 v17, $0x10  }
0xbf: {  	v9 =	vand.u32 $0xFFFF0000, v9;
	v3 =	vadd.f32 v5, v3;
	v5 =	vshll.u32 v16, $0x10;
	v17 =	vld [tilespmem:s26+$0xE6F0]  }
0xc0: {  	v7 =	vadd.f32 v12, v7;
	v12 =	vshll.u32 v13, $0x10;
	v13 =	vand.u32 $0xFFFF0000, v13  }
0xc1: {  	v4 =	vadd.f32 v11, v4;
	v3 =	vadd.f32 v13, v3;
	v11 =	vld [tilespmem:s26+$0xDEC0];
	v13 =	vand.u32 $0xFFFF0000, v18  }
0xc2: {  	v1 =	vadd.f32 v5, v1;
	v5 =	vadd.f32 v12, v6;
	v6 =	vand.u32 $0xFFFF0000, v15;
	v12 =	vld [tilespmem:s26+$0xE6D0]  }
0xc3: {  	v2 =	vadd.f32 v10, v2;
	v10 =	vshll.u32 v15, $0x10;
	v3 =	vadd.f32 v6, v3  }
0xc4: {  	v0 =	vadd.f32 v9, v0;
	v6 =	vand.u32 $0xFFFF0000, v14;
	v5 =	vadd.f32 v10, v5;
	v9 =	vld [tilespmem:s26+$0xE6C0]  }
0xc5: {  	v10 =	vshll.u32 v18, $0x10;
	v15 =	vshll.u32 v17, $0x10;
	v17 =	vand.u32 $0xFFFF0000, v17;
	v14 =	vld [tilespmem:s26+$0xDEE0]  }
0xc6: {  	v16 =	vand.u32 $0xFFFF0000, v16;
	v7 =	vadd.f32 v10, v7;
	v3 =	vadd.f32 v17, v3  }
0xc7: {  	v0 =	vadd.f32 v6, v0;
	v6 =	vshll.u32 v11, $0x10;
	v10 =	vand.u32 $0xFFFF0000, v12  }
0xc8: {  	v11 =	vand.u32 $0xFFFF0000, v11;
	v12 =	vshll.u32 v12, $0x10;
	v3 =	vmax.f32 v3, $0.0e+00;
	v17 =	vld [tilespmem:s26+$0xE6E0]  }
0xc9: {  	v5 =	vadd.f32 v15, v5;
	v0 =	vadd.f32 v16, v0;
	v16 =	vshll.u32 v9, $0x10  }
0xca: {  	v8 =	vadd.f32 v13, v8;
	v7 =	vadd.f32 v12, v7;
	v9 =	vand.u32 $0xFFFF0000, v9;
	[tilespmem:s25+$0x30] =	vst v3  }
0xcb: {  	v2 =	vadd.f32 v6, v2;
	v5 =	vmax.f32 v5, $0.0e+00;
	v3 =	vshll.u32 v14, $0x10  }
0xcc: {  	v6 =	vadd.f32 v10, v8;
	v1 =	vadd.f32 v3, v1;
	v3 =	vand.u32 $0xFFFF0000, v14  }
0xcd: {  	v2 =	vadd.f32 v16, v2;
	v0 =	vadd.f32 v3, v0;
	v3 =	vshll.u32 v17, $0x10  }
0xce: {  	v1 =	vadd.f32 v3, v1;
	v3 =	vand.u32 $0xFFFF0000, v17;
	[tilespmem:s25+$0xFFFFFFF0] =	vst v5;
	v5 =	vmax.f32 v6, $0.0e+00  }
0xcf: {  	v4 =	vadd.f32 v11, v4;
	v2 =	vmax.f32 v2, $0.0e+00;
	v0 =	vadd.f32 v3, v0;
	[tilespmem:s25+$0x10] =	vst v5  }
0xd0: {  	[tilespmem:s25+$0xFFFFFFC0] =	vst v2;
	v2 =	vmax.f32 v7, $0.0e+00;
	v1 =	vmax.f32 v1, $0.0e+00  }
0xd1: {  	v3 =	vadd.f32 v9, v4;
	[tilespmem:s25+$0xFFFFFFD0] =	vst v2;
	v0 =	vmax.f32 v0, $0.0e+00  }
0xd2: {  	[tilespmem:s25+$0x20] =	vst v0  }
0xd3: {  	v0 =	vmax.f32 v3, $0.0e+00;
	[tilespmem:s25+$0xFFFFFFE0] =	vst v1  }
0xd4: {  	[tilespmem:s25+$0x0] =	vst v0;
	s25 =	smov.u32 s29  }
0xd5: {  	v0 =	vld [tilespmem:s28+$0x10]  }
0xd6: {  	v2 =	vld [tilespmem:s28+$0xFFFFFFD0]  }
0xd7: {  	v3 =	vld [tilespmem:s28+$0x30]  }
0xd8: {  	v4 =	vld [tilespmem:s28+$0x0]  }
0xd9: {  	v1 =	vld [tilespmem:s28+$0xFFFFFFC0]  }
0xda: {  	s26 =	sshra.s32 s31, $0x2;
	v5 =	vld [tilespmem:s28+$0xFFFFFFF0]  }
0xdb: {  	v6 =	vld [tilespmem:s26+$0xA6D0]  }
0xdc: {  	v7 =	vld [tilespmem:s26+$0xA6E0]  }
0xdd: {  	v8 =	vld [tilespmem:s26+$0xA6F0]  }
0xde: {  	v9 =	vld [tilespmem:s26+$0x9EF0]  }
0xdf: {  	v10 =	vld [tilespmem:s26+$0x9ED0]  }
0xe0: {  	v11 =	vld [tilespmem:s26+$0x9EC0]  }
0xe1: {  	v12 =	vld [tilespmem:s26+$0xAEF0]  }
0xe2: {  	v13 =	vld [tilespmem:s26+$0xA6C0];
	v14 =	vand.u32 $0xFFFF0000, v8  }
0xe3: {  	v8 =	vshll.u32 v8, $0x10;
	v15 =	vld [tilespmem:s26+$0x9EE0];
	v16 =	vshll.u32 v9, $0x10;
	v9 =	vand.u32 $0xFFFF0000, v9  }
0xe4: {  	v18 =	vshll.u32 v7, $0x10;
	v17 =	vand.u32 $0xFFFF0000, v10;
	v5 =	vadd.f32 v16, v5;
	v16 =	vld [tilespmem:s26+$0xAEC0]  }
0xe5: {  	v20 =	vshll.u32 v6, $0x10;
	v19 =	vshll.u32 v11, $0x10;
	v11 =	vand.u32 $0xFFFF0000, v11;
	v21 =	vld [tilespmem:s26+$0xAED0]  }
0xe6: {  	v19 =	vadd.f32 v19, v1;
	v1 =	vand.u32 $0xFFFF0000, v7;
	v7 =	vshll.u32 v12, $0x10;
	v22 =	vld [tilespmem:s26+$0xB6C0]  }
0xe7: {  	v6 =	vand.u32 $0xFFFF0000, v6;
	v3 =	vadd.f32 v9, v3;
	v4 =	vadd.f32 v11, v4;
	v11 =	vld [tilespmem:s26+$0xBEE0]  }
0xe8: {  	v9 =	vshll.u32 v10, $0x10;
	v10 =	vshll.u32 v13, $0x10;
	v13 =	vand.u32 $0xFFFF0000, v13  }
0xe9: {  	v19 =	vadd.f32 v10, v19;
	v23 =	vadd.f32 v13, v4;
	v24 =	vshll.u32 v16, $0x10  }
0xea: {  	v9 =	vadd.f32 v9, v2;
	v0 =	vadd.f32 v17, v0;
	v10 =	vand.u32 $0xFFFF0000, v21;
	v13 =	vld [tilespmem:s26+$0xB6F0]  }
0xeb: {  	v8 =	vadd.f32 v8, v5;
	v25 =	vand.u32 $0xFFFF0000, v16;
	v5 =	vshll.u32 v22, $0x10;
	v26 =	vld [tilespmem:s26+$0xB6D0]  }
0xec: {  	v16 =	vadd.f32 v6, v0;
	v4 =	vand.u32 $0xFFFF0000, v22;
	v2 =	vld [tilespmem:s26+$0xBEC0];
	v0 =	vand.u32 $0xFFFF0000, v11  }
0xed: {  	v27 =	vshll.u32 v15, $0x10;
	v6 =	vadd.f32 v7, v8;
	v17 =	vshll.u32 v21, $0x10;
	v22 =	vld [tilespmem:s28+$0x20]  }
0xee: {  	v3 =	vadd.f32 v14, v3;
	v8 =	vand.u32 $0xFFFF0000, v15;
	v10 =	vadd.f32 v10, v16;
	v7 =	vld [tilespmem:s28+$0xFFFFFFE0]  }
0xef: {  	v12 =	vand.u32 $0xFFFF0000, v12;
	v9 =	vadd.f32 v20, v9;
	v15 =	vand.u32 $0xFFFF0000, v13;
	v20 =	vld [tilespmem:s26+$0xBED0]  }
0xf0: {  	v3 =	vadd.f32 v12, v3;
	v12 =	vshll.u32 v13, $0x10;
	v21 =	vand.u32 $0xFFFF0000, v26;
	v14 =	vld [tilespmem:s26+$0xC6D0]  }
.Ltmp4:
0xf1: {  	v28 =	vadd.f32 v17, v9;
	v16 =	vld [tilespmem:s26+$0xAEE0];
	v17 =	vadd.f32 v21, v10;
	v9 =	vand.u32 $0xFFFF0000, v2;
	(pc) =	sbr.rel @p1 .LBB2_8-.Ltmp4, $4  }
0xf2: {  	v10 =	vshll.u32 v26, $0x10;
	v13 =	vadd.f32 v8, v22;
	v8 =	vadd.f32 v15, v3  }
0xf3: {  	v22 =	vadd.f32 v10, v28;
	v3 =	vshll.u32 v11, $0x10;
	v21 =	vadd.f32 v27, v7;
	v10 =	vld [tilespmem:s26+$0xBEF0]  }
0xf4: {  	v19 =	vadd.f32 v24, v19;
	v15 =	vadd.f32 v25, v23;
	v7 =	vld [tilespmem:s26+$0xB6E0];
	v11 =	vshll.u32 v20, $0x10  }
0xf5: {  	v20 =	vand.u32 $0xFFFF0000, v20;
	v18 =	vadd.f32 v18, v21;
	v11 =	vadd.f32 v11, v22  }
0xf6: {  	v42 =	vld [tilespmem:s26+$0xC6F0]  }
0xf7: {  	v44 =	vld [tilespmem:s26+$0xC6C0]  }
0xf8: {  	v21 =	vand.u32 $0xFFFF0000, v16;
	v47 =	vld [tilespmem:s26+$0xD6D0]  }
0xf9: {  	v5 =	vadd.f32 v5, v19;
	v17 =	vadd.f32 v20, v17;
	v43 =	vshll.u32 v16, $0x10;
	v48 =	vld [tilespmem:s26+$0xCED0]  }
0xfa: {  	v22 =	vshll.u32 v14, $0x10;
	v6 =	vadd.f32 v12, v6;
	v1 =	vadd.f32 v1, v13;
	v51 =	vld [tilespmem:s26+$0xCEF0]  }
0xfb: {  	v45 =	vand.u32 $0xFFFF0000, v14;
	v4 =	vadd.f32 v4, v15;
	v53 =	vld [tilespmem:s26+$0xC6E0];
	v49 =	vadd.f32 v43, v18  }
0xfc: {  	v2 =	vshll.u32 v2, $0x10;
	v56 =	vld [tilespmem:s26+$0xCEC0];
	v11 =	vadd.f32 v22, v11;
	v14 =	vadd.f32 v45, v17  }
0xfd: {  	v61 =	vld [tilespmem:s26+$0xCEE0];
	v46 =	vshll.u32 v10, $0x10;
	v2 =	vadd.f32 v2, v5;
	v4 =	vadd.f32 v9, v4  }
0xfe: {  	v63 =	vld [tilespmem:s26+$0xD6C0];
	v52 =	vand.u32 $0xFFFF0000, v10;
	v1 =	vadd.f32 v21, v1;
	v50 =	vshll.u32 v7, $0x10  }
0xff: {  	v27 =	vld [tilespmem:s26+$0xD6E0];
	v6 =	vadd.f32 v46, v6;
	v5 =	vadd.f32 v52, v8;
	v60 =	vand.u32 $0xFFFF0000, v7  }
0x100: {  	v28 =	vld [tilespmem:s26+$0xD6F0];
	v54 =	vadd.f32 v50, v49;
	v1 =	vadd.f32 v60, v1;
	v55 =	vshll.u32 v42, $0x10  }
0x101: {  	v29 =	vld [tilespmem:s26+$0xDED0];
	v57 =	vshll.u32 v44, $0x10;
	v58 =	vand.u32 $0xFFFF0000, v48;
	v59 =	vand.u32 $0xFFFF0000, v47  }
0x102: {  	v32 =	vld [tilespmem:s26+$0xDEF0];
	v20 =	vand.u32 $0xFFFF0000, v44;
	v62 =	vshll.u32 v51, $0x10;
	v24 =	vand.u32 $0xFFFF0000, v56  }
0x103: {  	v25 =	vshll.u32 v53, $0x10;
	v26 =	vand.u32 $0xFFFF0000, v42;
	v15 =	vshll.u32 v56, $0x10  }
0x104: {  	v13 =	vshll.u32 v48, $0x10;
	v30 =	vshll.u32 v61, $0x10;
	v31 =	vshll.u32 v63, $0x10  }
0x105: {  	v10 =	vand.u32 $0xFFFF0000, v63;
	v12 =	vand.u32 $0xFFFF0000, v51;
	v33 =	vshll.u32 v47, $0x10  }
0x106: {  	v35 =	vld [tilespmem:s26+$0xE6F0];
	v9 =	vand.u32 $0xFFFF0000, v53;
	v34 =	vshll.u32 v27, $0x10;
	v36 =	vshll.u32 v28, $0x10  }
0x107: {  	v38 =	vand.u32 $0xFFFF0000, v29;
	v39 =	vand.u32 $0xFFFF0000, v32;
	v6 =	vadd.f32 v55, v6  }
0x108: {  	v41 =	vshll.u32 v32, $0x10;
	v8 =	vadd.f32 v58, v14;
	v4 =	vadd.f32 v20, v4  }
0x109: {  	v37 =	vld [tilespmem:s26+$0xDEC0];
	v7 =	vand.u32 $0xFFFF0000, v61;
	v3 =	vadd.f32 v3, v54;
	v2 =	vadd.f32 v57, v2  }
0x10a: {  	v43 =	vshll.u32 v29, $0x10;
	v0 =	vadd.f32 v0, v1;
	v1 =	vadd.f32 v26, v5  }
0x10b: {  	v40 =	vld [tilespmem:s26+$0xE6D0];
	v45 =	vshll.u32 v35, $0x10;
	v11 =	vadd.f32 v13, v11;
	v8 =	vadd.f32 v59, v8  }
0x10c: {  	v46 =	vand.u32 $0xFFFF0000, v35;
	v3 =	vadd.f32 v25, v3;
	v2 =	vadd.f32 v15, v2  }
0x10d: {  	v42 =	vld [tilespmem:s26+$0xE6C0];
	v47 =	vand.u32 $0xFFFF0000, v27;
	v4 =	vadd.f32 v24, v4;
	v6 =	vadd.f32 v62, v6  }
0x10e: {  	v44 =	vld [tilespmem:s26+$0xDEE0];
	v48 =	vshll.u32 v37, $0x10;
	v1 =	vadd.f32 v12, v1;
	v11 =	vadd.f32 v33, v11  }
0x10f: {  	v5 =	vand.u32 $0xFFFF0000, v28;
	v0 =	vadd.f32 v9, v0;
	v3 =	vadd.f32 v30, v3  }
0x110: {  	v49 =	vand.u32 $0xFFFF0000, v40;
	v51 =	vld [tilespmem:s26+$0xE6E0];
	v4 =	vadd.f32 v10, v4;
	v1 =	vadd.f32 v5, v1  }
0x111: {  	v50 =	vshll.u32 v40, $0x10;
	v6 =	vadd.f32 v36, v6;
	v2 =	vadd.f32 v31, v2  }
0x112: {  	v11 =	vadd.f32 v43, v11;
	v0 =	vadd.f32 v7, v0;
	v5 =	vand.u32 $0xFFFF0000, v37  }
0x113: {  	v52 =	vshll.u32 v42, $0x10;
	v8 =	vadd.f32 v38, v8;
	v54 =	vshll.u32 v44, $0x10  }
0x114: {  	v55 =	vand.u32 $0xFFFF0000, v44;
	v3 =	vadd.f32 v34, v3;
	v1 =	vadd.f32 v39, v1  }
0x115: {  	v57 =	vshll.u32 v51, $0x10;
	v6 =	vadd.f32 v41, v6;
	v8 =	vadd.f32 v49, v8  }
0x116: {  	v58 =	vand.u32 $0xFFFF0000, v51;
	v0 =	vadd.f32 v47, v0;
	v53 =	vadd.f32 v50, v11  }
0x117: {  	v2 =	vadd.f32 v48, v2;
	v1 =	vadd.f32 v46, v1;
	v59 =	vmax.f32 v8, $0.0e+00  }
0x118: {  	v6 =	vadd.f32 v45, v6;
	v0 =	vadd.f32 v55, v0;
	v61 =	vmax.f32 v53, $0.0e+00;
	[tilespmem:s25+$0x10] =	vst v59  }
0x119: {  	v3 =	vadd.f32 v54, v3;
	v2 =	vadd.f32 v52, v2;
	[tilespmem:s25+$0xFFFFFFD0] =	vst v61;
	v1 =	vmax.f32 v1, $0.0e+00  }
0x11a: {  	v4 =	vadd.f32 v5, v4;
	v56 =	vmax.f32 v6, $0.0e+00;
	v0 =	vadd.f32 v58, v0;
	[tilespmem:s25+$0x30] =	vst v1  }
0x11b: {  	v60 =	vand.u32 $0xFFFF0000, v42;
	v2 =	vmax.f32 v2, $0.0e+00;
	v3 =	vadd.f32 v57, v3;
	[tilespmem:s25+$0xFFFFFFF0] =	vst v56  }
0x11c: {  	[tilespmem:s25+$0xFFFFFFC0] =	vst v2;
	v1 =	vadd.f32 v60, v4;
	v0 =	vmax.f32 v0, $0.0e+00  }
0x11d: {  	v62 =	vmax.f32 v3, $0.0e+00;
	[tilespmem:s25+$0x20] =	vst v0  }
0x11e: {  	s22 =	sshll.u32 @p0 s22, $0x9;
	[tilespmem:s25+$0xFFFFFFE0] =	vst v62;
	v63 =	vmax.f32 v1, $0.0e+00  }
0x11f: {  	s22 =	sadd.s32 @p0 s0, s22;
	s26 =	simm.s32 @p0 $0x15EC0;
	[tilespmem:s25+$0x0] =	vst v63;
	s25 =	simm.s32 @p0 $0x0  }
0x120: {  	[hbm4b:s22+s25] =	stream.linear.scatter @p0 [tilespmem:s26], [sflag:$0x7], $0x1000, $0x38;
	[tilespmem:$0x17EC0] =	vst v63  }
0x121: {  	s22 =	sshll.u32 @p6 s23, $0x9  }
0x122: {  	s23 =	simm.s32 @p6 $0x0;
	s25 =	simm.s32 @p6 $0x13EC0;
	s22 =	sadd.s32 @p6 s7, s22  }
0x123: {  	[tilespmem:s25], [sflag:$0x3] =	stream.linear.gather @p6 [hbm4b:s22+s23], $0x1000, $0x38;
	[tilespmem:$0x17EC0] =	vst v63  }
0x124: {  	s22 =	sadd.s32 s4, s24  }
0x125: {  	p0 =	por !p5, !p5;
	p1 =	sgt.u32 s22, $0xC33  }
0x126: {  	p1 =	por p1, p0  }
.Ltmp5:
0x127: {  	_ = 	snop;
	(pc) =	sbr.rel @p1 .LBB2_12-.Ltmp5, $1  }
0x128: {  	_ =	sdelay $0x3  }
0x129: {  	_ =	swait.ge [sflag:s18], $0x140  }
0x12a: {  	[sflag:s18] =	ssyncset.done $0x0  }
0x12b: {  	s23 =	simm.s32 $0x9EC0;
	[sflag:s18] =	ssyncadd.s32 $0xFFFFFEC0  }
0x12c: {  	[tilespmem:s23], [sflag:$0x5] =	stream.indirect.gather [spmem:s2], $0x40, s14, s19, $0xb8;
	[tilespmem:$0x17EC0] =	vst v63  }
0x12d: {  	s29 =	simm.s32 $0x9C60;
	s24 =	simm.s32 $0xA6C0  }
0x12e: {  	[tilespmem:s24], [sflag:$0x5] =	stream.indirect.gather [spmem:s2], $0x40, s29, s19, $0xb8;
	[tilespmem:$0x17EC0] =	vst v63  }
0x12f: {  	s30 =	simm.s32 $0x9C80;
	s31 =	simm.s32 $0xAEC0  }
0x130: {  	[tilespmem:s31], [sflag:$0x5] =	stream.indirect.gather [spmem:s2], $0x40, s30, s19, $0xb8;
	[tilespmem:$0x17EC0] =	vst v63  }
0x131: {  	s25 =	simm.s32 $0x9CA0;
	s26 =	simm.s32 $0xB6C0  }
0x132: {  	[tilespmem:s26], [sflag:$0x5] =	stream.indirect.gather [spmem:s2], $0x40, s25, s19, $0xb8;
	[tilespmem:$0x17EC0] =	vst v63  }
0x133: {  	s28 =	simm.s32 $0x9CC0;
	s29 =	simm.s32 $0xBEC0  }
0x134: {  	[tilespmem:s29], [sflag:$0x5] =	stream.indirect.gather [spmem:s2], $0x40, s28, s19, $0xb8;
	[tilespmem:$0x17EC0] =	vst v63  }
0x135: {  	s30 =	simm.s32 $0x9CE0;
	s31 =	simm.s32 $0xC6C0  }
0x136: {  	[tilespmem:s31], [sflag:$0x5] =	stream.indirect.gather [spmem:s2], $0x40, s30, s19, $0xb8;
	[tilespmem:$0x17EC0] =	vst v63  }
0x137: {  	_ = 	snop  }
0x138: {  	[tilespmem:s15], [sflag:$0x5] =	stream.indirect.gather [spmem:s2], $0x40, s1, s19, $0xb8;
	[tilespmem:$0x17EC0] =	vst v63  }
0x139: {  	_ = 	snop  }
0x13a: {  	[tilespmem:s5], [sflag:$0x5] =	stream.indirect.gather [spmem:s2], $0x40, s17, s19, $0xb8;
	[tilespmem:$0x17EC0] =	vst v63  }
.Ltmp6:
0x13b: {  	_ = 	snop;
	(pc) =	sbr.rel .LBB2_11-.Ltmp6, $4  }
0x13c: {  	_ = 	snop  }
0x13d: {  	[tilespmem:s9], [sflag:$0x5] =	stream.indirect.gather [spmem:s2], $0x40, s8, s19, $0xb8;
	[tilespmem:$0x17EC0] =	vst v63  }
0x13e: {  	_ = 	snop  }
0x13f: {  	[tilespmem:s11], [sflag:$0x5] =	stream.indirect.gather [spmem:s2], $0x40, s10, s19, $0xb8;
	[tilespmem:$0x17EC0] =	vst v63  }
.LBB2_12:
0x140: {  	p1 =	slt.u32 s22, $0xC35  }
.Ltmp7:
0x141: {  	_ = 	snop;
	(pc) =	sbr.rel @!p1 .LBB2_13-.Ltmp7, $1  }
0x142: {  	_ =	sdelay $0x3  }
.LBB2_11:
0x143: {  	_ =	swait.ge [sflag:s16], $0x1000  }
0x144: {  	[sflag:s16] =	ssyncset.done $0x0  }
0x145: {  	[sflag:s16] =	ssyncadd.s32 $0xFFFFF000  }
0x146: {  	_ =	swait.ge [sflag:s20], $0x800  }
0x147: {  	[sflag:s20] =	ssyncset.done $0x0  }
0x148: {  	[sflag:s20] =	ssyncadd.s32 $0xFFFFF800  }
0x149: {  	_ =	swait.ge [sflag:s20], $0x800  }
0x14a: {  	[sflag:s20] =	ssyncset.done $0x0  }
0x14b: {  	[sflag:s20] =	ssyncadd.s32 $0xFFFFF800  }
0x14c: {  	_ =	swait.ge [sflag:s20], $0x800  }
0x14d: {  	[sflag:s20] =	ssyncset.done $0x0  }
0x14e: {  	[sflag:s20] =	ssyncadd.s32 $0xFFFFF800  }
0x14f: {  	_ =	swait.ge [sflag:s20], $0x800  }
0x150: {  	[sflag:s20] =	ssyncset.done $0x0  }
0x151: {  	[sflag:s20] =	ssyncadd.s32 $0xFFFFF800  }
0x152: {  	_ =	swait.ge [sflag:s20], $0x800  }
0x153: {  	[sflag:s20] =	ssyncset.done $0x0  }
0x154: {  	[sflag:s20] =	ssyncadd.s32 $0xFFFFF800  }
0x155: {  	_ =	swait.ge [sflag:s20], $0x800  }
0x156: {  	[sflag:s20] =	ssyncset.done $0x0  }
0x157: {  	[sflag:s20] =	ssyncadd.s32 $0xFFFFF800  }
0x158: {  	_ =	swait.ge [sflag:s20], $0x800  }
0x159: {  	[sflag:s20] =	ssyncset.done $0x0  }
0x15a: {  	[sflag:s20] =	ssyncadd.s32 $0xFFFFF800  }
0x15b: {  	_ =	swait.ge [sflag:s20], $0x800  }
0x15c: {  	[sflag:s20] =	ssyncset.done $0x0  }
0x15d: {  	p1 =	sgt.u32 s22, $0xC32;
	[sflag:s20] =	ssyncadd.s32 $0xFFFFF800  }
0x15e: {  	s23 =	sadd.s32 $0x2, s22;
	p1 =	por p1, p0;
	_ =	swait.ge [sflag:s20], $0x800  }
0x15f: {  	p5 =	por $0x0, $0x0;
	s24 =	smul.u32 @!p1 $0x28, s23;
	[sflag:s20] =	ssyncset.done $0x0  }
.Ltmp8:
0x160: {  	p0 =	por $0x1, $0x1;
	[sflag:s20] =	ssyncadd.s32 $0xFFFFF800;
	(pc) =	sbr.rel .LBB2_14-.Ltmp8, $4  }
0x161: {  	s25 =	simm.s32 @!p1 $0x0;
	p2 =	por @!p1 $0x1, $0x1;
	_ =	swait.ge [sflag:s20], $0x800  }
0x162: {  	s26 =	simm.s32 @!p1 $0x9D80;
	p5 =	por @!p1 p2, p2;
	[sflag:s20] =	ssyncset.done $0x0  }
0x163: {  	p0 =	por @!p1 p2, p2;
	s24 =	sadd.s32 @!p1 s6, s24;
	[sflag:s20] =	ssyncadd.s32 $0xFFFFF800  }
0x164: {  	[tilespmem:s26], [sflag:$0x2] =	stream.linear.gather @!p1 [hbm4b:s24+s25], $0x140, $0x38;
	[tilespmem:$0x17EC0] =	vst v63  }
.LBB2_13:
0x165: {  	s23 =	sadd.s32 $0x2, s22;
	p5 =	por $0x0, $0x0;
	p0 =	por $0x0, $0x0  }
.LBB2_14:
0x166: {  	p1 =	sgt.u32 @!p4 s22, $0xC36  }
0x167: {  	p1 =	por p1, p4  }
0x168: {  	s24 =	simm.s32 @!p1 $0x8  }
0x169: {  	_ =	swait.ge @!p1 [sflag:s24], $0x1000  }
0x16a: {  	[sflag:s24] =	ssyncset.done @!p1 $0x0  }
0x16b: {  	s26 =	simm.s32 $0x14F30;
	[sflag:s24] =	ssyncadd.s32 @!p1 $0xFFFFF000  }
0x16c: {  	v0 =	vld [tilespmem:s26+$0xFFFFFFE0]  }
0x16d: {  	v2 =	vld [tilespmem:s26+$0xFFFFFFA0]  }
0x16e: {  	v1 =	vld [tilespmem:s26+$0xFFFFFF90]  }
0x16f: {  	s25 =	simm.s32 $0x0;
	v4 =	vld [tilespmem:s26+$0xFFFFFFC0]  }
0x170: {  	v6 =	vld [tilespmem:s25+$0xF6E0]  }
0x171: {  	v7 =	vld [tilespmem:s25+$0xF6F0]  }
0x172: {  	v8 =	vld [tilespmem:s25+$0xEEF0]  }
0x173: {  	v9 =	vld [tilespmem:s25+$0xEED0]  }
0x174: {  	v10 =	vld [tilespmem:s25+$0xEEC0]  }
0x175: {  	v5 =	vld [tilespmem:s25+$0xF6D0]  }
0x176: {  	v12 =	vld [tilespmem:s26+$0xFFFFFFD0]  }
0x177: {  	v3 =	vld [tilespmem:s26+$0x0];
	v13 =	vand.u32 $0xFFFF0000, v7  }
0x178: {  	v14 =	vld [tilespmem:s25+$0xF6C0];
	v15 =	vshll.u32 v8, $0x10;
	v8 =	vand.u32 $0xFFFF0000, v8;
	v7 =	vshll.u32 v7, $0x10  }
0x179: {  	v11 =	vld [tilespmem:s25+$0xFEF0];
	v16 =	vand.u32 $0xFFFF0000, v9;
	v17 =	vshll.u32 v6, $0x10;
	v18 =	vshll.u32 v10, $0x10  }
0x17a: {  	v20 =	vld [tilespmem:s25+$0xFED0];
	v10 =	vand.u32 $0xFFFF0000, v10;
	v19 =	vshll.u32 v5, $0x10;
	v4 =	vadd.f32 v15, v4  }
0x17b: {  	v21 =	vld [tilespmem:s25+$0x106C0];
	v18 =	vadd.f32 v18, v1;
	v1 =	vand.u32 $0xFFFF0000, v6;
	v10 =	vadd.f32 v10, v12  }
0x17c: {  	v22 =	vld [tilespmem:s25+$0x10EE0];
	v3 =	vadd.f32 v8, v3;
	v8 =	vand.u32 $0xFFFF0000, v5;
	v5 =	vshll.u32 v9, $0x10  }
0x17d: {  	v15 =	vld [tilespmem:s25+$0xFEC0];
	v9 =	vshll.u32 v14, $0x10;
	v14 =	vand.u32 $0xFFFF0000, v14;
	v0 =	vadd.f32 v16, v0  }
0x17e: {  	v6 =	vshll.u32 v11, $0x10;
	v12 =	vld [tilespmem:s25+$0xEEE0];
	v23 =	vadd.f32 v9, v18;
	v24 =	vadd.f32 v14, v10  }
0x17f: {  	v16 =	vld [tilespmem:s25+$0x106D0];
	v9 =	vadd.f32 v5, v2;
	v10 =	vand.u32 $0xFFFF0000, v20;
	v7 =	vadd.f32 v7, v4  }
0x180: {  	v14 =	vld [tilespmem:s25+$0x106F0];
	v5 =	vshll.u32 v21, $0x10;
	v8 =	vadd.f32 v8, v0;
	v4 =	vand.u32 $0xFFFF0000, v21  }
0x181: {  	v2 =	vld [tilespmem:s25+$0x10EC0];
	v0 =	vand.u32 $0xFFFF0000, v22;
	v3 =	vadd.f32 v13, v3;
	v6 =	vadd.f32 v6, v7  }
0x182: {  	v21 =	vld [tilespmem:s26+$0xFFFFFFF0];
	v18 =	vshll.u32 v20, $0x10;
	v8 =	vadd.f32 v10, v8;
	v9 =	vadd.f32 v19, v9  }
0x183: {  	v7 =	vld [tilespmem:s26+$0xFFFFFFB0];
	v10 =	vand.u32 $0xFFFF0000, v11;
	v25 =	vshll.u32 v15, $0x10;
	v15 =	vand.u32 $0xFFFF0000, v15  }
0x184: {  	v27 =	vld [tilespmem:s25+$0x10ED0];
	v26 =	vshll.u32 v12, $0x10;
	v3 =	vadd.f32 v10, v3;
	v10 =	vand.u32 $0xFFFF0000, v16  }
0x185: {  	v20 =	vand.u32 $0xFFFF0000, v12;
	v19 =	vadd.f32 v18, v9;
	v18 =	vadd.f32 v10, v8  }
0x186: {  	v10 =	vshll.u32 v16, $0x10;
	v16 =	vld [tilespmem:s25+$0xFEE0];
	v15 =	vadd.f32 v15, v24;
	v11 =	vand.u32 $0xFFFF0000, v14  }
0x187: {  	v12 =	vshll.u32 v14, $0x10;
	v14 =	vld [tilespmem:s25+$0x116D0];
	v13 =	vadd.f32 v20, v21;
	v8 =	vadd.f32 v11, v3  }
0x188: {  	v9 =	vand.u32 $0xFFFF0000, v2;
	v20 =	vadd.f32 v10, v19;
	v10 =	vld [tilespmem:s25+$0x10EF0];
	v11 =	vadd.f32 v26, v7  }
0x189: {  	v21 =	vshll.u32 v27, $0x10;
	v3 =	vshll.u32 v22, $0x10;
	v19 =	vadd.f32 v25, v23;
	v7 =	vld [tilespmem:s25+$0x106E0]  }
0x18a: {  	s28 =	simm.s32 $0x16F30;
	s29 =	simm.s32 $0x100;
	s24 =	simm.s32 $0x16F30;
	v17 =	vadd.f32 v17, v11;
	v11 =	vadd.f32 v21, v20;
	v20 =	vand.u32 $0xFFFF0000, v27  }
.LBB2_15:
0x18b: {  	p1 =	sne.s32 s29, $0x1F00;
	v21 =	vand.u32 $0xFFFF0000, v16;
	v5 =	vadd.f32 v5, v19;
	v18 =	vadd.f32 v20, v18;
	v19 =	vld [tilespmem:s25+$0x116F0];
	s26 =	sadd.s32 $0x80, s26;
	s28 =	sadd.s32 $0x80, s28  }
0x18c: {  	v16 =	vshll.u32 v16, $0x10;
	v22 =	vshll.u32 v14, $0x10;
	v14 =	vand.u32 $0xFFFF0000, v14;
	s30 =	smov.u32 s29;
	s29 =	sadd.s32 $0x100, s29;
	v20 =	vld [tilespmem:s25+$0x116C0]  }
0x18d: {  	v6 =	vadd.f32 v12, v6;
	v12 =	vshll.u32 v10, $0x10;
	v14 =	vadd.f32 v14, v18;
	v18 =	vld [tilespmem:s25+$0x126D0]  }
0x18e: {  	v1 =	vadd.f32 v1, v13;
	v4 =	vadd.f32 v4, v15;
	v13 =	vshll.u32 v7, $0x10;
	v15 =	vld [tilespmem:s25+$0x11ED0]  }
0x18f: {  	v2 =	vshll.u32 v2, $0x10;
	v16 =	vadd.f32 v16, v17;
	v6 =	vadd.f32 v12, v6;
	v12 =	vld [tilespmem:s25+$0x11EF0]  }
0x190: {  	v2 =	vadd.f32 v2, v5;
	v4 =	vadd.f32 v9, v4;
	v5 =	vand.u32 $0xFFFF0000, v10;
	v9 =	vld [tilespmem:s25+$0x116E0]  }
0x191: {  	v5 =	vadd.f32 v5, v8;
	v10 =	vadd.f32 v13, v16;
	v8 =	vshll.u32 v19, $0x10;
	v13 =	vld [tilespmem:s25+$0x11EC0]  }
0x192: {  	v11 =	vadd.f32 v22, v11;
	v16 =	vshll.u32 v20, $0x10;
	v6 =	vadd.f32 v8, v6  }
0x193: {  	v1 =	vadd.f32 v21, v1;
	v17 =	vand.u32 $0xFFFF0000, v18;
	v8 =	vand.u32 $0xFFFF0000, v15  }
0x194: {  	v7 =	vand.u32 $0xFFFF0000, v7;
	v20 =	vand.u32 $0xFFFF0000, v20;
	v8 =	vadd.f32 v8, v14;
	v14 =	vld [tilespmem:s25+$0x11EE0]  }
0x195: {  	v1 =	vadd.f32 v7, v1;
	v4 =	vadd.f32 v20, v4;
	v7 =	vshll.u32 v12, $0x10;
	v20 =	vld [tilespmem:s25+$0x126C0]  }
0x196: {  	v3 =	vadd.f32 v3, v10;
	v2 =	vadd.f32 v16, v2;
	v10 =	vand.u32 $0xFFFF0000, v13;
	v16 =	vld [tilespmem:s25+$0x126E0]  }
0x197: {  	v21 =	vshll.u32 v9, $0x10;
	v13 =	vshll.u32 v13, $0x10;
	v8 =	vadd.f32 v17, v8  }
0x198: {  	v0 =	vadd.f32 v0, v1;
	v1 =	vadd.f32 v21, v3;
	v3 =	vand.u32 $0xFFFF0000, v19;
	v17 =	vld [tilespmem:s25+$0x12ED0]  }
0x199: {  	v3 =	vadd.f32 v3, v5;
	v2 =	vadd.f32 v13, v2;
	v5 =	vshll.u32 v14, $0x10;
	v13 =	vld [tilespmem:s25+$0x126F0]  }
0x19a: {  	v6 =	vadd.f32 v7, v6;
	v4 =	vadd.f32 v10, v4;
	v10 =	vshll.u32 v15, $0x10  }
0x19b: {  	v7 =	vadd.f32 v10, v11;
	v10 =	vshll.u32 v20, $0x10;
	v11 =	vand.u32 $0xFFFF0000, v20;
	v15 =	vld [tilespmem:s25+$0x12EF0]  }
0x19c: {  	v1 =	vadd.f32 v5, v1;
	v5 =	vand.u32 $0xFFFF0000, v12;
	v12 =	vshll.u32 v18, $0x10  }
0x19d: {  	v9 =	vand.u32 $0xFFFF0000, v9;
	v3 =	vadd.f32 v5, v3;
	v5 =	vshll.u32 v16, $0x10;
	v18 =	vld [tilespmem:s25+$0x136F0]  }
0x19e: {  	v7 =	vadd.f32 v12, v7;
	v12 =	vshll.u32 v13, $0x10;
	v13 =	vand.u32 $0xFFFF0000, v13  }
0x19f: {  	v4 =	vadd.f32 v11, v4;
	v3 =	vadd.f32 v13, v3;
	v11 =	vld [tilespmem:s25+$0x12EC0];
	v13 =	vand.u32 $0xFFFF0000, v17  }
0x1a0: {  	v1 =	vadd.f32 v5, v1;
	v5 =	vadd.f32 v12, v6;
	v6 =	vand.u32 $0xFFFF0000, v15;
	v12 =	vld [tilespmem:s25+$0x136D0]  }
0x1a1: {  	v2 =	vadd.f32 v10, v2;
	v10 =	vshll.u32 v15, $0x10;
	v3 =	vadd.f32 v6, v3  }
0x1a2: {  	v0 =	vadd.f32 v9, v0;
	v6 =	vand.u32 $0xFFFF0000, v14;
	v5 =	vadd.f32 v10, v5;
	v9 =	vld [tilespmem:s25+$0x136C0]  }
0x1a3: {  	v10 =	vshll.u32 v17, $0x10;
	v15 =	vshll.u32 v18, $0x10;
	v17 =	vand.u32 $0xFFFF0000, v18;
	v14 =	vld [tilespmem:s25+$0x12EE0]  }
0x1a4: {  	v16 =	vand.u32 $0xFFFF0000, v16;
	v7 =	vadd.f32 v10, v7;
	v3 =	vadd.f32 v17, v3  }
0x1a5: {  	v0 =	vadd.f32 v6, v0;
	v6 =	vshll.u32 v11, $0x10;
	v10 =	vand.u32 $0xFFFF0000, v12  }
0x1a6: {  	v11 =	vand.u32 $0xFFFF0000, v11;
	v12 =	vshll.u32 v12, $0x10;
	v3 =	vmax.f32 v3, $0.0e+00;
	v17 =	vld [tilespmem:s25+$0x136E0]  }
0x1a7: {  	v5 =	vadd.f32 v15, v5;
	v0 =	vadd.f32 v16, v0;
	v16 =	vshll.u32 v9, $0x10  }
0x1a8: {  	v8 =	vadd.f32 v13, v8;
	v7 =	vadd.f32 v12, v7;
	v9 =	vand.u32 $0xFFFF0000, v9;
	[tilespmem:s24+$0x0] =	vst v3  }
0x1a9: {  	v2 =	vadd.f32 v6, v2;
	v5 =	vmax.f32 v5, $0.0e+00;
	v3 =	vshll.u32 v14, $0x10  }
0x1aa: {  	v6 =	vadd.f32 v10, v8;
	v1 =	vadd.f32 v3, v1;
	v3 =	vand.u32 $0xFFFF0000, v14  }
0x1ab: {  	v2 =	vadd.f32 v16, v2;
	v0 =	vadd.f32 v3, v0;
	v3 =	vshll.u32 v17, $0x10  }
0x1ac: {  	v1 =	vadd.f32 v3, v1;
	v3 =	vand.u32 $0xFFFF0000, v17;
	[tilespmem:s24+$0xFFFFFFC0] =	vst v5;
	v5 =	vmax.f32 v6, $0.0e+00  }
0x1ad: {  	v4 =	vadd.f32 v11, v4;
	v2 =	vmax.f32 v2, $0.0e+00;
	v0 =	vadd.f32 v3, v0;
	[tilespmem:s24+$0xFFFFFFE0] =	vst v5  }
0x1ae: {  	[tilespmem:s24+$0xFFFFFF90] =	vst v2;
	v2 =	vmax.f32 v7, $0.0e+00;
	v1 =	vmax.f32 v1, $0.0e+00  }
0x1af: {  	v3 =	vadd.f32 v9, v4;
	[tilespmem:s24+$0xFFFFFFA0] =	vst v2;
	v0 =	vmax.f32 v0, $0.0e+00  }
0x1b0: {  	[tilespmem:s24+$0xFFFFFFF0] =	vst v0  }
0x1b1: {  	v0 =	vmax.f32 v3, $0.0e+00;
	[tilespmem:s24+$0xFFFFFFB0] =	vst v1  }
0x1b2: {  	[tilespmem:s24+$0xFFFFFFD0] =	vst v0;
	s24 =	smov.u32 s28  }
0x1b3: {  	v0 =	vld [tilespmem:s26+$0xFFFFFFE0]  }
0x1b4: {  	v2 =	vld [tilespmem:s26+$0xFFFFFFA0]  }
0x1b5: {  	v3 =	vld [tilespmem:s26+$0x0]  }
0x1b6: {  	v4 =	vld [tilespmem:s26+$0xFFFFFFD0]  }
0x1b7: {  	v1 =	vld [tilespmem:s26+$0xFFFFFF90]  }
0x1b8: {  	s25 =	sshra.s32 s30, $0x2;
	v5 =	vld [tilespmem:s26+$0xFFFFFFC0]  }
0x1b9: {  	v6 =	vld [tilespmem:s25+$0xF6D0]  }
0x1ba: {  	v7 =	vld [tilespmem:s25+$0xF6E0]  }
0x1bb: {  	v8 =	vld [tilespmem:s25+$0xF6F0]  }
0x1bc: {  	v9 =	vld [tilespmem:s25+$0xEEF0]  }
0x1bd: {  	v10 =	vld [tilespmem:s25+$0xEED0]  }
0x1be: {  	v11 =	vld [tilespmem:s25+$0xEEC0]  }
0x1bf: {  	v12 =	vld [tilespmem:s25+$0xFEF0]  }
0x1c0: {  	v13 =	vld [tilespmem:s25+$0xF6C0];
	v14 =	vand.u32 $0xFFFF0000, v8  }
0x1c1: {  	v8 =	vshll.u32 v8, $0x10;
	v15 =	vld [tilespmem:s25+$0xEEE0];
	v16 =	vshll.u32 v9, $0x10;
	v9 =	vand.u32 $0xFFFF0000, v9  }
0x1c2: {  	v20 =	vshll.u32 v7, $0x10;
	v17 =	vand.u32 $0xFFFF0000, v10;
	v5 =	vadd.f32 v16, v5;
	v16 =	vld [tilespmem:s25+$0xFEC0]  }
0x1c3: {  	v19 =	vshll.u32 v6, $0x10;
	v18 =	vshll.u32 v11, $0x10;
	v11 =	vand.u32 $0xFFFF0000, v11;
	v21 =	vld [tilespmem:s25+$0xFED0]  }
0x1c4: {  	v18 =	vadd.f32 v18, v1;
	v1 =	vand.u32 $0xFFFF0000, v7;
	v7 =	vshll.u32 v12, $0x10;
	v22 =	vld [tilespmem:s25+$0x106C0]  }
0x1c5: {  	v6 =	vand.u32 $0xFFFF0000, v6;
	v3 =	vadd.f32 v9, v3;
	v4 =	vadd.f32 v11, v4;
	v11 =	vld [tilespmem:s25+$0x10EE0]  }
0x1c6: {  	v9 =	vshll.u32 v10, $0x10;
	v10 =	vshll.u32 v13, $0x10;
	v13 =	vand.u32 $0xFFFF0000, v13  }
0x1c7: {  	v23 =	vadd.f32 v10, v18;
	v24 =	vadd.f32 v13, v4;
	v25 =	vshll.u32 v16, $0x10  }
0x1c8: {  	v9 =	vadd.f32 v9, v2;
	v0 =	vadd.f32 v17, v0;
	v10 =	vand.u32 $0xFFFF0000, v21;
	v13 =	vld [tilespmem:s25+$0x106F0]  }
0x1c9: {  	v8 =	vadd.f32 v8, v5;
	v17 =	vand.u32 $0xFFFF0000, v16;
	v5 =	vshll.u32 v22, $0x10;
	v26 =	vld [tilespmem:s25+$0x106D0]  }
0x1ca: {  	v16 =	vadd.f32 v6, v0;
	v4 =	vand.u32 $0xFFFF0000, v22;
	v2 =	vld [tilespmem:s25+$0x10EC0];
	v0 =	vand.u32 $0xFFFF0000, v11  }
0x1cb: {  	v27 =	vshll.u32 v15, $0x10;
	v6 =	vadd.f32 v7, v8;
	v18 =	vshll.u32 v21, $0x10;
	v22 =	vld [tilespmem:s26+$0xFFFFFFF0]  }
0x1cc: {  	v3 =	vadd.f32 v14, v3;
	v8 =	vand.u32 $0xFFFF0000, v15;
	v10 =	vadd.f32 v10, v16;
	v7 =	vld [tilespmem:s26+$0xFFFFFFB0]  }
0x1cd: {  	v12 =	vand.u32 $0xFFFF0000, v12;
	v9 =	vadd.f32 v19, v9;
	v15 =	vand.u32 $0xFFFF0000, v13;
	v21 =	vld [tilespmem:s25+$0x10ED0]  }
0x1ce: {  	v3 =	vadd.f32 v12, v3;
	v12 =	vshll.u32 v13, $0x10;
	v19 =	vand.u32 $0xFFFF0000, v26;
	v14 =	vld [tilespmem:s25+$0x116D0]  }
.Ltmp9:
0x1cf: {  	v28 =	vadd.f32 v18, v9;
	v16 =	vld [tilespmem:s25+$0xFEE0];
	v18 =	vadd.f32 v19, v10;
	v9 =	vand.u32 $0xFFFF0000, v2;
	(pc) =	sbr.rel @p1 .LBB2_15-.Ltmp9, $4  }
0x1d0: {  	v10 =	vshll.u32 v26, $0x10;
	v13 =	vadd.f32 v8, v22;
	v8 =	vadd.f32 v15, v3  }
0x1d1: {  	v26 =	vadd.f32 v10, v28;
	v3 =	vshll.u32 v11, $0x10;
	v22 =	vadd.f32 v27, v7;
	v10 =	vld [tilespmem:s25+$0x10EF0]  }
0x1d2: {  	v19 =	vadd.f32 v25, v23;
	v15 =	vadd.f32 v17, v24;
	v7 =	vld [tilespmem:s25+$0x106E0];
	v11 =	vshll.u32 v21, $0x10  }
0x1d3: {  	v17 =	vadd.f32 v20, v22;
	v11 =	vadd.f32 v11, v26;
	v20 =	vand.u32 $0xFFFF0000, v21  }
0x1d4: {  	v42 =	vld [tilespmem:s25+$0x116F0]  }
0x1d5: {  	v44 =	vld [tilespmem:s25+$0x116C0]  }
0x1d6: {  	v21 =	vand.u32 $0xFFFF0000, v16;
	v47 =	vld [tilespmem:s25+$0x126D0]  }
0x1d7: {  	v5 =	vadd.f32 v5, v19;
	v18 =	vadd.f32 v20, v18;
	v43 =	vshll.u32 v16, $0x10;
	v48 =	vld [tilespmem:s25+$0x11ED0]  }
0x1d8: {  	v22 =	vshll.u32 v14, $0x10;
	v6 =	vadd.f32 v12, v6;
	v1 =	vadd.f32 v1, v13;
	v51 =	vld [tilespmem:s25+$0x11EF0]  }
0x1d9: {  	v45 =	vand.u32 $0xFFFF0000, v14;
	v4 =	vadd.f32 v4, v15;
	v53 =	vld [tilespmem:s25+$0x116E0];
	v49 =	vadd.f32 v43, v17  }
0x1da: {  	v2 =	vshll.u32 v2, $0x10;
	v56 =	vld [tilespmem:s25+$0x11EC0];
	v11 =	vadd.f32 v22, v11;
	v14 =	vadd.f32 v45, v18  }
0x1db: {  	v61 =	vld [tilespmem:s25+$0x11EE0];
	v46 =	vshll.u32 v10, $0x10;
	v2 =	vadd.f32 v2, v5;
	v4 =	vadd.f32 v9, v4  }
0x1dc: {  	v63 =	vld [tilespmem:s25+$0x126C0];
	v52 =	vand.u32 $0xFFFF0000, v10;
	v1 =	vadd.f32 v21, v1;
	v50 =	vshll.u32 v7, $0x10  }
0x1dd: {  	v27 =	vld [tilespmem:s25+$0x126E0];
	v6 =	vadd.f32 v46, v6;
	v5 =	vadd.f32 v52, v8;
	v60 =	vand.u32 $0xFFFF0000, v7  }
0x1de: {  	v28 =	vld [tilespmem:s25+$0x126F0];
	v54 =	vadd.f32 v50, v49;
	v1 =	vadd.f32 v60, v1;
	v55 =	vshll.u32 v42, $0x10  }
0x1df: {  	v29 =	vld [tilespmem:s25+$0x12ED0];
	v57 =	vshll.u32 v44, $0x10;
	v58 =	vand.u32 $0xFFFF0000, v48;
	v59 =	vand.u32 $0xFFFF0000, v47  }
0x1e0: {  	v32 =	vld [tilespmem:s25+$0x12EF0];
	v20 =	vand.u32 $0xFFFF0000, v44;
	v62 =	vshll.u32 v51, $0x10;
	v24 =	vand.u32 $0xFFFF0000, v56  }
0x1e1: {  	v25 =	vshll.u32 v53, $0x10;
	v26 =	vand.u32 $0xFFFF0000, v42;
	v15 =	vshll.u32 v56, $0x10  }
0x1e2: {  	v13 =	vshll.u32 v48, $0x10;
	v30 =	vshll.u32 v61, $0x10;
	v31 =	vshll.u32 v63, $0x10  }
0x1e3: {  	v10 =	vand.u32 $0xFFFF0000, v63;
	v12 =	vand.u32 $0xFFFF0000, v51;
	v33 =	vshll.u32 v47, $0x10  }
0x1e4: {  	v35 =	vld [tilespmem:s25+$0x136F0];
	v9 =	vand.u32 $0xFFFF0000, v53;
	v34 =	vshll.u32 v27, $0x10;
	v36 =	vshll.u32 v28, $0x10  }
0x1e5: {  	v38 =	vand.u32 $0xFFFF0000, v29;
	v39 =	vand.u32 $0xFFFF0000, v32;
	v6 =	vadd.f32 v55, v6  }
0x1e6: {  	v41 =	vshll.u32 v32, $0x10;
	v8 =	vadd.f32 v58, v14;
	v4 =	vadd.f32 v20, v4  }
0x1e7: {  	v37 =	vld [tilespmem:s25+$0x12EC0];
	v7 =	vand.u32 $0xFFFF0000, v61;
	v3 =	vadd.f32 v3, v54;
	v2 =	vadd.f32 v57, v2  }
0x1e8: {  	v43 =	vshll.u32 v29, $0x10;
	v0 =	vadd.f32 v0, v1;
	v1 =	vadd.f32 v26, v5  }
0x1e9: {  	v40 =	vld [tilespmem:s25+$0x136D0];
	v45 =	vshll.u32 v35, $0x10;
	v11 =	vadd.f32 v13, v11;
	v8 =	vadd.f32 v59, v8  }
0x1ea: {  	v46 =	vand.u32 $0xFFFF0000, v35;
	v3 =	vadd.f32 v25, v3;
	v2 =	vadd.f32 v15, v2  }
0x1eb: {  	v42 =	vld [tilespmem:s25+$0x136C0];
	v47 =	vand.u32 $0xFFFF0000, v27;
	v4 =	vadd.f32 v24, v4;
	v6 =	vadd.f32 v62, v6  }
0x1ec: {  	v44 =	vld [tilespmem:s25+$0x12EE0];
	v48 =	vshll.u32 v37, $0x10;
	v1 =	vadd.f32 v12, v1;
	v11 =	vadd.f32 v33, v11  }
0x1ed: {  	v5 =	vand.u32 $0xFFFF0000, v28;
	v0 =	vadd.f32 v9, v0;
	v3 =	vadd.f32 v30, v3  }
0x1ee: {  	v49 =	vand.u32 $0xFFFF0000, v40;
	v51 =	vld [tilespmem:s25+$0x136E0];
	v4 =	vadd.f32 v10, v4;
	v1 =	vadd.f32 v5, v1  }
0x1ef: {  	v50 =	vshll.u32 v40, $0x10;
	v6 =	vadd.f32 v36, v6;
	v2 =	vadd.f32 v31, v2  }
0x1f0: {  	v11 =	vadd.f32 v43, v11;
	v0 =	vadd.f32 v7, v0;
	v5 =	vand.u32 $0xFFFF0000, v37  }
0x1f1: {  	v52 =	vshll.u32 v42, $0x10;
	v8 =	vadd.f32 v38, v8;
	v54 =	vshll.u32 v44, $0x10  }
0x1f2: {  	v55 =	vand.u32 $0xFFFF0000, v44;
	v3 =	vadd.f32 v34, v3;
	v1 =	vadd.f32 v39, v1  }
0x1f3: {  	v57 =	vshll.u32 v51, $0x10;
	v6 =	vadd.f32 v41, v6;
	v8 =	vadd.f32 v49, v8  }
0x1f4: {  	v58 =	vand.u32 $0xFFFF0000, v51;
	v0 =	vadd.f32 v47, v0;
	v53 =	vadd.f32 v50, v11  }
0x1f5: {  	v2 =	vadd.f32 v48, v2;
	v1 =	vadd.f32 v46, v1;
	v59 =	vmax.f32 v8, $0.0e+00  }
0x1f6: {  	v6 =	vadd.f32 v45, v6;
	v0 =	vadd.f32 v55, v0;
	v61 =	vmax.f32 v53, $0.0e+00;
	[tilespmem:s24+$0xFFFFFFE0] =	vst v59  }
0x1f7: {  	v3 =	vadd.f32 v54, v3;
	v2 =	vadd.f32 v52, v2;
	[tilespmem:s24+$0xFFFFFFA0] =	vst v61;
	v1 =	vmax.f32 v1, $0.0e+00  }
0x1f8: {  	v4 =	vadd.f32 v5, v4;
	v56 =	vmax.f32 v6, $0.0e+00;
	v0 =	vadd.f32 v58, v0;
	[tilespmem:s24+$0x0] =	vst v1  }
0x1f9: {  	v60 =	vand.u32 $0xFFFF0000, v42;
	v2 =	vmax.f32 v2, $0.0e+00;
	v3 =	vadd.f32 v57, v3;
	[tilespmem:s24+$0xFFFFFFC0] =	vst v56  }
0x1fa: {  	[tilespmem:s24+$0xFFFFFF90] =	vst v2;
	v1 =	vadd.f32 v60, v4;
	v0 =	vmax.f32 v0, $0.0e+00  }
0x1fb: {  	v62 =	vmax.f32 v3, $0.0e+00;
	[tilespmem:s24+$0xFFFFFFF0] =	vst v0  }
0x1fc: {  	s22 =	sshll.u32 @p0 s22, $0x9;
	s21 =	sadd.s32 $0x1, s21;
	[tilespmem:s24+$0xFFFFFFB0] =	vst v62;
	v63 =	vmax.f32 v1, $0.0e+00  }
0x1fd: {  	s22 =	sadd.s32 @p0 s0, s22;
	s25 =	simm.s32 @p0 $0x16EC0;
	[tilespmem:s24+$0xFFFFFFD0] =	vst v63;
	s24 =	simm.s32 @p0 $0x0  }
0x1fe: {  	[hbm4b:s22+s24] =	stream.linear.scatter @p0 [tilespmem:s25], [sflag:$0x8], $0x1000, $0x38;
	[tilespmem:$0x17EC0] =	vst v63  }
0x1ff: {  	p0 =	sne.s32 s21, $0x31  }
.Ltmp10:
0x200: {  	_ = 	snop;
	(pc) =	sbr.rel @p0 .LBB2_2-.Ltmp10, $4  }
0x201: {  	_ = 	snop  }
0x202: {  	s22 =	sshll.u32 @p5 s23, $0x9  }
0x203: {  	s23 =	simm.s32 @p5 $0x0;
	s24 =	simm.s32 @p5 $0x14EC0;
	s22 =	sadd.s32 @p5 s7, s22  }
0x204: {  	[tilespmem:s24], [sflag:$0x4] =	stream.linear.gather @p5 [hbm4b:s22+s23], $0x1000, $0x38;
	[tilespmem:$0x17EC0] =	vst v63  }
0x205: {  	s21 =	sld [smem:$0x7FD];
	_ =	sdelay $0x2  }
0x206: {  	p1 =	seq.s32 s21, $0x1  }
0x207: {  	s21 =	simm.s32 @!p1 $0x7  }
0x208: {  	_ =	swait.ge @!p1 [sflag:s21], $0x1000  }
0x209: {  	[sflag:s21] =	ssyncset.done @!p1 $0x0  }
0x20a: {  	[sflag:s21] =	ssyncadd.s32 @!p1 $0xFFFFF000;
	s21 =	simm.s32 @!p1 $0x8  }
0x20b: {  	_ =	swait.ge @!p1 [sflag:s21], $0x1000  }
0x20c: {  	s23 =	rddreg [dreg:$0xb]  }
0x20d: {  	s22 =	rddreg [dreg:$0x9];
	s23 =	sadd.s32 $0x1, s23  }
0x20e: {  	p0 =	sne.s32 s23, s22  }
.Ltmp11:
0x20f: {  	_ = 	snop;
	(pc) =	sbr.rel @p0 .LBB2_1-.Ltmp11, $3  }
0x210: {  	_ =	sdelay $0x1  }
0x211: {  	[sflag:s21] =	ssyncset.done @!p1 $0x0  }
0x212: {  	[sflag:s21] =	ssyncadd.s32 @!p1 $0xFFFFF000  }
0x213: {  	_ =	sfence.sel $0x180000  }
0x214: {  	[bflag:$0x0] =	sbarrier.arrive $0xFFFF  }
0x215: {  	_ =	strace $0x90000047  }
0x216: {  	[bflag:$0x2] =	sbarrier.arrive $0xFFFF  }
0x217: {  	s1 =	sld [smem:$0x7FC];
	_ =	sdelay $0x2  }
0x218: {  	s0 =	rddreg [dreg:$0x3];
	p0 =	seq.s32 s1, $0x1  }
0x219: {  	s0 =	sadd.s32 @!p0 $0x100000, s0  }
0x21a: {  	[sflag:s0] =	ssyncadd.tile.s32 @!p0 $0x1;
	_ =	shalt  }
.Lfunc_end2:
_tile_overlayer_lowered:
.L_overlay_start_2:
0x21b: {  	(tag) =	ssettag $0x2  }
0x21c: {  	s0 =	rddreg [dreg:$0x0];
	s2 =	stileid.u32  }
0x21d: {  	s1 =	rddreg [dreg:$0x1];
	p0 =	sne.s32 s2, $0x0  }
0x21e: {  	s3 =	rddreg [dreg:$0x2];
	[bflag:$0x3] =	sbarrier.arrive $0xFFFF;
	s2 =	simm.s32 @!p0 $0x1C09  }
0x21f: {  	[timem:s3], [sflag:s2] =	dma.local @!p0 [hbm:s0], s1  }
0x220: {  	s0 =	simm.s32 @!p0 $0x9  }
0x221: {  	_ =	swait.ge @!p0 [sflag:s0], s1  }
0x222: {  	s1 =	ssub.s32 @!p0 $0x0, s1;
	[sflag:s0] =	ssyncset.done @!p0 $0x0  }
0x223: {  	[sflag:s0] =	ssyncadd.s32 @!p0 s1  }
0x224: {  	[bflag:$0x3] =	sbarrier.arrive $0xFFFF  }
0x225: {  	_ =	shalt  }

</sc_bundles>
